<compile_context>
chip_gen: v7x
topology: tpu7x:2x2x1
jax: 0.10.2.dev20260603
libtpu: 0.0.44.dev20260713+nightly
codegen_flags: <defaults>
</compile_context>

<pallas_src>
import functools

import jax
import jax.numpy as jnp
from jax import lax
from jax.experimental import pallas as pl
from jax.experimental.pallas import tpu as pltpu
from jax.experimental.pallas import tpu_sc as plsc

NB_USERS = 10000
NB_MOVIES = 10000
K = 128
MAX_RATING = 5.0

NC = 2
NS = 16
NW = NC * NS

CH = 128
NCH = 124
N_PAD = NW * CH * NCH
NCH_P = NCH
PART = N_PAD
U_PAD = 10240
U_ROWS = U_PAD // NS
DUMMY_USER = NB_USERS

_ROW_CHUNK = 2048

_SC_PARAMS = pltpu.CompilerParams(use_tc_tiling_on_sc=False)
_SC_PARAMS_NL = pltpu.CompilerParams(use_tc_tiling_on_sc=False,
                                     needs_layout_passes=False)


def _mlp_body(g_ref, dr_ref, w1_ref, b1_ref, w2t_ref, b2_ref, v_ref):
    dr = dr_ref[:]
    s = jax.nn.sigmoid((dr * (1.0 / MAX_RATING)) * w1_ref[:] + b1_ref[:])
    t = g_ref[:] * s
    z = jnp.dot(t, w2t_ref[:], preferred_element_type=jnp.float32) + b2_ref[:]
    v_ref[:] = jax.nn.sigmoid(z)


def _mlp(g, dr, w1_row, b1_row, w2t, b2_row):
    n = g.shape[0]
    c = _ROW_CHUNK
    return pl.pallas_call(
        _mlp_body,
        grid=(n // c,),
        in_specs=[
            pl.BlockSpec((c, K), lambda i: (i, 0)),
            pl.BlockSpec((c, 1), lambda i: (i, 0)),
            pl.BlockSpec((1, K), lambda i: (0, 0)),
            pl.BlockSpec((1, K), lambda i: (0, 0)),
            pl.BlockSpec((K, K), lambda i: (0, 0)),
            pl.BlockSpec((1, K), lambda i: (0, 0)),
        ],
        out_specs=pl.BlockSpec((c, K), lambda i: (i, 0)),
        out_shape=jax.ShapeDtypeStruct((n, K), jnp.float32),
    )(g, dr, w1_row, b1_row, w2t, b2_row)


def _gather_body(tab_hbm, dm_hbm, g_out,
                 vb0, vb1, idx_b, sv0, sv1, sw0, sw1):
    c = lax.axis_index("c")
    s = lax.axis_index("s")
    w = s * NC + c
    rows_per_w = CH * NCH_P
    base0 = w * rows_per_w

    pltpu.sync_copy(dm_hbm.at[pl.ds(base0, rows_per_w)], idx_b)

    @pl.when(c == 1)
    def _():
        def add_off(i, carry):
            idx_b[pl.ds(i * 16, 16)] = idx_b[pl.ds(i * 16, 16)] + NB_MOVIES
            return carry
        lax.fori_loop(0, rows_per_w // 16, add_off, 0)

    GRP = 2 * CH
    ng = NCH_P // 2
    slots = ((vb0, sv0, sw0), (vb1, sv1, sw1))

    def fire(vb, sv, g):
        for j in range(2):
            idx = idx_b.at[pl.ds((g * 2 + j) * CH, CH)]
            pltpu.async_copy(tab_hbm.at[idx], vb.at[pl.ds(j * CH, CH)], sv)

    for b, (vb, sv, sw) in enumerate(slots):
        fire(vb, sv, b)

    def group_step(g, carry):
        for b, (vb, sv, sw) in enumerate(slots):
            gg = g * 2 + b
            for j in range(2):
                pltpu.make_async_copy(
                    tab_hbm.at[idx_b.at[pl.ds(0, CH)]],
                    vb.at[pl.ds(j * CH, CH)], sv).wait()
            pltpu.async_copy(vb, g_out.at[pl.ds(base0 + gg * GRP, GRP)], sw)

            @pl.when(gg + 2 < ng)
            def _():
                pltpu.make_async_copy(
                    vb, g_out.at[pl.ds(base0, GRP)], sw).wait()
                fire(vb, sv, gg + 2)
        return carry

    lax.fori_loop(0, ng // 2, group_step, 0)
    for b, (vb, sv, sw) in enumerate(slots):
        pltpu.make_async_copy(vb, g_out.at[pl.ds(base0, GRP)], sw).wait()


def _gather(tab, dm_part):
    mesh = plsc.VectorSubcoreMesh(core_axis_name="c", subcore_axis_name="s")
    return pl.kernel(
        _gather_body,
        out_type=jax.ShapeDtypeStruct((PART, K), jnp.float32),
        mesh=mesh,
        compiler_params=_SC_PARAMS,
        scratch_types=[
            pltpu.VMEM((2 * CH, K), jnp.float32),
            pltpu.VMEM((2 * CH, K), jnp.float32),
            pltpu.VMEM((CH * NCH_P,), jnp.int32),
            pltpu.SemaphoreType.DMA,
            pltpu.SemaphoreType.DMA,
            pltpu.SemaphoreType.DMA,
            pltpu.SemaphoreType.DMA,
        ],
    )(tab, dm_part)


def _scatter_body(v_hbm, du_hbm, acc_out,
                  vb0, vb1, ib0, ib1, zb, acc_sh, sv0, sv1, si0, si1):
    c = lax.axis_index("c")
    s = lax.axis_index("s")
    w = s * NC + c

    zeros16 = jnp.zeros((16,), jnp.float32)

    def fill_zb(i, carry):
        zb[i // 8, pl.ds((i % 8) * 16, 16)] = zeros16
        return carry
    lax.fori_loop(0, 8 * zb.shape[0], fill_zb, 0)

    row0 = s * U_ROWS
    for k in range(U_ROWS // zb.shape[0]):
        pltpu.sync_copy(zb, acc_sh.at[pl.ds(row0 + k * zb.shape[0], zb.shape[0])])
    plsc.subcore_barrier()

    slots = ((vb0, ib0, sv0, si0), (vb1, ib1, sv1, si1))

    for p in range(1):
        vbase = w * (CH * NCH_P)
        dbase = vbase
        for b, (vb, ib, sv, si) in enumerate(slots):
            pltpu.async_copy(v_hbm.at[pl.ds(vbase + b * CH, CH)], vb, sv)
            pltpu.async_copy(du_hbm.at[pl.ds(dbase + b * CH, CH)], ib, si)

        def chunk_pair(jj, carry):
            for b, (vb, ib, sv, si) in enumerate(slots):
                g = jj * 2 + b
                pltpu.make_async_copy(v_hbm.at[pl.ds(0, CH)], vb, sv).wait()
                pltpu.make_async_copy(du_hbm.at[pl.ds(0, CH)], ib, si).wait()
                pltpu.sync_copy(vb, acc_sh.at[ib], add=True)

                @pl.when(g + 2 < NCH_P)
                def _():
                    pltpu.async_copy(
                        v_hbm.at[pl.ds(vbase + (g + 2) * CH, CH)], vb, sv)
                    pltpu.async_copy(
                        du_hbm.at[pl.ds(dbase + (g + 2) * CH, CH)], ib, si)
            return carry

        lax.fori_loop(0, NCH_P // 2, chunk_pair, 0)

    plsc.subcore_barrier()
    pltpu.sync_copy(acc_sh.at[pl.ds(row0, U_ROWS)],
                    acc_out.at[c, pl.ds(row0, U_ROWS)])


def _scatter(v, du):
    mesh = plsc.VectorSubcoreMesh(core_axis_name="c", subcore_axis_name="s")
    return pl.kernel(
        _scatter_body,
        out_type=jax.ShapeDtypeStruct((NC, U_PAD, K), jnp.float32),
        mesh=mesh,
        compiler_params=_SC_PARAMS,
        scratch_types=[
            pltpu.VMEM((CH, K), jnp.float32),
            pltpu.VMEM((CH, K), jnp.float32),
            pltpu.VMEM((CH,), jnp.int32),
            pltpu.VMEM((CH,), jnp.int32),
            pltpu.VMEM((80, K), jnp.float32),
            pltpu.VMEM_SHARED((U_PAD, K), jnp.float32),
            pltpu.SemaphoreType.DMA,
            pltpu.SemaphoreType.DMA,
            pltpu.SemaphoreType.DMA,
            pltpu.SemaphoreType.DMA,
        ],
    )(v, du)


def _count_body(du_hbm, cnt_out, ib0, ib1, ones_b, zc, cnt_sh, si0, si1):
    c = lax.axis_index("c")
    s = lax.axis_index("s")
    w = s * NC + c

    zeros16 = jnp.zeros((16,), jnp.float32)
    ones16 = jnp.ones((16,), jnp.float32)

    def fill_zc(i, carry):
        zc[i, :] = zeros16
        return carry
    lax.fori_loop(0, zc.shape[0], fill_zc, 0)

    def fill_ones(i, carry):
        ones_b[i, :] = ones16
        return carry
    lax.fori_loop(0, ones_b.shape[0], fill_ones, 0)

    row0 = s * U_ROWS
    pltpu.sync_copy(zc, cnt_sh.at[pl.ds(row0, U_ROWS)])
    plsc.subcore_barrier()

    base0 = w * (CH * NCH)
    slots = ((ib0, si0), (ib1, si1))
    for b, (ib, si) in enumerate(slots):
        pltpu.async_copy(du_hbm.at[pl.ds(base0 + b * CH, CH)], ib, si)

    def chunk_pair(jj, carry):
        for b, (ib, si) in enumerate(slots):
            g = jj * 2 + b
            pltpu.make_async_copy(du_hbm.at[pl.ds(0, CH)], ib, si).wait()
            pltpu.sync_copy(ones_b, cnt_sh.at[ib], add=True)

            @pl.when(g + 2 < NCH)
            def _():
                nb = base0 + (g + 2) * CH
                pltpu.async_copy(du_hbm.at[pl.ds(nb, CH)], ib, si)
        return carry

    lax.fori_loop(0, NCH // 2, chunk_pair, 0)
    plsc.subcore_barrier()

    pltpu.sync_copy(cnt_sh.at[pl.ds(row0, U_ROWS)],
                    cnt_out.at[c, pl.ds(row0, U_ROWS)])


def _count(du):
    mesh = plsc.VectorSubcoreMesh(core_axis_name="c", subcore_axis_name="s")
    return pl.kernel(
        _count_body,
        out_type=jax.ShapeDtypeStruct((NC, U_PAD, 16), jnp.float32),
        mesh=mesh,
        compiler_params=_SC_PARAMS,
        scratch_types=[
            pltpu.VMEM((CH,), jnp.int32),
            pltpu.VMEM((CH,), jnp.int32),
            pltpu.VMEM((CH, 16), jnp.float32),
            pltpu.VMEM((U_ROWS, 16), jnp.float32),
            pltpu.VMEM_SHARED((U_PAD, 16), jnp.float32),
            pltpu.SemaphoreType.DMA,
            pltpu.SemaphoreType.DMA,
        ],
    )(du)


E_TILE = 1664
E_CHN = 13
E_PAD = NW * E_TILE


def _eval_body(uf_hbm, mov_hbm, xu_hbm, xm_hbm, out_hbm,
               ub0, mb0, ub1, mb1, xui, xmi, ob, su0, sm0, su1, sm1):
    c = lax.axis_index("c")
    s = lax.axis_index("s")
    w = s * NC + c
    base0 = w * E_TILE

    pltpu.sync_copy(xu_hbm.at[pl.ds(base0, E_TILE)], xui)
    pltpu.sync_copy(xm_hbm.at[pl.ds(base0, E_TILE)], xmi)

    slots = ((ub0, mb0, su0, sm0), (ub1, mb1, su1, sm1))

    def fire(b, ch):
        ub, mb, su, sm = slots[b]
        pltpu.async_copy(uf_hbm.at[xui.at[pl.ds(ch * CH, CH)]], ub, su)
        pltpu.async_copy(mov_hbm.at[xmi.at[pl.ds(ch * CH, CH)]], mb, sm)

    for b in range(2):
        fire(b, b)

    iota16 = jnp.arange(16, dtype=jnp.int32)

    def chunk_step(ch, carry):
        for b in range(2):
            @pl.when(ch * 2 + b < E_CHN)
            def _():
                cc = ch * 2 + b
                ub, mb, su, sm = slots[b]
                pltpu.make_async_copy(
                    uf_hbm.at[xui.at[pl.ds(0, CH)]], ub, su).wait()
                pltpu.make_async_copy(
                    mov_hbm.at[xmi.at[pl.ds(0, CH)]], mb, sm).wait()

                def group(g16, carry2):
                    rows16 = g16 * 16 + iota16

                    def jblk(jj, acc):
                        for j2 in range(32):
                            cols = jnp.full((16,), 0, jnp.int32) + (jj * 32 + j2)
                            u = plsc.load_gather(ub, [rows16, cols])
                            m = plsc.load_gather(mb, [rows16, cols])
                            acc = acc + u * m
                        return acc

                    acc = lax.fori_loop(0, 4, jblk,
                                        jnp.zeros((16,), jnp.float32))
                    ob[pl.ds(cc * CH + g16 * 16, 16)] = acc
                    return carry2

                lax.fori_loop(0, CH // 16, group, 0)

                @pl.when(cc + 2 < E_CHN)
                def _():
                    fire(b, cc + 2)
        return carry

    lax.fori_loop(0, (E_CHN + 1) // 2, chunk_step, 0)
    pltpu.sync_copy(ob, out_hbm.at[pl.ds(base0, E_TILE)])


def _eval_dots(uf, mov, xu, xm):
    mesh = plsc.VectorSubcoreMesh(core_axis_name="c", subcore_axis_name="s")
    return pl.kernel(
        _eval_body,
        out_type=jax.ShapeDtypeStruct((E_PAD,), jnp.float32),
        mesh=mesh,
        compiler_params=_SC_PARAMS_NL,
        scratch_types=[
            pltpu.VMEM((CH, K), jnp.float32),
            pltpu.VMEM((CH, K), jnp.float32),
            pltpu.VMEM((CH, K), jnp.float32),
            pltpu.VMEM((CH, K), jnp.float32),
            pltpu.VMEM((E_TILE,), jnp.int32),
            pltpu.VMEM((E_TILE,), jnp.int32),
            pltpu.VMEM((E_TILE,), jnp.float32),
            pltpu.SemaphoreType.DMA,
            pltpu.SemaphoreType.DMA,
            pltpu.SemaphoreType.DMA,
            pltpu.SemaphoreType.DMA,
        ],
    )(uf, mov, xu, xm)


def kernel(eval_xs, data_x, data_ratings, ignore_if_seen, movies_features,
           W1, b1, W2, b2, Wr, br):
    x_users = eval_xs[:, 0]
    x_movies = eval_xs[:, 1]
    n = data_x.shape[0]
    pad = N_PAD - n
    du = jnp.concatenate([data_x[:, 0],
                          jnp.full((pad,), DUMMY_USER, jnp.int32)])
    dm = jnp.concatenate([data_x[:, 1], jnp.zeros((pad,), jnp.int32)])
    dr = jnp.concatenate([data_ratings, jnp.zeros((pad,), jnp.float32)])

    w1r = W1.reshape(1, K)
    b1r = b1.reshape(1, K)
    w2t = W2.T
    b2r = b2.reshape(1, K)

    g = _gather(jnp.concatenate([movies_features, movies_features]), dm)
    v = _mlp(g, dr[:, None], w1r, b1r, w2t, b2r)

    acc_p = _scatter(v, du)
    cnt_p = _count(du)
    acc = acc_p[0] + acc_p[1]
    cnt = cnt_p[0, :, 0] + cnt_p[1, :, 0]

    scale = Wr[0, 0] * (MAX_RATING / K)
    uf_scaled = acc * (scale / cnt[:, None])

    epad = E_PAD - eval_xs.shape[0]
    xu = jnp.concatenate([x_users, jnp.zeros((epad,), jnp.int32)])
    xm = jnp.concatenate([x_movies, jnp.zeros((epad,), jnp.int32)])
    dots = _eval_dots(uf_scaled, movies_features, xu, xm)
    return dots[: eval_xs.shape[0]] + br[0] * MAX_RATING

# --- scband reference (transcript-rebuilt; emitter-appended) ---
"""Pipeline reference for scband-deep-matrixt-model-45011257262087 (READ-ONLY COPY).

The authoritative reference and input builder live on the scoring server;
editing this copy changes nothing except your own understanding.
"""

import jax, jax.numpy as jnp
import numpy as np

NB_USERS = 10000
NB_MOVIES = 10000
K = 128
N_RATINGS = 500000
B_EVAL = 50000
MAX_RATING = 5.0


def setup_inputs(seed: int = 0) -> dict:
    key = jax.random.key(seed)
    k1, k2, k3, k4, k5, k6, k7 = jax.random.split(key, 7)
    eval_xs = jax.random.randint(k1, (B_EVAL, 2), 0, NB_USERS)
    data_x = jax.random.randint(k2, (N_RATINGS, 2), 0, NB_USERS)
    data_ratings = jax.random.uniform(k3, (N_RATINGS,), dtype=jnp.float32)
    movies_features = jax.random.normal(k4, (NB_MOVIES, K), dtype=jnp.float32)
    W1 = jax.random.normal(k5, (K, 1), dtype=jnp.float32) * 0.1
    b1 = jnp.zeros((K,), dtype=jnp.float32)
    W2 = jax.random.normal(k6, (K, K), dtype=jnp.float32) * 0.05
    b2 = jnp.zeros((K,), dtype=jnp.float32)
    Wr = jax.random.normal(k7, (1, 1), dtype=jnp.float32)
    br = jnp.zeros((1,), dtype=jnp.float32)
    return {
        "eval_xs": eval_xs,
        "data_x": data_x,
        "data_ratings": data_ratings,
        "ignore_if_seen": 0,
        "movies_features": movies_features,
        "W1": W1,
        "b1": b1,
        "W2": W2,
        "b2": b2,
        "Wr": Wr,
        "br": br,
    }


def reference(eval_xs, data_x, data_ratings, ignore_if_seen, movies_features, W1, b1, W2, b2, Wr, br):
    x_users = eval_xs[:, 0]
    x_movies = eval_xs[:, 1]
    # ignore_if_seen is 0 -> ignore_movies is None (skip the seen-movie correction path)
    movie_features = movies_features[x_movies]

    # ---- user_features(x_users, (data_x, data_ratings), ignore_movies=None) ----
    data_users = data_x[:, 0]
    data_movies = data_x[:, 1]
    users_that_are_here = jnp.zeros(NB_USERS, dtype=jnp.int32).at[x_users].add(1)
    keep_mask = (users_that_are_here[data_users] + 0 * ignore_if_seen) > 0
    du = data_users
    dm = data_movies
    dr = data_ratings
    ratings = jax.nn.sigmoid((dr[:, None] / MAX_RATING) @ W1.T + b1)
    rating_by_movie = jax.nn.sigmoid((movies_features[dm] * ratings) @ W2.T + b2)
    keep_f = keep_mask.astype(jnp.float32)
    rating_by_user = jnp.zeros((NB_USERS, K), dtype=jnp.float32).at[du].add(rating_by_movie * keep_f[:, None])
    nb_ratings = jnp.zeros((NB_USERS,), dtype=jnp.float32).at[du].add(keep_f)
    user_features = rating_by_user[x_users] / nb_ratings[x_users][:, None]

    rating = (movie_features * user_features).mean(-1, keepdims=True)
    rating = (rating @ Wr.T + br) * MAX_RATING
    return rating.reshape(-1)

if __name__ == "__main__":
    import jax
    _d = setup_inputs()
    print(jax.jit(kernel)(*tuple(_d.values())))

</pallas_src>

<mosaic_0001>
#map = affine_map<(d0, d1) -> (0, 0)>
#map1 = affine_map<(d0, d1) -> (0)>
#map2 = affine_map<(d0, d1) -> (0, 0, 0)>
module attributes {stable_mosaic.version = 14 : i64} {
  func.func @_scatter_body(%arg0: i32, %arg1: i32, %arg2: memref<507904x128xf32, #tpu.memory_space<hbm>>, %arg3: memref<507904xi32, #tpu.memory_space<hbm>>, %arg4: memref<2x10240x128xf32, #tpu.memory_space<hbm>>, %arg5: memref<128x128xf32, #tpu.memory_space<vmem>>, %arg6: memref<128x128xf32, #tpu.memory_space<vmem>>, %arg7: memref<128xi32, #tpu.memory_space<vmem>>, %arg8: memref<128xi32, #tpu.memory_space<vmem>>, %arg9: memref<80x128xf32, #tpu.memory_space<vmem>>, %arg10: memref<10240x128xf32, #tpu.memory_space<vmem_shared>>, %arg11: memref<!tpu.dma_semaphore, #tpu.memory_space<semaphore_mem>>, %arg12: memref<!tpu.dma_semaphore, #tpu.memory_space<semaphore_mem>>, %arg13: memref<!tpu.dma_semaphore, #tpu.memory_space<semaphore_mem>>, %arg14: memref<!tpu.dma_semaphore, #tpu.memory_space<semaphore_mem>>) attributes {dimension_semantics = [#tpu.dimension_semantics<core_parallel>, #tpu.dimension_semantics<subcore_parallel>], iteration_bounds = array<i64: 2, 16>, scalar_prefetch = 0 : i64, scratch_operands = 10 : i64, tpu.core_type = #tpu.core_type<sc_vector_subcore>, window_params = [{transform_indices = #map}, {transform_indices = #map1}, {transform_indices = #map2}]} {
    %mul3A = arith.constant 2 : i32
    %mul3A_0 = arith.muli %arg1, %mul3A : i32
    %add3A = arith.addi %mul3A_0, %arg0 : i32
    %broadcast_in_dim3A = arith.constant 0.000000e+00 : f32
    %broadcast_in_dim3A_1 = vector.broadcast %broadcast_in_dim3A : f32 to vector<16xf32>
    %scan3A = arith.constant 0 : i32
    %scan3A_2 = arith.constant 0 : i32
    %scan3A_3 = arith.constant 640 : i32
    %scan3A_4 = arith.addi %scan3A_2, %scan3A_3 : i32
    %scan3A_5 = arith.constant 1 : i32
    scf.for %scan3A_53 = %scan3A_2 to %scan3A_4 step %scan3A_5  : i32 {
      %jit3A = arith.constant 8 : i32
      %div3A = arith.divsi %scan3A_53, %jit3A : i32
      %sign3A = arith.constant 0 : i32
      %sign3A_54 = arith.cmpi sgt, %scan3A_53, %sign3A : i32
      %sign3A_55 = arith.extui %sign3A_54 : i1 to i32
      %sign3A_56 = arith.constant 0 : i32
      %sign3A_57 = arith.cmpi slt, %scan3A_53, %sign3A_56 : i32
      %sign3A_58 = arith.extui %sign3A_57 : i1 to i32
      %sign3A_59 = arith.subi %sign3A_55, %sign3A_58 : i32
      %sign3A_60 = arith.constant 0 : i32
      %sign3A_61 = arith.cmpi sgt, %jit3A, %sign3A_60 : i32
      %sign3A_62 = arith.extui %sign3A_61 : i1 to i32
      %sign3A_63 = arith.constant 0 : i32
      %sign3A_64 = arith.cmpi slt, %jit3A, %sign3A_63 : i32
      %sign3A_65 = arith.extui %sign3A_64 : i1 to i32
      %sign3A_66 = arith.subi %sign3A_62, %sign3A_65 : i32
      %ne3A = arith.cmpi ne, %sign3A_59, %sign3A_66 : i32
      %rem3A = arith.remsi %scan3A_53, %jit3A : i32
      %ne3A_67 = arith.constant 0 : i32
      %ne3A_68 = arith.cmpi ne, %rem3A, %ne3A_67 : i32
      %and3A = arith.andi %ne3A, %ne3A_68 : i1
      %sub3A = arith.constant 1 : i32
      %sub3A_69 = arith.subi %div3A, %sub3A : i32
      %select_n3A = arith.select %and3A, %sub3A_69, %div3A : i32
      %jit3A_70 = arith.constant 8 : i32
      %eq3A = arith.constant 0 : i32
      %eq3A_71 = arith.cmpi eq, %jit3A_70, %eq3A : i32
      %jit3A_72 = arith.constant 1 : i32
      %select_n3A_73 = arith.select %eq3A_71, %jit3A_72, %jit3A_70 : i32
      %rem3A_74 = arith.remsi %scan3A_53, %select_n3A_73 : i32
      %ne3A_75 = arith.constant 0 : i32
      %ne3A_76 = arith.cmpi ne, %rem3A_74, %ne3A_75 : i32
      %lt3A = arith.constant 0 : i32
      %lt3A_77 = arith.cmpi slt, %rem3A_74, %lt3A : i32
      %lt3A_78 = arith.constant 0 : i32
      %lt3A_79 = arith.cmpi slt, %select_n3A_73, %lt3A_78 : i32
      %ne3A_80 = arith.xori %lt3A_77, %lt3A_79 : i1
      %and3A_81 = arith.andi %ne3A_80, %ne3A_76 : i1
      %add3A_82 = arith.addi %rem3A_74, %select_n3A_73 : i32
      %select_n3A_83 = arith.select %and3A_81, %add3A_82, %rem3A_74 : i32
      %mul3A_84 = arith.constant 16 : i32
      %mul3A_85 = arith.muli %select_n3A_83, %mul3A_84 : i32
      %swap3A = arith.index_cast %select_n3A : i32 to index
      %swap3A_86 = arith.index_cast %mul3A_85 : i32 to index
      %swap3A_87 = tpu.vector_load %arg9[%swap3A, %swap3A_86] {strides = array<i32>} : memref<80x128xf32, #tpu.memory_space<vmem>>, vector<1x16xf32>,
      %swap3A_88 = vector.shape_cast %swap3A_87 : vector<1x16xf32> to vector<16xf32>
      %swap3A_89 = vector.shape_cast %broadcast_in_dim3A_1 : vector<16xf32> to vector<1x16xf32>
      tpu.vector_store %arg9[%swap3A, %swap3A_86], %swap3A_89 {strides = array<i32>} : memref<80x128xf32, #tpu.memory_space<vmem>>, vector<1x16xf32>,
    }
    %scan3A_6 = arith.constant 640 : i32
    %mul3A_7 = arith.constant 640 : i32
    %mul3A_8 = arith.muli %arg1, %mul3A_7 : i32
    %add3A_9 = arith.constant 0 : i32
    %add3A_10 = arith.addi %mul3A_8, %add3A_9 : i32
    "tpu.region"() ({
      %run_scoped3A = tpu.sem_alloc : memref<!tpu.dma_semaphore, #tpu.memory_space<semaphore_mem>>
      %dma_start3A_53 = arith.constant 0 : i32
      %dma_start3A_54 = tpu.memref_slice %arg10[%add3A_10, %dma_start3A_53] : memref<10240x128xf32, #tpu.memory_space<vmem_shared>> -> memref<80x128xf32, #tpu.memory_space<vmem_shared>>
      %dma_start3A_55 = arith.constant 0 : i32
      %dma_start3A_56 = tpu.memref_slice %arg10[%add3A_10, %dma_start3A_55] : memref<10240x128xf32, #tpu.memory_space<vmem_shared>> -> memref<80x128xf32, #tpu.memory_space<vmem_shared>>
      tpu.enqueue_dma source(%arg9 : memref<80x128xf32, #tpu.memory_space<vmem>>) target(%dma_start3A_56 : memref<80x128xf32, #tpu.memory_space<vmem_shared>>) target_semaphore(%run_scoped3A : memref<!tpu.dma_semaphore, #tpu.memory_space<semaphore_mem>>)
      %dma_wait3A = arith.constant 0 : i32
      %dma_wait3A_57 = tpu.memref_slice %arg10[%add3A_10, %dma_wait3A] : memref<10240x128xf32, #tpu.memory_space<vmem_shared>> -> memref<80x128xf32, #tpu.memory_space<vmem_shared>>
      %dma_wait3A_58 = arith.constant 0 : i32
      %dma_wait3A_59 = tpu.memref_slice %arg10[%add3A_10, %dma_wait3A_58] : memref<10240x128xf32, #tpu.memory_space<vmem_shared>> -> memref<80x128xf32, #tpu.memory_space<vmem_shared>>
      tpu.wait_dma2 semaphore(%run_scoped3A : memref<!tpu.dma_semaphore, #tpu.memory_space<semaphore_mem>>) src(%arg9 : memref<80x128xf32, #tpu.memory_space<vmem>>) dst(%dma_wait3A_59 : memref<80x128xf32, #tpu.memory_space<vmem_shared>>)
      tpu.yield
    }) : () -> ()
    %add3A_11 = arith.constant 80 : i32
    %add3A_12 = arith.addi %mul3A_8, %add3A_11 : i32
    "tpu.region"() ({
      %run_scoped3A = tpu.sem_alloc : memref<!tpu.dma_semaphore, #tpu.memory_space<semaphore_mem>>
      %dma_start3A_53 = arith.constant 0 : i32
      %dma_start3A_54 = tpu.memref_slice %arg10[%add3A_12, %dma_start3A_53] : memref<10240x128xf32, #tpu.memory_space<vmem_shared>> -> memref<80x128xf32, #tpu.memory_space<vmem_shared>>
      %dma_start3A_55 = arith.constant 0 : i32
      %dma_start3A_56 = tpu.memref_slice %arg10[%add3A_12, %dma_start3A_55] : memref<10240x128xf32, #tpu.memory_space<vmem_shared>> -> memref<80x128xf32, #tpu.memory_space<vmem_shared>>
      tpu.enqueue_dma source(%arg9 : memref<80x128xf32, #tpu.memory_space<vmem>>) target(%dma_start3A_56 : memref<80x128xf32, #tpu.memory_space<vmem_shared>>) target_semaphore(%run_scoped3A : memref<!tpu.dma_semaphore, #tpu.memory_space<semaphore_mem>>)
      %dma_wait3A = arith.constant 0 : i32
      %dma_wait3A_57 = tpu.memref_slice %arg10[%add3A_12, %dma_wait3A] : memref<10240x128xf32, #tpu.memory_space<vmem_shared>> -> memref<80x128xf32, #tpu.memory_space<vmem_shared>>
      %dma_wait3A_58 = arith.constant 0 : i32
      %dma_wait3A_59 = tpu.memref_slice %arg10[%add3A_12, %dma_wait3A_58] : memref<10240x128xf32, #tpu.memory_space<vmem_shared>> -> memref<80x128xf32, #tpu.memory_space<vmem_shared>>
      tpu.wait_dma2 semaphore(%run_scoped3A : memref<!tpu.dma_semaphore, #tpu.memory_space<semaphore_mem>>) src(%arg9 : memref<80x128xf32, #tpu.memory_space<vmem>>) dst(%dma_wait3A_59 : memref<80x128xf32, #tpu.memory_space<vmem_shared>>)
      tpu.yield
    }) : () -> ()
    %add3A_13 = arith.constant 160 : i32
    %add3A_14 = arith.addi %mul3A_8, %add3A_13 : i32
    "tpu.region"() ({
      %run_scoped3A = tpu.sem_alloc : memref<!tpu.dma_semaphore, #tpu.memory_space<semaphore_mem>>
      %dma_start3A_53 = arith.constant 0 : i32
      %dma_start3A_54 = tpu.memref_slice %arg10[%add3A_14, %dma_start3A_53] : memref<10240x128xf32, #tpu.memory_space<vmem_shared>> -> memref<80x128xf32, #tpu.memory_space<vmem_shared>>
      %dma_start3A_55 = arith.constant 0 : i32
      %dma_start3A_56 = tpu.memref_slice %arg10[%add3A_14, %dma_start3A_55] : memref<10240x128xf32, #tpu.memory_space<vmem_shared>> -> memref<80x128xf32, #tpu.memory_space<vmem_shared>>
      tpu.enqueue_dma source(%arg9 : memref<80x128xf32, #tpu.memory_space<vmem>>) target(%dma_start3A_56 : memref<80x128xf32, #tpu.memory_space<vmem_shared>>) target_semaphore(%run_scoped3A : memref<!tpu.dma_semaphore, #tpu.memory_space<semaphore_mem>>)
      %dma_wait3A = arith.constant 0 : i32
      %dma_wait3A_57 = tpu.memref_slice %arg10[%add3A_14, %dma_wait3A] : memref<10240x128xf32, #tpu.memory_space<vmem_shared>> -> memref<80x128xf32, #tpu.memory_space<vmem_shared>>
      %dma_wait3A_58 = arith.constant 0 : i32
      %dma_wait3A_59 = tpu.memref_slice %arg10[%add3A_14, %dma_wait3A_58] : memref<10240x128xf32, #tpu.memory_space<vmem_shared>> -> memref<80x128xf32, #tpu.memory_space<vmem_shared>>
      tpu.wait_dma2 semaphore(%run_scoped3A : memref<!tpu.dma_semaphore, #tpu.memory_space<semaphore_mem>>) src(%arg9 : memref<80x128xf32, #tpu.memory_space<vmem>>) dst(%dma_wait3A_59 : memref<80x128xf32, #tpu.memory_space<vmem_shared>>)
      tpu.yield
    }) : () -> ()
    %add3A_15 = arith.constant 240 : i32
    %add3A_16 = arith.addi %mul3A_8, %add3A_15 : i32
    "tpu.region"() ({
      %run_scoped3A = tpu.sem_alloc : memref<!tpu.dma_semaphore, #tpu.memory_space<semaphore_mem>>
      %dma_start3A_53 = arith.constant 0 : i32
      %dma_start3A_54 = tpu.memref_slice %arg10[%add3A_16, %dma_start3A_53] : memref<10240x128xf32, #tpu.memory_space<vmem_shared>> -> memref<80x128xf32, #tpu.memory_space<vmem_shared>>
      %dma_start3A_55 = arith.constant 0 : i32
      %dma_start3A_56 = tpu.memref_slice %arg10[%add3A_16, %dma_start3A_55] : memref<10240x128xf32, #tpu.memory_space<vmem_shared>> -> memref<80x128xf32, #tpu.memory_space<vmem_shared>>
      tpu.enqueue_dma source(%arg9 : memref<80x128xf32, #tpu.memory_space<vmem>>) target(%dma_start3A_56 : memref<80x128xf32, #tpu.memory_space<vmem_shared>>) target_semaphore(%run_scoped3A : memref<!tpu.dma_semaphore, #tpu.memory_space<semaphore_mem>>)
      %dma_wait3A = arith.constant 0 : i32
      %dma_wait3A_57 = tpu.memref_slice %arg10[%add3A_16, %dma_wait3A] : memref<10240x128xf32, #tpu.memory_space<vmem_shared>> -> memref<80x128xf32, #tpu.memory_space<vmem_shared>>
      %dma_wait3A_58 = arith.constant 0 : i32
      %dma_wait3A_59 = tpu.memref_slice %arg10[%add3A_16, %dma_wait3A_58] : memref<10240x128xf32, #tpu.memory_space<vmem_shared>> -> memref<80x128xf32, #tpu.memory_space<vmem_shared>>
      tpu.wait_dma2 semaphore(%run_scoped3A : memref<!tpu.dma_semaphore, #tpu.memory_space<semaphore_mem>>) src(%arg9 : memref<80x128xf32, #tpu.memory_space<vmem>>) dst(%dma_wait3A_59 : memref<80x128xf32, #tpu.memory_space<vmem_shared>>)
      tpu.yield
    }) : () -> ()
    %add3A_17 = arith.constant 320 : i32
    %add3A_18 = arith.addi %mul3A_8, %add3A_17 : i32
    "tpu.region"() ({
      %run_scoped3A = tpu.sem_alloc : memref<!tpu.dma_semaphore, #tpu.memory_space<semaphore_mem>>
      %dma_start3A_53 = arith.constant 0 : i32
      %dma_start3A_54 = tpu.memref_slice %arg10[%add3A_18, %dma_start3A_53] : memref<10240x128xf32, #tpu.memory_space<vmem_shared>> -> memref<80x128xf32, #tpu.memory_space<vmem_shared>>
      %dma_start3A_55 = arith.constant 0 : i32
      %dma_start3A_56 = tpu.memref_slice %arg10[%add3A_18, %dma_start3A_55] : memref<10240x128xf32, #tpu.memory_space<vmem_shared>> -> memref<80x128xf32, #tpu.memory_space<vmem_shared>>
      tpu.enqueue_dma source(%arg9 : memref<80x128xf32, #tpu.memory_space<vmem>>) target(%dma_start3A_56 : memref<80x128xf32, #tpu.memory_space<vmem_shared>>) target_semaphore(%run_scoped3A : memref<!tpu.dma_semaphore, #tpu.memory_space<semaphore_mem>>)
      %dma_wait3A = arith.constant 0 : i32
      %dma_wait3A_57 = tpu.memref_slice %arg10[%add3A_18, %dma_wait3A] : memref<10240x128xf32, #tpu.memory_space<vmem_shared>> -> memref<80x128xf32, #tpu.memory_space<vmem_shared>>
      %dma_wait3A_58 = arith.constant 0 : i32
      %dma_wait3A_59 = tpu.memref_slice %arg10[%add3A_18, %dma_wait3A_58] : memref<10240x128xf32, #tpu.memory_space<vmem_shared>> -> memref<80x128xf32, #tpu.memory_space<vmem_shared>>
      tpu.wait_dma2 semaphore(%run_scoped3A : memref<!tpu.dma_semaphore, #tpu.memory_space<semaphore_mem>>) src(%arg9 : memref<80x128xf32, #tpu.memory_space<vmem>>) dst(%dma_wait3A_59 : memref<80x128xf32, #tpu.memory_space<vmem_shared>>)
      tpu.yield
    }) : () -> ()
    %add3A_19 = arith.constant 400 : i32
    %add3A_20 = arith.addi %mul3A_8, %add3A_19 : i32
    "tpu.region"() ({
      %run_scoped3A = tpu.sem_alloc : memref<!tpu.dma_semaphore, #tpu.memory_space<semaphore_mem>>
      %dma_start3A_53 = arith.constant 0 : i32
      %dma_start3A_54 = tpu.memref_slice %arg10[%add3A_20, %dma_start3A_53] : memref<10240x128xf32, #tpu.memory_space<vmem_shared>> -> memref<80x128xf32, #tpu.memory_space<vmem_shared>>
      %dma_start3A_55 = arith.constant 0 : i32
      %dma_start3A_56 = tpu.memref_slice %arg10[%add3A_20, %dma_start3A_55] : memref<10240x128xf32, #tpu.memory_space<vmem_shared>> -> memref<80x128xf32, #tpu.memory_space<vmem_shared>>
      tpu.enqueue_dma source(%arg9 : memref<80x128xf32, #tpu.memory_space<vmem>>) target(%dma_start3A_56 : memref<80x128xf32, #tpu.memory_space<vmem_shared>>) target_semaphore(%run_scoped3A : memref<!tpu.dma_semaphore, #tpu.memory_space<semaphore_mem>>)
      %dma_wait3A = arith.constant 0 : i32
      %dma_wait3A_57 = tpu.memref_slice %arg10[%add3A_20, %dma_wait3A] : memref<10240x128xf32, #tpu.memory_space<vmem_shared>> -> memref<80x128xf32, #tpu.memory_space<vmem_shared>>
      %dma_wait3A_58 = arith.constant 0 : i32
      %dma_wait3A_59 = tpu.memref_slice %arg10[%add3A_20, %dma_wait3A_58] : memref<10240x128xf32, #tpu.memory_space<vmem_shared>> -> memref<80x128xf32, #tpu.memory_space<vmem_shared>>
      tpu.wait_dma2 semaphore(%run_scoped3A : memref<!tpu.dma_semaphore, #tpu.memory_space<semaphore_mem>>) src(%arg9 : memref<80x128xf32, #tpu.memory_space<vmem>>) dst(%dma_wait3A_59 : memref<80x128xf32, #tpu.memory_space<vmem_shared>>)
      tpu.yield
    }) : () -> ()
    %add3A_21 = arith.constant 480 : i32
    %add3A_22 = arith.addi %mul3A_8, %add3A_21 : i32
    "tpu.region"() ({
      %run_scoped3A = tpu.sem_alloc : memref<!tpu.dma_semaphore, #tpu.memory_space<semaphore_mem>>
      %dma_start3A_53 = arith.constant 0 : i32
      %dma_start3A_54 = tpu.memref_slice %arg10[%add3A_22, %dma_start3A_53] : memref<10240x128xf32, #tpu.memory_space<vmem_shared>> -> memref<80x128xf32, #tpu.memory_space<vmem_shared>>
      %dma_start3A_55 = arith.constant 0 : i32
      %dma_start3A_56 = tpu.memref_slice %arg10[%add3A_22, %dma_start3A_55] : memref<10240x128xf32, #tpu.memory_space<vmem_shared>> -> memref<80x128xf32, #tpu.memory_space<vmem_shared>>
      tpu.enqueue_dma source(%arg9 : memref<80x128xf32, #tpu.memory_space<vmem>>) target(%dma_start3A_56 : memref<80x128xf32, #tpu.memory_space<vmem_shared>>) target_semaphore(%run_scoped3A : memref<!tpu.dma_semaphore, #tpu.memory_space<semaphore_mem>>)
      %dma_wait3A = arith.constant 0 : i32
      %dma_wait3A_57 = tpu.memref_slice %arg10[%add3A_22, %dma_wait3A] : memref<10240x128xf32, #tpu.memory_space<vmem_shared>> -> memref<80x128xf32, #tpu.memory_space<vmem_shared>>
      %dma_wait3A_58 = arith.constant 0 : i32
      %dma_wait3A_59 = tpu.memref_slice %arg10[%add3A_22, %dma_wait3A_58] : memref<10240x128xf32, #tpu.memory_space<vmem_shared>> -> memref<80x128xf32, #tpu.memory_space<vmem_shared>>
      tpu.wait_dma2 semaphore(%run_scoped3A : memref<!tpu.dma_semaphore, #tpu.memory_space<semaphore_mem>>) src(%arg9 : memref<80x128xf32, #tpu.memory_space<vmem>>) dst(%dma_wait3A_59 : memref<80x128xf32, #tpu.memory_space<vmem_shared>>)
      tpu.yield
    }) : () -> ()
    %add3A_23 = arith.constant 560 : i32
    %add3A_24 = arith.addi %mul3A_8, %add3A_23 : i32
    "tpu.region"() ({
      %run_scoped3A = tpu.sem_alloc : memref<!tpu.dma_semaphore, #tpu.memory_space<semaphore_mem>>
      %dma_start3A_53 = arith.constant 0 : i32
      %dma_start3A_54 = tpu.memref_slice %arg10[%add3A_24, %dma_start3A_53] : memref<10240x128xf32, #tpu.memory_space<vmem_shared>> -> memref<80x128xf32, #tpu.memory_space<vmem_shared>>
      %dma_start3A_55 = arith.constant 0 : i32
      %dma_start3A_56 = tpu.memref_slice %arg10[%add3A_24, %dma_start3A_55] : memref<10240x128xf32, #tpu.memory_space<vmem_shared>> -> memref<80x128xf32, #tpu.memory_space<vmem_shared>>
      tpu.enqueue_dma source(%arg9 : memref<80x128xf32, #tpu.memory_space<vmem>>) target(%dma_start3A_56 : memref<80x128xf32, #tpu.memory_space<vmem_shared>>) target_semaphore(%run_scoped3A : memref<!tpu.dma_semaphore, #tpu.memory_space<semaphore_mem>>)
      %dma_wait3A = arith.constant 0 : i32
      %dma_wait3A_57 = tpu.memref_slice %arg10[%add3A_24, %dma_wait3A] : memref<10240x128xf32, #tpu.memory_space<vmem_shared>> -> memref<80x128xf32, #tpu.memory_space<vmem_shared>>
      %dma_wait3A_58 = arith.constant 0 : i32
      %dma_wait3A_59 = tpu.memref_slice %arg10[%add3A_24, %dma_wait3A_58] : memref<10240x128xf32, #tpu.memory_space<vmem_shared>> -> memref<80x128xf32, #tpu.memory_space<vmem_shared>>
      tpu.wait_dma2 semaphore(%run_scoped3A : memref<!tpu.dma_semaphore, #tpu.memory_space<semaphore_mem>>) src(%arg9 : memref<80x128xf32, #tpu.memory_space<vmem>>) dst(%dma_wait3A_59 : memref<80x128xf32, #tpu.memory_space<vmem_shared>>)
      tpu.yield
    }) : () -> ()
    %barrier3A = arith.constant 0 : index
    tpu.barrier barrier_id(%barrier3A)
    %mul3A_25 = arith.constant 15872 : i32
    %mul3A_26 = arith.muli %add3A, %mul3A_25 : i32
    %add3A_27 = arith.constant 0 : i32
    %add3A_28 = arith.addi %mul3A_26, %add3A_27 : i32
    %dma_start3A = arith.constant 0 : i32
    %dma_start3A_29 = tpu.memref_slice %arg2[%add3A_28, %dma_start3A] : memref<507904x128xf32, #tpu.memory_space<hbm>> -> memref<128x128xf32, #tpu.memory_space<hbm>>
    %dma_start3A_30 = arith.constant 0 : i32
    %dma_start3A_31 = tpu.memref_slice %arg2[%add3A_28, %dma_start3A_30] : memref<507904x128xf32, #tpu.memory_space<hbm>> -> memref<128x128xf32, #tpu.memory_space<hbm>>
    tpu.enqueue_dma source(%dma_start3A_31 : memref<128x128xf32, #tpu.memory_space<hbm>>) target(%arg5 : memref<128x128xf32, #tpu.memory_space<vmem>>) target_semaphore(%arg11 : memref<!tpu.dma_semaphore, #tpu.memory_space<semaphore_mem>>)
    %add3A_32 = arith.constant 0 : i32
    %add3A_33 = arith.addi %mul3A_26, %add3A_32 : i32
    %dma_start3A_34 = tpu.memref_slice %arg3[%add3A_33] : memref<507904xi32, #tpu.memory_space<hbm>> -> memref<128xi32, #tpu.memory_space<hbm>>
    %dma_start3A_35 = tpu.memref_slice %arg3[%add3A_33] : memref<507904xi32, #tpu.memory_space<hbm>> -> memref<128xi32, #tpu.memory_space<hbm>>
    tpu.enqueue_dma source(%dma_start3A_35 : memref<128xi32, #tpu.memory_space<hbm>>) target(%arg7 : memref<128xi32, #tpu.memory_space<vmem>>) target_semaphore(%arg13 : memref<!tpu.dma_semaphore, #tpu.memory_space<semaphore_mem>>)
    %add3A_36 = arith.constant 128 : i32
    %add3A_37 = arith.addi %mul3A_26, %add3A_36 : i32
    %dma_start3A_38 = arith.constant 0 : i32
    %dma_start3A_39 = tpu.memref_slice %arg2[%add3A_37, %dma_start3A_38] : memref<507904x128xf32, #tpu.memory_space<hbm>> -> memref<128x128xf32, #tpu.memory_space<hbm>>
    %dma_start3A_40 = arith.constant 0 : i32
    %dma_start3A_41 = tpu.memref_slice %arg2[%add3A_37, %dma_start3A_40] : memref<507904x128xf32, #tpu.memory_space<hbm>> -> memref<128x128xf32, #tpu.memory_space<hbm>>
    tpu.enqueue_dma source(%dma_start3A_41 : memref<128x128xf32, #tpu.memory_space<hbm>>) target(%arg6 : memref<128x128xf32, #tpu.memory_space<vmem>>) target_semaphore(%arg12 : memref<!tpu.dma_semaphore, #tpu.memory_space<semaphore_mem>>)
    %add3A_42 = arith.constant 128 : i32
    %add3A_43 = arith.addi %mul3A_26, %add3A_42 : i32
    %dma_start3A_44 = tpu.memref_slice %arg3[%add3A_43] : memref<507904xi32, #tpu.memory_space<hbm>> -> memref<128xi32, #tpu.memory_space<hbm>>
    %dma_start3A_45 = tpu.memref_slice %arg3[%add3A_43] : memref<507904xi32, #tpu.memory_space<hbm>> -> memref<128xi32, #tpu.memory_space<hbm>>
    tpu.enqueue_dma source(%dma_start3A_45 : memref<128xi32, #tpu.memory_space<hbm>>) target(%arg8 : memref<128xi32, #tpu.memory_space<vmem>>) target_semaphore(%arg14 : memref<!tpu.dma_semaphore, #tpu.memory_space<semaphore_mem>>)
    %scan3A_46 = arith.constant 0 : i32
    %scan3A_47 = arith.constant 0 : i32
    %scan3A_48 = arith.constant 62 : i32
    %scan3A_49 = arith.addi %scan3A_47, %scan3A_48 : i32
    %scan3A_50 = arith.constant 1 : i32
    scf.for %scan3A_53 = %scan3A_47 to %scan3A_49 step %scan3A_50  : i32 {
      %mul3A_54 = arith.constant 2 : i32
      %mul3A_55 = arith.muli %scan3A_53, %mul3A_54 : i32
      %add3A_56 = arith.constant 0 : i32
      %add3A_57 = arith.addi %mul3A_55, %add3A_56 : i32
      %dma_wait3A = arith.constant 0 : i32
      %dma_wait3A_58 = arith.constant 0 : i32
      %dma_wait3A_59 = tpu.memref_slice %arg2[%dma_wait3A, %dma_wait3A_58] : memref<507904x128xf32, #tpu.memory_space<hbm>> -> memref<128x128xf32, #tpu.memory_space<hbm>>
      %dma_wait3A_60 = arith.constant 0 : i32
      %dma_wait3A_61 = arith.constant 0 : i32
      %dma_wait3A_62 = tpu.memref_slice %arg2[%dma_wait3A_60, %dma_wait3A_61] : memref<507904x128xf32, #tpu.memory_space<hbm>> -> memref<128x128xf32, #tpu.memory_space<hbm>>
      tpu.wait_dma2 semaphore(%arg11 : memref<!tpu.dma_semaphore, #tpu.memory_space<semaphore_mem>>) src(%dma_wait3A_62 : memref<128x128xf32, #tpu.memory_space<hbm>>) dst(%arg5 : memref<128x128xf32, #tpu.memory_space<vmem>>)
      %dma_wait3A_63 = arith.constant 0 : i32
      %dma_wait3A_64 = tpu.memref_slice %arg3[%dma_wait3A_63] : memref<507904xi32, #tpu.memory_space<hbm>> -> memref<128xi32, #tpu.memory_space<hbm>>
      %dma_wait3A_65 = arith.constant 0 : i32
      %dma_wait3A_66 = tpu.memref_slice %arg3[%dma_wait3A_65] : memref<507904xi32, #tpu.memory_space<hbm>> -> memref<128xi32, #tpu.memory_space<hbm>>
      tpu.wait_dma2 semaphore(%arg13 : memref<!tpu.dma_semaphore, #tpu.memory_space<semaphore_mem>>) src(%dma_wait3A_66 : memref<128xi32, #tpu.memory_space<hbm>>) dst(%arg7 : memref<128xi32, #tpu.memory_space<vmem>>)
      "tpu.region"() ({
        %run_scoped3A = tpu.sem_alloc : memref<!tpu.dma_semaphore, #tpu.memory_space<semaphore_mem>>
        %dma_start3A_92 = arith.constant 0 : i32
        %dma_start3A_93 = arith.constant 0 : i32
        %dma_start3A_94 = tpu.memref_slice %arg10[%dma_start3A_92, %dma_start3A_93] : memref<10240x128xf32, #tpu.memory_space<vmem_shared>> -> memref<10240x128xf32, #tpu.memory_space<vmem_shared>>
        tpu.enqueue_indirect_dma source(%arg5 : memref<128x128xf32, #tpu.memory_space<vmem>>) target(%dma_start3A_94 : memref<10240x128xf32, #tpu.memory_space<vmem_shared>>) offsets(%arg7 : memref<128xi32, #tpu.memory_space<vmem>>) semaphore(%run_scoped3A : memref<!tpu.dma_semaphore, #tpu.memory_space<semaphore_mem>>) {add = true}
        %dma_wait3A_95 = arith.constant 0 : i32
        %dma_wait3A_96 = arith.constant 0 : i32
        %dma_wait3A_97 = tpu.memref_slice %arg10[%dma_wait3A_95, %dma_wait3A_96] : memref<10240x128xf32, #tpu.memory_space<vmem_shared>> -> memref<10240x128xf32, #tpu.memory_space<vmem_shared>>
        tpu.wait_indirect_dma semaphore(%run_scoped3A : memref<!tpu.dma_semaphore, #tpu.memory_space<semaphore_mem>>) src(%arg5 : memref<128x128xf32, #tpu.memory_space<vmem>>) dst(%dma_wait3A_97 : memref<10240x128xf32, #tpu.memory_space<vmem_shared>>)
        tpu.yield
      }) : () -> ()
      %add3A_67 = arith.constant 2 : i32
      %add3A_68 = arith.addi %add3A_57, %add3A_67 : i32
      %lt3A = arith.constant 124 : i32
      %lt3A_69 = arith.cmpi slt, %add3A_68, %lt3A : i32
      %convert_element_type3A = arith.extui %lt3A_69 : i1 to i32
      %cond3A = arith.constant 0 : i32
      %cond3A_70 = arith.cmpi ne, %convert_element_type3A, %cond3A : i32
      scf.if %cond3A_70 {
        %add3A_92 = arith.constant 2 : i32
        %add3A_93 = arith.addi %add3A_57, %add3A_92 : i32
        %mul3A_94 = arith.constant 128 : i32
        %mul3A_95 = arith.muli %add3A_93, %mul3A_94 : i32
        %add3A_96 = arith.addi %mul3A_26, %mul3A_95 : i32
        %dma_start3A_97 = arith.constant 0 : i32
        %dma_start3A_98 = tpu.memref_slice %arg2[%add3A_96, %dma_start3A_97] : memref<507904x128xf32, #tpu.memory_space<hbm>> -> memref<128x128xf32, #tpu.memory_space<hbm>>
        %dma_start3A_99 = arith.constant 0 : i32
        %dma_start3A_100 = tpu.memref_slice %arg2[%add3A_96, %dma_start3A_99] : memref<507904x128xf32, #tpu.memory_space<hbm>> -> memref<128x128xf32, #tpu.memory_space<hbm>>
        tpu.enqueue_dma source(%dma_start3A_100 : memref<128x128xf32, #tpu.memory_space<hbm>>) target(%arg5 : memref<128x128xf32, #tpu.memory_space<vmem>>) target_semaphore(%arg11 : memref<!tpu.dma_semaphore, #tpu.memory_space<semaphore_mem>>)
        %add3A_101 = arith.constant 2 : i32
        %add3A_102 = arith.addi %add3A_57, %add3A_101 : i32
        %mul3A_103 = arith.constant 128 : i32
        %mul3A_104 = arith.muli %add3A_102, %mul3A_103 : i32
        %add3A_105 = arith.addi %mul3A_26, %mul3A_104 : i32
        %dma_start3A_106 = tpu.memref_slice %arg3[%add3A_105] : memref<507904xi32, #tpu.memory_space<hbm>> -> memref<128xi32, #tpu.memory_space<hbm>>
        %dma_start3A_107 = tpu.memref_slice %arg3[%add3A_105] : memref<507904xi32, #tpu.memory_space<hbm>> -> memref<128xi32, #tpu.memory_space<hbm>>
        tpu.enqueue_dma source(%dma_start3A_107 : memref<128xi32, #tpu.memory_space<hbm>>) target(%arg7 : memref<128xi32, #tpu.memory_space<vmem>>) target_semaphore(%arg13 : memref<!tpu.dma_semaphore, #tpu.memory_space<semaphore_mem>>)
      } else {
      }
      %mul3A_71 = arith.constant 2 : i32
      %mul3A_72 = arith.muli %scan3A_53, %mul3A_71 : i32
      %add3A_73 = arith.constant 1 : i32
      %add3A_74 = arith.addi %mul3A_72, %add3A_73 : i32
      %dma_wait3A_75 = arith.constant 0 : i32
      %dma_wait3A_76 = arith.constant 0 : i32
      %dma_wait3A_77 = tpu.memref_slice %arg2[%dma_wait3A_75, %dma_wait3A_76] : memref<507904x128xf32, #tpu.memory_space<hbm>> -> memref<128x128xf32, #tpu.memory_space<hbm>>
      %dma_wait3A_78 = arith.constant 0 : i32
      %dma_wait3A_79 = arith.constant 0 : i32
      %dma_wait3A_80 = tpu.memref_slice %arg2[%dma_wait3A_78, %dma_wait3A_79] : memref<507904x128xf32, #tpu.memory_space<hbm>> -> memref<128x128xf32, #tpu.memory_space<hbm>>
      tpu.wait_dma2 semaphore(%arg12 : memref<!tpu.dma_semaphore, #tpu.memory_space<semaphore_mem>>) src(%dma_wait3A_80 : memref<128x128xf32, #tpu.memory_space<hbm>>) dst(%arg6 : memref<128x128xf32, #tpu.memory_space<vmem>>)
      %dma_wait3A_81 = arith.constant 0 : i32
      %dma_wait3A_82 = tpu.memref_slice %arg3[%dma_wait3A_81] : memref<507904xi32, #tpu.memory_space<hbm>> -> memref<128xi32, #tpu.memory_space<hbm>>
      %dma_wait3A_83 = arith.constant 0 : i32
      %dma_wait3A_84 = tpu.memref_slice %arg3[%dma_wait3A_83] : memref<507904xi32, #tpu.memory_space<hbm>> -> memref<128xi32, #tpu.memory_space<hbm>>
      tpu.wait_dma2 semaphore(%arg14 : memref<!tpu.dma_semaphore, #tpu.memory_space<semaphore_mem>>) src(%dma_wait3A_84 : memref<128xi32, #tpu.memory_space<hbm>>) dst(%arg8 : memref<128xi32, #tpu.memory_space<vmem>>)
      "tpu.region"() ({
        %run_scoped3A = tpu.sem_alloc : memref<!tpu.dma_semaphore, #tpu.memory_space<semaphore_mem>>
        %dma_start3A_92 = arith.constant 0 : i32
        %dma_start3A_93 = arith.constant 0 : i32
        %dma_start3A_94 = tpu.memref_slice %arg10[%dma_start3A_92, %dma_start3A_93] : memref<10240x128xf32, #tpu.memory_space<vmem_shared>> -> memref<10240x128xf32, #tpu.memory_space<vmem_shared>>
        tpu.enqueue_indirect_dma source(%arg6 : memref<128x128xf32, #tpu.memory_space<vmem>>) target(%dma_start3A_94 : memref<10240x128xf32, #tpu.memory_space<vmem_shared>>) offsets(%arg8 : memref<128xi32, #tpu.memory_space<vmem>>) semaphore(%run_scoped3A : memref<!tpu.dma_semaphore, #tpu.memory_space<semaphore_mem>>) {add = true}
        %dma_wait3A_95 = arith.constant 0 : i32
        %dma_wait3A_96 = arith.constant 0 : i32
        %dma_wait3A_97 = tpu.memref_slice %arg10[%dma_wait3A_95, %dma_wait3A_96] : memref<10240x128xf32, #tpu.memory_space<vmem_shared>> -> memref<10240x128xf32, #tpu.memory_space<vmem_shared>>
        tpu.wait_indirect_dma semaphore(%run_scoped3A : memref<!tpu.dma_semaphore, #tpu.memory_space<semaphore_mem>>) src(%arg6 : memref<128x128xf32, #tpu.memory_space<vmem>>) dst(%dma_wait3A_97 : memref<10240x128xf32, #tpu.memory_space<vmem_shared>>)
        tpu.yield
      }) : () -> ()
      %add3A_85 = arith.constant 2 : i32
      %add3A_86 = arith.addi %add3A_74, %add3A_85 : i32
      %lt3A_87 = arith.constant 124 : i32
      %lt3A_88 = arith.cmpi slt, %add3A_86, %lt3A_87 : i32
      %convert_element_type3A_89 = arith.extui %lt3A_88 : i1 to i32
      %cond3A_90 = arith.constant 0 : i32
      %cond3A_91 = arith.cmpi ne, %convert_element_type3A_89, %cond3A_90 : i32
      scf.if %cond3A_91 {
        %add3A_92 = arith.constant 2 : i32
        %add3A_93 = arith.addi %add3A_74, %add3A_92 : i32
        %mul3A_94 = arith.constant 128 : i32
        %mul3A_95 = arith.muli %add3A_93, %mul3A_94 : i32
        %add3A_96 = arith.addi %mul3A_26, %mul3A_95 : i32
        %dma_start3A_97 = arith.constant 0 : i32
        %dma_start3A_98 = tpu.memref_slice %arg2[%add3A_96, %dma_start3A_97] : memref<507904x128xf32, #tpu.memory_space<hbm>> -> memref<128x128xf32, #tpu.memory_space<hbm>>
        %dma_start3A_99 = arith.constant 0 : i32
        %dma_start3A_100 = tpu.memref_slice %arg2[%add3A_96, %dma_start3A_99] : memref<507904x128xf32, #tpu.memory_space<hbm>> -> memref<128x128xf32, #tpu.memory_space<hbm>>
        tpu.enqueue_dma source(%dma_start3A_100 : memref<128x128xf32, #tpu.memory_space<hbm>>) target(%arg6 : memref<128x128xf32, #tpu.memory_space<vmem>>) target_semaphore(%arg12 : memref<!tpu.dma_semaphore, #tpu.memory_space<semaphore_mem>>)
        %add3A_101 = arith.constant 2 : i32
        %add3A_102 = arith.addi %add3A_74, %add3A_101 : i32
        %mul3A_103 = arith.constant 128 : i32
        %mul3A_104 = arith.muli %add3A_102, %mul3A_103 : i32
        %add3A_105 = arith.addi %mul3A_26, %mul3A_104 : i32
        %dma_start3A_106 = tpu.memref_slice %arg3[%add3A_105] : memref<507904xi32, #tpu.memory_space<hbm>> -> memref<128xi32, #tpu.memory_space<hbm>>
        %dma_start3A_107 = tpu.memref_slice %arg3[%add3A_105] : memref<507904xi32, #tpu.memory_space<hbm>> -> memref<128xi32, #tpu.memory_space<hbm>>
        tpu.enqueue_dma source(%dma_start3A_107 : memref<128xi32, #tpu.memory_space<hbm>>) target(%arg8 : memref<128xi32, #tpu.memory_space<vmem>>) target_semaphore(%arg14 : memref<!tpu.dma_semaphore, #tpu.memory_space<semaphore_mem>>)
      } else {
      }
    }
    %scan3A_51 = arith.constant 62 : i32
    %barrier3A_52 = arith.constant 0 : index
    tpu.barrier barrier_id(%barrier3A_52)
    "tpu.region"() ({
      %run_scoped3A = tpu.sem_alloc : memref<!tpu.dma_semaphore, #tpu.memory_space<semaphore_mem>>
      %dma_start3A_53 = arith.constant 0 : i32
      %dma_start3A_54 = tpu.memref_slice %arg4[%arg0, %mul3A_8, %dma_start3A_53] : memref<2x10240x128xf32, #tpu.memory_space<hbm>> -> memref<1x640x128xf32, #tpu.memory_space<hbm>>
      %dma_start3A_55 = tpu.memref_squeeze %dma_start3A_54 : memref<1x640x128xf32, #tpu.memory_space<hbm>> -> memref<640x128xf32, #tpu.memory_space<hbm>>
      %dma_start3A_56 = arith.constant 0 : i32
      %dma_start3A_57 = tpu.memref_slice %arg10[%mul3A_8, %dma_start3A_56] : memref<10240x128xf32, #tpu.memory_space<vmem_shared>> -> memref<640x128xf32, #tpu.memory_space<vmem_shared>>
      tpu.enqueue_dma source(%dma_start3A_57 : memref<640x128xf32, #tpu.memory_space<vmem_shared>>) target(%dma_start3A_55 : memref<640x128xf32, #tpu.memory_space<hbm>>) target_semaphore(%run_scoped3A : memref<!tpu.dma_semaphore, #tpu.memory_space<semaphore_mem>>)
      %dma_wait3A = arith.constant 0 : i32
      %dma_wait3A_58 = tpu.memref_slice %arg4[%arg0, %mul3A_8, %dma_wait3A] : memref<2x10240x128xf32, #tpu.memory_space<hbm>> -> memref<1x640x128xf32, #tpu.memory_space<hbm>>
      %dma_wait3A_59 = tpu.memref_squeeze %dma_wait3A_58 : memref<1x640x128xf32, #tpu.memory_space<hbm>> -> memref<640x128xf32, #tpu.memory_space<hbm>>
      %dma_wait3A_60 = arith.constant 0 : i32
      %dma_wait3A_61 = tpu.memref_slice %arg10[%mul3A_8, %dma_wait3A_60] : memref<10240x128xf32, #tpu.memory_space<vmem_shared>> -> memref<640x128xf32, #tpu.memory_space<vmem_shared>>
      tpu.wait_dma2 semaphore(%run_scoped3A : memref<!tpu.dma_semaphore, #tpu.memory_space<semaphore_mem>>) src(%dma_wait3A_61 : memref<640x128xf32, #tpu.memory_space<vmem_shared>>) dst(%dma_wait3A_59 : memref<640x128xf32, #tpu.memory_space<hbm>>)
      tpu.yield
    }) : () -> ()
    return
  }
}

#map = affine_map<(d0, d1) -> (0, 0)>
#map1 = affine_map<(d0, d1) -> (0)>
module attributes {stable_mosaic.version = 14 : i64} {
  func.func @_gather_body(%arg0: i32, %arg1: i32, %arg2: memref<20000x128xf32, #tpu.memory_space<hbm>>, %arg3: memref<507904xi32, #tpu.memory_space<hbm>>, %arg4: memref<507904x128xf32, #tpu.memory_space<hbm>>, %arg5: memref<256x128xf32, #tpu.memory_space<vmem>>, %arg6: memref<256x128xf32, #tpu.memory_space<vmem>>, %arg7: memref<15872xi32, #tpu.memory_space<vmem>>, %arg8: memref<!tpu.dma_semaphore, #tpu.memory_space<semaphore_mem>>, %arg9: memref<!tpu.dma_semaphore, #tpu.memory_space<semaphore_mem>>, %arg10: memref<!tpu.dma_semaphore, #tpu.memory_space<semaphore_mem>>, %arg11: memref<!tpu.dma_semaphore, #tpu.memory_space<semaphore_mem>>) attributes {dimension_semantics = [#tpu.dimension_semantics<core_parallel>, #tpu.dimension_semantics<subcore_parallel>], iteration_bounds = array<i64: 2, 16>, scalar_prefetch = 0 : i64, scratch_operands = 7 : i64, tpu.core_type = #tpu.core_type<sc_vector_subcore>, window_params = [{transform_indices = #map}, {transform_indices = #map1}, {transform_indices = #map}]} {
    %mul3A = arith.constant 2 : i32
    %mul3A_0 = arith.muli %arg1, %mul3A : i32
    %add3A = arith.addi %mul3A_0, %arg0 : i32
    %mul3A_1 = arith.constant 15872 : i32
    %mul3A_2 = arith.muli %add3A, %mul3A_1 : i32
    "tpu.region"() ({
      %run_scoped3A = tpu.sem_alloc : memref<!tpu.dma_semaphore, #tpu.memory_space<semaphore_mem>>
      %dma_start3A_48 = tpu.memref_slice %arg3[%mul3A_2] : memref<507904xi32, #tpu.memory_space<hbm>> -> memref<15872xi32, #tpu.memory_space<hbm>>
      %dma_start3A_49 = tpu.memref_slice %arg3[%mul3A_2] : memref<507904xi32, #tpu.memory_space<hbm>> -> memref<15872xi32, #tpu.memory_space<hbm>>
      tpu.enqueue_dma source(%dma_start3A_49 : memref<15872xi32, #tpu.memory_space<hbm>>) target(%arg7 : memref<15872xi32, #tpu.memory_space<vmem>>) target_semaphore(%run_scoped3A : memref<!tpu.dma_semaphore, #tpu.memory_space<semaphore_mem>>)
      %dma_wait3A_50 = tpu.memref_slice %arg3[%mul3A_2] : memref<507904xi32, #tpu.memory_space<hbm>> -> memref<15872xi32, #tpu.memory_space<hbm>>
      %dma_wait3A_51 = tpu.memref_slice %arg3[%mul3A_2] : memref<507904xi32, #tpu.memory_space<hbm>> -> memref<15872xi32, #tpu.memory_space<hbm>>
      tpu.wait_dma2 semaphore(%run_scoped3A : memref<!tpu.dma_semaphore, #tpu.memory_space<semaphore_mem>>) src(%dma_wait3A_51 : memref<15872xi32, #tpu.memory_space<hbm>>) dst(%arg7 : memref<15872xi32, #tpu.memory_space<vmem>>)
      tpu.yield
    }) : () -> ()
    %eq3A = arith.constant 1 : i32
    %eq3A_3 = arith.cmpi eq, %arg0, %eq3A : i32
    %convert_element_type3A = arith.extui %eq3A_3 : i1 to i32
    %cond3A = arith.constant 0 : i32
    %cond3A_4 = arith.cmpi ne, %convert_element_type3A, %cond3A : i32
    scf.if %cond3A_4 {
      %scan3A_48 = arith.constant 0 : i32
      %scan3A_49 = arith.constant 0 : i32
      %scan3A_50 = arith.constant 992 : i32
      %scan3A_51 = arith.addi %scan3A_49, %scan3A_50 : i32
      %scan3A_52 = arith.constant 1 : i32
      scf.for %scan3A_54 = %scan3A_49 to %scan3A_51 step %scan3A_52  : i32 {
        %mul3A_55 = arith.constant 16 : i32
        %mul3A_56 = arith.muli %scan3A_54, %mul3A_55 : i32
        %get3A = arith.index_cast %mul3A_56 : i32 to index
        %get3A_57 = tpu.vector_load %arg7[%get3A] {strides = array<i32>} : memref<15872xi32, #tpu.memory_space<vmem>>, vector<16xi32>,
        %get3A_58 = vector.shape_cast %get3A_57 : vector<16xi32> to vector<16xi32>
        %add3A_59 = arith.constant 10000 : i32
        %add3A_60 = vector.broadcast %add3A_59 : i32 to vector<16xi32>
        %add3A_61 = arith.addi %get3A_58, %add3A_60 : vector<16xi32>
        %mul3A_62 = arith.constant 16 : i32
        %mul3A_63 = arith.muli %scan3A_54, %mul3A_62 : i32
        %swap3A = arith.index_cast %mul3A_63 : i32 to index
        %swap3A_64 = tpu.vector_load %arg7[%swap3A] {strides = array<i32>} : memref<15872xi32, #tpu.memory_space<vmem>>, vector<16xi32>,
        %swap3A_65 = vector.shape_cast %swap3A_64 : vector<16xi32> to vector<16xi32>
        %swap3A_66 = vector.shape_cast %add3A_61 : vector<16xi32> to vector<16xi32>
        tpu.vector_store %arg7[%swap3A], %swap3A_66 {strides = array<i32>} : memref<15872xi32, #tpu.memory_space<vmem>>, vector<16xi32>,
      }
      %scan3A_53 = arith.constant 992 : i32
    } else {
    }
    %dma_start3A = arith.constant 0 : i32
    %dma_start3A_5 = arith.constant 0 : i32
    %dma_start3A_6 = tpu.memref_slice %arg5[%dma_start3A, %dma_start3A_5] : memref<256x128xf32, #tpu.memory_space<vmem>> -> memref<128x128xf32, #tpu.memory_space<vmem>>
    %dma_start3A_7 = arith.constant 0 : i32
    %dma_start3A_8 = tpu.memref_slice %arg7[%dma_start3A_7] : memref<15872xi32, #tpu.memory_space<vmem>> -> memref<128xi32, #tpu.memory_space<vmem>>
    %dma_start3A_9 = arith.constant 0 : i32
    %dma_start3A_10 = arith.constant 0 : i32
    %dma_start3A_11 = tpu.memref_slice %arg2[%dma_start3A_9, %dma_start3A_10] : memref<20000x128xf32, #tpu.memory_space<hbm>> -> memref<20000x128xf32, #tpu.memory_space<hbm>>
    tpu.enqueue_indirect_dma source(%dma_start3A_11 : memref<20000x128xf32, #tpu.memory_space<hbm>>) target(%dma_start3A_6 : memref<128x128xf32, #tpu.memory_space<vmem>>) offsets(%dma_start3A_8 : memref<128xi32, #tpu.memory_space<vmem>>) semaphore(%arg8 : memref<!tpu.dma_semaphore, #tpu.memory_space<semaphore_mem>>)
    %dma_start3A_12 = arith.constant 128 : i32
    %dma_start3A_13 = arith.constant 0 : i32
    %dma_start3A_14 = tpu.memref_slice %arg5[%dma_start3A_12, %dma_start3A_13] : memref<256x128xf32, #tpu.memory_space<vmem>> -> memref<128x128xf32, #tpu.memory_space<vmem>>
    %dma_start3A_15 = arith.constant 128 : i32
    %dma_start3A_16 = tpu.memref_slice %arg7[%dma_start3A_15] : memref<15872xi32, #tpu.memory_space<vmem>> -> memref<128xi32, #tpu.memory_space<vmem>>
    %dma_start3A_17 = arith.constant 0 : i32
    %dma_start3A_18 = arith.constant 0 : i32
    %dma_start3A_19 = tpu.memref_slice %arg2[%dma_start3A_17, %dma_start3A_18] : memref<20000x128xf32, #tpu.memory_space<hbm>> -> memref<20000x128xf32, #tpu.memory_space<hbm>>
    tpu.enqueue_indirect_dma source(%dma_start3A_19 : memref<20000x128xf32, #tpu.memory_space<hbm>>) target(%dma_start3A_14 : memref<128x128xf32, #tpu.memory_space<vmem>>) offsets(%dma_start3A_16 : memref<128xi32, #tpu.memory_space<vmem>>) semaphore(%arg8 : memref<!tpu.dma_semaphore, #tpu.memory_space<semaphore_mem>>)
    %dma_start3A_20 = arith.constant 0 : i32
    %dma_start3A_21 = arith.constant 0 : i32
    %dma_start3A_22 = tpu.memref_slice %arg6[%dma_start3A_20, %dma_start3A_21] : memref<256x128xf32, #tpu.memory_space<vmem>> -> memref<128x128xf32, #tpu.memory_space<vmem>>
    %dma_start3A_23 = arith.constant 256 : i32
    %dma_start3A_24 = tpu.memref_slice %arg7[%dma_start3A_23] : memref<15872xi32, #tpu.memory_space<vmem>> -> memref<128xi32, #tpu.memory_space<vmem>>
    %dma_start3A_25 = arith.constant 0 : i32
    %dma_start3A_26 = arith.constant 0 : i32
    %dma_start3A_27 = tpu.memref_slice %arg2[%dma_start3A_25, %dma_start3A_26] : memref<20000x128xf32, #tpu.memory_space<hbm>> -> memref<20000x128xf32, #tpu.memory_space<hbm>>
    tpu.enqueue_indirect_dma source(%dma_start3A_27 : memref<20000x128xf32, #tpu.memory_space<hbm>>) target(%dma_start3A_22 : memref<128x128xf32, #tpu.memory_space<vmem>>) offsets(%dma_start3A_24 : memref<128xi32, #tpu.memory_space<vmem>>) semaphore(%arg9 : memref<!tpu.dma_semaphore, #tpu.memory_space<semaphore_mem>>)
    %dma_start3A_28 = arith.constant 128 : i32
    %dma_start3A_29 = arith.constant 0 : i32
    %dma_start3A_30 = tpu.memref_slice %arg6[%dma_start3A_28, %dma_start3A_29] : memref<256x128xf32, #tpu.memory_space<vmem>> -> memref<128x128xf32, #tpu.memory_space<vmem>>
    %dma_start3A_31 = arith.constant 384 : i32
    %dma_start3A_32 = tpu.memref_slice %arg7[%dma_start3A_31] : memref<15872xi32, #tpu.memory_space<vmem>> -> memref<128xi32, #tpu.memory_space<vmem>>
    %dma_start3A_33 = arith.constant 0 : i32
    %dma_start3A_34 = arith.constant 0 : i32
    %dma_start3A_35 = tpu.memref_slice %arg2[%dma_start3A_33, %dma_start3A_34] : memref<20000x128xf32, #tpu.memory_space<hbm>> -> memref<20000x128xf32, #tpu.memory_space<hbm>>
    tpu.enqueue_indirect_dma source(%dma_start3A_35 : memref<20000x128xf32, #tpu.memory_space<hbm>>) target(%dma_start3A_30 : memref<128x128xf32, #tpu.memory_space<vmem>>) offsets(%dma_start3A_32 : memref<128xi32, #tpu.memory_space<vmem>>) semaphore(%arg9 : memref<!tpu.dma_semaphore, #tpu.memory_space<semaphore_mem>>)
    %scan3A = arith.constant 0 : i32
    %scan3A_36 = arith.constant 0 : i32
    %scan3A_37 = arith.constant 31 : i32
    %scan3A_38 = arith.addi %scan3A_36, %scan3A_37 : i32
    %scan3A_39 = arith.constant 1 : i32
    scf.for %scan3A_48 = %scan3A_36 to %scan3A_38 step %scan3A_39  : i32 {
      %mul3A_49 = arith.constant 2 : i32
      %mul3A_50 = arith.muli %scan3A_48, %mul3A_49 : i32
      %add3A_51 = arith.constant 0 : i32
      %add3A_52 = arith.addi %mul3A_50, %add3A_51 : i32
      %dma_wait3A_53 = arith.constant 0 : i32
      %dma_wait3A_54 = arith.constant 0 : i32
      %dma_wait3A_55 = tpu.memref_slice %arg5[%dma_wait3A_53, %dma_wait3A_54] : memref<256x128xf32, #tpu.memory_space<vmem>> -> memref<128x128xf32, #tpu.memory_space<vmem>>
      %dma_wait3A_56 = arith.constant 0 : i32
      %dma_wait3A_57 = tpu.memref_slice %arg7[%dma_wait3A_56] : memref<15872xi32, #tpu.memory_space<vmem>> -> memref<128xi32, #tpu.memory_space<vmem>>
      %dma_wait3A_58 = arith.constant 0 : i32
      %dma_wait3A_59 = arith.constant 0 : i32
      %dma_wait3A_60 = tpu.memref_slice %arg2[%dma_wait3A_58, %dma_wait3A_59] : memref<20000x128xf32, #tpu.memory_space<hbm>> -> memref<20000x128xf32, #tpu.memory_space<hbm>>
      tpu.wait_indirect_dma semaphore(%arg8 : memref<!tpu.dma_semaphore, #tpu.memory_space<semaphore_mem>>) src(%dma_wait3A_60 : memref<20000x128xf32, #tpu.memory_space<hbm>>) dst(%dma_wait3A_55 : memref<128x128xf32, #tpu.memory_space<vmem>>)
      %dma_wait3A_61 = arith.constant 128 : i32
      %dma_wait3A_62 = arith.constant 0 : i32
      %dma_wait3A_63 = tpu.memref_slice %arg5[%dma_wait3A_61, %dma_wait3A_62] : memref<256x128xf32, #tpu.memory_space<vmem>> -> memref<128x128xf32, #tpu.memory_space<vmem>>
      %dma_wait3A_64 = arith.constant 0 : i32
      %dma_wait3A_65 = tpu.memref_slice %arg7[%dma_wait3A_64] : memref<15872xi32, #tpu.memory_space<vmem>> -> memref<128xi32, #tpu.memory_space<vmem>>
      %dma_wait3A_66 = arith.constant 0 : i32
      %dma_wait3A_67 = arith.constant 0 : i32
      %dma_wait3A_68 = tpu.memref_slice %arg2[%dma_wait3A_66, %dma_wait3A_67] : memref<20000x128xf32, #tpu.memory_space<hbm>> -> memref<20000x128xf32, #tpu.memory_space<hbm>>
      tpu.wait_indirect_dma semaphore(%arg8 : memref<!tpu.dma_semaphore, #tpu.memory_space<semaphore_mem>>) src(%dma_wait3A_68 : memref<20000x128xf32, #tpu.memory_space<hbm>>) dst(%dma_wait3A_63 : memref<128x128xf32, #tpu.memory_space<vmem>>)
      %mul3A_69 = arith.constant 256 : i32
      %mul3A_70 = arith.muli %add3A_52, %mul3A_69 : i32
      %add3A_71 = arith.addi %mul3A_2, %mul3A_70 : i32
      %dma_start3A_72 = arith.constant 0 : i32
      %dma_start3A_73 = tpu.memref_slice %arg4[%add3A_71, %dma_start3A_72] : memref<507904x128xf32, #tpu.memory_space<hbm>> -> memref<256x128xf32, #tpu.memory_space<hbm>>
      %dma_start3A_74 = arith.constant 0 : i32
      %dma_start3A_75 = tpu.memref_slice %arg4[%add3A_71, %dma_start3A_74] : memref<507904x128xf32, #tpu.memory_space<hbm>> -> memref<256x128xf32, #tpu.memory_space<hbm>>
      tpu.enqueue_dma source(%arg5 : memref<256x128xf32, #tpu.memory_space<vmem>>) target(%dma_start3A_75 : memref<256x128xf32, #tpu.memory_space<hbm>>) target_semaphore(%arg10 : memref<!tpu.dma_semaphore, #tpu.memory_space<semaphore_mem>>)
      %add3A_76 = arith.constant 2 : i32
      %add3A_77 = arith.addi %add3A_52, %add3A_76 : i32
      %lt3A = arith.constant 62 : i32
      %lt3A_78 = arith.cmpi slt, %add3A_77, %lt3A : i32
      %convert_element_type3A_79 = arith.extui %lt3A_78 : i1 to i32
      %cond3A_80 = arith.constant 0 : i32
      %cond3A_81 = arith.cmpi ne, %convert_element_type3A_79, %cond3A_80 : i32
      scf.if %cond3A_81 {
        %dma_wait3A_116 = arith.constant 0 : i32
        %dma_wait3A_117 = tpu.memref_slice %arg4[%mul3A_2, %dma_wait3A_116] : memref<507904x128xf32, #tpu.memory_space<hbm>> -> memref<256x128xf32, #tpu.memory_space<hbm>>
        %dma_wait3A_118 = arith.constant 0 : i32
        %dma_wait3A_119 = tpu.memref_slice %arg4[%mul3A_2, %dma_wait3A_118] : memref<507904x128xf32, #tpu.memory_space<hbm>> -> memref<256x128xf32, #tpu.memory_space<hbm>>
        tpu.wait_dma2 semaphore(%arg10 : memref<!tpu.dma_semaphore, #tpu.memory_space<semaphore_mem>>) src(%arg5 : memref<256x128xf32, #tpu.memory_space<vmem>>) dst(%dma_wait3A_119 : memref<256x128xf32, #tpu.memory_space<hbm>>)
        %add3A_120 = arith.constant 2 : i32
        %add3A_121 = arith.addi %add3A_52, %add3A_120 : i32
        %mul3A_122 = arith.constant 2 : i32
        %mul3A_123 = arith.muli %add3A_121, %mul3A_122 : i32
        %add3A_124 = arith.constant 0 : i32
        %add3A_125 = arith.addi %mul3A_123, %add3A_124 : i32
        %mul3A_126 = arith.constant 128 : i32
        %mul3A_127 = arith.muli %add3A_125, %mul3A_126 : i32
        %dma_start3A_128 = arith.constant 0 : i32
        %dma_start3A_129 = arith.constant 0 : i32
        %dma_start3A_130 = tpu.memref_slice %arg5[%dma_start3A_128, %dma_start3A_129] : memref<256x128xf32, #tpu.memory_space<vmem>> -> memref<128x128xf32, #tpu.memory_space<vmem>>
        %dma_start3A_131 = tpu.memref_slice %arg7[%mul3A_127] : memref<15872xi32, #tpu.memory_space<vmem>> -> memref<128xi32, #tpu.memory_space<vmem>>
        %dma_start3A_132 = arith.constant 0 : i32
        %dma_start3A_133 = arith.constant 0 : i32
        %dma_start3A_134 = tpu.memref_slice %arg2[%dma_start3A_132, %dma_start3A_133] : memref<20000x128xf32, #tpu.memory_space<hbm>> -> memref<20000x128xf32, #tpu.memory_space<hbm>>
        tpu.enqueue_indirect_dma source(%dma_start3A_134 : memref<20000x128xf32, #tpu.memory_space<hbm>>) target(%dma_start3A_130 : memref<128x128xf32, #tpu.memory_space<vmem>>) offsets(%dma_start3A_131 : memref<128xi32, #tpu.memory_space<vmem>>) semaphore(%arg8 : memref<!tpu.dma_semaphore, #tpu.memory_space<semaphore_mem>>)
        %mul3A_135 = arith.constant 2 : i32
        %mul3A_136 = arith.muli %add3A_121, %mul3A_135 : i32
        %add3A_137 = arith.constant 1 : i32
        %add3A_138 = arith.addi %mul3A_136, %add3A_137 : i32
        %mul3A_139 = arith.constant 128 : i32
        %mul3A_140 = arith.muli %add3A_138, %mul3A_139 : i32
        %dma_start3A_141 = arith.constant 128 : i32
        %dma_start3A_142 = arith.constant 0 : i32
        %dma_start3A_143 = tpu.memref_slice %arg5[%dma_start3A_141, %dma_start3A_142] : memref<256x128xf32, #tpu.memory_space<vmem>> -> memref<128x128xf32, #tpu.memory_space<vmem>>
        %dma_start3A_144 = tpu.memref_slice %arg7[%mul3A_140] : memref<15872xi32, #tpu.memory_space<vmem>> -> memref<128xi32, #tpu.memory_space<vmem>>
        %dma_start3A_145 = arith.constant 0 : i32
        %dma_start3A_146 = arith.constant 0 : i32
        %dma_start3A_147 = tpu.memref_slice %arg2[%dma_start3A_145, %dma_start3A_146] : memref<20000x128xf32, #tpu.memory_space<hbm>> -> memref<20000x128xf32, #tpu.memory_space<hbm>>
        tpu.enqueue_indirect_dma source(%dma_start3A_147 : memref<20000x128xf32, #tpu.memory_space<hbm>>) target(%dma_start3A_143 : memref<128x128xf32, #tpu.memory_space<vmem>>) offsets(%dma_start3A_144 : memref<128xi32, #tpu.memory_space<vmem>>) semaphore(%arg8 : memref<!tpu.dma_semaphore, #tpu.memory_space<semaphore_mem>>)
      } else {
      }
      %mul3A_82 = arith.constant 2 : i32
      %mul3A_83 = arith.muli %scan3A_48, %mul3A_82 : i32
      %add3A_84 = arith.constant 1 : i32
      %add3A_85 = arith.addi %mul3A_83, %add3A_84 : i32
      %dma_wait3A_86 = arith.constant 0 : i32
      %dma_wait3A_87 = arith.constant 0 : i32
      %dma_wait3A_88 = tpu.memref_slice %arg6[%dma_wait3A_86, %dma_wait3A_87] : memref<256x128xf32, #tpu.memory_space<vmem>> -> memref<128x128xf32, #tpu.memory_space<vmem>>
      %dma_wait3A_89 = arith.constant 0 : i32
      %dma_wait3A_90 = tpu.memref_slice %arg7[%dma_wait3A_89] : memref<15872xi32, #tpu.memory_space<vmem>> -> memref<128xi32, #tpu.memory_space<vmem>>
      %dma_wait3A_91 = arith.constant 0 : i32
      %dma_wait3A_92 = arith.constant 0 : i32
      %dma_wait3A_93 = tpu.memref_slice %arg2[%dma_wait3A_91, %dma_wait3A_92] : memref<20000x128xf32, #tpu.memory_space<hbm>> -> memref<20000x128xf32, #tpu.memory_space<hbm>>
      tpu.wait_indirect_dma semaphore(%arg9 : memref<!tpu.dma_semaphore, #tpu.memory_space<semaphore_mem>>) src(%dma_wait3A_93 : memref<20000x128xf32, #tpu.memory_space<hbm>>) dst(%dma_wait3A_88 : memref<128x128xf32, #tpu.memory_space<vmem>>)
      %dma_wait3A_94 = arith.constant 128 : i32
      %dma_wait3A_95 = arith.constant 0 : i32
      %dma_wait3A_96 = tpu.memref_slice %arg6[%dma_wait3A_94, %dma_wait3A_95] : memref<256x128xf32, #tpu.memory_space<vmem>> -> memref<128x128xf32, #tpu.memory_space<vmem>>
      %dma_wait3A_97 = arith.constant 0 : i32
      %dma_wait3A_98 = tpu.memref_slice %arg7[%dma_wait3A_97] : memref<15872xi32, #tpu.memory_space<vmem>> -> memref<128xi32, #tpu.memory_space<vmem>>
      %dma_wait3A_99 = arith.constant 0 : i32
      %dma_wait3A_100 = arith.constant 0 : i32
      %dma_wait3A_101 = tpu.memref_slice %arg2[%dma_wait3A_99, %dma_wait3A_100] : memref<20000x128xf32, #tpu.memory_space<hbm>> -> memref<20000x128xf32, #tpu.memory_space<hbm>>
      tpu.wait_indirect_dma semaphore(%arg9 : memref<!tpu.dma_semaphore, #tpu.memory_space<semaphore_mem>>) src(%dma_wait3A_101 : memref<20000x128xf32, #tpu.memory_space<hbm>>) dst(%dma_wait3A_96 : memref<128x128xf32, #tpu.memory_space<vmem>>)
      %mul3A_102 = arith.constant 256 : i32
      %mul3A_103 = arith.muli %add3A_85, %mul3A_102 : i32
      %add3A_104 = arith.addi %mul3A_2, %mul3A_103 : i32
      %dma_start3A_105 = arith.constant 0 : i32
      %dma_start3A_106 = tpu.memref_slice %arg4[%add3A_104, %dma_start3A_105] : memref<507904x128xf32, #tpu.memory_space<hbm>> -> memref<256x128xf32, #tpu.memory_space<hbm>>
      %dma_start3A_107 = arith.constant 0 : i32
      %dma_start3A_108 = tpu.memref_slice %arg4[%add3A_104, %dma_start3A_107] : memref<507904x128xf32, #tpu.memory_space<hbm>> -> memref<256x128xf32, #tpu.memory_space<hbm>>
      tpu.enqueue_dma source(%arg6 : memref<256x128xf32, #tpu.memory_space<vmem>>) target(%dma_start3A_108 : memref<256x128xf32, #tpu.memory_space<hbm>>) target_semaphore(%arg11 : memref<!tpu.dma_semaphore, #tpu.memory_space<semaphore_mem>>)
      %add3A_109 = arith.constant 2 : i32
      %add3A_110 = arith.addi %add3A_85, %add3A_109 : i32
      %lt3A_111 = arith.constant 62 : i32
      %lt3A_112 = arith.cmpi slt, %add3A_110, %lt3A_111 : i32
      %convert_element_type3A_113 = arith.extui %lt3A_112 : i1 to i32
      %cond3A_114 = arith.constant 0 : i32
      %cond3A_115 = arith.cmpi ne, %convert_element_type3A_113, %cond3A_114 : i32
      scf.if %cond3A_115 {
        %dma_wait3A_116 = arith.constant 0 : i32
        %dma_wait3A_117 = tpu.memref_slice %arg4[%mul3A_2, %dma_wait3A_116] : memref<507904x128xf32, #tpu.memory_space<hbm>> -> memref<256x128xf32, #tpu.memory_space<hbm>>
        %dma_wait3A_118 = arith.constant 0 : i32
        %dma_wait3A_119 = tpu.memref_slice %arg4[%mul3A_2, %dma_wait3A_118] : memref<507904x128xf32, #tpu.memory_space<hbm>> -> memref<256x128xf32, #tpu.memory_space<hbm>>
        tpu.wait_dma2 semaphore(%arg11 : memref<!tpu.dma_semaphore, #tpu.memory_space<semaphore_mem>>) src(%arg6 : memref<256x128xf32, #tpu.memory_space<vmem>>) dst(%dma_wait3A_119 : memref<256x128xf32, #tpu.memory_space<hbm>>)
        %add3A_120 = arith.constant 2 : i32
        %add3A_121 = arith.addi %add3A_85, %add3A_120 : i32
        %mul3A_122 = arith.constant 2 : i32
        %mul3A_123 = arith.muli %add3A_121, %mul3A_122 : i32
        %add3A_124 = arith.constant 0 : i32
        %add3A_125 = arith.addi %mul3A_123, %add3A_124 : i32
        %mul3A_126 = arith.constant 128 : i32
        %mul3A_127 = arith.muli %add3A_125, %mul3A_126 : i32
        %dma_start3A_128 = arith.constant 0 : i32
        %dma_start3A_129 = arith.constant 0 : i32
        %dma_start3A_130 = tpu.memref_slice %arg6[%dma_start3A_128, %dma_start3A_129] : memref<256x128xf32, #tpu.memory_space<vmem>> -> memref<128x128xf32, #tpu.memory_space<vmem>>
        %dma_start3A_131 = tpu.memref_slice %arg7[%mul3A_127] : memref<15872xi32, #tpu.memory_space<vmem>> -> memref<128xi32, #tpu.memory_space<vmem>>
        %dma_start3A_132 = arith.constant 0 : i32
        %dma_start3A_133 = arith.constant 0 : i32
        %dma_start3A_134 = tpu.memref_slice %arg2[%dma_start3A_132, %dma_start3A_133] : memref<20000x128xf32, #tpu.memory_space<hbm>> -> memref<20000x128xf32, #tpu.memory_space<hbm>>
        tpu.enqueue_indirect_dma source(%dma_start3A_134 : memref<20000x128xf32, #tpu.memory_space<hbm>>) target(%dma_start3A_130 : memref<128x128xf32, #tpu.memory_space<vmem>>) offsets(%dma_start3A_131 : memref<128xi32, #tpu.memory_space<vmem>>) semaphore(%arg9 : memref<!tpu.dma_semaphore, #tpu.memory_space<semaphore_mem>>)
        %mul3A_135 = arith.constant 2 : i32
        %mul3A_136 = arith.muli %add3A_121, %mul3A_135 : i32
        %add3A_137 = arith.constant 1 : i32
        %add3A_138 = arith.addi %mul3A_136, %add3A_137 : i32
        %mul3A_139 = arith.constant 128 : i32
        %mul3A_140 = arith.muli %add3A_138, %mul3A_139 : i32
        %dma_start3A_141 = arith.constant 128 : i32
        %dma_start3A_142 = arith.constant 0 : i32
        %dma_start3A_143 = tpu.memref_slice %arg6[%dma_start3A_141, %dma_start3A_142] : memref<256x128xf32, #tpu.memory_space<vmem>> -> memref<128x128xf32, #tpu.memory_space<vmem>>
        %dma_start3A_144 = tpu.memref_slice %arg7[%mul3A_140] : memref<15872xi32, #tpu.memory_space<vmem>> -> memref<128xi32, #tpu.memory_space<vmem>>
        %dma_start3A_145 = arith.constant 0 : i32
        %dma_start3A_146 = arith.constant 0 : i32
        %dma_start3A_147 = tpu.memref_slice %arg2[%dma_start3A_145, %dma_start3A_146] : memref<20000x128xf32, #tpu.memory_space<hbm>> -> memref<20000x128xf32, #tpu.memory_space<hbm>>
        tpu.enqueue_indirect_dma source(%dma_start3A_147 : memref<20000x128xf32, #tpu.memory_space<hbm>>) target(%dma_start3A_143 : memref<128x128xf32, #tpu.memory_space<vmem>>) offsets(%dma_start3A_144 : memref<128xi32, #tpu.memory_space<vmem>>) semaphore(%arg9 : memref<!tpu.dma_semaphore, #tpu.memory_space<semaphore_mem>>)
      } else {
      }
    }
    %scan3A_40 = arith.constant 31 : i32
    %dma_wait3A = arith.constant 0 : i32
    %dma_wait3A_41 = tpu.memref_slice %arg4[%mul3A_2, %dma_wait3A] : memref<507904x128xf32, #tpu.memory_space<hbm>> -> memref<256x128xf32, #tpu.memory_space<hbm>>
    %dma_wait3A_42 = arith.constant 0 : i32
    %dma_wait3A_43 = tpu.memref_slice %arg4[%mul3A_2, %dma_wait3A_42] : memref<507904x128xf32, #tpu.memory_space<hbm>> -> memref<256x128xf32, #tpu.memory_space<hbm>>
    tpu.wait_dma2 semaphore(%arg10 : memref<!tpu.dma_semaphore, #tpu.memory_space<semaphore_mem>>) src(%arg5 : memref<256x128xf32, #tpu.memory_space<vmem>>) dst(%dma_wait3A_43 : memref<256x128xf32, #tpu.memory_space<hbm>>)
    %dma_wait3A_44 = arith.constant 0 : i32
    %dma_wait3A_45 = tpu.memref_slice %arg4[%mul3A_2, %dma_wait3A_44] : memref<507904x128xf32, #tpu.memory_space<hbm>> -> memref<256x128xf32, #tpu.memory_space<hbm>>
    %dma_wait3A_46 = arith.constant 0 : i32
    %dma_wait3A_47 = tpu.memref_slice %arg4[%mul3A_2, %dma_wait3A_46] : memref<507904x128xf32, #tpu.memory_space<hbm>> -> memref<256x128xf32, #tpu.memory_space<hbm>>
    tpu.wait_dma2 semaphore(%arg11 : memref<!tpu.dma_semaphore, #tpu.memory_space<semaphore_mem>>) src(%arg6 : memref<256x128xf32, #tpu.memory_space<vmem>>) dst(%dma_wait3A_47 : memref<256x128xf32, #tpu.memory_space<hbm>>)
    return
  }
}

#map = affine_map<(d0, d1) -> (0)>
#map1 = affine_map<(d0, d1) -> (0, 0, 0)>
module attributes {stable_mosaic.version = 14 : i64} {
  func.func @_count_body(%arg0: i32, %arg1: i32, %arg2: memref<507904xi32, #tpu.memory_space<hbm>>, %arg3: memref<2x10240x16xf32, #tpu.memory_space<hbm>>, %arg4: memref<128xi32, #tpu.memory_space<vmem>>, %arg5: memref<128xi32, #tpu.memory_space<vmem>>, %arg6: memref<128x16xf32, #tpu.memory_space<vmem>>, %arg7: memref<640x16xf32, #tpu.memory_space<vmem>>, %arg8: memref<10240x16xf32, #tpu.memory_space<vmem_shared>>, %arg9: memref<!tpu.dma_semaphore, #tpu.memory_space<semaphore_mem>>, %arg10: memref<!tpu.dma_semaphore, #tpu.memory_space<semaphore_mem>>) attributes {dimension_semantics = [#tpu.dimension_semantics<core_parallel>, #tpu.dimension_semantics<subcore_parallel>], iteration_bounds = array<i64: 2, 16>, scalar_prefetch = 0 : i64, scratch_operands = 7 : i64, tpu.core_type = #tpu.core_type<sc_vector_subcore>, window_params = [{transform_indices = #map}, {transform_indices = #map1}]} {
    %mul3A = arith.constant 2 : i32
    %mul3A_0 = arith.muli %arg1, %mul3A : i32
    %add3A = arith.addi %mul3A_0, %arg0 : i32
    %broadcast_in_dim3A = arith.constant 0.000000e+00 : f32
    %broadcast_in_dim3A_1 = vector.broadcast %broadcast_in_dim3A : f32 to vector<16xf32>
    %broadcast_in_dim3A_2 = arith.constant 1.000000e+00 : f32
    %broadcast_in_dim3A_3 = vector.broadcast %broadcast_in_dim3A_2 : f32 to vector<16xf32>
    %scan3A = arith.constant 0 : i32
    %scan3A_4 = arith.constant 0 : i32
    %scan3A_5 = arith.constant 640 : i32
    %scan3A_6 = arith.addi %scan3A_4, %scan3A_5 : i32
    %scan3A_7 = arith.constant 1 : i32
    scf.for %scan3A_33 = %scan3A_4 to %scan3A_6 step %scan3A_7  : i32 {
      %swap3A = arith.index_cast %scan3A_33 : i32 to index
      %swap3A_34 = arith.constant 0 : index
      %swap3A_35 = tpu.vector_load %arg7[%swap3A, %swap3A_34] {strides = array<i32>} : memref<640x16xf32, #tpu.memory_space<vmem>>, vector<1x16xf32>,
      %swap3A_36 = vector.shape_cast %swap3A_35 : vector<1x16xf32> to vector<16xf32>
      %swap3A_37 = vector.shape_cast %broadcast_in_dim3A_1 : vector<16xf32> to vector<1x16xf32>
      tpu.vector_store %arg7[%swap3A, %swap3A_34], %swap3A_37 {strides = array<i32>} : memref<640x16xf32, #tpu.memory_space<vmem>>, vector<1x16xf32>,
    }
    %scan3A_8 = arith.constant 640 : i32
    %scan3A_9 = arith.constant 0 : i32
    %scan3A_10 = arith.constant 0 : i32
    %scan3A_11 = arith.constant 128 : i32
    %scan3A_12 = arith.addi %scan3A_10, %scan3A_11 : i32
    %scan3A_13 = arith.constant 1 : i32
    scf.for %scan3A_33 = %scan3A_10 to %scan3A_12 step %scan3A_13  : i32 {
      %swap3A = arith.index_cast %scan3A_33 : i32 to index
      %swap3A_34 = arith.constant 0 : index
      %swap3A_35 = tpu.vector_load %arg6[%swap3A, %swap3A_34] {strides = array<i32>} : memref<128x16xf32, #tpu.memory_space<vmem>>, vector<1x16xf32>,
      %swap3A_36 = vector.shape_cast %swap3A_35 : vector<1x16xf32> to vector<16xf32>
      %swap3A_37 = vector.shape_cast %broadcast_in_dim3A_3 : vector<16xf32> to vector<1x16xf32>
      tpu.vector_store %arg6[%swap3A, %swap3A_34], %swap3A_37 {strides = array<i32>} : memref<128x16xf32, #tpu.memory_space<vmem>>, vector<1x16xf32>,
    }
    %scan3A_14 = arith.constant 128 : i32
    %mul3A_15 = arith.constant 640 : i32
    %mul3A_16 = arith.muli %arg1, %mul3A_15 : i32
    "tpu.region"() ({
      %run_scoped3A = tpu.sem_alloc : memref<!tpu.dma_semaphore, #tpu.memory_space<semaphore_mem>>
      %dma_start3A_33 = arith.constant 0 : i32
      %dma_start3A_34 = tpu.memref_slice %arg8[%mul3A_16, %dma_start3A_33] : memref<10240x16xf32, #tpu.memory_space<vmem_shared>> -> memref<640x16xf32, #tpu.memory_space<vmem_shared>>
      %dma_start3A_35 = arith.constant 0 : i32
      %dma_start3A_36 = tpu.memref_slice %arg8[%mul3A_16, %dma_start3A_35] : memref<10240x16xf32, #tpu.memory_space<vmem_shared>> -> memref<640x16xf32, #tpu.memory_space<vmem_shared>>
      tpu.enqueue_dma source(%arg7 : memref<640x16xf32, #tpu.memory_space<vmem>>) target(%dma_start3A_36 : memref<640x16xf32, #tpu.memory_space<vmem_shared>>) target_semaphore(%run_scoped3A : memref<!tpu.dma_semaphore, #tpu.memory_space<semaphore_mem>>)
      %dma_wait3A = arith.constant 0 : i32
      %dma_wait3A_37 = tpu.memref_slice %arg8[%mul3A_16, %dma_wait3A] : memref<10240x16xf32, #tpu.memory_space<vmem_shared>> -> memref<640x16xf32, #tpu.memory_space<vmem_shared>>
      %dma_wait3A_38 = arith.constant 0 : i32
      %dma_wait3A_39 = tpu.memref_slice %arg8[%mul3A_16, %dma_wait3A_38] : memref<10240x16xf32, #tpu.memory_space<vmem_shared>> -> memref<640x16xf32, #tpu.memory_space<vmem_shared>>
      tpu.wait_dma2 semaphore(%run_scoped3A : memref<!tpu.dma_semaphore, #tpu.memory_space<semaphore_mem>>) src(%arg7 : memref<640x16xf32, #tpu.memory_space<vmem>>) dst(%dma_wait3A_39 : memref<640x16xf32, #tpu.memory_space<vmem_shared>>)
      tpu.yield
    }) : () -> ()
    %barrier3A = arith.constant 0 : index
    tpu.barrier barrier_id(%barrier3A)
    %mul3A_17 = arith.constant 15872 : i32
    %mul3A_18 = arith.muli %add3A, %mul3A_17 : i32
    %add3A_19 = arith.constant 0 : i32
    %add3A_20 = arith.addi %mul3A_18, %add3A_19 : i32
    %dma_start3A = tpu.memref_slice %arg2[%add3A_20] : memref<507904xi32, #tpu.memory_space<hbm>> -> memref<128xi32, #tpu.memory_space<hbm>>
    %dma_start3A_21 = tpu.memref_slice %arg2[%add3A_20] : memref<507904xi32, #tpu.memory_space<hbm>> -> memref<128xi32, #tpu.memory_space<hbm>>
    tpu.enqueue_dma source(%dma_start3A_21 : memref<128xi32, #tpu.memory_space<hbm>>) target(%arg4 : memref<128xi32, #tpu.memory_space<vmem>>) target_semaphore(%arg9 : memref<!tpu.dma_semaphore, #tpu.memory_space<semaphore_mem>>)
    %add3A_22 = arith.constant 128 : i32
    %add3A_23 = arith.addi %mul3A_18, %add3A_22 : i32
    %dma_start3A_24 = tpu.memref_slice %arg2[%add3A_23] : memref<507904xi32, #tpu.memory_space<hbm>> -> memref<128xi32, #tpu.memory_space<hbm>>
    %dma_start3A_25 = tpu.memref_slice %arg2[%add3A_23] : memref<507904xi32, #tpu.memory_space<hbm>> -> memref<128xi32, #tpu.memory_space<hbm>>
    tpu.enqueue_dma source(%dma_start3A_25 : memref<128xi32, #tpu.memory_space<hbm>>) target(%arg5 : memref<128xi32, #tpu.memory_space<vmem>>) target_semaphore(%arg10 : memref<!tpu.dma_semaphore, #tpu.memory_space<semaphore_mem>>)
    %scan3A_26 = arith.constant 0 : i32
    %scan3A_27 = arith.constant 0 : i32
    %scan3A_28 = arith.constant 62 : i32
    %scan3A_29 = arith.addi %scan3A_27, %scan3A_28 : i32
    %scan3A_30 = arith.constant 1 : i32
    scf.for %scan3A_33 = %scan3A_27 to %scan3A_29 step %scan3A_30  : i32 {
      %mul3A_34 = arith.constant 2 : i32
      %mul3A_35 = arith.muli %scan3A_33, %mul3A_34 : i32
      %add3A_36 = arith.constant 0 : i32
      %add3A_37 = arith.addi %mul3A_35, %add3A_36 : i32
      %dma_wait3A = arith.constant 0 : i32
      %dma_wait3A_38 = tpu.memref_slice %arg2[%dma_wait3A] : memref<507904xi32, #tpu.memory_space<hbm>> -> memref<128xi32, #tpu.memory_space<hbm>>
      %dma_wait3A_39 = arith.constant 0 : i32
      %dma_wait3A_40 = tpu.memref_slice %arg2[%dma_wait3A_39] : memref<507904xi32, #tpu.memory_space<hbm>> -> memref<128xi32, #tpu.memory_space<hbm>>
      tpu.wait_dma2 semaphore(%arg9 : memref<!tpu.dma_semaphore, #tpu.memory_space<semaphore_mem>>) src(%dma_wait3A_40 : memref<128xi32, #tpu.memory_space<hbm>>) dst(%arg4 : memref<128xi32, #tpu.memory_space<vmem>>)
      "tpu.region"() ({
        %run_scoped3A = tpu.sem_alloc : memref<!tpu.dma_semaphore, #tpu.memory_space<semaphore_mem>>
        %dma_start3A_60 = arith.constant 0 : i32
        %dma_start3A_61 = arith.constant 0 : i32
        %dma_start3A_62 = tpu.memref_slice %arg8[%dma_start3A_60, %dma_start3A_61] : memref<10240x16xf32, #tpu.memory_space<vmem_shared>> -> memref<10240x16xf32, #tpu.memory_space<vmem_shared>>
        tpu.enqueue_indirect_dma source(%arg6 : memref<128x16xf32, #tpu.memory_space<vmem>>) target(%dma_start3A_62 : memref<10240x16xf32, #tpu.memory_space<vmem_shared>>) offsets(%arg4 : memref<128xi32, #tpu.memory_space<vmem>>) semaphore(%run_scoped3A : memref<!tpu.dma_semaphore, #tpu.memory_space<semaphore_mem>>) {add = true}
        %dma_wait3A_63 = arith.constant 0 : i32
        %dma_wait3A_64 = arith.constant 0 : i32
        %dma_wait3A_65 = tpu.memref_slice %arg8[%dma_wait3A_63, %dma_wait3A_64] : memref<10240x16xf32, #tpu.memory_space<vmem_shared>> -> memref<10240x16xf32, #tpu.memory_space<vmem_shared>>
        tpu.wait_indirect_dma semaphore(%run_scoped3A : memref<!tpu.dma_semaphore, #tpu.memory_space<semaphore_mem>>) src(%arg6 : memref<128x16xf32, #tpu.memory_space<vmem>>) dst(%dma_wait3A_65 : memref<10240x16xf32, #tpu.memory_space<vmem_shared>>)
        tpu.yield
      }) : () -> ()
      %add3A_41 = arith.constant 2 : i32
      %add3A_42 = arith.addi %add3A_37, %add3A_41 : i32
      %lt3A = arith.constant 124 : i32
      %lt3A_43 = arith.cmpi slt, %add3A_42, %lt3A : i32
      %convert_element_type3A = arith.extui %lt3A_43 : i1 to i32
      %cond3A = arith.constant 0 : i32
      %cond3A_44 = arith.cmpi ne, %convert_element_type3A, %cond3A : i32
      scf.if %cond3A_44 {
        %add3A_60 = arith.constant 2 : i32
        %add3A_61 = arith.addi %add3A_37, %add3A_60 : i32
        %mul3A_62 = arith.constant 128 : i32
        %mul3A_63 = arith.muli %add3A_61, %mul3A_62 : i32
        %add3A_64 = arith.addi %mul3A_18, %mul3A_63 : i32
        %dma_start3A_65 = tpu.memref_slice %arg2[%add3A_64] : memref<507904xi32, #tpu.memory_space<hbm>> -> memref<128xi32, #tpu.memory_space<hbm>>
        %dma_start3A_66 = tpu.memref_slice %arg2[%add3A_64] : memref<507904xi32, #tpu.memory_space<hbm>> -> memref<128xi32, #tpu.memory_space<hbm>>
        tpu.enqueue_dma source(%dma_start3A_66 : memref<128xi32, #tpu.memory_space<hbm>>) target(%arg4 : memref<128xi32, #tpu.memory_space<vmem>>) target_semaphore(%arg9 : memref<!tpu.dma_semaphore, #tpu.memory_space<semaphore_mem>>)
      } else {
      }
      %mul3A_45 = arith.constant 2 : i32
      %mul3A_46 = arith.muli %scan3A_33, %mul3A_45 : i32
      %add3A_47 = arith.constant 1 : i32
      %add3A_48 = arith.addi %mul3A_46, %add3A_47 : i32
      %dma_wait3A_49 = arith.constant 0 : i32
      %dma_wait3A_50 = tpu.memref_slice %arg2[%dma_wait3A_49] : memref<507904xi32, #tpu.memory_space<hbm>> -> memref<128xi32, #tpu.memory_space<hbm>>
      %dma_wait3A_51 = arith.constant 0 : i32
      %dma_wait3A_52 = tpu.memref_slice %arg2[%dma_wait3A_51] : memref<507904xi32, #tpu.memory_space<hbm>> -> memref<128xi32, #tpu.memory_space<hbm>>
      tpu.wait_dma2 semaphore(%arg10 : memref<!tpu.dma_semaphore, #tpu.memory_space<semaphore_mem>>) src(%dma_wait3A_52 : memref<128xi32, #tpu.memory_space<hbm>>) dst(%arg5 : memref<128xi32, #tpu.memory_space<vmem>>)
      "tpu.region"() ({
        %run_scoped3A = tpu.sem_alloc : memref<!tpu.dma_semaphore, #tpu.memory_space<semaphore_mem>>
        %dma_start3A_60 = arith.constant 0 : i32
        %dma_start3A_61 = arith.constant 0 : i32
        %dma_start3A_62 = tpu.memref_slice %arg8[%dma_start3A_60, %dma_start3A_61] : memref<10240x16xf32, #tpu.memory_space<vmem_shared>> -> memref<10240x16xf32, #tpu.memory_space<vmem_shared>>
        tpu.enqueue_indirect_dma source(%arg6 : memref<128x16xf32, #tpu.memory_space<vmem>>) target(%dma_start3A_62 : memref<10240x16xf32, #tpu.memory_space<vmem_shared>>) offsets(%arg5 : memref<128xi32, #tpu.memory_space<vmem>>) semaphore(%run_scoped3A : memref<!tpu.dma_semaphore, #tpu.memory_space<semaphore_mem>>) {add = true}
        %dma_wait3A_63 = arith.constant 0 : i32
        %dma_wait3A_64 = arith.constant 0 : i32
        %dma_wait3A_65 = tpu.memref_slice %arg8[%dma_wait3A_63, %dma_wait3A_64] : memref<10240x16xf32, #tpu.memory_space<vmem_shared>> -> memref<10240x16xf32, #tpu.memory_space<vmem_shared>>
        tpu.wait_indirect_dma semaphore(%run_scoped3A : memref<!tpu.dma_semaphore, #tpu.memory_space<semaphore_mem>>) src(%arg6 : memref<128x16xf32, #tpu.memory_space<vmem>>) dst(%dma_wait3A_65 : memref<10240x16xf32, #tpu.memory_space<vmem_shared>>)
        tpu.yield
      }) : () -> ()
      %add3A_53 = arith.constant 2 : i32
      %add3A_54 = arith.addi %add3A_48, %add3A_53 : i32
      %lt3A_55 = arith.constant 124 : i32
      %lt3A_56 = arith.cmpi slt, %add3A_54, %lt3A_55 : i32
      %convert_element_type3A_57 = arith.extui %lt3A_56 : i1 to i32
      %cond3A_58 = arith.constant 0 : i32
      %cond3A_59 = arith.cmpi ne, %convert_element_type3A_57, %cond3A_58 : i32
      scf.if %cond3A_59 {
        %add3A_60 = arith.constant 2 : i32
        %add3A_61 = arith.addi %add3A_48, %add3A_60 : i32
        %mul3A_62 = arith.constant 128 : i32
        %mul3A_63 = arith.muli %add3A_61, %mul3A_62 : i32
        %add3A_64 = arith.addi %mul3A_18, %mul3A_63 : i32
        %dma_start3A_65 = tpu.memref_slice %arg2[%add3A_64] : memref<507904xi32, #tpu.memory_space<hbm>> -> memref<128xi32, #tpu.memory_space<hbm>>
        %dma_start3A_66 = tpu.memref_slice %arg2[%add3A_64] : memref<507904xi32, #tpu.memory_space<hbm>> -> memref<128xi32, #tpu.memory_space<hbm>>
        tpu.enqueue_dma source(%dma_start3A_66 : memref<128xi32, #tpu.memory_space<hbm>>) target(%arg5 : memref<128xi32, #tpu.memory_space<vmem>>) target_semaphore(%arg10 : memref<!tpu.dma_semaphore, #tpu.memory_space<semaphore_mem>>)
      } else {
      }
    }
    %scan3A_31 = arith.constant 62 : i32
    %barrier3A_32 = arith.constant 0 : index
    tpu.barrier barrier_id(%barrier3A_32)
    "tpu.region"() ({
      %run_scoped3A = tpu.sem_alloc : memref<!tpu.dma_semaphore, #tpu.memory_space<semaphore_mem>>
      %dma_start3A_33 = arith.constant 0 : i32
      %dma_start3A_34 = tpu.memref_slice %arg3[%arg0, %mul3A_16, %dma_start3A_33] : memref<2x10240x16xf32, #tpu.memory_space<hbm>> -> memref<1x640x16xf32, #tpu.memory_space<hbm>>
      %dma_start3A_35 = tpu.memref_squeeze %dma_start3A_34 : memref<1x640x16xf32, #tpu.memory_space<hbm>> -> memref<640x16xf32, #tpu.memory_space<hbm>>
      %dma_start3A_36 = arith.constant 0 : i32
      %dma_start3A_37 = tpu.memref_slice %arg8[%mul3A_16, %dma_start3A_36] : memref<10240x16xf32, #tpu.memory_space<vmem_shared>> -> memref<640x16xf32, #tpu.memory_space<vmem_shared>>
      tpu.enqueue_dma source(%dma_start3A_37 : memref<640x16xf32, #tpu.memory_space<vmem_shared>>) target(%dma_start3A_35 : memref<640x16xf32, #tpu.memory_space<hbm>>) target_semaphore(%run_scoped3A : memref<!tpu.dma_semaphore, #tpu.memory_space<semaphore_mem>>)
      %dma_wait3A = arith.constant 0 : i32
      %dma_wait3A_38 = tpu.memref_slice %arg3[%arg0, %mul3A_16, %dma_wait3A] : memref<2x10240x16xf32, #tpu.memory_space<hbm>> -> memref<1x640x16xf32, #tpu.memory_space<hbm>>
      %dma_wait3A_39 = tpu.memref_squeeze %dma_wait3A_38 : memref<1x640x16xf32, #tpu.memory_space<hbm>> -> memref<640x16xf32, #tpu.memory_space<hbm>>
      %dma_wait3A_40 = arith.constant 0 : i32
      %dma_wait3A_41 = tpu.memref_slice %arg8[%mul3A_16, %dma_wait3A_40] : memref<10240x16xf32, #tpu.memory_space<vmem_shared>> -> memref<640x16xf32, #tpu.memory_space<vmem_shared>>
      tpu.wait_dma2 semaphore(%run_scoped3A : memref<!tpu.dma_semaphore, #tpu.memory_space<semaphore_mem>>) src(%dma_wait3A_41 : memref<640x16xf32, #tpu.memory_space<vmem_shared>>) dst(%dma_wait3A_39 : memref<640x16xf32, #tpu.memory_space<hbm>>)
      tpu.yield
    }) : () -> ()
    return
  }
}

#map = affine_map<(d0, d1) -> (0, 0)>
#map1 = affine_map<(d0, d1) -> (0)>
module attributes {stable_mosaic.version = 14 : i64} {
  func.func @_eval_body(%arg0: i32, %arg1: i32, %arg2: memref<10240x128xf32, #tpu.memory_space<hbm>>, %arg3: memref<10000x128xf32, #tpu.memory_space<hbm>>, %arg4: memref<53248xi32, #tpu.memory_space<hbm>>, %arg5: memref<53248xi32, #tpu.memory_space<hbm>>, %arg6: memref<53248xf32, #tpu.memory_space<hbm>>, %arg7: memref<128x128xf32, #tpu.memory_space<vmem>>, %arg8: memref<128x128xf32, #tpu.memory_space<vmem>>, %arg9: memref<128x128xf32, #tpu.memory_space<vmem>>, %arg10: memref<128x128xf32, #tpu.memory_space<vmem>>, %arg11: memref<1664xi32, #tpu.memory_space<vmem>>, %arg12: memref<1664xi32, #tpu.memory_space<vmem>>, %arg13: memref<1664xf32, #tpu.memory_space<vmem>>, %arg14: memref<!tpu.dma_semaphore, #tpu.memory_space<semaphore_mem>>, %arg15: memref<!tpu.dma_semaphore, #tpu.memory_space<semaphore_mem>>, %arg16: memref<!tpu.dma_semaphore, #tpu.memory_space<semaphore_mem>>, %arg17: memref<!tpu.dma_semaphore, #tpu.memory_space<semaphore_mem>>) attributes {dimension_semantics = [#tpu.dimension_semantics<core_parallel>, #tpu.dimension_semantics<subcore_parallel>], iteration_bounds = array<i64: 2, 16>, scalar_prefetch = 0 : i64, scratch_operands = 11 : i64, tpu.core_type = #tpu.core_type<sc_vector_subcore>, window_params = [{transform_indices = #map}, {transform_indices = #map}, {transform_indices = #map1}, {transform_indices = #map1}, {transform_indices = #map1}]} {
    %mul3A = arith.constant 2 : i32
    %mul3A_0 = arith.muli %arg1, %mul3A : i32
    %add3A = arith.addi %mul3A_0, %arg0 : i32
    %mul3A_1 = arith.constant 1664 : i32
    %mul3A_2 = arith.muli %add3A, %mul3A_1 : i32
    "tpu.region"() ({
      %run_scoped3A = tpu.sem_alloc : memref<!tpu.dma_semaphore, #tpu.memory_space<semaphore_mem>>
      %dma_start3A_27 = tpu.memref_slice %arg4[%mul3A_2] : memref<53248xi32, #tpu.memory_space<hbm>> -> memref<1664xi32, #tpu.memory_space<hbm>>
      %dma_start3A_28 = tpu.memref_slice %arg4[%mul3A_2] : memref<53248xi32, #tpu.memory_space<hbm>> -> memref<1664xi32, #tpu.memory_space<hbm>>
      tpu.enqueue_dma source(%dma_start3A_28 : memref<1664xi32, #tpu.memory_space<hbm>>) target(%arg11 : memref<1664xi32, #tpu.memory_space<vmem>>) target_semaphore(%run_scoped3A : memref<!tpu.dma_semaphore, #tpu.memory_space<semaphore_mem>>)
      %dma_wait3A = tpu.memref_slice %arg4[%mul3A_2] : memref<53248xi32, #tpu.memory_space<hbm>> -> memref<1664xi32, #tpu.memory_space<hbm>>
      %dma_wait3A_29 = tpu.memref_slice %arg4[%mul3A_2] : memref<53248xi32, #tpu.memory_space<hbm>> -> memref<1664xi32, #tpu.memory_space<hbm>>
      tpu.wait_dma2 semaphore(%run_scoped3A : memref<!tpu.dma_semaphore, #tpu.memory_space<semaphore_mem>>) src(%dma_wait3A_29 : memref<1664xi32, #tpu.memory_space<hbm>>) dst(%arg11 : memref<1664xi32, #tpu.memory_space<vmem>>)
      tpu.yield
    }) : () -> ()
    "tpu.region"() ({
      %run_scoped3A = tpu.sem_alloc : memref<!tpu.dma_semaphore, #tpu.memory_space<semaphore_mem>>
      %dma_start3A_27 = tpu.memref_slice %arg5[%mul3A_2] : memref<53248xi32, #tpu.memory_space<hbm>> -> memref<1664xi32, #tpu.memory_space<hbm>>
      %dma_start3A_28 = tpu.memref_slice %arg5[%mul3A_2] : memref<53248xi32, #tpu.memory_space<hbm>> -> memref<1664xi32, #tpu.memory_space<hbm>>
      tpu.enqueue_dma source(%dma_start3A_28 : memref<1664xi32, #tpu.memory_space<hbm>>) target(%arg12 : memref<1664xi32, #tpu.memory_space<vmem>>) target_semaphore(%run_scoped3A : memref<!tpu.dma_semaphore, #tpu.memory_space<semaphore_mem>>)
      %dma_wait3A = tpu.memref_slice %arg5[%mul3A_2] : memref<53248xi32, #tpu.memory_space<hbm>> -> memref<1664xi32, #tpu.memory_space<hbm>>
      %dma_wait3A_29 = tpu.memref_slice %arg5[%mul3A_2] : memref<53248xi32, #tpu.memory_space<hbm>> -> memref<1664xi32, #tpu.memory_space<hbm>>
      tpu.wait_dma2 semaphore(%run_scoped3A : memref<!tpu.dma_semaphore, #tpu.memory_space<semaphore_mem>>) src(%dma_wait3A_29 : memref<1664xi32, #tpu.memory_space<hbm>>) dst(%arg12 : memref<1664xi32, #tpu.memory_space<vmem>>)
      tpu.yield
    }) : () -> ()
    %dma_start3A = arith.constant 0 : i32
    %dma_start3A_3 = tpu.memref_slice %arg11[%dma_start3A] : memref<1664xi32, #tpu.memory_space<vmem>> -> memref<128xi32, #tpu.memory_space<vmem>>
    %dma_start3A_4 = arith.constant 0 : i32
    %dma_start3A_5 = arith.constant 0 : i32
    %dma_start3A_6 = tpu.memref_slice %arg2[%dma_start3A_4, %dma_start3A_5] : memref<10240x128xf32, #tpu.memory_space<hbm>> -> memref<10240x128xf32, #tpu.memory_space<hbm>>
    tpu.enqueue_indirect_dma source(%dma_start3A_6 : memref<10240x128xf32, #tpu.memory_space<hbm>>) target(%arg7 : memref<128x128xf32, #tpu.memory_space<vmem>>) offsets(%dma_start3A_3 : memref<128xi32, #tpu.memory_space<vmem>>) semaphore(%arg14 : memref<!tpu.dma_semaphore, #tpu.memory_space<semaphore_mem>>)
    %dma_start3A_7 = arith.constant 0 : i32
    %dma_start3A_8 = tpu.memref_slice %arg12[%dma_start3A_7] : memref<1664xi32, #tpu.memory_space<vmem>> -> memref<128xi32, #tpu.memory_space<vmem>>
    %dma_start3A_9 = arith.constant 0 : i32
    %dma_start3A_10 = arith.constant 0 : i32
    %dma_start3A_11 = tpu.memref_slice %arg3[%dma_start3A_9, %dma_start3A_10] : memref<10000x128xf32, #tpu.memory_space<hbm>> -> memref<10000x128xf32, #tpu.memory_space<hbm>>
    tpu.enqueue_indirect_dma source(%dma_start3A_11 : memref<10000x128xf32, #tpu.memory_space<hbm>>) target(%arg8 : memref<128x128xf32, #tpu.memory_space<vmem>>) offsets(%dma_start3A_8 : memref<128xi32, #tpu.memory_space<vmem>>) semaphore(%arg15 : memref<!tpu.dma_semaphore, #tpu.memory_space<semaphore_mem>>)
    %dma_start3A_12 = arith.constant 128 : i32
    %dma_start3A_13 = tpu.memref_slice %arg11[%dma_start3A_12] : memref<1664xi32, #tpu.memory_space<vmem>> -> memref<128xi32, #tpu.memory_space<vmem>>
    %dma_start3A_14 = arith.constant 0 : i32
    %dma_start3A_15 = arith.constant 0 : i32
    %dma_start3A_16 = tpu.memref_slice %arg2[%dma_start3A_14, %dma_start3A_15] : memref<10240x128xf32, #tpu.memory_space<hbm>> -> memref<10240x128xf32, #tpu.memory_space<hbm>>
    tpu.enqueue_indirect_dma source(%dma_start3A_16 : memref<10240x128xf32, #tpu.memory_space<hbm>>) target(%arg9 : memref<128x128xf32, #tpu.memory_space<vmem>>) offsets(%dma_start3A_13 : memref<128xi32, #tpu.memory_space<vmem>>) semaphore(%arg16 : memref<!tpu.dma_semaphore, #tpu.memory_space<semaphore_mem>>)
    %dma_start3A_17 = arith.constant 128 : i32
    %dma_start3A_18 = tpu.memref_slice %arg12[%dma_start3A_17] : memref<1664xi32, #tpu.memory_space<vmem>> -> memref<128xi32, #tpu.memory_space<vmem>>
    %dma_start3A_19 = arith.constant 0 : i32
    %dma_start3A_20 = arith.constant 0 : i32
    %dma_start3A_21 = tpu.memref_slice %arg3[%dma_start3A_19, %dma_start3A_20] : memref<10000x128xf32, #tpu.memory_space<hbm>> -> memref<10000x128xf32, #tpu.memory_space<hbm>>
    tpu.enqueue_indirect_dma source(%dma_start3A_21 : memref<10000x128xf32, #tpu.memory_space<hbm>>) target(%arg10 : memref<128x128xf32, #tpu.memory_space<vmem>>) offsets(%dma_start3A_18 : memref<128xi32, #tpu.memory_space<vmem>>) semaphore(%arg17 : memref<!tpu.dma_semaphore, #tpu.memory_space<semaphore_mem>>)
    %iota3A = tpu.iota {dimensions = array<i32: 0>} : vector<16xi32>
    %scan3A = arith.constant 0 : i32
    %scan3A_22 = arith.constant 0 : i32
    %scan3A_23 = arith.constant 7 : i32
    %scan3A_24 = arith.addi %scan3A_22, %scan3A_23 : i32
    %scan3A_25 = arith.constant 1 : i32
    scf.for %scan3A_27 = %scan3A_22 to %scan3A_24 step %scan3A_25  : i32 {
      %mul3A_28 = arith.constant 2 : i32
      %mul3A_29 = arith.muli %scan3A_27, %mul3A_28 : i32
      %add3A_30 = arith.constant 0 : i32
      %add3A_31 = arith.addi %mul3A_29, %add3A_30 : i32
      %lt3A = arith.constant 13 : i32
      %lt3A_32 = arith.cmpi slt, %add3A_31, %lt3A : i32
      %convert_element_type3A = arith.extui %lt3A_32 : i1 to i32
      %cond3A = arith.constant 0 : i32
      %cond3A_33 = arith.cmpi ne, %convert_element_type3A, %cond3A : i32
      scf.if %cond3A_33 {
        %mul3A_43 = arith.constant 2 : i32
        %mul3A_44 = arith.muli %scan3A_27, %mul3A_43 : i32
        %add3A_45 = arith.constant 0 : i32
        %add3A_46 = arith.addi %mul3A_44, %add3A_45 : i32
        %dma_wait3A = arith.constant 0 : i32
        %dma_wait3A_47 = tpu.memref_slice %arg11[%dma_wait3A] : memref<1664xi32, #tpu.memory_space<vmem>> -> memref<128xi32, #tpu.memory_space<vmem>>
        %dma_wait3A_48 = arith.constant 0 : i32
        %dma_wait3A_49 = arith.constant 0 : i32
        %dma_wait3A_50 = tpu.memref_slice %arg2[%dma_wait3A_48, %dma_wait3A_49] : memref<10240x128xf32, #tpu.memory_space<hbm>> -> memref<10240x128xf32, #tpu.memory_space<hbm>>
        tpu.wait_indirect_dma semaphore(%arg14 : memref<!tpu.dma_semaphore, #tpu.memory_space<semaphore_mem>>) src(%dma_wait3A_50 : memref<10240x128xf32, #tpu.memory_space<hbm>>) dst(%arg7 : memref<128x128xf32, #tpu.memory_space<vmem>>)
        %dma_wait3A_51 = arith.constant 0 : i32
        %dma_wait3A_52 = tpu.memref_slice %arg12[%dma_wait3A_51] : memref<1664xi32, #tpu.memory_space<vmem>> -> memref<128xi32, #tpu.memory_space<vmem>>
        %dma_wait3A_53 = arith.constant 0 : i32
        %dma_wait3A_54 = arith.constant 0 : i32
        %dma_wait3A_55 = tpu.memref_slice %arg3[%dma_wait3A_53, %dma_wait3A_54] : memref<10000x128xf32, #tpu.memory_space<hbm>> -> memref<10000x128xf32, #tpu.memory_space<hbm>>
        tpu.wait_indirect_dma semaphore(%arg15 : memref<!tpu.dma_semaphore, #tpu.memory_space<semaphore_mem>>) src(%dma_wait3A_55 : memref<10000x128xf32, #tpu.memory_space<hbm>>) dst(%arg8 : memref<128x128xf32, #tpu.memory_space<vmem>>)
        %scan3A_56 = arith.constant 0 : i32
        %scan3A_57 = arith.constant 0 : i32
        %scan3A_58 = arith.constant 8 : i32
        %scan3A_59 = arith.addi %scan3A_57, %scan3A_58 : i32
        %scan3A_60 = arith.constant 1 : i32
        scf.for %scan3A_69 = %scan3A_57 to %scan3A_59 step %scan3A_60  : i32 {
          %mul3A_70 = arith.constant 16 : i32
          %mul3A_71 = arith.muli %scan3A_69, %mul3A_70 : i32
          %add3A_72 = vector.broadcast %mul3A_71 : i32 to vector<16xi32>
          %add3A_73 = arith.addi %add3A_72, %iota3A : vector<16xi32>
          %broadcast_in_dim3A = arith.constant 0.000000e+00 : f32
          %broadcast_in_dim3A_74 = vector.broadcast %broadcast_in_dim3A : f32 to vector<16xf32>
          %scan3A_75 = arith.constant 0 : i32
          %scan3A_76 = arith.constant 4 : i32
          %scan3A_77 = arith.addi %scan3A_75, %scan3A_76 : i32
          %scan3A_78 = arith.constant 1 : i32
          %scan3A_79 = scf.for %scan3A_87 = %scan3A_75 to %scan3A_77 step %scan3A_78 iter_args(%scan3A_88 = %broadcast_in_dim3A_74) -> (vector<16xf32>)  : i32 {
            %broadcast_in_dim3A_89 = arith.constant 0 : i32
            %broadcast_in_dim3A_90 = vector.broadcast %broadcast_in_dim3A_89 : i32 to vector<16xi32>
            %mul3A_91 = arith.constant 32 : i32
            %mul3A_92 = arith.muli %scan3A_87, %mul3A_91 : i32
            %add3A_93 = arith.constant 0 : i32
            %add3A_94 = arith.addi %mul3A_92, %add3A_93 : i32
            %add3A_95 = vector.broadcast %add3A_94 : i32 to vector<16xi32>
            %add3A_96 = arith.addi %broadcast_in_dim3A_90, %add3A_95 : vector<16xi32>
            %gather3A = tpu.vector_load_idx %arg7[%add3A_73, %add3A_96] : memref<128x128xf32, #tpu.memory_space<vmem>>[vector<16xi32>, vector<16xi32>], vector<16xf32>,
            %gather3A_97 = tpu.vector_load_idx %arg8[%add3A_73, %add3A_96] : memref<128x128xf32, #tpu.memory_space<vmem>>[vector<16xi32>, vector<16xi32>], vector<16xf32>,
            %mul3A_98 = arith.mulf %gather3A, %gather3A_97 : vector<16xf32>
            %add3A_99 = arith.addf %scan3A_88, %mul3A_98 : vector<16xf32>
            %broadcast_in_dim3A_100 = arith.constant 0 : i32
            %broadcast_in_dim3A_101 = vector.broadcast %broadcast_in_dim3A_100 : i32 to vector<16xi32>
            %mul3A_102 = arith.constant 32 : i32
            %mul3A_103 = arith.muli %scan3A_87, %mul3A_102 : i32
            %add3A_104 = arith.constant 1 : i32
            %add3A_105 = arith.addi %mul3A_103, %add3A_104 : i32
            %add3A_106 = vector.broadcast %add3A_105 : i32 to vector<16xi32>
            %add3A_107 = arith.addi %broadcast_in_dim3A_101, %add3A_106 : vector<16xi32>
            %gather3A_108 = tpu.vector_load_idx %arg7[%add3A_73, %add3A_107] : memref<128x128xf32, #tpu.memory_space<vmem>>[vector<16xi32>, vector<16xi32>], vector<16xf32>,
            %gather3A_109 = tpu.vector_load_idx %arg8[%add3A_73, %add3A_107] : memref<128x128xf32, #tpu.memory_space<vmem>>[vector<16xi32>, vector<16xi32>], vector<16xf32>,
            %mul3A_110 = arith.mulf %gather3A_108, %gather3A_109 : vector<16xf32>
            %add3A_111 = arith.addf %add3A_99, %mul3A_110 : vector<16xf32>
            %broadcast_in_dim3A_112 = arith.constant 0 : i32
            %broadcast_in_dim3A_113 = vector.broadcast %broadcast_in_dim3A_112 : i32 to vector<16xi32>
            %mul3A_114 = arith.constant 32 : i32
            %mul3A_115 = arith.muli %scan3A_87, %mul3A_114 : i32
            %add3A_116 = arith.constant 2 : i32
            %add3A_117 = arith.addi %mul3A_115, %add3A_116 : i32
            %add3A_118 = vector.broadcast %add3A_117 : i32 to vector<16xi32>
            %add3A_119 = arith.addi %broadcast_in_dim3A_113, %add3A_118 : vector<16xi32>
            %gather3A_120 = tpu.vector_load_idx %arg7[%add3A_73, %add3A_119] : memref<128x128xf32, #tpu.memory_space<vmem>>[vector<16xi32>, vector<16xi32>], vector<16xf32>,
            %gather3A_121 = tpu.vector_load_idx %arg8[%add3A_73, %add3A_119] : memref<128x128xf32, #tpu.memory_space<vmem>>[vector<16xi32>, vector<16xi32>], vector<16xf32>,
            %mul3A_122 = arith.mulf %gather3A_120, %gather3A_121 : vector<16xf32>
            %add3A_123 = arith.addf %add3A_111, %mul3A_122 : vector<16xf32>
            %broadcast_in_dim3A_124 = arith.constant 0 : i32
            %broadcast_in_dim3A_125 = vector.broadcast %broadcast_in_dim3A_124 : i32 to vector<16xi32>
            %mul3A_126 = arith.constant 32 : i32
            %mul3A_127 = arith.muli %scan3A_87, %mul3A_126 : i32
            %add3A_128 = arith.constant 3 : i32
            %add3A_129 = arith.addi %mul3A_127, %add3A_128 : i32
            %add3A_130 = vector.broadcast %add3A_129 : i32 to vector<16xi32>
            %add3A_131 = arith.addi %broadcast_in_dim3A_125, %add3A_130 : vector<16xi32>
            %gather3A_132 = tpu.vector_load_idx %arg7[%add3A_73, %add3A_131] : memref<128x128xf32, #tpu.memory_space<vmem>>[vector<16xi32>, vector<16xi32>], vector<16xf32>,
            %gather3A_133 = tpu.vector_load_idx %arg8[%add3A_73, %add3A_131] : memref<128x128xf32, #tpu.memory_space<vmem>>[vector<16xi32>, vector<16xi32>], vector<16xf32>,
            %mul3A_134 = arith.mulf %gather3A_132, %gather3A_133 : vector<16xf32>
            %add3A_135 = arith.addf %add3A_123, %mul3A_134 : vector<16xf32>
            %broadcast_in_dim3A_136 = arith.constant 0 : i32
            %broadcast_in_dim3A_137 = vector.broadcast %broadcast_in_dim3A_136 : i32 to vector<16xi32>
            %mul3A_138 = arith.constant 32 : i32
            %mul3A_139 = arith.muli %scan3A_87, %mul3A_138 : i32
            %add3A_140 = arith.constant 4 : i32
            %add3A_141 = arith.addi %mul3A_139, %add3A_140 : i32
            %add3A_142 = vector.broadcast %add3A_141 : i32 to vector<16xi32>
            %add3A_143 = arith.addi %broadcast_in_dim3A_137, %add3A_142 : vector<16xi32>
            %gather3A_144 = tpu.vector_load_idx %arg7[%add3A_73, %add3A_143] : memref<128x128xf32, #tpu.memory_space<vmem>>[vector<16xi32>, vector<16xi32>], vector<16xf32>,
            %gather3A_145 = tpu.vector_load_idx %arg8[%add3A_73, %add3A_143] : memref<128x128xf32, #tpu.memory_space<vmem>>[vector<16xi32>, vector<16xi32>], vector<16xf32>,
            %mul3A_146 = arith.mulf %gather3A_144, %gather3A_145 : vector<16xf32>
            %add3A_147 = arith.addf %add3A_135, %mul3A_146 : vector<16xf32>
            %broadcast_in_dim3A_148 = arith.constant 0 : i32
            %broadcast_in_dim3A_149 = vector.broadcast %broadcast_in_dim3A_148 : i32 to vector<16xi32>
            %mul3A_150 = arith.constant 32 : i32
            %mul3A_151 = arith.muli %scan3A_87, %mul3A_150 : i32
            %add3A_152 = arith.constant 5 : i32
            %add3A_153 = arith.addi %mul3A_151, %add3A_152 : i32
            %add3A_154 = vector.broadcast %add3A_153 : i32 to vector<16xi32>
            %add3A_155 = arith.addi %broadcast_in_dim3A_149, %add3A_154 : vector<16xi32>
            %gather3A_156 = tpu.vector_load_idx %arg7[%add3A_73, %add3A_155] : memref<128x128xf32, #tpu.memory_space<vmem>>[vector<16xi32>, vector<16xi32>], vector<16xf32>,
            %gather3A_157 = tpu.vector_load_idx %arg8[%add3A_73, %add3A_155] : memref<128x128xf32, #tpu.memory_space<vmem>>[vector<16xi32>, vector<16xi32>], vector<16xf32>,
            %mul3A_158 = arith.mulf %gather3A_156, %gather3A_157 : vector<16xf32>
            %add3A_159 = arith.addf %add3A_147, %mul3A_158 : vector<16xf32>
            %broadcast_in_dim3A_160 = arith.constant 0 : i32
            %broadcast_in_dim3A_161 = vector.broadcast %broadcast_in_dim3A_160 : i32 to vector<16xi32>
            %mul3A_162 = arith.constant 32 : i32
            %mul3A_163 = arith.muli %scan3A_87, %mul3A_162 : i32
            %add3A_164 = arith.constant 6 : i32
            %add3A_165 = arith.addi %mul3A_163, %add3A_164 : i32
            %add3A_166 = vector.broadcast %add3A_165 : i32 to vector<16xi32>
            %add3A_167 = arith.addi %broadcast_in_dim3A_161, %add3A_166 : vector<16xi32>
            %gather3A_168 = tpu.vector_load_idx %arg7[%add3A_73, %add3A_167] : memref<128x128xf32, #tpu.memory_space<vmem>>[vector<16xi32>, vector<16xi32>], vector<16xf32>,
            %gather3A_169 = tpu.vector_load_idx %arg8[%add3A_73, %add3A_167] : memref<128x128xf32, #tpu.memory_space<vmem>>[vector<16xi32>, vector<16xi32>], vector<16xf32>,
            %mul3A_170 = arith.mulf %gather3A_168, %gather3A_169 : vector<16xf32>
            %add3A_171 = arith.addf %add3A_159, %mul3A_170 : vector<16xf32>
            %broadcast_in_dim3A_172 = arith.constant 0 : i32
            %broadcast_in_dim3A_173 = vector.broadcast %broadcast_in_dim3A_172 : i32 to vector<16xi32>
            %mul3A_174 = arith.constant 32 : i32
            %mul3A_175 = arith.muli %scan3A_87, %mul3A_174 : i32
            %add3A_176 = arith.constant 7 : i32
            %add3A_177 = arith.addi %mul3A_175, %add3A_176 : i32
            %add3A_178 = vector.broadcast %add3A_177 : i32 to vector<16xi32>
            %add3A_179 = arith.addi %broadcast_in_dim3A_173, %add3A_178 : vector<16xi32>
            %gather3A_180 = tpu.vector_load_idx %arg7[%add3A_73, %add3A_179] : memref<128x128xf32, #tpu.memory_space<vmem>>[vector<16xi32>, vector<16xi32>], vector<16xf32>,
            %gather3A_181 = tpu.vector_load_idx %arg8[%add3A_73, %add3A_179] : memref<128x128xf32, #tpu.memory_space<vmem>>[vector<16xi32>, vector<16xi32>], vector<16xf32>,
            %mul3A_182 = arith.mulf %gather3A_180, %gather3A_181 : vector<16xf32>
            %add3A_183 = arith.addf %add3A_171, %mul3A_182 : vector<16xf32>
            %broadcast_in_dim3A_184 = arith.constant 0 : i32
            %broadcast_in_dim3A_185 = vector.broadcast %broadcast_in_dim3A_184 : i32 to vector<16xi32>
            %mul3A_186 = arith.constant 32 : i32
            %mul3A_187 = arith.muli %scan3A_87, %mul3A_186 : i32
            %add3A_188 = arith.constant 8 : i32
            %add3A_189 = arith.addi %mul3A_187, %add3A_188 : i32
            %add3A_190 = vector.broadcast %add3A_189 : i32 to vector<16xi32>
            %add3A_191 = arith.addi %broadcast_in_dim3A_185, %add3A_190 : vector<16xi32>
            %gather3A_192 = tpu.vector_load_idx %arg7[%add3A_73, %add3A_191] : memref<128x128xf32, #tpu.memory_space<vmem>>[vector<16xi32>, vector<16xi32>], vector<16xf32>,
            %gather3A_193 = tpu.vector_load_idx %arg8[%add3A_73, %add3A_191] : memref<128x128xf32, #tpu.memory_space<vmem>>[vector<16xi32>, vector<16xi32>], vector<16xf32>,
            %mul3A_194 = arith.mulf %gather3A_192, %gather3A_193 : vector<16xf32>
            %add3A_195 = arith.addf %add3A_183, %mul3A_194 : vector<16xf32>
            %broadcast_in_dim3A_196 = arith.constant 0 : i32
            %broadcast_in_dim3A_197 = vector.broadcast %broadcast_in_dim3A_196 : i32 to vector<16xi32>
            %mul3A_198 = arith.constant 32 : i32
            %mul3A_199 = arith.muli %scan3A_87, %mul3A_198 : i32
            %add3A_200 = arith.constant 9 : i32
            %add3A_201 = arith.addi %mul3A_199, %add3A_200 : i32
            %add3A_202 = vector.broadcast %add3A_201 : i32 to vector<16xi32>
            %add3A_203 = arith.addi %broadcast_in_dim3A_197, %add3A_202 : vector<16xi32>
            %gather3A_204 = tpu.vector_load_idx %arg7[%add3A_73, %add3A_203] : memref<128x128xf32, #tpu.memory_space<vmem>>[vector<16xi32>, vector<16xi32>], vector<16xf32>,
            %gather3A_205 = tpu.vector_load_idx %arg8[%add3A_73, %add3A_203] : memref<128x128xf32, #tpu.memory_space<vmem>>[vector<16xi32>, vector<16xi32>], vector<16xf32>,
            %mul3A_206 = arith.mulf %gather3A_204, %gather3A_205 : vector<16xf32>
            %add3A_207 = arith.addf %add3A_195, %mul3A_206 : vector<16xf32>
            %broadcast_in_dim3A_208 = arith.constant 0 : i32
            %broadcast_in_dim3A_209 = vector.broadcast %broadcast_in_dim3A_208 : i32 to vector<16xi32>
            %mul3A_210 = arith.constant 32 : i32
            %mul3A_211 = arith.muli %scan3A_87, %mul3A_210 : i32
            %add3A_212 = arith.constant 10 : i32
            %add3A_213 = arith.addi %mul3A_211, %add3A_212 : i32
            %add3A_214 = vector.broadcast %add3A_213 : i32 to vector<16xi32>
            %add3A_215 = arith.addi %broadcast_in_dim3A_209, %add3A_214 : vector<16xi32>
            %gather3A_216 = tpu.vector_load_idx %arg7[%add3A_73, %add3A_215] : memref<128x128xf32, #tpu.memory_space<vmem>>[vector<16xi32>, vector<16xi32>], vector<16xf32>,
            %gather3A_217 = tpu.vector_load_idx %arg8[%add3A_73, %add3A_215] : memref<128x128xf32, #tpu.memory_space<vmem>>[vector<16xi32>, vector<16xi32>], vector<16xf32>,
            %mul3A_218 = arith.mulf %gather3A_216, %gather3A_217 : vector<16xf32>
            %add3A_219 = arith.addf %add3A_207, %mul3A_218 : vector<16xf32>
            %broadcast_in_dim3A_220 = arith.constant 0 : i32
            %broadcast_in_dim3A_221 = vector.broadcast %broadcast_in_dim3A_220 : i32 to vector<16xi32>
            %mul3A_222 = arith.constant 32 : i32
            %mul3A_223 = arith.muli %scan3A_87, %mul3A_222 : i32
            %add3A_224 = arith.constant 11 : i32
            %add3A_225 = arith.addi %mul3A_223, %add3A_224 : i32
            %add3A_226 = vector.broadcast %add3A_225 : i32 to vector<16xi32>
            %add3A_227 = arith.addi %broadcast_in_dim3A_221, %add3A_226 : vector<16xi32>
            %gather3A_228 = tpu.vector_load_idx %arg7[%add3A_73, %add3A_227] : memref<128x128xf32, #tpu.memory_space<vmem>>[vector<16xi32>, vector<16xi32>], vector<16xf32>,
            %gather3A_229 = tpu.vector_load_idx %arg8[%add3A_73, %add3A_227] : memref<128x128xf32, #tpu.memory_space<vmem>>[vector<16xi32>, vector<16xi32>], vector<16xf32>,
            %mul3A_230 = arith.mulf %gather3A_228, %gather3A_229 : vector<16xf32>
            %add3A_231 = arith.addf %add3A_219, %mul3A_230 : vector<16xf32>
            %broadcast_in_dim3A_232 = arith.constant 0 : i32
            %broadcast_in_dim3A_233 = vector.broadcast %broadcast_in_dim3A_232 : i32 to vector<16xi32>
            %mul3A_234 = arith.constant 32 : i32
            %mul3A_235 = arith.muli %scan3A_87, %mul3A_234 : i32
            %add3A_236 = arith.constant 12 : i32
            %add3A_237 = arith.addi %mul3A_235, %add3A_236 : i32
            %add3A_238 = vector.broadcast %add3A_237 : i32 to vector<16xi32>
            %add3A_239 = arith.addi %broadcast_in_dim3A_233, %add3A_238 : vector<16xi32>
            %gather3A_240 = tpu.vector_load_idx %arg7[%add3A_73, %add3A_239] : memref<128x128xf32, #tpu.memory_space<vmem>>[vector<16xi32>, vector<16xi32>], vector<16xf32>,
            %gather3A_241 = tpu.vector_load_idx %arg8[%add3A_73, %add3A_239] : memref<128x128xf32, #tpu.memory_space<vmem>>[vector<16xi32>, vector<16xi32>], vector<16xf32>,
            %mul3A_242 = arith.mulf %gather3A_240, %gather3A_241 : vector<16xf32>
            %add3A_243 = arith.addf %add3A_231, %mul3A_242 : vector<16xf32>
            %broadcast_in_dim3A_244 = arith.constant 0 : i32
            %broadcast_in_dim3A_245 = vector.broadcast %broadcast_in_dim3A_244 : i32 to vector<16xi32>
            %mul3A_246 = arith.constant 32 : i32
            %mul3A_247 = arith.muli %scan3A_87, %mul3A_246 : i32
            %add3A_248 = arith.constant 13 : i32
            %add3A_249 = arith.addi %mul3A_247, %add3A_248 : i32
            %add3A_250 = vector.broadcast %add3A_249 : i32 to vector<16xi32>
            %add3A_251 = arith.addi %broadcast_in_dim3A_245, %add3A_250 : vector<16xi32>
            %gather3A_252 = tpu.vector_load_idx %arg7[%add3A_73, %add3A_251] : memref<128x128xf32, #tpu.memory_space<vmem>>[vector<16xi32>, vector<16xi32>], vector<16xf32>,
            %gather3A_253 = tpu.vector_load_idx %arg8[%add3A_73, %add3A_251] : memref<128x128xf32, #tpu.memory_space<vmem>>[vector<16xi32>, vector<16xi32>], vector<16xf32>,
            %mul3A_254 = arith.mulf %gather3A_252, %gather3A_253 : vector<16xf32>
            %add3A_255 = arith.addf %add3A_243, %mul3A_254 : vector<16xf32>
            %broadcast_in_dim3A_256 = arith.constant 0 : i32
            %broadcast_in_dim3A_257 = vector.broadcast %broadcast_in_dim3A_256 : i32 to vector<16xi32>
            %mul3A_258 = arith.constant 32 : i32
            %mul3A_259 = arith.muli %scan3A_87, %mul3A_258 : i32
            %add3A_260 = arith.constant 14 : i32
            %add3A_261 = arith.addi %mul3A_259, %add3A_260 : i32
            %add3A_262 = vector.broadcast %add3A_261 : i32 to vector<16xi32>
            %add3A_263 = arith.addi %broadcast_in_dim3A_257, %add3A_262 : vector<16xi32>
            %gather3A_264 = tpu.vector_load_idx %arg7[%add3A_73, %add3A_263] : memref<128x128xf32, #tpu.memory_space<vmem>>[vector<16xi32>, vector<16xi32>], vector<16xf32>,
            %gather3A_265 = tpu.vector_load_idx %arg8[%add3A_73, %add3A_263] : memref<128x128xf32, #tpu.memory_space<vmem>>[vector<16xi32>, vector<16xi32>], vector<16xf32>,
            %mul3A_266 = arith.mulf %gather3A_264, %gather3A_265 : vector<16xf32>
            %add3A_267 = arith.addf %add3A_255, %mul3A_266 : vector<16xf32>
            %broadcast_in_dim3A_268 = arith.constant 0 : i32
            %broadcast_in_dim3A_269 = vector.broadcast %broadcast_in_dim3A_268 : i32 to vector<16xi32>
            %mul3A_270 = arith.constant 32 : i32
            %mul3A_271 = arith.muli %scan3A_87, %mul3A_270 : i32
            %add3A_272 = arith.constant 15 : i32
            %add3A_273 = arith.addi %mul3A_271, %add3A_272 : i32
            %add3A_274 = vector.broadcast %add3A_273 : i32 to vector<16xi32>
            %add3A_275 = arith.addi %broadcast_in_dim3A_269, %add3A_274 : vector<16xi32>
            %gather3A_276 = tpu.vector_load_idx %arg7[%add3A_73, %add3A_275] : memref<128x128xf32, #tpu.memory_space<vmem>>[vector<16xi32>, vector<16xi32>], vector<16xf32>,
            %gather3A_277 = tpu.vector_load_idx %arg8[%add3A_73, %add3A_275] : memref<128x128xf32, #tpu.memory_space<vmem>>[vector<16xi32>, vector<16xi32>], vector<16xf32>,
            %mul3A_278 = arith.mulf %gather3A_276, %gather3A_277 : vector<16xf32>
            %add3A_279 = arith.addf %add3A_267, %mul3A_278 : vector<16xf32>
            %broadcast_in_dim3A_280 = arith.constant 0 : i32
            %broadcast_in_dim3A_281 = vector.broadcast %broadcast_in_dim3A_280 : i32 to vector<16xi32>
            %mul3A_282 = arith.constant 32 : i32
            %mul3A_283 = arith.muli %scan3A_87, %mul3A_282 : i32
            %add3A_284 = arith.constant 16 : i32
            %add3A_285 = arith.addi %mul3A_283, %add3A_284 : i32
            %add3A_286 = vector.broadcast %add3A_285 : i32 to vector<16xi32>
            %add3A_287 = arith.addi %broadcast_in_dim3A_281, %add3A_286 : vector<16xi32>
            %gather3A_288 = tpu.vector_load_idx %arg7[%add3A_73, %add3A_287] : memref<128x128xf32, #tpu.memory_space<vmem>>[vector<16xi32>, vector<16xi32>], vector<16xf32>,
            %gather3A_289 = tpu.vector_load_idx %arg8[%add3A_73, %add3A_287] : memref<128x128xf32, #tpu.memory_space<vmem>>[vector<16xi32>, vector<16xi32>], vector<16xf32>,
            %mul3A_290 = arith.mulf %gather3A_288, %gather3A_289 : vector<16xf32>
            %add3A_291 = arith.addf %add3A_279, %mul3A_290 : vector<16xf32>
            %broadcast_in_dim3A_292 = arith.constant 0 : i32
            %broadcast_in_dim3A_293 = vector.broadcast %broadcast_in_dim3A_292 : i32 to vector<16xi32>
            %mul3A_294 = arith.constant 32 : i32
            %mul3A_295 = arith.muli %scan3A_87, %mul3A_294 : i32
            %add3A_296 = arith.constant 17 : i32
            %add3A_297 = arith.addi %mul3A_295, %add3A_296 : i32
            %add3A_298 = vector.broadcast %add3A_297 : i32 to vector<16xi32>
            %add3A_299 = arith.addi %broadcast_in_dim3A_293, %add3A_298 : vector<16xi32>
            %gather3A_300 = tpu.vector_load_idx %arg7[%add3A_73, %add3A_299] : memref<128x128xf32, #tpu.memory_space<vmem>>[vector<16xi32>, vector<16xi32>], vector<16xf32>,
            %gather3A_301 = tpu.vector_load_idx %arg8[%add3A_73, %add3A_299] : memref<128x128xf32, #tpu.memory_space<vmem>>[vector<16xi32>, vector<16xi32>], vector<16xf32>,
            %mul3A_302 = arith.mulf %gather3A_300, %gather3A_301 : vector<16xf32>
            %add3A_303 = arith.addf %add3A_291, %mul3A_302 : vector<16xf32>
            %broadcast_in_dim3A_304 = arith.constant 0 : i32
            %broadcast_in_dim3A_305 = vector.broadcast %broadcast_in_dim3A_304 : i32 to vector<16xi32>
            %mul3A_306 = arith.constant 32 : i32
            %mul3A_307 = arith.muli %scan3A_87, %mul3A_306 : i32
            %add3A_308 = arith.constant 18 : i32
            %add3A_309 = arith.addi %mul3A_307, %add3A_308 : i32
            %add3A_310 = vector.broadcast %add3A_309 : i32 to vector<16xi32>
            %add3A_311 = arith.addi %broadcast_in_dim3A_305, %add3A_310 : vector<16xi32>
            %gather3A_312 = tpu.vector_load_idx %arg7[%add3A_73, %add3A_311] : memref<128x128xf32, #tpu.memory_space<vmem>>[vector<16xi32>, vector<16xi32>], vector<16xf32>,
            %gather3A_313 = tpu.vector_load_idx %arg8[%add3A_73, %add3A_311] : memref<128x128xf32, #tpu.memory_space<vmem>>[vector<16xi32>, vector<16xi32>], vector<16xf32>,
            %mul3A_314 = arith.mulf %gather3A_312, %gather3A_313 : vector<16xf32>
            %add3A_315 = arith.addf %add3A_303, %mul3A_314 : vector<16xf32>
            %broadcast_in_dim3A_316 = arith.constant 0 : i32
            %broadcast_in_dim3A_317 = vector.broadcast %broadcast_in_dim3A_316 : i32 to vector<16xi32>
            %mul3A_318 = arith.constant 32 : i32
            %mul3A_319 = arith.muli %scan3A_87, %mul3A_318 : i32
            %add3A_320 = arith.constant 19 : i32
            %add3A_321 = arith.addi %mul3A_319, %add3A_320 : i32
            %add3A_322 = vector.broadcast %add3A_321 : i32 to vector<16xi32>
            %add3A_323 = arith.addi %broadcast_in_dim3A_317, %add3A_322 : vector<16xi32>
            %gather3A_324 = tpu.vector_load_idx %arg7[%add3A_73, %add3A_323] : memref<128x128xf32, #tpu.memory_space<vmem>>[vector<16xi32>, vector<16xi32>], vector<16xf32>,
            %gather3A_325 = tpu.vector_load_idx %arg8[%add3A_73, %add3A_323] : memref<128x128xf32, #tpu.memory_space<vmem>>[vector<16xi32>, vector<16xi32>], vector<16xf32>,
            %mul3A_326 = arith.mulf %gather3A_324, %gather3A_325 : vector<16xf32>
            %add3A_327 = arith.addf %add3A_315, %mul3A_326 : vector<16xf32>
            %broadcast_in_dim3A_328 = arith.constant 0 : i32
            %broadcast_in_dim3A_329 = vector.broadcast %broadcast_in_dim3A_328 : i32 to vector<16xi32>
            %mul3A_330 = arith.constant 32 : i32
            %mul3A_331 = arith.muli %scan3A_87, %mul3A_330 : i32
            %add3A_332 = arith.constant 20 : i32
            %add3A_333 = arith.addi %mul3A_331, %add3A_332 : i32
            %add3A_334 = vector.broadcast %add3A_333 : i32 to vector<16xi32>
            %add3A_335 = arith.addi %broadcast_in_dim3A_329, %add3A_334 : vector<16xi32>
            %gather3A_336 = tpu.vector_load_idx %arg7[%add3A_73, %add3A_335] : memref<128x128xf32, #tpu.memory_space<vmem>>[vector<16xi32>, vector<16xi32>], vector<16xf32>,
            %gather3A_337 = tpu.vector_load_idx %arg8[%add3A_73, %add3A_335] : memref<128x128xf32, #tpu.memory_space<vmem>>[vector<16xi32>, vector<16xi32>], vector<16xf32>,
            %mul3A_338 = arith.mulf %gather3A_336, %gather3A_337 : vector<16xf32>
            %add3A_339 = arith.addf %add3A_327, %mul3A_338 : vector<16xf32>
            %broadcast_in_dim3A_340 = arith.constant 0 : i32
            %broadcast_in_dim3A_341 = vector.broadcast %broadcast_in_dim3A_340 : i32 to vector<16xi32>
            %mul3A_342 = arith.constant 32 : i32
            %mul3A_343 = arith.muli %scan3A_87, %mul3A_342 : i32
            %add3A_344 = arith.constant 21 : i32
            %add3A_345 = arith.addi %mul3A_343, %add3A_344 : i32
            %add3A_346 = vector.broadcast %add3A_345 : i32 to vector<16xi32>
            %add3A_347 = arith.addi %broadcast_in_dim3A_341, %add3A_346 : vector<16xi32>
            %gather3A_348 = tpu.vector_load_idx %arg7[%add3A_73, %add3A_347] : memref<128x128xf32, #tpu.memory_space<vmem>>[vector<16xi32>, vector<16xi32>], vector<16xf32>,
            %gather3A_349 = tpu.vector_load_idx %arg8[%add3A_73, %add3A_347] : memref<128x128xf32, #tpu.memory_space<vmem>>[vector<16xi32>, vector<16xi32>], vector<16xf32>,
            %mul3A_350 = arith.mulf %gather3A_348, %gather3A_349 : vector<16xf32>
            %add3A_351 = arith.addf %add3A_339, %mul3A_350 : vector<16xf32>
            %broadcast_in_dim3A_352 = arith.constant 0 : i32
            %broadcast_in_dim3A_353 = vector.broadcast %broadcast_in_dim3A_352 : i32 to vector<16xi32>
            %mul3A_354 = arith.constant 32 : i32
            %mul3A_355 = arith.muli %scan3A_87, %mul3A_354 : i32
            %add3A_356 = arith.constant 22 : i32
            %add3A_357 = arith.addi %mul3A_355, %add3A_356 : i32
            %add3A_358 = vector.broadcast %add3A_357 : i32 to vector<16xi32>
            %add3A_359 = arith.addi %broadcast_in_dim3A_353, %add3A_358 : vector<16xi32>
            %gather3A_360 = tpu.vector_load_idx %arg7[%add3A_73, %add3A_359] : memref<128x128xf32, #tpu.memory_space<vmem>>[vector<16xi32>, vector<16xi32>], vector<16xf32>,
            %gather3A_361 = tpu.vector_load_idx %arg8[%add3A_73, %add3A_359] : memref<128x128xf32, #tpu.memory_space<vmem>>[vector<16xi32>, vector<16xi32>], vector<16xf32>,
            %mul3A_362 = arith.mulf %gather3A_360, %gather3A_361 : vector<16xf32>
            %add3A_363 = arith.addf %add3A_351, %mul3A_362 : vector<16xf32>
            %broadcast_in_dim3A_364 = arith.constant 0 : i32
            %broadcast_in_dim3A_365 = vector.broadcast %broadcast_in_dim3A_364 : i32 to vector<16xi32>
            %mul3A_366 = arith.constant 32 : i32
            %mul3A_367 = arith.muli %scan3A_87, %mul3A_366 : i32
            %add3A_368 = arith.constant 23 : i32
            %add3A_369 = arith.addi %mul3A_367, %add3A_368 : i32
            %add3A_370 = vector.broadcast %add3A_369 : i32 to vector<16xi32>
            %add3A_371 = arith.addi %broadcast_in_dim3A_365, %add3A_370 : vector<16xi32>
            %gather3A_372 = tpu.vector_load_idx %arg7[%add3A_73, %add3A_371] : memref<128x128xf32, #tpu.memory_space<vmem>>[vector<16xi32>, vector<16xi32>], vector<16xf32>,
            %gather3A_373 = tpu.vector_load_idx %arg8[%add3A_73, %add3A_371] : memref<128x128xf32, #tpu.memory_space<vmem>>[vector<16xi32>, vector<16xi32>], vector<16xf32>,
            %mul3A_374 = arith.mulf %gather3A_372, %gather3A_373 : vector<16xf32>
            %add3A_375 = arith.addf %add3A_363, %mul3A_374 : vector<16xf32>
            %broadcast_in_dim3A_376 = arith.constant 0 : i32
            %broadcast_in_dim3A_377 = vector.broadcast %broadcast_in_dim3A_376 : i32 to vector<16xi32>
            %mul3A_378 = arith.constant 32 : i32
            %mul3A_379 = arith.muli %scan3A_87, %mul3A_378 : i32
            %add3A_380 = arith.constant 24 : i32
            %add3A_381 = arith.addi %mul3A_379, %add3A_380 : i32
            %add3A_382 = vector.broadcast %add3A_381 : i32 to vector<16xi32>
            %add3A_383 = arith.addi %broadcast_in_dim3A_377, %add3A_382 : vector<16xi32>
            %gather3A_384 = tpu.vector_load_idx %arg7[%add3A_73, %add3A_383] : memref<128x128xf32, #tpu.memory_space<vmem>>[vector<16xi32>, vector<16xi32>], vector<16xf32>,
            %gather3A_385 = tpu.vector_load_idx %arg8[%add3A_73, %add3A_383] : memref<128x128xf32, #tpu.memory_space<vmem>>[vector<16xi32>, vector<16xi32>], vector<16xf32>,
            %mul3A_386 = arith.mulf %gather3A_384, %gather3A_385 : vector<16xf32>
            %add3A_387 = arith.addf %add3A_375, %mul3A_386 : vector<16xf32>
            %broadcast_in_dim3A_388 = arith.constant 0 : i32
            %broadcast_in_dim3A_389 = vector.broadcast %broadcast_in_dim3A_388 : i32 to vector<16xi32>
            %mul3A_390 = arith.constant 32 : i32
            %mul3A_391 = arith.muli %scan3A_87, %mul3A_390 : i32
            %add3A_392 = arith.constant 25 : i32
            %add3A_393 = arith.addi %mul3A_391, %add3A_392 : i32
            %add3A_394 = vector.broadcast %add3A_393 : i32 to vector<16xi32>
            %add3A_395 = arith.addi %broadcast_in_dim3A_389, %add3A_394 : vector<16xi32>
            %gather3A_396 = tpu.vector_load_idx %arg7[%add3A_73, %add3A_395] : memref<128x128xf32, #tpu.memory_space<vmem>>[vector<16xi32>, vector<16xi32>], vector<16xf32>,
            %gather3A_397 = tpu.vector_load_idx %arg8[%add3A_73, %add3A_395] : memref<128x128xf32, #tpu.memory_space<vmem>>[vector<16xi32>, vector<16xi32>], vector<16xf32>,
            %mul3A_398 = arith.mulf %gather3A_396, %gather3A_397 : vector<16xf32>
            %add3A_399 = arith.addf %add3A_387, %mul3A_398 : vector<16xf32>
            %broadcast_in_dim3A_400 = arith.constant 0 : i32
            %broadcast_in_dim3A_401 = vector.broadcast %broadcast_in_dim3A_400 : i32 to vector<16xi32>
            %mul3A_402 = arith.constant 32 : i32
            %mul3A_403 = arith.muli %scan3A_87, %mul3A_402 : i32
            %add3A_404 = arith.constant 26 : i32
            %add3A_405 = arith.addi %mul3A_403, %add3A_404 : i32
            %add3A_406 = vector.broadcast %add3A_405 : i32 to vector<16xi32>
            %add3A_407 = arith.addi %broadcast_in_dim3A_401, %add3A_406 : vector<16xi32>
            %gather3A_408 = tpu.vector_load_idx %arg7[%add3A_73, %add3A_407] : memref<128x128xf32, #tpu.memory_space<vmem>>[vector<16xi32>, vector<16xi32>], vector<16xf32>,
            %gather3A_409 = tpu.vector_load_idx %arg8[%add3A_73, %add3A_407] : memref<128x128xf32, #tpu.memory_space<vmem>>[vector<16xi32>, vector<16xi32>], vector<16xf32>,
            %mul3A_410 = arith.mulf %gather3A_408, %gather3A_409 : vector<16xf32>
            %add3A_411 = arith.addf %add3A_399, %mul3A_410 : vector<16xf32>
            %broadcast_in_dim3A_412 = arith.constant 0 : i32
            %broadcast_in_dim3A_413 = vector.broadcast %broadcast_in_dim3A_412 : i32 to vector<16xi32>
            %mul3A_414 = arith.constant 32 : i32
            %mul3A_415 = arith.muli %scan3A_87, %mul3A_414 : i32
            %add3A_416 = arith.constant 27 : i32
            %add3A_417 = arith.addi %mul3A_415, %add3A_416 : i32
            %add3A_418 = vector.broadcast %add3A_417 : i32 to vector<16xi32>
            %add3A_419 = arith.addi %broadcast_in_dim3A_413, %add3A_418 : vector<16xi32>
            %gather3A_420 = tpu.vector_load_idx %arg7[%add3A_73, %add3A_419] : memref<128x128xf32, #tpu.memory_space<vmem>>[vector<16xi32>, vector<16xi32>], vector<16xf32>,
            %gather3A_421 = tpu.vector_load_idx %arg8[%add3A_73, %add3A_419] : memref<128x128xf32, #tpu.memory_space<vmem>>[vector<16xi32>, vector<16xi32>], vector<16xf32>,
            %mul3A_422 = arith.mulf %gather3A_420, %gather3A_421 : vector<16xf32>
            %add3A_423 = arith.addf %add3A_411, %mul3A_422 : vector<16xf32>
            %broadcast_in_dim3A_424 = arith.constant 0 : i32
            %broadcast_in_dim3A_425 = vector.broadcast %broadcast_in_dim3A_424 : i32 to vector<16xi32>
            %mul3A_426 = arith.constant 32 : i32
            %mul3A_427 = arith.muli %scan3A_87, %mul3A_426 : i32
            %add3A_428 = arith.constant 28 : i32
            %add3A_429 = arith.addi %mul3A_427, %add3A_428 : i32
            %add3A_430 = vector.broadcast %add3A_429 : i32 to vector<16xi32>
            %add3A_431 = arith.addi %broadcast_in_dim3A_425, %add3A_430 : vector<16xi32>
            %gather3A_432 = tpu.vector_load_idx %arg7[%add3A_73, %add3A_431] : memref<128x128xf32, #tpu.memory_space<vmem>>[vector<16xi32>, vector<16xi32>], vector<16xf32>,
            %gather3A_433 = tpu.vector_load_idx %arg8[%add3A_73, %add3A_431] : memref<128x128xf32, #tpu.memory_space<vmem>>[vector<16xi32>, vector<16xi32>], vector<16xf32>,
            %mul3A_434 = arith.mulf %gather3A_432, %gather3A_433 : vector<16xf32>
            %add3A_435 = arith.addf %add3A_423, %mul3A_434 : vector<16xf32>
            %broadcast_in_dim3A_436 = arith.constant 0 : i32
            %broadcast_in_dim3A_437 = vector.broadcast %broadcast_in_dim3A_436 : i32 to vector<16xi32>
            %mul3A_438 = arith.constant 32 : i32
            %mul3A_439 = arith.muli %scan3A_87, %mul3A_438 : i32
            %add3A_440 = arith.constant 29 : i32
            %add3A_441 = arith.addi %mul3A_439, %add3A_440 : i32
            %add3A_442 = vector.broadcast %add3A_441 : i32 to vector<16xi32>
            %add3A_443 = arith.addi %broadcast_in_dim3A_437, %add3A_442 : vector<16xi32>
            %gather3A_444 = tpu.vector_load_idx %arg7[%add3A_73, %add3A_443] : memref<128x128xf32, #tpu.memory_space<vmem>>[vector<16xi32>, vector<16xi32>], vector<16xf32>,
            %gather3A_445 = tpu.vector_load_idx %arg8[%add3A_73, %add3A_443] : memref<128x128xf32, #tpu.memory_space<vmem>>[vector<16xi32>, vector<16xi32>], vector<16xf32>,
            %mul3A_446 = arith.mulf %gather3A_444, %gather3A_445 : vector<16xf32>
            %add3A_447 = arith.addf %add3A_435, %mul3A_446 : vector<16xf32>
            %broadcast_in_dim3A_448 = arith.constant 0 : i32
            %broadcast_in_dim3A_449 = vector.broadcast %broadcast_in_dim3A_448 : i32 to vector<16xi32>
            %mul3A_450 = arith.constant 32 : i32
            %mul3A_451 = arith.muli %scan3A_87, %mul3A_450 : i32
            %add3A_452 = arith.constant 30 : i32
            %add3A_453 = arith.addi %mul3A_451, %add3A_452 : i32
            %add3A_454 = vector.broadcast %add3A_453 : i32 to vector<16xi32>
            %add3A_455 = arith.addi %broadcast_in_dim3A_449, %add3A_454 : vector<16xi32>
            %gather3A_456 = tpu.vector_load_idx %arg7[%add3A_73, %add3A_455] : memref<128x128xf32, #tpu.memory_space<vmem>>[vector<16xi32>, vector<16xi32>], vector<16xf32>,
            %gather3A_457 = tpu.vector_load_idx %arg8[%add3A_73, %add3A_455] : memref<128x128xf32, #tpu.memory_space<vmem>>[vector<16xi32>, vector<16xi32>], vector<16xf32>,
            %mul3A_458 = arith.mulf %gather3A_456, %gather3A_457 : vector<16xf32>
            %add3A_459 = arith.addf %add3A_447, %mul3A_458 : vector<16xf32>
            %broadcast_in_dim3A_460 = arith.constant 0 : i32
            %broadcast_in_dim3A_461 = vector.broadcast %broadcast_in_dim3A_460 : i32 to vector<16xi32>
            %mul3A_462 = arith.constant 32 : i32
            %mul3A_463 = arith.muli %scan3A_87, %mul3A_462 : i32
            %add3A_464 = arith.constant 31 : i32
            %add3A_465 = arith.addi %mul3A_463, %add3A_464 : i32
            %add3A_466 = vector.broadcast %add3A_465 : i32 to vector<16xi32>
            %add3A_467 = arith.addi %broadcast_in_dim3A_461, %add3A_466 : vector<16xi32>
            %gather3A_468 = tpu.vector_load_idx %arg7[%add3A_73, %add3A_467] : memref<128x128xf32, #tpu.memory_space<vmem>>[vector<16xi32>, vector<16xi32>], vector<16xf32>,
            %gather3A_469 = tpu.vector_load_idx %arg8[%add3A_73, %add3A_467] : memref<128x128xf32, #tpu.memory_space<vmem>>[vector<16xi32>, vector<16xi32>], vector<16xf32>,
            %mul3A_470 = arith.mulf %gather3A_468, %gather3A_469 : vector<16xf32>
            %add3A_471 = arith.addf %add3A_459, %mul3A_470 : vector<16xf32>
            scf.yield %add3A_471 : vector<16xf32>
          }
          %scan3A_80 = arith.constant 4 : i32
          %mul3A_81 = arith.constant 128 : i32
          %mul3A_82 = arith.muli %add3A_46, %mul3A_81 : i32
          %mul3A_83 = arith.constant 16 : i32
          %mul3A_84 = arith.muli %scan3A_69, %mul3A_83 : i32
          %add3A_85 = arith.addi %mul3A_82, %mul3A_84 : i32
          %swap3A = arith.index_cast %add3A_85 : i32 to index
          %swap3A_86 = tpu.vector_load %arg13[%swap3A] {strides = array<i32>} : memref<1664xf32, #tpu.memory_space<vmem>>, vector<16xf32>,
          tpu.vector_store %arg13[%swap3A], %scan3A_79 {strides = array<i32>} : memref<1664xf32, #tpu.memory_space<vmem>>, vector<16xf32>,
        }
        %scan3A_61 = arith.constant 8 : i32
        %add3A_62 = arith.constant 2 : i32
        %add3A_63 = arith.addi %add3A_46, %add3A_62 : i32
        %lt3A_64 = arith.constant 13 : i32
        %lt3A_65 = arith.cmpi slt, %add3A_63, %lt3A_64 : i32
        %convert_element_type3A_66 = arith.extui %lt3A_65 : i1 to i32
        %cond3A_67 = arith.constant 0 : i32
        %cond3A_68 = arith.cmpi ne, %convert_element_type3A_66, %cond3A_67 : i32
        scf.if %cond3A_68 {
          %add3A_69 = arith.constant 2 : i32
          %add3A_70 = arith.addi %add3A_46, %add3A_69 : i32
          %mul3A_71 = arith.constant 128 : i32
          %mul3A_72 = arith.muli %add3A_70, %mul3A_71 : i32
          %dma_start3A_73 = tpu.memref_slice %arg11[%mul3A_72] : memref<1664xi32, #tpu.memory_space<vmem>> -> memref<128xi32, #tpu.memory_space<vmem>>
          %dma_start3A_74 = arith.constant 0 : i32
          %dma_start3A_75 = arith.constant 0 : i32
          %dma_start3A_76 = tpu.memref_slice %arg2[%dma_start3A_74, %dma_start3A_75] : memref<10240x128xf32, #tpu.memory_space<hbm>> -> memref<10240x128xf32, #tpu.memory_space<hbm>>
          tpu.enqueue_indirect_dma source(%dma_start3A_76 : memref<10240x128xf32, #tpu.memory_space<hbm>>) target(%arg7 : memref<128x128xf32, #tpu.memory_space<vmem>>) offsets(%dma_start3A_73 : memref<128xi32, #tpu.memory_space<vmem>>) semaphore(%arg14 : memref<!tpu.dma_semaphore, #tpu.memory_space<semaphore_mem>>)
          %mul3A_77 = arith.constant 128 : i32
          %mul3A_78 = arith.muli %add3A_70, %mul3A_77 : i32
          %dma_start3A_79 = tpu.memref_slice %arg12[%mul3A_78] : memref<1664xi32, #tpu.memory_space<vmem>> -> memref<128xi32, #tpu.memory_space<vmem>>
          %dma_start3A_80 = arith.constant 0 : i32
          %dma_start3A_81 = arith.constant 0 : i32
          %dma_start3A_82 = tpu.memref_slice %arg3[%dma_start3A_80, %dma_start3A_81] : memref<10000x128xf32, #tpu.memory_space<hbm>> -> memref<10000x128xf32, #tpu.memory_space<hbm>>
          tpu.enqueue_indirect_dma source(%dma_start3A_82 : memref<10000x128xf32, #tpu.memory_space<hbm>>) target(%arg8 : memref<128x128xf32, #tpu.memory_space<vmem>>) offsets(%dma_start3A_79 : memref<128xi32, #tpu.memory_space<vmem>>) semaphore(%arg15 : memref<!tpu.dma_semaphore, #tpu.memory_space<semaphore_mem>>)
        } else {
        }
      } else {
      }
      %mul3A_34 = arith.constant 2 : i32
      %mul3A_35 = arith.muli %scan3A_27, %mul3A_34 : i32
      %add3A_36 = arith.constant 1 : i32
      %add3A_37 = arith.addi %mul3A_35, %add3A_36 : i32
      %lt3A_38 = arith.constant 13 : i32
      %lt3A_39 = arith.cmpi slt, %add3A_37, %lt3A_38 : i32
      %convert_element_type3A_40 = arith.extui %lt3A_39 : i1 to i32
      %cond3A_41 = arith.constant 0 : i32
      %cond3A_42 = arith.cmpi ne, %convert_element_type3A_40, %cond3A_41 : i32
      scf.if %cond3A_42 {
        %mul3A_43 = arith.constant 2 : i32
        %mul3A_44 = arith.muli %scan3A_27, %mul3A_43 : i32
        %add3A_45 = arith.constant 1 : i32
        %add3A_46 = arith.addi %mul3A_44, %add3A_45 : i32
        %dma_wait3A = arith.constant 0 : i32
        %dma_wait3A_47 = tpu.memref_slice %arg11[%dma_wait3A] : memref<1664xi32, #tpu.memory_space<vmem>> -> memref<128xi32, #tpu.memory_space<vmem>>
        %dma_wait3A_48 = arith.constant 0 : i32
        %dma_wait3A_49 = arith.constant 0 : i32
        %dma_wait3A_50 = tpu.memref_slice %arg2[%dma_wait3A_48, %dma_wait3A_49] : memref<10240x128xf32, #tpu.memory_space<hbm>> -> memref<10240x128xf32, #tpu.memory_space<hbm>>
        tpu.wait_indirect_dma semaphore(%arg16 : memref<!tpu.dma_semaphore, #tpu.memory_space<semaphore_mem>>) src(%dma_wait3A_50 : memref<10240x128xf32, #tpu.memory_space<hbm>>) dst(%arg9 : memref<128x128xf32, #tpu.memory_space<vmem>>)
        %dma_wait3A_51 = arith.constant 0 : i32
        %dma_wait3A_52 = tpu.memref_slice %arg12[%dma_wait3A_51] : memref<1664xi32, #tpu.memory_space<vmem>> -> memref<128xi32, #tpu.memory_space<vmem>>
        %dma_wait3A_53 = arith.constant 0 : i32
        %dma_wait3A_54 = arith.constant 0 : i32
        %dma_wait3A_55 = tpu.memref_slice %arg3[%dma_wait3A_53, %dma_wait3A_54] : memref<10000x128xf32, #tpu.memory_space<hbm>> -> memref<10000x128xf32, #tpu.memory_space<hbm>>
        tpu.wait_indirect_dma semaphore(%arg17 : memref<!tpu.dma_semaphore, #tpu.memory_space<semaphore_mem>>) src(%dma_wait3A_55 : memref<10000x128xf32, #tpu.memory_space<hbm>>) dst(%arg10 : memref<128x128xf32, #tpu.memory_space<vmem>>)
        %scan3A_56 = arith.constant 0 : i32
        %scan3A_57 = arith.constant 0 : i32
        %scan3A_58 = arith.constant 8 : i32
        %scan3A_59 = arith.addi %scan3A_57, %scan3A_58 : i32
        %scan3A_60 = arith.constant 1 : i32
        scf.for %scan3A_69 = %scan3A_57 to %scan3A_59 step %scan3A_60  : i32 {
          %mul3A_70 = arith.constant 16 : i32
          %mul3A_71 = arith.muli %scan3A_69, %mul3A_70 : i32
          %add3A_72 = vector.broadcast %mul3A_71 : i32 to vector<16xi32>
          %add3A_73 = arith.addi %add3A_72, %iota3A : vector<16xi32>
          %broadcast_in_dim3A = arith.constant 0.000000e+00 : f32
          %broadcast_in_dim3A_74 = vector.broadcast %broadcast_in_dim3A : f32 to vector<16xf32>
          %scan3A_75 = arith.constant 0 : i32
          %scan3A_76 = arith.constant 4 : i32
          %scan3A_77 = arith.addi %scan3A_75, %scan3A_76 : i32
          %scan3A_78 = arith.constant 1 : i32
          %scan3A_79 = scf.for %scan3A_87 = %scan3A_75 to %scan3A_77 step %scan3A_78 iter_args(%scan3A_88 = %broadcast_in_dim3A_74) -> (vector<16xf32>)  : i32 {
            %broadcast_in_dim3A_89 = arith.constant 0 : i32
            %broadcast_in_dim3A_90 = vector.broadcast %broadcast_in_dim3A_89 : i32 to vector<16xi32>
            %mul3A_91 = arith.constant 32 : i32
            %mul3A_92 = arith.muli %scan3A_87, %mul3A_91 : i32
            %add3A_93 = arith.constant 0 : i32
            %add3A_94 = arith.addi %mul3A_92, %add3A_93 : i32
            %add3A_95 = vector.broadcast %add3A_94 : i32 to vector<16xi32>
            %add3A_96 = arith.addi %broadcast_in_dim3A_90, %add3A_95 : vector<16xi32>
            %gather3A = tpu.vector_load_idx %arg9[%add3A_73, %add3A_96] : memref<128x128xf32, #tpu.memory_space<vmem>>[vector<16xi32>, vector<16xi32>], vector<16xf32>,
            %gather3A_97 = tpu.vector_load_idx %arg10[%add3A_73, %add3A_96] : memref<128x128xf32, #tpu.memory_space<vmem>>[vector<16xi32>, vector<16xi32>], vector<16xf32>,
            %mul3A_98 = arith.mulf %gather3A, %gather3A_97 : vector<16xf32>
            %add3A_99 = arith.addf %scan3A_88, %mul3A_98 : vector<16xf32>
            %broadcast_in_dim3A_100 = arith.constant 0 : i32
            %broadcast_in_dim3A_101 = vector.broadcast %broadcast_in_dim3A_100 : i32 to vector<16xi32>
            %mul3A_102 = arith.constant 32 : i32
            %mul3A_103 = arith.muli %scan3A_87, %mul3A_102 : i32
            %add3A_104 = arith.constant 1 : i32
            %add3A_105 = arith.addi %mul3A_103, %add3A_104 : i32
            %add3A_106 = vector.broadcast %add3A_105 : i32 to vector<16xi32>
            %add3A_107 = arith.addi %broadcast_in_dim3A_101, %add3A_106 : vector<16xi32>
            %gather3A_108 = tpu.vector_load_idx %arg9[%add3A_73, %add3A_107] : memref<128x128xf32, #tpu.memory_space<vmem>>[vector<16xi32>, vector<16xi32>], vector<16xf32>,
            %gather3A_109 = tpu.vector_load_idx %arg10[%add3A_73, %add3A_107] : memref<128x128xf32, #tpu.memory_space<vmem>>[vector<16xi32>, vector<16xi32>], vector<16xf32>,
            %mul3A_110 = arith.mulf %gather3A_108, %gather3A_109 : vector<16xf32>
            %add3A_111 = arith.addf %add3A_99, %mul3A_110 : vector<16xf32>
            %broadcast_in_dim3A_112 = arith.constant 0 : i32
            %broadcast_in_dim3A_113 = vector.broadcast %broadcast_in_dim3A_112 : i32 to vector<16xi32>
            %mul3A_114 = arith.constant 32 : i32
            %mul3A_115 = arith.muli %scan3A_87, %mul3A_114 : i32
            %add3A_116 = arith.constant 2 : i32
            %add3A_117 = arith.addi %mul3A_115, %add3A_116 : i32
            %add3A_118 = vector.broadcast %add3A_117 : i32 to vector<16xi32>
            %add3A_119 = arith.addi %broadcast_in_dim3A_113, %add3A_118 : vector<16xi32>
            %gather3A_120 = tpu.vector_load_idx %arg9[%add3A_73, %add3A_119] : memref<128x128xf32, #tpu.memory_space<vmem>>[vector<16xi32>, vector<16xi32>], vector<16xf32>,
            %gather3A_121 = tpu.vector_load_idx %arg10[%add3A_73, %add3A_119] : memref<128x128xf32, #tpu.memory_space<vmem>>[vector<16xi32>, vector<16xi32>], vector<16xf32>,
            %mul3A_122 = arith.mulf %gather3A_120, %gather3A_121 : vector<16xf32>
            %add3A_123 = arith.addf %add3A_111, %mul3A_122 : vector<16xf32>
            %broadcast_in_dim3A_124 = arith.constant 0 : i32
            %broadcast_in_dim3A_125 = vector.broadcast %broadcast_in_dim3A_124 : i32 to vector<16xi32>
            %mul3A_126 = arith.constant 32 : i32
            %mul3A_127 = arith.muli %scan3A_87, %mul3A_126 : i32
            %add3A_128 = arith.constant 3 : i32
            %add3A_129 = arith.addi %mul3A_127, %add3A_128 : i32
            %add3A_130 = vector.broadcast %add3A_129 : i32 to vector<16xi32>
            %add3A_131 = arith.addi %broadcast_in_dim3A_125, %add3A_130 : vector<16xi32>
            %gather3A_132 = tpu.vector_load_idx %arg9[%add3A_73, %add3A_131] : memref<128x128xf32, #tpu.memory_space<vmem>>[vector<16xi32>, vector<16xi32>], vector<16xf32>,
            %gather3A_133 = tpu.vector_load_idx %arg10[%add3A_73, %add3A_131] : memref<128x128xf32, #tpu.memory_space<vmem>>[vector<16xi32>, vector<16xi32>], vector<16xf32>,
            %mul3A_134 = arith.mulf %gather3A_132, %gather3A_133 : vector<16xf32>
            %add3A_135 = arith.addf %add3A_123, %mul3A_134 : vector<16xf32>
            %broadcast_in_dim3A_136 = arith.constant 0 : i32
            %broadcast_in_dim3A_137 = vector.broadcast %broadcast_in_dim3A_136 : i32 to vector<16xi32>
            %mul3A_138 = arith.constant 32 : i32
            %mul3A_139 = arith.muli %scan3A_87, %mul3A_138 : i32
            %add3A_140 = arith.constant 4 : i32
            %add3A_141 = arith.addi %mul3A_139, %add3A_140 : i32
            %add3A_142 = vector.broadcast %add3A_141 : i32 to vector<16xi32>
            %add3A_143 = arith.addi %broadcast_in_dim3A_137, %add3A_142 : vector<16xi32>
            %gather3A_144 = tpu.vector_load_idx %arg9[%add3A_73, %add3A_143] : memref<128x128xf32, #tpu.memory_space<vmem>>[vector<16xi32>, vector<16xi32>], vector<16xf32>,
            %gather3A_145 = tpu.vector_load_idx %arg10[%add3A_73, %add3A_143] : memref<128x128xf32, #tpu.memory_space<vmem>>[vector<16xi32>, vector<16xi32>], vector<16xf32>,
            %mul3A_146 = arith.mulf %gather3A_144, %gather3A_145 : vector<16xf32>
            %add3A_147 = arith.addf %add3A_135, %mul3A_146 : vector<16xf32>
            %broadcast_in_dim3A_148 = arith.constant 0 : i32
            %broadcast_in_dim3A_149 = vector.broadcast %broadcast_in_dim3A_148 : i32 to vector<16xi32>
            %mul3A_150 = arith.constant 32 : i32
            %mul3A_151 = arith.muli %scan3A_87, %mul3A_150 : i32
            %add3A_152 = arith.constant 5 : i32
            %add3A_153 = arith.addi %mul3A_151, %add3A_152 : i32
            %add3A_154 = vector.broadcast %add3A_153 : i32 to vector<16xi32>
            %add3A_155 = arith.addi %broadcast_in_dim3A_149, %add3A_154 : vector<16xi32>
            %gather3A_156 = tpu.vector_load_idx %arg9[%add3A_73, %add3A_155] : memref<128x128xf32, #tpu.memory_space<vmem>>[vector<16xi32>, vector<16xi32>], vector<16xf32>,
            %gather3A_157 = tpu.vector_load_idx %arg10[%add3A_73, %add3A_155] : memref<128x128xf32, #tpu.memory_space<vmem>>[vector<16xi32>, vector<16xi32>], vector<16xf32>,
            %mul3A_158 = arith.mulf %gather3A_156, %gather3A_157 : vector<16xf32>
            %add3A_159 = arith.addf %add3A_147, %mul3A_158 : vector<16xf32>
            %broadcast_in_dim3A_160 = arith.constant 0 : i32
            %broadcast_in_dim3A_161 = vector.broadcast %broadcast_in_dim3A_160 : i32 to vector<16xi32>
            %mul3A_162 = arith.constant 32 : i32
            %mul3A_163 = arith.muli %scan3A_87, %mul3A_162 : i32
            %add3A_164 = arith.constant 6 : i32
            %add3A_165 = arith.addi %mul3A_163, %add3A_164 : i32
            %add3A_166 = vector.broadcast %add3A_165 : i32 to vector<16xi32>
            %add3A_167 = arith.addi %broadcast_in_dim3A_161, %add3A_166 : vector<16xi32>
            %gather3A_168 = tpu.vector_load_idx %arg9[%add3A_73, %add3A_167] : memref<128x128xf32, #tpu.memory_space<vmem>>[vector<16xi32>, vector<16xi32>], vector<16xf32>,
            %gather3A_169 = tpu.vector_load_idx %arg10[%add3A_73, %add3A_167] : memref<128x128xf32, #tpu.memory_space<vmem>>[vector<16xi32>, vector<16xi32>], vector<16xf32>,
            %mul3A_170 = arith.mulf %gather3A_168, %gather3A_169 : vector<16xf32>
            %add3A_171 = arith.addf %add3A_159, %mul3A_170 : vector<16xf32>
            %broadcast_in_dim3A_172 = arith.constant 0 : i32
            %broadcast_in_dim3A_173 = vector.broadcast %broadcast_in_dim3A_172 : i32 to vector<16xi32>
            %mul3A_174 = arith.constant 32 : i32
            %mul3A_175 = arith.muli %scan3A_87, %mul3A_174 : i32
            %add3A_176 = arith.constant 7 : i32
            %add3A_177 = arith.addi %mul3A_175, %add3A_176 : i32
            %add3A_178 = vector.broadcast %add3A_177 : i32 to vector<16xi32>
            %add3A_179 = arith.addi %broadcast_in_dim3A_173, %add3A_178 : vector<16xi32>
            %gather3A_180 = tpu.vector_load_idx %arg9[%add3A_73, %add3A_179] : memref<128x128xf32, #tpu.memory_space<vmem>>[vector<16xi32>, vector<16xi32>], vector<16xf32>,
            %gather3A_181 = tpu.vector_load_idx %arg10[%add3A_73, %add3A_179] : memref<128x128xf32, #tpu.memory_space<vmem>>[vector<16xi32>, vector<16xi32>], vector<16xf32>,
            %mul3A_182 = arith.mulf %gather3A_180, %gather3A_181 : vector<16xf32>
            %add3A_183 = arith.addf %add3A_171, %mul3A_182 : vector<16xf32>
            %broadcast_in_dim3A_184 = arith.constant 0 : i32
            %broadcast_in_dim3A_185 = vector.broadcast %broadcast_in_dim3A_184 : i32 to vector<16xi32>
            %mul3A_186 = arith.constant 32 : i32
            %mul3A_187 = arith.muli %scan3A_87, %mul3A_186 : i32
            %add3A_188 = arith.constant 8 : i32
            %add3A_189 = arith.addi %mul3A_187, %add3A_188 : i32
            %add3A_190 = vector.broadcast %add3A_189 : i32 to vector<16xi32>
            %add3A_191 = arith.addi %broadcast_in_dim3A_185, %add3A_190 : vector<16xi32>
            %gather3A_192 = tpu.vector_load_idx %arg9[%add3A_73, %add3A_191] : memref<128x128xf32, #tpu.memory_space<vmem>>[vector<16xi32>, vector<16xi32>], vector<16xf32>,
            %gather3A_193 = tpu.vector_load_idx %arg10[%add3A_73, %add3A_191] : memref<128x128xf32, #tpu.memory_space<vmem>>[vector<16xi32>, vector<16xi32>], vector<16xf32>,
            %mul3A_194 = arith.mulf %gather3A_192, %gather3A_193 : vector<16xf32>
            %add3A_195 = arith.addf %add3A_183, %mul3A_194 : vector<16xf32>
            %broadcast_in_dim3A_196 = arith.constant 0 : i32
            %broadcast_in_dim3A_197 = vector.broadcast %broadcast_in_dim3A_196 : i32 to vector<16xi32>
            %mul3A_198 = arith.constant 32 : i32
            %mul3A_199 = arith.muli %scan3A_87, %mul3A_198 : i32
            %add3A_200 = arith.constant 9 : i32
            %add3A_201 = arith.addi %mul3A_199, %add3A_200 : i32
            %add3A_202 = vector.broadcast %add3A_201 : i32 to vector<16xi32>
            %add3A_203 = arith.addi %broadcast_in_dim3A_197, %add3A_202 : vector<16xi32>
            %gather3A_204 = tpu.vector_load_idx %arg9[%add3A_73, %add3A_203] : memref<128x128xf32, #tpu.memory_space<vmem>>[vector<16xi32>, vector<16xi32>], vector<16xf32>,
            %gather3A_205 = tpu.vector_load_idx %arg10[%add3A_73, %add3A_203] : memref<128x128xf32, #tpu.memory_space<vmem>>[vector<16xi32>, vector<16xi32>], vector<16xf32>,
            %mul3A_206 = arith.mulf %gather3A_204, %gather3A_205 : vector<16xf32>
            %add3A_207 = arith.addf %add3A_195, %mul3A_206 : vector<16xf32>
            %broadcast_in_dim3A_208 = arith.constant 0 : i32
            %broadcast_in_dim3A_209 = vector.broadcast %broadcast_in_dim3A_208 : i32 to vector<16xi32>
            %mul3A_210 = arith.constant 32 : i32
            %mul3A_211 = arith.muli %scan3A_87, %mul3A_210 : i32
            %add3A_212 = arith.constant 10 : i32
            %add3A_213 = arith.addi %mul3A_211, %add3A_212 : i32
            %add3A_214 = vector.broadcast %add3A_213 : i32 to vector<16xi32>
            %add3A_215 = arith.addi %broadcast_in_dim3A_209, %add3A_214 : vector<16xi32>
            %gather3A_216 = tpu.vector_load_idx %arg9[%add3A_73, %add3A_215] : memref<128x128xf32, #tpu.memory_space<vmem>>[vector<16xi32>, vector<16xi32>], vector<16xf32>,
            %gather3A_217 = tpu.vector_load_idx %arg10[%add3A_73, %add3A_215] : memref<128x128xf32, #tpu.memory_space<vmem>>[vector<16xi32>, vector<16xi32>], vector<16xf32>,
            %mul3A_218 = arith.mulf %gather3A_216, %gather3A_217 : vector<16xf32>
            %add3A_219 = arith.addf %add3A_207, %mul3A_218 : vector<16xf32>
            %broadcast_in_dim3A_220 = arith.constant 0 : i32
            %broadcast_in_dim3A_221 = vector.broadcast %broadcast_in_dim3A_220 : i32 to vector<16xi32>
            %mul3A_222 = arith.constant 32 : i32
            %mul3A_223 = arith.muli %scan3A_87, %mul3A_222 : i32
            %add3A_224 = arith.constant 11 : i32
            %add3A_225 = arith.addi %mul3A_223, %add3A_224 : i32
            %add3A_226 = vector.broadcast %add3A_225 : i32 to vector<16xi32>
            %add3A_227 = arith.addi %broadcast_in_dim3A_221, %add3A_226 : vector<16xi32>
            %gather3A_228 = tpu.vector_load_idx %arg9[%add3A_73, %add3A_227] : memref<128x128xf32, #tpu.memory_space<vmem>>[vector<16xi32>, vector<16xi32>], vector<16xf32>,
            %gather3A_229 = tpu.vector_load_idx %arg10[%add3A_73, %add3A_227] : memref<128x128xf32, #tpu.memory_space<vmem>>[vector<16xi32>, vector<16xi32>], vector<16xf32>,
            %mul3A_230 = arith.mulf %gather3A_228, %gather3A_229 : vector<16xf32>
            %add3A_231 = arith.addf %add3A_219, %mul3A_230 : vector<16xf32>
            %broadcast_in_dim3A_232 = arith.constant 0 : i32
            %broadcast_in_dim3A_233 = vector.broadcast %broadcast_in_dim3A_232 : i32 to vector<16xi32>
            %mul3A_234 = arith.constant 32 : i32
            %mul3A_235 = arith.muli %scan3A_87, %mul3A_234 : i32
            %add3A_236 = arith.constant 12 : i32
            %add3A_237 = arith.addi %mul3A_235, %add3A_236 : i32
            %add3A_238 = vector.broadcast %add3A_237 : i32 to vector<16xi32>
            %add3A_239 = arith.addi %broadcast_in_dim3A_233, %add3A_238 : vector<16xi32>
            %gather3A_240 = tpu.vector_load_idx %arg9[%add3A_73, %add3A_239] : memref<128x128xf32, #tpu.memory_space<vmem>>[vector<16xi32>, vector<16xi32>], vector<16xf32>,
            %gather3A_241 = tpu.vector_load_idx %arg10[%add3A_73, %add3A_239] : memref<128x128xf32, #tpu.memory_space<vmem>>[vector<16xi32>, vector<16xi32>], vector<16xf32>,
            %mul3A_242 = arith.mulf %gather3A_240, %gather3A_241 : vector<16xf32>
            %add3A_243 = arith.addf %add3A_231, %mul3A_242 : vector<16xf32>
            %broadcast_in_dim3A_244 = arith.constant 0 : i32
            %broadcast_in_dim3A_245 = vector.broadcast %broadcast_in_dim3A_244 : i32 to vector<16xi32>
            %mul3A_246 = arith.constant 32 : i32
            %mul3A_247 = arith.muli %scan3A_87, %mul3A_246 : i32
            %add3A_248 = arith.constant 13 : i32
            %add3A_249 = arith.addi %mul3A_247, %add3A_248 : i32
            %add3A_250 = vector.broadcast %add3A_249 : i32 to vector<16xi32>
            %add3A_251 = arith.addi %broadcast_in_dim3A_245, %add3A_250 : vector<16xi32>
            %gather3A_252 = tpu.vector_load_idx %arg9[%add3A_73, %add3A_251] : memref<128x128xf32, #tpu.memory_space<vmem>>[vector<16xi32>, vector<16xi32>], vector<16xf32>,
            %gather3A_253 = tpu.vector_load_idx %arg10[%add3A_73, %add3A_251] : memref<128x128xf32, #tpu.memory_space<vmem>>[vector<16xi32>, vector<16xi32>], vector<16xf32>,
            %mul3A_254 = arith.mulf %gather3A_252, %gather3A_253 : vector<16xf32>
            %add3A_255 = arith.addf %add3A_243, %mul3A_254 : vector<16xf32>
            %broadcast_in_dim3A_256 = arith.constant 0 : i32
            %broadcast_in_dim3A_257 = vector.broadcast %broadcast_in_dim3A_256 : i32 to vector<16xi32>
            %mul3A_258 = arith.constant 32 : i32
            %mul3A_259 = arith.muli %scan3A_87, %mul3A_258 : i32
            %add3A_260 = arith.constant 14 : i32
            %add3A_261 = arith.addi %mul3A_259, %add3A_260 : i32
            %add3A_262 = vector.broadcast %add3A_261 : i32 to vector<16xi32>
            %add3A_263 = arith.addi %broadcast_in_dim3A_257, %add3A_262 : vector<16xi32>
            %gather3A_264 = tpu.vector_load_idx %arg9[%add3A_73, %add3A_263] : memref<128x128xf32, #tpu.memory_space<vmem>>[vector<16xi32>, vector<16xi32>], vector<16xf32>,
            %gather3A_265 = tpu.vector_load_idx %arg10[%add3A_73, %add3A_263] : memref<128x128xf32, #tpu.memory_space<vmem>>[vector<16xi32>, vector<16xi32>], vector<16xf32>,
            %mul3A_266 = arith.mulf %gather3A_264, %gather3A_265 : vector<16xf32>
            %add3A_267 = arith.addf %add3A_255, %mul3A_266 : vector<16xf32>
            %broadcast_in_dim3A_268 = arith.constant 0 : i32
            %broadcast_in_dim3A_269 = vector.broadcast %broadcast_in_dim3A_268 : i32 to vector<16xi32>
            %mul3A_270 = arith.constant 32 : i32
            %mul3A_271 = arith.muli %scan3A_87, %mul3A_270 : i32
            %add3A_272 = arith.constant 15 : i32
            %add3A_273 = arith.addi %mul3A_271, %add3A_272 : i32
            %add3A_274 = vector.broadcast %add3A_273 : i32 to vector<16xi32>
            %add3A_275 = arith.addi %broadcast_in_dim3A_269, %add3A_274 : vector<16xi32>
            %gather3A_276 = tpu.vector_load_idx %arg9[%add3A_73, %add3A_275] : memref<128x128xf32, #tpu.memory_space<vmem>>[vector<16xi32>, vector<16xi32>], vector<16xf32>,
            %gather3A_277 = tpu.vector_load_idx %arg10[%add3A_73, %add3A_275] : memref<128x128xf32, #tpu.memory_space<vmem>>[vector<16xi32>, vector<16xi32>], vector<16xf32>,
            %mul3A_278 = arith.mulf %gather3A_276, %gather3A_277 : vector<16xf32>
            %add3A_279 = arith.addf %add3A_267, %mul3A_278 : vector<16xf32>
            %broadcast_in_dim3A_280 = arith.constant 0 : i32
            %broadcast_in_dim3A_281 = vector.broadcast %broadcast_in_dim3A_280 : i32 to vector<16xi32>
            %mul3A_282 = arith.constant 32 : i32
            %mul3A_283 = arith.muli %scan3A_87, %mul3A_282 : i32
            %add3A_284 = arith.constant 16 : i32
            %add3A_285 = arith.addi %mul3A_283, %add3A_284 : i32
            %add3A_286 = vector.broadcast %add3A_285 : i32 to vector<16xi32>
            %add3A_287 = arith.addi %broadcast_in_dim3A_281, %add3A_286 : vector<16xi32>
            %gather3A_288 = tpu.vector_load_idx %arg9[%add3A_73, %add3A_287] : memref<128x128xf32, #tpu.memory_space<vmem>>[vector<16xi32>, vector<16xi32>], vector<16xf32>,
            %gather3A_289 = tpu.vector_load_idx %arg10[%add3A_73, %add3A_287] : memref<128x128xf32, #tpu.memory_space<vmem>>[vector<16xi32>, vector<16xi32>], vector<16xf32>,
            %mul3A_290 = arith.mulf %gather3A_288, %gather3A_289 : vector<16xf32>
            %add3A_291 = arith.addf %add3A_279, %mul3A_290 : vector<16xf32>
            %broadcast_in_dim3A_292 = arith.constant 0 : i32
            %broadcast_in_dim3A_293 = vector.broadcast %broadcast_in_dim3A_292 : i32 to vector<16xi32>
            %mul3A_294 = arith.constant 32 : i32
            %mul3A_295 = arith.muli %scan3A_87, %mul3A_294 : i32
            %add3A_296 = arith.constant 17 : i32
            %add3A_297 = arith.addi %mul3A_295, %add3A_296 : i32
            %add3A_298 = vector.broadcast %add3A_297 : i32 to vector<16xi32>
            %add3A_299 = arith.addi %broadcast_in_dim3A_293, %add3A_298 : vector<16xi32>
            %gather3A_300 = tpu.vector_load_idx %arg9[%add3A_73, %add3A_299] : memref<128x128xf32, #tpu.memory_space<vmem>>[vector<16xi32>, vector<16xi32>], vector<16xf32>,
            %gather3A_301 = tpu.vector_load_idx %arg10[%add3A_73, %add3A_299] : memref<128x128xf32, #tpu.memory_space<vmem>>[vector<16xi32>, vector<16xi32>], vector<16xf32>,
            %mul3A_302 = arith.mulf %gather3A_300, %gather3A_301 : vector<16xf32>
            %add3A_303 = arith.addf %add3A_291, %mul3A_302 : vector<16xf32>
            %broadcast_in_dim3A_304 = arith.constant 0 : i32
            %broadcast_in_dim3A_305 = vector.broadcast %broadcast_in_dim3A_304 : i32 to vector<16xi32>
            %mul3A_306 = arith.constant 32 : i32
            %mul3A_307 = arith.muli %scan3A_87, %mul3A_306 : i32
            %add3A_308 = arith.constant 18 : i32
            %add3A_309 = arith.addi %mul3A_307, %add3A_308 : i32
            %add3A_310 = vector.broadcast %add3A_309 : i32 to vector<16xi32>
            %add3A_311 = arith.addi %broadcast_in_dim3A_305, %add3A_310 : vector<16xi32>
            %gather3A_312 = tpu.vector_load_idx %arg9[%add3A_73, %add3A_311] : memref<128x128xf32, #tpu.memory_space<vmem>>[vector<16xi32>, vector<16xi32>], vector<16xf32>,
            %gather3A_313 = tpu.vector_load_idx %arg10[%add3A_73, %add3A_311] : memref<128x128xf32, #tpu.memory_space<vmem>>[vector<16xi32>, vector<16xi32>], vector<16xf32>,
            %mul3A_314 = arith.mulf %gather3A_312, %gather3A_313 : vector<16xf32>
            %add3A_315 = arith.addf %add3A_303, %mul3A_314 : vector<16xf32>
            %broadcast_in_dim3A_316 = arith.constant 0 : i32
            %broadcast_in_dim3A_317 = vector.broadcast %broadcast_in_dim3A_316 : i32 to vector<16xi32>
            %mul3A_318 = arith.constant 32 : i32
            %mul3A_319 = arith.muli %scan3A_87, %mul3A_318 : i32
            %add3A_320 = arith.constant 19 : i32
            %add3A_321 = arith.addi %mul3A_319, %add3A_320 : i32
            %add3A_322 = vector.broadcast %add3A_321 : i32 to vector<16xi32>
            %add3A_323 = arith.addi %broadcast_in_dim3A_317, %add3A_322 : vector<16xi32>
            %gather3A_324 = tpu.vector_load_idx %arg9[%add3A_73, %add3A_323] : memref<128x128xf32, #tpu.memory_space<vmem>>[vector<16xi32>, vector<16xi32>], vector<16xf32>,
            %gather3A_325 = tpu.vector_load_idx %arg10[%add3A_73, %add3A_323] : memref<128x128xf32, #tpu.memory_space<vmem>>[vector<16xi32>, vector<16xi32>], vector<16xf32>,
            %mul3A_326 = arith.mulf %gather3A_324, %gather3A_325 : vector<16xf32>
            %add3A_327 = arith.addf %add3A_315, %mul3A_326 : vector<16xf32>
            %broadcast_in_dim3A_328 = arith.constant 0 : i32
            %broadcast_in_dim3A_329 = vector.broadcast %broadcast_in_dim3A_328 : i32 to vector<16xi32>
            %mul3A_330 = arith.constant 32 : i32
            %mul3A_331 = arith.muli %scan3A_87, %mul3A_330 : i32
            %add3A_332 = arith.constant 20 : i32
            %add3A_333 = arith.addi %mul3A_331, %add3A_332 : i32
            %add3A_334 = vector.broadcast %add3A_333 : i32 to vector<16xi32>
            %add3A_335 = arith.addi %broadcast_in_dim3A_329, %add3A_334 : vector<16xi32>
            %gather3A_336 = tpu.vector_load_idx %arg9[%add3A_73, %add3A_335] : memref<128x128xf32, #tpu.memory_space<vmem>>[vector<16xi32>, vector<16xi32>], vector<16xf32>,
            %gather3A_337 = tpu.vector_load_idx %arg10[%add3A_73, %add3A_335] : memref<128x128xf32, #tpu.memory_space<vmem>>[vector<16xi32>, vector<16xi32>], vector<16xf32>,
            %mul3A_338 = arith.mulf %gather3A_336, %gather3A_337 : vector<16xf32>
            %add3A_339 = arith.addf %add3A_327, %mul3A_338 : vector<16xf32>
            %broadcast_in_dim3A_340 = arith.constant 0 : i32
            %broadcast_in_dim3A_341 = vector.broadcast %broadcast_in_dim3A_340 : i32 to vector<16xi32>
            %mul3A_342 = arith.constant 32 : i32
            %mul3A_343 = arith.muli %scan3A_87, %mul3A_342 : i32
            %add3A_344 = arith.constant 21 : i32
            %add3A_345 = arith.addi %mul3A_343, %add3A_344 : i32
            %add3A_346 = vector.broadcast %add3A_345 : i32 to vector<16xi32>
            %add3A_347 = arith.addi %broadcast_in_dim3A_341, %add3A_346 : vector<16xi32>
            %gather3A_348 = tpu.vector_load_idx %arg9[%add3A_73, %add3A_347] : memref<128x128xf32, #tpu.memory_space<vmem>>[vector<16xi32>, vector<16xi32>], vector<16xf32>,
            %gather3A_349 = tpu.vector_load_idx %arg10[%add3A_73, %add3A_347] : memref<128x128xf32, #tpu.memory_space<vmem>>[vector<16xi32>, vector<16xi32>], vector<16xf32>,
            %mul3A_350 = arith.mulf %gather3A_348, %gather3A_349 : vector<16xf32>
            %add3A_351 = arith.addf %add3A_339, %mul3A_350 : vector<16xf32>
            %broadcast_in_dim3A_352 = arith.constant 0 : i32
            %broadcast_in_dim3A_353 = vector.broadcast %broadcast_in_dim3A_352 : i32 to vector<16xi32>
            %mul3A_354 = arith.constant 32 : i32
            %mul3A_355 = arith.muli %scan3A_87, %mul3A_354 : i32
            %add3A_356 = arith.constant 22 : i32
            %add3A_357 = arith.addi %mul3A_355, %add3A_356 : i32
            %add3A_358 = vector.broadcast %add3A_357 : i32 to vector<16xi32>
            %add3A_359 = arith.addi %broadcast_in_dim3A_353, %add3A_358 : vector<16xi32>
            %gather3A_360 = tpu.vector_load_idx %arg9[%add3A_73, %add3A_359] : memref<128x128xf32, #tpu.memory_space<vmem>>[vector<16xi32>, vector<16xi32>], vector<16xf32>,
            %gather3A_361 = tpu.vector_load_idx %arg10[%add3A_73, %add3A_359] : memref<128x128xf32, #tpu.memory_space<vmem>>[vector<16xi32>, vector<16xi32>], vector<16xf32>,
            %mul3A_362 = arith.mulf %gather3A_360, %gather3A_361 : vector<16xf32>
            %add3A_363 = arith.addf %add3A_351, %mul3A_362 : vector<16xf32>
            %broadcast_in_dim3A_364 = arith.constant 0 : i32
            %broadcast_in_dim3A_365 = vector.broadcast %broadcast_in_dim3A_364 : i32 to vector<16xi32>
            %mul3A_366 = arith.constant 32 : i32
            %mul3A_367 = arith.muli %scan3A_87, %mul3A_366 : i32
            %add3A_368 = arith.constant 23 : i32
            %add3A_369 = arith.addi %mul3A_367, %add3A_368 : i32
            %add3A_370 = vector.broadcast %add3A_369 : i32 to vector<16xi32>
            %add3A_371 = arith.addi %broadcast_in_dim3A_365, %add3A_370 : vector<16xi32>
            %gather3A_372 = tpu.vector_load_idx %arg9[%add3A_73, %add3A_371] : memref<128x128xf32, #tpu.memory_space<vmem>>[vector<16xi32>, vector<16xi32>], vector<16xf32>,
            %gather3A_373 = tpu.vector_load_idx %arg10[%add3A_73, %add3A_371] : memref<128x128xf32, #tpu.memory_space<vmem>>[vector<16xi32>, vector<16xi32>], vector<16xf32>,
            %mul3A_374 = arith.mulf %gather3A_372, %gather3A_373 : vector<16xf32>
            %add3A_375 = arith.addf %add3A_363, %mul3A_374 : vector<16xf32>
            %broadcast_in_dim3A_376 = arith.constant 0 : i32
            %broadcast_in_dim3A_377 = vector.broadcast %broadcast_in_dim3A_376 : i32 to vector<16xi32>
            %mul3A_378 = arith.constant 32 : i32
            %mul3A_379 = arith.muli %scan3A_87, %mul3A_378 : i32
            %add3A_380 = arith.constant 24 : i32
            %add3A_381 = arith.addi %mul3A_379, %add3A_380 : i32
            %add3A_382 = vector.broadcast %add3A_381 : i32 to vector<16xi32>
            %add3A_383 = arith.addi %broadcast_in_dim3A_377, %add3A_382 : vector<16xi32>
            %gather3A_384 = tpu.vector_load_idx %arg9[%add3A_73, %add3A_383] : memref<128x128xf32, #tpu.memory_space<vmem>>[vector<16xi32>, vector<16xi32>], vector<16xf32>,
            %gather3A_385 = tpu.vector_load_idx %arg10[%add3A_73, %add3A_383] : memref<128x128xf32, #tpu.memory_space<vmem>>[vector<16xi32>, vector<16xi32>], vector<16xf32>,
            %mul3A_386 = arith.mulf %gather3A_384, %gather3A_385 : vector<16xf32>
            %add3A_387 = arith.addf %add3A_375, %mul3A_386 : vector<16xf32>
            %broadcast_in_dim3A_388 = arith.constant 0 : i32
            %broadcast_in_dim3A_389 = vector.broadcast %broadcast_in_dim3A_388 : i32 to vector<16xi32>
            %mul3A_390 = arith.constant 32 : i32
            %mul3A_391 = arith.muli %scan3A_87, %mul3A_390 : i32
            %add3A_392 = arith.constant 25 : i32
            %add3A_393 = arith.addi %mul3A_391, %add3A_392 : i32
            %add3A_394 = vector.broadcast %add3A_393 : i32 to vector<16xi32>
            %add3A_395 = arith.addi %broadcast_in_dim3A_389, %add3A_394 : vector<16xi32>
            %gather3A_396 = tpu.vector_load_idx %arg9[%add3A_73, %add3A_395] : memref<128x128xf32, #tpu.memory_space<vmem>>[vector<16xi32>, vector<16xi32>], vector<16xf32>,
            %gather3A_397 = tpu.vector_load_idx %arg10[%add3A_73, %add3A_395] : memref<128x128xf32, #tpu.memory_space<vmem>>[vector<16xi32>, vector<16xi32>], vector<16xf32>,
            %mul3A_398 = arith.mulf %gather3A_396, %gather3A_397 : vector<16xf32>
            %add3A_399 = arith.addf %add3A_387, %mul3A_398 : vector<16xf32>
            %broadcast_in_dim3A_400 = arith.constant 0 : i32
            %broadcast_in_dim3A_401 = vector.broadcast %broadcast_in_dim3A_400 : i32 to vector<16xi32>
            %mul3A_402 = arith.constant 32 : i32
            %mul3A_403 = arith.muli %scan3A_87, %mul3A_402 : i32
            %add3A_404 = arith.constant 26 : i32
            %add3A_405 = arith.addi %mul3A_403, %add3A_404 : i32
            %add3A_406 = vector.broadcast %add3A_405 : i32 to vector<16xi32>
            %add3A_407 = arith.addi %broadcast_in_dim3A_401, %add3A_406 : vector<16xi32>
            %gather3A_408 = tpu.vector_load_idx %arg9[%add3A_73, %add3A_407] : memref<128x128xf32, #tpu.memory_space<vmem>>[vector<16xi32>, vector<16xi32>], vector<16xf32>,
            %gather3A_409 = tpu.vector_load_idx %arg10[%add3A_73, %add3A_407] : memref<128x128xf32, #tpu.memory_space<vmem>>[vector<16xi32>, vector<16xi32>], vector<16xf32>,
            %mul3A_410 = arith.mulf %gather3A_408, %gather3A_409 : vector<16xf32>
            %add3A_411 = arith.addf %add3A_399, %mul3A_410 : vector<16xf32>
            %broadcast_in_dim3A_412 = arith.constant 0 : i32
            %broadcast_in_dim3A_413 = vector.broadcast %broadcast_in_dim3A_412 : i32 to vector<16xi32>
            %mul3A_414 = arith.constant 32 : i32
            %mul3A_415 = arith.muli %scan3A_87, %mul3A_414 : i32
            %add3A_416 = arith.constant 27 : i32
            %add3A_417 = arith.addi %mul3A_415, %add3A_416 : i32
            %add3A_418 = vector.broadcast %add3A_417 : i32 to vector<16xi32>
            %add3A_419 = arith.addi %broadcast_in_dim3A_413, %add3A_418 : vector<16xi32>
            %gather3A_420 = tpu.vector_load_idx %arg9[%add3A_73, %add3A_419] : memref<128x128xf32, #tpu.memory_space<vmem>>[vector<16xi32>, vector<16xi32>], vector<16xf32>,
            %gather3A_421 = tpu.vector_load_idx %arg10[%add3A_73, %add3A_419] : memref<128x128xf32, #tpu.memory_space<vmem>>[vector<16xi32>, vector<16xi32>], vector<16xf32>,
            %mul3A_422 = arith.mulf %gather3A_420, %gather3A_421 : vector<16xf32>
            %add3A_423 = arith.addf %add3A_411, %mul3A_422 : vector<16xf32>
            %broadcast_in_dim3A_424 = arith.constant 0 : i32
            %broadcast_in_dim3A_425 = vector.broadcast %broadcast_in_dim3A_424 : i32 to vector<16xi32>
            %mul3A_426 = arith.constant 32 : i32
            %mul3A_427 = arith.muli %scan3A_87, %mul3A_426 : i32
            %add3A_428 = arith.constant 28 : i32
            %add3A_429 = arith.addi %mul3A_427, %add3A_428 : i32
            %add3A_430 = vector.broadcast %add3A_429 : i32 to vector<16xi32>
            %add3A_431 = arith.addi %broadcast_in_dim3A_425, %add3A_430 : vector<16xi32>
            %gather3A_432 = tpu.vector_load_idx %arg9[%add3A_73, %add3A_431] : memref<128x128xf32, #tpu.memory_space<vmem>>[vector<16xi32>, vector<16xi32>], vector<16xf32>,
            %gather3A_433 = tpu.vector_load_idx %arg10[%add3A_73, %add3A_431] : memref<128x128xf32, #tpu.memory_space<vmem>>[vector<16xi32>, vector<16xi32>], vector<16xf32>,
            %mul3A_434 = arith.mulf %gather3A_432, %gather3A_433 : vector<16xf32>
            %add3A_435 = arith.addf %add3A_423, %mul3A_434 : vector<16xf32>
            %broadcast_in_dim3A_436 = arith.constant 0 : i32
            %broadcast_in_dim3A_437 = vector.broadcast %broadcast_in_dim3A_436 : i32 to vector<16xi32>
            %mul3A_438 = arith.constant 32 : i32
            %mul3A_439 = arith.muli %scan3A_87, %mul3A_438 : i32
            %add3A_440 = arith.constant 29 : i32
            %add3A_441 = arith.addi %mul3A_439, %add3A_440 : i32
            %add3A_442 = vector.broadcast %add3A_441 : i32 to vector<16xi32>
            %add3A_443 = arith.addi %broadcast_in_dim3A_437, %add3A_442 : vector<16xi32>
            %gather3A_444 = tpu.vector_load_idx %arg9[%add3A_73, %add3A_443] : memref<128x128xf32, #tpu.memory_space<vmem>>[vector<16xi32>, vector<16xi32>], vector<16xf32>,
            %gather3A_445 = tpu.vector_load_idx %arg10[%add3A_73, %add3A_443] : memref<128x128xf32, #tpu.memory_space<vmem>>[vector<16xi32>, vector<16xi32>], vector<16xf32>,
            %mul3A_446 = arith.mulf %gather3A_444, %gather3A_445 : vector<16xf32>
            %add3A_447 = arith.addf %add3A_435, %mul3A_446 : vector<16xf32>
            %broadcast_in_dim3A_448 = arith.constant 0 : i32
            %broadcast_in_dim3A_449 = vector.broadcast %broadcast_in_dim3A_448 : i32 to vector<16xi32>
            %mul3A_450 = arith.constant 32 : i32
            %mul3A_451 = arith.muli %scan3A_87, %mul3A_450 : i32
            %add3A_452 = arith.constant 30 : i32
            %add3A_453 = arith.addi %mul3A_451, %add3A_452 : i32
            %add3A_454 = vector.broadcast %add3A_453 : i32 to vector<16xi32>
            %add3A_455 = arith.addi %broadcast_in_dim3A_449, %add3A_454 : vector<16xi32>
            %gather3A_456 = tpu.vector_load_idx %arg9[%add3A_73, %add3A_455] : memref<128x128xf32, #tpu.memory_space<vmem>>[vector<16xi32>, vector<16xi32>], vector<16xf32>,
            %gather3A_457 = tpu.vector_load_idx %arg10[%add3A_73, %add3A_455] : memref<128x128xf32, #tpu.memory_space<vmem>>[vector<16xi32>, vector<16xi32>], vector<16xf32>,
            %mul3A_458 = arith.mulf %gather3A_456, %gather3A_457 : vector<16xf32>
            %add3A_459 = arith.addf %add3A_447, %mul3A_458 : vector<16xf32>
            %broadcast_in_dim3A_460 = arith.constant 0 : i32
            %broadcast_in_dim3A_461 = vector.broadcast %broadcast_in_dim3A_460 : i32 to vector<16xi32>
            %mul3A_462 = arith.constant 32 : i32
            %mul3A_463 = arith.muli %scan3A_87, %mul3A_462 : i32
            %add3A_464 = arith.constant 31 : i32
            %add3A_465 = arith.addi %mul3A_463, %add3A_464 : i32
            %add3A_466 = vector.broadcast %add3A_465 : i32 to vector<16xi32>
            %add3A_467 = arith.addi %broadcast_in_dim3A_461, %add3A_466 : vector<16xi32>
            %gather3A_468 = tpu.vector_load_idx %arg9[%add3A_73, %add3A_467] : memref<128x128xf32, #tpu.memory_space<vmem>>[vector<16xi32>, vector<16xi32>], vector<16xf32>,
            %gather3A_469 = tpu.vector_load_idx %arg10[%add3A_73, %add3A_467] : memref<128x128xf32, #tpu.memory_space<vmem>>[vector<16xi32>, vector<16xi32>], vector<16xf32>,
            %mul3A_470 = arith.mulf %gather3A_468, %gather3A_469 : vector<16xf32>
            %add3A_471 = arith.addf %add3A_459, %mul3A_470 : vector<16xf32>
            scf.yield %add3A_471 : vector<16xf32>
          }
          %scan3A_80 = arith.constant 4 : i32
          %mul3A_81 = arith.constant 128 : i32
          %mul3A_82 = arith.muli %add3A_46, %mul3A_81 : i32
          %mul3A_83 = arith.constant 16 : i32
          %mul3A_84 = arith.muli %scan3A_69, %mul3A_83 : i32
          %add3A_85 = arith.addi %mul3A_82, %mul3A_84 : i32
          %swap3A = arith.index_cast %add3A_85 : i32 to index
          %swap3A_86 = tpu.vector_load %arg13[%swap3A] {strides = array<i32>} : memref<1664xf32, #tpu.memory_space<vmem>>, vector<16xf32>,
          tpu.vector_store %arg13[%swap3A], %scan3A_79 {strides = array<i32>} : memref<1664xf32, #tpu.memory_space<vmem>>, vector<16xf32>,
        }
        %scan3A_61 = arith.constant 8 : i32
        %add3A_62 = arith.constant 2 : i32
        %add3A_63 = arith.addi %add3A_46, %add3A_62 : i32
        %lt3A_64 = arith.constant 13 : i32
        %lt3A_65 = arith.cmpi slt, %add3A_63, %lt3A_64 : i32
        %convert_element_type3A_66 = arith.extui %lt3A_65 : i1 to i32
        %cond3A_67 = arith.constant 0 : i32
        %cond3A_68 = arith.cmpi ne, %convert_element_type3A_66, %cond3A_67 : i32
        scf.if %cond3A_68 {
          %add3A_69 = arith.constant 2 : i32
          %add3A_70 = arith.addi %add3A_46, %add3A_69 : i32
          %mul3A_71 = arith.constant 128 : i32
          %mul3A_72 = arith.muli %add3A_70, %mul3A_71 : i32
          %dma_start3A_73 = tpu.memref_slice %arg11[%mul3A_72] : memref<1664xi32, #tpu.memory_space<vmem>> -> memref<128xi32, #tpu.memory_space<vmem>>
          %dma_start3A_74 = arith.constant 0 : i32
          %dma_start3A_75 = arith.constant 0 : i32
          %dma_start3A_76 = tpu.memref_slice %arg2[%dma_start3A_74, %dma_start3A_75] : memref<10240x128xf32, #tpu.memory_space<hbm>> -> memref<10240x128xf32, #tpu.memory_space<hbm>>
          tpu.enqueue_indirect_dma source(%dma_start3A_76 : memref<10240x128xf32, #tpu.memory_space<hbm>>) target(%arg9 : memref<128x128xf32, #tpu.memory_space<vmem>>) offsets(%dma_start3A_73 : memref<128xi32, #tpu.memory_space<vmem>>) semaphore(%arg16 : memref<!tpu.dma_semaphore, #tpu.memory_space<semaphore_mem>>)
          %mul3A_77 = arith.constant 128 : i32
          %mul3A_78 = arith.muli %add3A_70, %mul3A_77 : i32
          %dma_start3A_79 = tpu.memref_slice %arg12[%mul3A_78] : memref<1664xi32, #tpu.memory_space<vmem>> -> memref<128xi32, #tpu.memory_space<vmem>>
          %dma_start3A_80 = arith.constant 0 : i32
          %dma_start3A_81 = arith.constant 0 : i32
          %dma_start3A_82 = tpu.memref_slice %arg3[%dma_start3A_80, %dma_start3A_81] : memref<10000x128xf32, #tpu.memory_space<hbm>> -> memref<10000x128xf32, #tpu.memory_space<hbm>>
          tpu.enqueue_indirect_dma source(%dma_start3A_82 : memref<10000x128xf32, #tpu.memory_space<hbm>>) target(%arg10 : memref<128x128xf32, #tpu.memory_space<vmem>>) offsets(%dma_start3A_79 : memref<128xi32, #tpu.memory_space<vmem>>) semaphore(%arg17 : memref<!tpu.dma_semaphore, #tpu.memory_space<semaphore_mem>>)
        } else {
        }
      } else {
      }
    }
    %scan3A_26 = arith.constant 7 : i32
    "tpu.region"() ({
      %run_scoped3A = tpu.sem_alloc : memref<!tpu.dma_semaphore, #tpu.memory_space<semaphore_mem>>
      %dma_start3A_27 = tpu.memref_slice %arg6[%mul3A_2] : memref<53248xf32, #tpu.memory_space<hbm>> -> memref<1664xf32, #tpu.memory_space<hbm>>
      %dma_start3A_28 = tpu.memref_slice %arg6[%mul3A_2] : memref<53248xf32, #tpu.memory_space<hbm>> -> memref<1664xf32, #tpu.memory_space<hbm>>
      tpu.enqueue_dma source(%arg13 : memref<1664xf32, #tpu.memory_space<vmem>>) target(%dma_start3A_28 : memref<1664xf32, #tpu.memory_space<hbm>>) target_semaphore(%run_scoped3A : memref<!tpu.dma_semaphore, #tpu.memory_space<semaphore_mem>>)
      %dma_wait3A = tpu.memref_slice %arg6[%mul3A_2] : memref<53248xf32, #tpu.memory_space<hbm>> -> memref<1664xf32, #tpu.memory_space<hbm>>
      %dma_wait3A_29 = tpu.memref_slice %arg6[%mul3A_2] : memref<53248xf32, #tpu.memory_space<hbm>> -> memref<1664xf32, #tpu.memory_space<hbm>>
      tpu.wait_dma2 semaphore(%run_scoped3A : memref<!tpu.dma_semaphore, #tpu.memory_space<semaphore_mem>>) src(%arg13 : memref<1664xf32, #tpu.memory_space<vmem>>) dst(%dma_wait3A_29 : memref<1664xf32, #tpu.memory_space<hbm>>)
      tpu.yield
    }) : () -> ()
    return
  }
}

module attributes {stable_mosaic.version = 14 : i64} {
  func.func @_mlp_body(%arg0: i32, %arg1: memref<2048x128xf32, #tpu.memory_space<vmem>>, %arg2: memref<2048x1xf32, #tpu.memory_space<vmem>>, %arg3: memref<1x128xf32, #tpu.memory_space<vmem>>, %arg4: memref<1x128xf32, #tpu.memory_space<vmem>>, %arg5: memref<128x128xf32, #tpu.memory_space<vmem>>, %arg6: memref<1x128xf32, #tpu.memory_space<vmem>>, %arg7: memref<2048x128xf32, #tpu.memory_space<vmem>>) attributes {dimension_semantics = [#tpu.dimension_semantics<arbitrary>], iteration_bounds = array<i64: 248>, scalar_prefetch = 0 : i64, scratch_operands = 0 : i64, tpu.core_type = #tpu.core_type<tc>, window_params = [{transform_indices = @transform_0, window_bounds = array<i64: 2048, 128>}, {transform_indices = @transform_1, window_bounds = array<i64: 2048, 1>}, {pipeline_mode = #tpu.pipeline_mode<synchronous>, transform_indices = @transform_2, window_bounds = array<i64: 1, 128>}, {pipeline_mode = #tpu.pipeline_mode<synchronous>, transform_indices = @transform_3, window_bounds = array<i64: 1, 128>}, {pipeline_mode = #tpu.pipeline_mode<synchronous>, transform_indices = @transform_4, window_bounds = array<i64: 128, 128>}, {pipeline_mode = #tpu.pipeline_mode<synchronous>, transform_indices = @transform_5, window_bounds = array<i64: 1, 128>}, {transform_indices = @transform_6, window_bounds = array<i64: 2048, 128>}]} {
    %get3A = arith.constant 0 : index
    %get3A_0 = arith.constant 0 : index
    %get3A_1 = vector.load %arg2[%get3A, %get3A_0] : memref<2048x1xf32, #tpu.memory_space<vmem>>, vector<2048x1xf32>
    %mul3A = arith.constant 2.000000e-01 : f32
    %mul3A_2 = vector.broadcast %mul3A : f32 to vector<2048x1xf32>
    %mul3A_3 = arith.mulf %get3A_1, %mul3A_2 : vector<2048x1xf32>
    %get3A_4 = arith.constant 0 : index
    %get3A_5 = arith.constant 0 : index
    %get3A_6 = vector.load %arg3[%get3A_4, %get3A_5] : memref<1x128xf32, #tpu.memory_space<vmem>>, vector<1x128xf32>
    %mul3A_7 = vector.broadcast %mul3A_3 : vector<2048x1xf32> to vector<2048x128xf32>
    %mul3A_8 = vector.broadcast %get3A_6 : vector<1x128xf32> to vector<2048x128xf32>
    %mul3A_9 = arith.mulf %mul3A_7, %mul3A_8 : vector<2048x128xf32>
    %get3A_10 = arith.constant 0 : index
    %get3A_11 = arith.constant 0 : index
    %get3A_12 = vector.load %arg4[%get3A_10, %get3A_11] : memref<1x128xf32, #tpu.memory_space<vmem>>, vector<1x128xf32>
    %add3A = vector.broadcast %get3A_12 : vector<1x128xf32> to vector<2048x128xf32>
    %add3A_13 = arith.addf %mul3A_9, %add3A : vector<2048x128xf32>
    %logistic3A = arith.negf %add3A_13 : vector<2048x128xf32>
    %logistic3A_14 = math.exp %logistic3A : vector<2048x128xf32>
    %logistic3A_15 = arith.constant 1.000000e+00 : f32
    %logistic3A_16 = vector.broadcast %logistic3A_15 : f32 to vector<2048x128xf32>
    %logistic3A_17 = arith.addf %logistic3A_16, %logistic3A_14 : vector<2048x128xf32>
    %logistic3A_18 = arith.divf %logistic3A_16, %logistic3A_17 : vector<2048x128xf32>
    %get3A_19 = arith.constant 0 : index
    %get3A_20 = arith.constant 0 : index
    %get3A_21 = vector.load %arg1[%get3A_19, %get3A_20] : memref<2048x128xf32, #tpu.memory_space<vmem>>, vector<2048x128xf32>
    %mul3A_22 = arith.mulf %get3A_21, %logistic3A_18 : vector<2048x128xf32>
    %get3A_23 = arith.constant 0 : index
    %get3A_24 = arith.constant 0 : index
    %get3A_25 = vector.load %arg5[%get3A_23, %get3A_24] : memref<128x128xf32, #tpu.memory_space<vmem>>, vector<128x128xf32>
    %dot_general3A = arith.constant dense<0.000000e+00> : vector<2048x128xf32>
    %dot_general3A_26 = tpu.matmul %mul3A_22, %get3A_25, %dot_general3A {dimension_numbers = #tpu.dot_dimension_numbers<[1], [0], [0], [1], [0, 0, 1, 1], [], []>, transpose_lhs_hint = false} : vector<2048x128xf32>, vector<128x128xf32>, vector<2048x128xf32> -> vector<2048x128xf32>
    %get3A_27 = arith.constant 0 : index
    %get3A_28 = arith.constant 0 : index
    %get3A_29 = vector.load %arg6[%get3A_27, %get3A_28] : memref<1x128xf32, #tpu.memory_space<vmem>>, vector<1x128xf32>
    %add3A_30 = vector.broadcast %get3A_29 : vector<1x128xf32> to vector<2048x128xf32>
    %add3A_31 = arith.addf %dot_general3A_26, %add3A_30 : vector<2048x128xf32>
    %logistic3A_32 = arith.negf %add3A_31 : vector<2048x128xf32>
    %logistic3A_33 = math.exp %logistic3A_32 : vector<2048x128xf32>
    %logistic3A_34 = arith.constant 1.000000e+00 : f32
    %logistic3A_35 = vector.broadcast %logistic3A_34 : f32 to vector<2048x128xf32>
    %logistic3A_36 = arith.addf %logistic3A_35, %logistic3A_33 : vector<2048x128xf32>
    %logistic3A_37 = arith.divf %logistic3A_35, %logistic3A_36 : vector<2048x128xf32>
    %swap3A = arith.constant 0 : index
    %swap3A_38 = arith.constant 0 : index
    %swap3A_39 = vector.load %arg7[%swap3A, %swap3A_38] : memref<2048x128xf32, #tpu.memory_space<vmem>>, vector<2048x128xf32>
    tpu.vector_store %arg7[%swap3A, %swap3A_38], %logistic3A_37 {strides = array<i32>} : memref<2048x128xf32, #tpu.memory_space<vmem>>, vector<2048x128xf32>,
    return
  }
  func.func @transform_0(%arg0: i32) -> (i32, i32) {
    %c0_i32 = arith.constant 0 : i32
    %c0_i32_0 = arith.constant 0 : i32
    return %arg0, %c0_i32 : i32, i32
  }
  func.func @transform_1(%arg0: i32) -> (i32, i32) {
    %c0_i32 = arith.constant 0 : i32
    %c0_i32_0 = arith.constant 0 : i32
    return %arg0, %c0_i32 : i32, i32
  }
  func.func @transform_2(%arg0: i32) -> (i32, i32) {
    %c0_i32 = arith.constant 0 : i32
    %c0_i32_0 = arith.constant 0 : i32
    %c0_i32_1 = arith.constant 0 : i32
    return %c0_i32, %c0_i32_0 : i32, i32
  }
  func.func @transform_3(%arg0: i32) -> (i32, i32) {
    %c0_i32 = arith.constant 0 : i32
    %c0_i32_0 = arith.constant 0 : i32
    %c0_i32_1 = arith.constant 0 : i32
    return %c0_i32, %c0_i32_0 : i32, i32
  }
  func.func @transform_4(%arg0: i32) -> (i32, i32) {
    %c0_i32 = arith.constant 0 : i32
    %c0_i32_0 = arith.constant 0 : i32
    %c0_i32_1 = arith.constant 0 : i32
    return %c0_i32, %c0_i32_0 : i32, i32
  }
  func.func @transform_5(%arg0: i32) -> (i32, i32) {
    %c0_i32 = arith.constant 0 : i32
    %c0_i32_0 = arith.constant 0 : i32
    %c0_i32_1 = arith.constant 0 : i32
    return %c0_i32, %c0_i32_0 : i32, i32
  }
  func.func @transform_6(%arg0: i32) -> (i32, i32) {
    %c0_i32 = arith.constant 0 : i32
    %c0_i32_0 = arith.constant 0 : i32
    return %arg0, %c0_i32 : i32, i32
  }
}

</mosaic_0001>

<sc_bundles>
// kernel: kernel.10.cloned.1.call-start
scs
__scs_entry_jumppad:
0x0: {  	(pc) =	sbr.rel $0x88, $3  }
0x1: {  	(tag) =	ssettag $0x0;
	lr =	simm.s32 $0x1  }
0x2: {  	[smem:$0x3F97] =	sst lr;
	_ =	strace $0xD0000000  }
0x3: {  	_ = 	snop  }
0x4: {  	_ = 	snop  }
0x5: {  	_ = 	snop  }
0x6: {  	_ = 	snop  }
0x7: {  	_ = 	snop  }
__scs_overlays_trampoline_lowered:
0x8: {  	[smem:$0x3FA6] =	sst s0  }
0x9: {  	[smem:$0x3FA7] =	sst s1  }
0xa: {  	[smem:$0x3FA8] =	sst s2  }
0xb: {  	[smem:$0x3FA9] =	sst s3  }
0xc: {  	[smem:$0x3FAA] =	sst s4  }
0xd: {  	[smem:$0x3FAB] =	sst s5  }
0xe: {  	[smem:$0x3FAC] =	sst s6  }
0xf: {  	[smem:$0x3FAD] =	sst s7  }
0x10: {  	[smem:$0x3FAE] =	sst s8  }
0x11: {  	[smem:$0x3FAF] =	sst s9;
	s0 =	simm.s32 @!p0 $0x0  }
0x12: {  	s1 =	sld [smem:$0x3F95];
	s0 =	simm.s32 @p0 $0x1  }
0x13: {  	[smem:$0x3FB0] =	sst s0;
	s0 =	simm.s32 @!p1 $0x0  }
0x14: {  	s2 =	sld [smem:$0x3F94];
	s0 =	simm.s32 @p1 $0x1  }
0x15: {  	[smem:$0x3FB1] =	sst s0;
	s0 =	simm.s32 @!p2 $0x0  }
0x16: {  	s3 =	sld [smem:$0x3FDB];
	s0 =	simm.s32 @p2 $0x1  }
0x17: {  	s4 =	simm.s32 $0x1BF5;
	[smem:$0x3FB3] =	sst s0  }
0x18: {  	s0 =	sld [smem:$0x3F96];
	_ =	swait.ge [sflag:s4], $0x0  }
0x19: {  	s7 =	sld [smem:$0x3F97]  }
0x1a: {  	s8 =	sadd.s32 $0xFFFFE003, lr  }
0x1b: {  	s9 =	sadd.s32 $0xFFFFFEF7, lr;
	s5 =	simm.s32 $0xFFFFFFFF;
	p2 =	slt.u32 s8, $0xFFFFF086  }
0x1c: {  	p1 =	slt.u32 s9, $0xF7A;
	s5 =	simm.s32 @!p2 $0x0  }
0x1d: {  	s5 =	simm.s32 @p1 $0x1;
	p0 =	seq.s32 s7, s2  }
0x1e: {  	s7 =	smul.u32 @!p0 $0xF7A, s2;
	p2 =	seq.s32 @!p0 s5, $0x0  }
0x1f: {  	s9 =	smul.u32 $0xF7A, s1;
	s8 =	simm.s32 @!p0 $0x1BF5;
	p2 =	por !p2, p0  }
0x20: {  	[sflag:s8] =	ssyncset.s32 @!p0 $0xFFFFF086;
	s6 =	sadd.s32 @!p0 s3, s7;
	s7 =	simm.s32 @!p0 $0x108  }
0x21: {  	s3 =	sadd.s32 s3, s9;
	s6 =	sadd.s32 @!p0 $0x88, s6;
	s7 =	simm.s32 @p2 $0x1082  }
0x22: {  	[simem:s7], [sflag:s8] =	dma.local @!p0 [hbm:s6], $0xF7A  }
0x23: {  	s9 =	sor.u32 $0xD0000000, s2;
	s6 =	simm.s32 $0x108;
	_ =	swait.ge @!p0 [sflag:s8], $0x0  }
0x24: {  	s3 =	sadd.s32 $0x88, s3;
	s6 =	simm.s32 @!p1 $0x1082;
	[sflag:s4] =	ssyncset.s32 $0xFFFFF086  }
0x25: {  	[simem:s6], [sflag:s4] =	dma.local [hbm:s3], $0xF7A  }
0x26: {  	[smem:$0x3F97] =	sst s1;
	(tag) =	ssettag s2;
	_ =	strace s9  }
0x27: {  	s1 =	sld [smem:$0x3FA7]  }
0x28: {  	s2 =	sld [smem:$0x3FA8]  }
0x29: {  	s4 =	sld [smem:$0x3FAA]  }
0x2a: {  	p0 =	seq.s32 s5, $0x0;
	s5 =	sld [smem:$0x3FAB]  }
0x2b: {  	s6 =	sld [smem:$0x3FAC]  }
0x2c: {  	s7 =	sld [smem:$0x3FAD]  }
0x2d: {  	s3 =	simm.s32 $0x108;
	s8 =	sld [smem:$0x3FAE]  }
0x2e: {  	s3 =	simm.s32 @!p0 $0x1082;
	s9 =	sld [smem:$0x3FAF]  }
0x2f: {  	lr =	sadd.s32 s0, s3;
	s0 =	sld [smem:$0x3FA6]  }
0x30: {  	s3 =	sld [smem:$0x3FA9]  }
0x31: {  	[smem:$0x3FB2] =	sst s10  }
0x32: {  	s10 =	sld [smem:$0x3FB0];
	_ =	sdelay $0x3  }
0x33: {  	p0 =	seq.s32 s10, $0x1;
	s10 =	sld [smem:$0x3FB2];
	_ =	sdelay $0x3  }
0x34: {  	[smem:$0x3FB2] =	sst s10  }
0x35: {  	s10 =	sld [smem:$0x3FB1];
	_ =	sdelay $0x3  }
0x36: {  	p1 =	seq.s32 s10, $0x1;
	s10 =	sld [smem:$0x3FB2];
	_ =	sdelay $0x3  }
0x37: {  	[smem:$0x3FB2] =	sst s10  }
0x38: {  	s10 =	sld [smem:$0x3FB3]  }
0x39: {  	_ = 	snop;
	(pc) =	sbr.ind lr, $3  }
0x3a: {  	_ = 	snop  }
0x3b: {  	_ = 	snop  }
0x3c: {  	p2 =	seq.s32 s10, $0x1;
	s10 =	sld [smem:$0x3FB2]  }
0x3d: {  	_ =	shalt  }
0x3e: {  	_ =	shalt  }
0x3f: {  	_ =	shalt  }
0x40: {  	_ =	shalt  }
0x41: {  	_ =	shalt  }
0x42: {  	_ =	shalt  }
0x43: {  	_ =	shalt  }
0x44: {  	_ =	shalt  }
0x45: {  	_ =	shalt  }
0x46: {  	_ =	shalt  }
0x47: {  	_ =	shalt  }
0x48: {  	_ =	shalt  }
0x49: {  	_ =	shalt  }
0x4a: {  	_ =	shalt  }
0x4b: {  	_ =	shalt  }
0x4c: {  	_ =	shalt  }
0x4d: {  	_ =	shalt  }
0x4e: {  	_ =	shalt  }
0x4f: {  	_ =	shalt  }
0x50: {  	_ =	shalt  }
0x51: {  	_ =	shalt  }
0x52: {  	_ =	shalt  }
0x53: {  	_ =	shalt  }
0x54: {  	_ =	shalt  }
0x55: {  	_ =	shalt  }
0x56: {  	_ =	shalt  }
0x57: {  	_ =	shalt  }
0x58: {  	_ =	shalt  }
0x59: {  	_ =	shalt  }
0x5a: {  	_ =	shalt  }
0x5b: {  	_ =	shalt  }
0x5c: {  	_ =	shalt  }
0x5d: {  	_ =	shalt  }
0x5e: {  	_ =	shalt  }
0x5f: {  	_ =	shalt  }
0x60: {  	_ =	shalt  }
0x61: {  	_ =	shalt  }
0x62: {  	_ =	shalt  }
0x63: {  	_ =	shalt  }
0x64: {  	_ =	shalt  }
0x65: {  	_ =	shalt  }
0x66: {  	_ =	shalt  }
0x67: {  	_ =	shalt  }
0x68: {  	_ =	shalt  }
0x69: {  	_ =	shalt  }
0x6a: {  	_ =	shalt  }
0x6b: {  	_ =	shalt  }
0x6c: {  	_ =	shalt  }
0x6d: {  	_ =	shalt  }
0x6e: {  	_ =	shalt  }
0x6f: {  	_ =	shalt  }
0x70: {  	_ =	shalt  }
0x71: {  	_ =	shalt  }
0x72: {  	_ =	shalt  }
0x73: {  	_ =	shalt  }
0x74: {  	_ =	shalt  }
0x75: {  	_ =	shalt  }
0x76: {  	_ =	shalt  }
0x77: {  	_ =	shalt  }
0x78: {  	_ =	shalt  }
0x79: {  	_ =	shalt  }
0x7a: {  	_ =	shalt  }
0x7b: {  	_ =	shalt  }
0x7c: {  	_ =	shalt  }
0x7d: {  	_ =	shalt  }
0x7e: {  	_ =	shalt  }
0x7f: {  	_ =	shalt  }
0x80: {  	_ =	shalt  }
0x81: {  	_ =	shalt  }
0x82: {  	_ =	shalt  }
0x83: {  	_ =	shalt  }
0x84: {  	_ =	shalt  }
0x85: {  	_ =	shalt  }
0x86: {  	_ =	shalt  }
0x87: {  	_ =	shalt  }
.Lfunc_end0:
.L_simem_size_0:
called_computation.1_lowered:
.L_overlay_start_0:
0x88: {  	s2 =	sld [smem:$0x3FD9]  }
0x89: {  	s3 =	sld [smem:$0x3FFE];
	_ =	sdelay $0x1  }
0x8a: {  	s1 =	srdreg.scid  }
0x8b: {  	s0 =	sand.u32 $0x1, s1  }
0x8c: {  	s17 =	sshll.u32 s0, $0xA;
	s2 =	sadd.s32 s3, s2  }
0x8d: {  	s2 =	sadd.s32 s2, s17  }
0x8e: {  	[smem:$0x3FBE] =	sst s2  }
0x8f: {  	_ = 	snop  }
0x90: {  	(tm) =	ssettm $0x1  }
0x91: {  	s18 =	sld [smem:$0x3FFB];
	_ =	sdelay $0x3  }
0x92: {  	_ =	strace s18  }
0x93: {  	s2 =	sld [smem:$0x3FFC];
	_ =	sdelay $0x3  }
0x94: {  	_ =	strace s2  }
0x95: {  	s2 =	sld [smem:$0x3FFD];
	_ =	sdelay $0x3  }
0x96: {  	_ =	strace s2  }
0x97: {  	_ =	strace $0x8FFFFFFF  }
0x98: {  	s19 =	sld [smem:$0x3FDB];
	_ =	sdelay $0x1  }
0x99: {  	s20 =	simm.s32 $_scs_section_size  }
0x9a: {  	s4 =	simm.s32 $_size__tile_overlayer_lowered;
	s5 =	simm.s32 $_tile_overlayer_lowered  }
0x9b: {  	s6 =	simm.s32 $0x1BFF;
	s21 =	sshll.u32 s5, $0x1;
	s3 =	sadd.s32 s20, s19  }
0x9c: {  	s22 =	simm.s32 $0x0;
	s4 =	sshll.u32 s4, $0x1;
	s5 =	sadd.s32 s21, s3  }
0x9d: {  	[timem:s22], [sflag:s6] =	dma.local [hbm:s5], s4  }
0x9e: {  	_ =	swait.ge [sflag:s6], s4  }
0x9f: {  	s4 =	ssub.s32 $0x0, s4;
	[sflag:s6] =	ssyncset.done $0x0  }
0xa0: {  	[sflag:s6] =	ssyncadd.s32 s4;
	_ =	sdelay $0x1  }
0xa1: {  	s23 =	simm.s32 $0x1B8B  }
0xa2: {  	_ =	swait.ge [sflag:s23], $0x1  }
0xa3: {  	[sflag:s23] =	ssyncset.done $0x0  }
0xa4: {  	[sflag:s23] =	ssyncadd.s32 $0xFFFFFFFF  }
0xa5: {  	s4 =	sld [smem:$0x0]  }
0xa6: {  	s5 =	sand.u32 $0xFFFFFFFE, s1  }
0xa7: {  	p0 =	sne.s32 s1, s5  }
0xa8: {  	s5 =	sshll.u32 @p0 s5, $0xE  }
0xa9: {  	s5 =	sadd.s32 @p0 $0x11B8D, s5;
	s6 =	sshll.u32 @p0 s4, $0x11  }
0xaa: {  	s5 =	sor.u32 @p0 s6, s5  }
0xab: {  	[sflag:s5] =	ssyncadd.remote.s32 @p0 $0x1;
	_ =	sdelay $0x1  }
0xac: {  	s5 =	simm.s32 @p0 $0x1B8D  }
0xad: {  	_ =	swait.eq @p0 [sflag:s5], $0x1  }
0xae: {  	[sflag:s5] =	ssyncadd.s32 @p0 $0xFFFFFFFF  }
0xaf: {  	s6 =	sshll.u32 @!p0 s1, $0xE  }
0xb0: {  	s6 =	sor.u32 @!p0 $0x4000, s6;
	s5 =	simm.s32 @!p0 $0x1B8D  }
0xb1: {  	s4 =	sshll.u32 @!p0 s4, $0x11;
	s6 =	sadd.s32 @!p0 $0x11B8D, s6;
	_ =	swait.eq @!p0 [sflag:s5], $0x1  }
0xb2: {  	s4 =	sor.u32 @!p0 s4, s6;
	[sflag:s5] =	ssyncadd.s32 @!p0 $0xFFFFFFFF  }
0xb3: {  	s25 =	simm.s32 $0x1B8E;
	s24 =	sld [smem:$0x3FFE];
	[sflag:s4] =	ssyncadd.remote.s32 @!p0 $0x1  }
0xb4: {  	s26 =	simm.s32 $execute0_lowered;
	[smem:$0x3FD2] =	sst s25  }
0xb5: {  	s5 =	sshll.u32 s26, $0x1;
	_ =	strace $0x8000004C;
	[dreg:$0x1] =	wrdreg $0xFFFFFFFF  }
0xb6: {  	s28 =	simm.s32 $_size_execute0_lowered;
	s3 =	sadd.s32 s3, s5;
	[dreg:$0x0] =	wrdreg $0x0  }
0xb7: {  	s5 =	sshll.u32 s28, $0x1;
	[dreg:$0x2] =	wrdreg s3  }
0xb8: {  	[dreg:$0x3] =	wrdreg s5  }
0xb9: {  	[dreg:$0x4] =	wrdreg $0xC0  }
0xba: {  	_ =	task [dreg:s22], $0x5FFFF  }
0xbb: {  	[dreg:$0x1] =	wrdreg $0xFFFFFFFF  }
0xbc: {  	[dreg:$0x0] =	wrdreg $0x60  }
0xbd: {  	[dreg:$0x2] =	wrdreg s24  }
0xbe: {  	[dreg:$0x3] =	wrdreg $0xA9000  }
0xbf: {  	[dreg:$0x4] =	wrdreg $0xA  }
0xc0: {  	_ =	task.clear_ibuf [dreg:s22], $0x5FFFF;
	_ =	strace $0x9000004C  }
0xc1: {  	s29 =	simm.s32 $0xA;
	_ =	strace $0x8000004E  }
0xc2: {  	_ =	swait.ge [sflag:s29], $0x1  }
0xc3: {  	[sflag:s29] =	ssyncadd.s32 $0xFFFFFFFF  }
0xc4: {  	_ =	strace $0x9000004E  }
0xc5: {  	_ =	sfence  }
0xc6: {  	s30 =	sld [smem:$0x0];
	_ =	sdelay $0x2  }
0xc7: {  	s31 =	sshll.u32 s1, $0xD;
	s1 =	sshrl.u32 s1, $0x2  }
0xc8: {  	s4 =	sand.u32 $0x4000, s31;
	s1 =	sadd.s32 s1, s30  }
0xc9: {  	s0 =	sor.u32 s4, s0;
	s1 =	sshll.u32 s1, $0x11  }
0xca: {  	s0 =	sor.u32 s1, s0  }
0xcb: {  	s0 =	sadd.s32 $0x8F2B, s0  }
0xcc: {  	[sflag:s0] =	ssyncadd.remote.s32 $0x1  }
0xcd: {  	_ =	sfence.sel $0xFFFF  }
0xce: {  	[dreg:$0x0] =	wrdreg $0xFFFFFFFF;
	(pc) =	sbr.abs _section_cstart, $3  }
0xcf: {  	[dreg:$0x1] =	wrdreg $0xFFFFFFFF  }
0xd0: {  	_ =	task.clear_ibuf [dreg:s22], $0x2FFFF;
	_ =	strace $0x9FFFFFFF  }
0xd1: {  	(tm) =	ssettm $0x7FFFFFFF  }
tec
execute0_lowered:
.L_overlay_start_1:
0x0: {  	(tag) =	ssettag $0x1  }
0x1: {  	s0 =	rddreg [dreg:$0x0]  }
0x2: {  	s2 =	rddreg [dreg:$0x1];
	s1 =	srdreg.scid  }
0x3: {  	s14 =	stileid.u32;
	s3 =	simm.s32 $0x0;
	s28 =	simm.s32 $0x1  }
0x4: {  	s29 =	simm.s32 $0x3;
	s30 =	simm.s32 $0x80;
	s4 =	smul.u32 $0x14000, s14  }
0x5: {  	s31 =	simm.s32 $0x2;
	s1 =	sand.u32 $0x1, s1;
	s7 =	smul.u32 $0x50000, s14  }
0x6: {  	[smem:$0x7FF] =	sst s3;
	s6 =	sadd.s32 $0xFFD000, s0;
	s20 =	smul.u32 $0x7C00, s14  }
0x7: {  	s8 =	sadd.s32 $0x82D800, s0;
	s13 =	sshll.u32 s14, $0x1;
	s5 =	smul.u32 $0x140000, s1  }
0x8: {  	_ =	strace $0x8000004D;
	s9 =	ssub.s32 $0x2, s1;
	s10 =	sor.u32 s1, s13  }
0x9: {  	s1 =	smul.u32 $0x3E00, s1;
	s12 =	sshrl.u32 s9, $0x1;
	s7 =	sshrl.u32 s7, $0x2  }
0xa: {  	s13 =	smul.u32 $0x3E000, s10;
	s5 =	sadd.s32 s4, s5;
	s7 =	sadd.s32 s7, s2  }
0xb: {  	s4 =	sadd.s32 s4, s2;
	s1 =	sadd.s32 s1, s20;
	s5 =	sshrl.u32 s5, $0x3  }
0xc: {  	s15 =	sadd.s32 $0x2800, s7;
	s16 =	sadd.s32 $0x5000, s7;
	s17 =	sadd.s32 $0x7800, s7  }
0xd: {  	s18 =	sadd.s32 $0xA000, s7;
	s19 =	sadd.s32 $0xC800, s7;
	[dreg:$0x3] =	wrdreg s15  }
0xe: {  	s11 =	sadd.s32 $0x11800, s7;
	s23 =	sor.u32 $0x180, s1;
	[dreg:$0x4] =	wrdreg s16  }
0xf: {  	s1 =	sor.u32 $0x100, s1;
	s0 =	sadd.s32 s5, s0;
	[dreg:$0x5] =	wrdreg s17  }
0x10: {  	s5 =	ssub.s32 s9, s12;
	s12 =	smul.u32 $0x3E00, s10;
	[dreg:$0x6] =	wrdreg s18  }
0x11: {  	[dreg:$0x7] =	wrdreg s19;
	s10 =	sadd.s32 $0xF000, s7;
	s24 =	sshrl.u32 s23, $0x3  }
0x12: {  	s25 =	sshrl.u32 s1, $0x3;
	s26 =	sshll.u32 s1, $0x4;
	s1 =	simm.s32 $0x0  }
0x13: {  	s16 =	sadd.s32 $0x83D000, s0;
	s17 =	smax.u32 s5, $0x1;
	s18 =	sadd.s32 s24, s8  }
0x14: {  	s0 =	sshll.u32 s23, $0x4;
	s20 =	sadd.s32 s25, s8;
	s23 =	simm.s32 $0x5  }
0x15: {  	s24 =	simm.s32 $0x8000;
	s25 =	simm.s32 $0x4000;
	s21 =	sshrl.u32 s12, $0x3  }
0x16: {  	s15 =	sor.u32 $0x80, s12;
	s12 =	sadd.s32 s6, s13;
	s19 =	sadd.s32 s0, s6  }
0x17: {  	s0 =	simm.s32 $0x4;
	s13 =	sadd.s32 s8, s21;
	s22 =	sshll.u32 s15, $0x4  }
0x18: {  	s15 =	sshrl.u32 s15, $0x3;
	s21 =	sadd.s32 s26, s6;
	s26 =	simm.s32 $0x8080  }
0x19: {  	v0 =	vimm.f32 $0.0e+00;
	s14 =	sadd.s32 s6, s22;
	s15 =	sadd.s32 s8, s15;
	s22 =	simm.s32 $0x8100  }
.LBB2_1:
0x1a: {  	s5 =	sand.u32 $0xFE00, s3  }
0x1b: {  	s6 =	sand.u32 $0x70, s3;
	s7 =	sshrl.u32 s5, $0x2  }
0x1c: {  	s5 =	simm.s32 $0x40;
	s7 =	sor.u32 s6, s7;
	s6 =	simm.s32 $0x0  }
.LBB2_2:
0x1d: {  	p0 =	sne.s32 s5, $0x9FC0  }
0x1e: {  	[tilespmem:s7+$0x8100] =	vst v0;
	s6 =	sadd.s32 $0x10, s6;
	s7 =	smov.u32 s5;
	s5 =	sadd.s32 $0x40, s5  }
.Ltmp0:
0x1f: {  	(pc) =	sbr.rel @p0 .LBB2_2-.Ltmp0, $4  }
0x20: {  	_ = 	snop  }
0x21: {  	s7 =	sand.u32 $0xFE00, s7  }
0x22: {  	s8 =	sand.u32 $0x70, s6;
	s7 =	sshrl.u32 s7, $0x2  }
0x23: {  	s7 =	sor.u32 s8, s7  }
0x24: {  	[tilespmem:s7+$0x8100] =	vst v0  }
0x25: {  	[spmem:s4] =	stream.linear.scatter [tilespmem:s22], [sflag:$0x5], $0x2800, $0x38;
	[tilespmem:$0x1E900] =	vst v63  }
0x26: {  	_ =	swait.ge [sflag:s23], $0x2800  }
0x27: {  	[sflag:s23] =	ssyncset.done $0x0  }
0x28: {  	s5 =	rddreg [dreg:$0x3];
	[sflag:s23] =	ssyncadd.s32 $0xFFFFD800  }
0x29: {  	[spmem:s5] =	stream.linear.scatter [tilespmem:s22], [sflag:$0x5], $0x2800, $0x38;
	[tilespmem:$0x1E900] =	vst v63  }
0x2a: {  	_ =	swait.ge [sflag:s23], $0x2800  }
0x2b: {  	[sflag:s23] =	ssyncset.done $0x0  }
0x2c: {  	s8 =	rddreg [dreg:$0x4];
	[sflag:s23] =	ssyncadd.s32 $0xFFFFD800  }
0x2d: {  	[spmem:s8] =	stream.linear.scatter [tilespmem:s22], [sflag:$0x5], $0x2800, $0x38;
	[tilespmem:$0x1E900] =	vst v63  }
0x2e: {  	_ =	swait.ge [sflag:s23], $0x2800  }
0x2f: {  	[sflag:s23] =	ssyncset.done $0x0  }
0x30: {  	s9 =	rddreg [dreg:$0x5];
	[sflag:s23] =	ssyncadd.s32 $0xFFFFD800  }
0x31: {  	[spmem:s9] =	stream.linear.scatter [tilespmem:s22], [sflag:$0x5], $0x2800, $0x38;
	[tilespmem:$0x1E900] =	vst v63  }
0x32: {  	_ =	swait.ge [sflag:s23], $0x2800  }
0x33: {  	[sflag:s23] =	ssyncset.done $0x0  }
0x34: {  	s6 =	rddreg [dreg:$0x6];
	[sflag:s23] =	ssyncadd.s32 $0xFFFFD800  }
0x35: {  	[spmem:s6] =	stream.linear.scatter [tilespmem:s22], [sflag:$0x5], $0x2800, $0x38;
	[tilespmem:$0x1E900] =	vst v63  }
0x36: {  	_ =	swait.ge [sflag:s23], $0x2800  }
0x37: {  	[sflag:s23] =	ssyncset.done $0x0  }
0x38: {  	s7 =	rddreg [dreg:$0x7];
	[sflag:s23] =	ssyncadd.s32 $0xFFFFD800  }
0x39: {  	[spmem:s7] =	stream.linear.scatter [tilespmem:s22], [sflag:$0x5], $0x2800, $0x38;
	[tilespmem:$0x1E900] =	vst v63  }
0x3a: {  	_ =	swait.ge [sflag:s23], $0x2800  }
0x3b: {  	[sflag:s23] =	ssyncset.done $0x0  }
0x3c: {  	[sflag:s23] =	ssyncadd.s32 $0xFFFFD800  }
0x3d: {  	[spmem:s10] =	stream.linear.scatter [tilespmem:s22], [sflag:$0x5], $0x2800, $0x38;
	[tilespmem:$0x1E900] =	vst v63  }
0x3e: {  	_ =	swait.ge [sflag:s23], $0x2800  }
0x3f: {  	[sflag:s23] =	ssyncset.done $0x0  }
0x40: {  	[sflag:s23] =	ssyncadd.s32 $0xFFFFD800  }
0x41: {  	[spmem:s11] =	stream.linear.scatter [tilespmem:s22], [sflag:$0x5], $0x2800, $0x38;
	[tilespmem:$0x1E900] =	vst v63  }
0x42: {  	_ =	swait.ge [sflag:s23], $0x2800  }
0x43: {  	[sflag:s23] =	ssyncset.done $0x0  }
0x44: {  	[sflag:s23] =	ssyncadd.s32 $0xFFFFD800  }
0x45: {  	s8 =	simm.s32 $0x0;
	[bflag:$0x0] =	sbarrier.arrive $0xFFFF  }
0x46: {  	[tilespmem:s8], [sflag:$0x1] =	stream.linear.gather [hbm4b:s12+s8], $0x4000, $0x38;
	[tilespmem:$0x1E900] =	vst v63  }
0x47: {  	_ = 	snop  }
0x48: {  	[tilespmem:s24], [sflag:$0x3] =	stream.linear.gather [hbm4b:s13+s8], $0x80, $0x38;
	[tilespmem:$0x1E900] =	vst v63  }
0x49: {  	_ = 	snop  }
0x4a: {  	[tilespmem:s25], [sflag:$0x2] =	stream.linear.gather [hbm4b:s14+s8], $0x4000, $0x38;
	[tilespmem:$0x1E900] =	vst v63  }
0x4b: {  	_ = 	snop  }
0x4c: {  	[tilespmem:s26], [sflag:$0x4] =	stream.linear.gather [hbm4b:s15+s8], $0x80, $0x38;
	[tilespmem:$0x1E900] =	vst v63  }
0x4d: {  	_ =	swait.ge [sflag:s28], $0x4000  }
0x4e: {  	[sflag:s28] =	ssyncset.done $0x0  }
0x4f: {  	[sflag:s28] =	ssyncadd.s32 $0xFFFFC000  }
0x50: {  	_ =	swait.ge [sflag:s29], $0x80  }
0x51: {  	[sflag:s29] =	ssyncset.done $0x0  }
0x52: {  	[sflag:s29] =	ssyncadd.s32 $0xFFFFFF80  }
0x53: {  	[spmem:s2] =	stream.indirect.scatter.add.f32 [tilespmem:s3], [sflag:$0x5], $0x80, s24, s30, $0xb8;
	[tilespmem:$0x1E900] =	vst v63  }
0x54: {  	_ =	swait.ge [sflag:s23], $0x4000  }
0x55: {  	[sflag:s23] =	ssyncset.done $0x0  }
0x56: {  	[sflag:s23] =	ssyncadd.s32 $0xFFFFC000  }
0x57: {  	[tilespmem:s3], [sflag:$0x1] =	stream.linear.gather [hbm4b:s21+s3], $0x4000, $0x38;
	[tilespmem:$0x1E900] =	vst v63  }
0x58: {  	s9 =	sadd.s32 $0x0, s20  }
0x59: {  	[tilespmem:s24], [sflag:$0x3] =	stream.linear.gather [hbm4b:s9+s3], $0x80, $0x38;
	[tilespmem:$0x1E900] =	vst v63  }
0x5a: {  	_ =	swait.ge [sflag:s31], $0x4000  }
0x5b: {  	[sflag:s31] =	ssyncset.done $0x0  }
0x5c: {  	[sflag:s31] =	ssyncadd.s32 $0xFFFFC000  }
0x5d: {  	_ =	swait.ge [sflag:s0], $0x80  }
0x5e: {  	[sflag:s0] =	ssyncset.done $0x0  }
0x5f: {  	[sflag:s0] =	ssyncadd.s32 $0xFFFFFF80  }
0x60: {  	[spmem:s2] =	stream.indirect.scatter.add.f32 [tilespmem:s25], [sflag:$0x5], $0x80, s26, s30, $0xb8;
	[tilespmem:$0x1E900] =	vst v63  }
0x61: {  	_ =	swait.ge [sflag:s23], $0x4000  }
0x62: {  	s5 =	simm.s32 $0x20;
	s6 =	sadd.s32 $0x1000, s19;
	[sflag:s23] =	ssyncset.done $0x0  }
0x63: {  	s7 =	sadd.s32 $0x1000, s21;
	s8 =	sadd.s32 $0x0, s18;
	[sflag:s23] =	ssyncadd.s32 $0xFFFFC000  }
0x64: {  	[tilespmem:s25], [sflag:$0x2] =	stream.linear.gather [hbm4b:s19+s3], $0x4000, $0x38;
	[tilespmem:$0x1E900] =	vst v63  }
.LBB2_4:
0x65: {  	[tilespmem:s26], [sflag:$0x4] =	stream.linear.gather [hbm4b:s8+s3], $0x80, $0x38;
	[tilespmem:$0x1E900] =	vst v63  }
0x66: {  	s8 =	smov.u32 s5  }
0x67: {  	p0 =	sne.s32 s5, $0x780;
	s5 =	sadd.s32 $0x20, s5;
	_ =	swait.ge [sflag:s28], $0x4000  }
0x68: {  	[sflag:s28] =	ssyncset.done $0x0  }
0x69: {  	[sflag:s28] =	ssyncadd.s32 $0xFFFFC000  }
0x6a: {  	_ =	swait.ge [sflag:s29], $0x80  }
0x6b: {  	[sflag:s29] =	ssyncset.done $0x0  }
0x6c: {  	[sflag:s29] =	ssyncadd.s32 $0xFFFFFF80  }
0x6d: {  	[spmem:s2] =	stream.indirect.scatter.add.f32 [tilespmem:s3], [sflag:$0x5], $0x80, s24, s30, $0xb8;
	[tilespmem:$0x1E900] =	vst v63  }
0x6e: {  	_ =	swait.ge [sflag:s23], $0x4000  }
0x6f: {  	[sflag:s23] =	ssyncset.done $0x0  }
0x70: {  	[sflag:s23] =	ssyncadd.s32 $0xFFFFC000  }
0x71: {  	[tilespmem:s3], [sflag:$0x1] =	stream.linear.gather [hbm4b:s7+s3], $0x4000, $0x38;
	[tilespmem:$0x1E900] =	vst v63  }
0x72: {  	s9 =	sadd.s32 s8, s20  }
0x73: {  	[tilespmem:s24], [sflag:$0x3] =	stream.linear.gather [hbm4b:s9+s3], $0x80, $0x38;
	[tilespmem:$0x1E900] =	vst v63  }
0x74: {  	_ =	swait.ge [sflag:s31], $0x4000  }
0x75: {  	[sflag:s31] =	ssyncset.done $0x0  }
0x76: {  	[sflag:s31] =	ssyncadd.s32 $0xFFFFC000  }
0x77: {  	_ =	swait.ge [sflag:s0], $0x80  }
0x78: {  	[sflag:s0] =	ssyncset.done $0x0  }
0x79: {  	[sflag:s0] =	ssyncadd.s32 $0xFFFFFF80  }
0x7a: {  	[spmem:s2] =	stream.indirect.scatter.add.f32 [tilespmem:s25], [sflag:$0x5], $0x80, s26, s30, $0xb8;
	[tilespmem:$0x1E900] =	vst v63  }
.Ltmp1:
0x7b: {  	_ =	swait.ge [sflag:s23], $0x4000;
	(pc) =	sbr.rel @p0 .LBB2_4-.Ltmp1, $4  }
0x7c: {  	[sflag:s23] =	ssyncset.done $0x0  }
0x7d: {  	[sflag:s23] =	ssyncadd.s32 $0xFFFFC000  }
0x7e: {  	[tilespmem:s25], [sflag:$0x2] =	stream.linear.gather [hbm4b:s6+s3], $0x4000, $0x38;
	[tilespmem:$0x1E900] =	vst v63  }
0x7f: {  	s8 =	sadd.s32 s8, s18;
	s7 =	sadd.s32 $0x1000, s7;
	s6 =	sadd.s32 $0x1000, s6  }
0x80: {  	[tilespmem:s26], [sflag:$0x4] =	stream.linear.gather [hbm4b:s8+s3], $0x80, $0x38;
	[tilespmem:$0x1E900] =	vst v63  }
0x81: {  	_ =	swait.ge [sflag:s28], $0x4000  }
0x82: {  	[sflag:s28] =	ssyncset.done $0x0  }
0x83: {  	[sflag:s28] =	ssyncadd.s32 $0xFFFFC000  }
0x84: {  	_ =	swait.ge [sflag:s29], $0x80  }
0x85: {  	[sflag:s29] =	ssyncset.done $0x0  }
0x86: {  	[sflag:s29] =	ssyncadd.s32 $0xFFFFFF80  }
0x87: {  	[spmem:s2] =	stream.indirect.scatter.add.f32 [tilespmem:s3], [sflag:$0x5], $0x80, s24, s30, $0xb8;
	[tilespmem:$0x1E900] =	vst v63  }
0x88: {  	_ =	swait.ge [sflag:s23], $0x4000  }
0x89: {  	[sflag:s23] =	ssyncset.done $0x0  }
0x8a: {  	[sflag:s23] =	ssyncadd.s32 $0xFFFFC000  }
0x8b: {  	_ =	swait.ge [sflag:s31], $0x4000  }
0x8c: {  	[sflag:s31] =	ssyncset.done $0x0  }
0x8d: {  	[sflag:s31] =	ssyncadd.s32 $0xFFFFC000  }
0x8e: {  	_ =	swait.ge [sflag:s0], $0x80  }
0x8f: {  	[sflag:s0] =	ssyncset.done $0x0  }
0x90: {  	[sflag:s0] =	ssyncadd.s32 $0xFFFFFF80  }
0x91: {  	[spmem:s2] =	stream.indirect.scatter.add.f32 [tilespmem:s25], [sflag:$0x5], $0x80, s26, s30, $0xb8;
	[tilespmem:$0x1E900] =	vst v63  }
0x92: {  	s5 =	stileid.u32;
	_ =	swait.ge [sflag:s23], $0x4000  }
0x93: {  	s6 =	sshrl.u32 s4, $0x3;
	s1 =	sadd.s32 $0x1, s1;
	[sflag:s23] =	ssyncset.done $0x0  }
0x94: {  	s5 =	sshll.u32 s5, $0x6;
	p0 =	sne.s32 s1, s17;
	[sflag:s23] =	ssyncadd.s32 $0xFFFFC000  }
.Ltmp2:
0x95: {  	s5 =	sor.u32 $0x1C05, s5;
	[bflag:$0x0] =	sbarrier.arrive $0xFFFF;
	(pc) =	sbr.rel @p0 .LBB2_1-.Ltmp2, $4  }
0x96: {  	[hbm:s16], [sflag:s5] =	dma.local [spmem:s6], $0x2800  }
0x97: {  	_ =	swait.ge [sflag:s23], $0x2800  }
0x98: {  	[sflag:s23] =	ssyncset.done $0x0  }
0x99: {  	[sflag:s23] =	ssyncadd.s32 $0xFFFFD800  }
0x9a: {  	_ =	sfence.sel $0x180000  }
0x9b: {  	[bflag:$0x0] =	sbarrier.arrive $0xFFFF  }
0x9c: {  	_ =	strace $0x9000004D  }
0x9d: {  	s0 =	stileid.u32;
	[bflag:$0x2] =	sbarrier.arrive $0xFFFF  }
0x9e: {  	p0 =	sne.s32 s0, $0x0;
	s0 =	rddreg [dreg:$0x2]  }
0x9f: {  	s0 =	sadd.s32 @!p0 $0x100000, s0  }
0xa0: {  	[sflag:s0] =	ssyncadd.tile.s32 @!p0 $0x1;
	_ =	shalt  }
.Lfunc_end2:
_tile_overlayer_lowered:
.L_overlay_start_2:
0xa1: {  	(tag) =	ssettag $0x2  }
0xa2: {  	s0 =	rddreg [dreg:$0x0];
	s2 =	stileid.u32  }
0xa3: {  	s1 =	rddreg [dreg:$0x1];
	p0 =	sne.s32 s2, $0x0  }
0xa4: {  	s3 =	rddreg [dreg:$0x2];
	[bflag:$0x3] =	sbarrier.arrive $0xFFFF;
	s2 =	simm.s32 @!p0 $0x1C05  }
0xa5: {  	[timem:s3], [sflag:s2] =	dma.local @!p0 [hbm:s0], s1  }
0xa6: {  	s0 =	simm.s32 @!p0 $0x5  }
0xa7: {  	_ =	swait.ge @!p0 [sflag:s0], s1  }
0xa8: {  	s1 =	ssub.s32 @!p0 $0x0, s1;
	[sflag:s0] =	ssyncset.done @!p0 $0x0  }
0xa9: {  	[sflag:s0] =	ssyncadd.s32 @!p0 s1  }
0xaa: {  	[bflag:$0x3] =	sbarrier.arrive $0xFFFF  }
0xab: {  	_ =	shalt  }

// kernel: kernel.13.cloned.1.call-start
scs
__scs_entry_jumppad:
0x0: {  	(pc) =	sbr.rel $0x88, $3  }
0x1: {  	(tag) =	ssettag $0x0;
	lr =	simm.s32 $0x1  }
0x2: {  	[smem:$0x3F97] =	sst lr;
	_ =	strace $0xD0000000  }
0x3: {  	_ = 	snop  }
0x4: {  	_ = 	snop  }
0x5: {  	_ = 	snop  }
0x6: {  	_ = 	snop  }
0x7: {  	_ = 	snop  }
__scs_overlays_trampoline_lowered:
0x8: {  	[smem:$0x3FA6] =	sst s0  }
0x9: {  	[smem:$0x3FA7] =	sst s1  }
0xa: {  	[smem:$0x3FA8] =	sst s2  }
0xb: {  	[smem:$0x3FA9] =	sst s3  }
0xc: {  	[smem:$0x3FAA] =	sst s4  }
0xd: {  	[smem:$0x3FAB] =	sst s5  }
0xe: {  	[smem:$0x3FAC] =	sst s6  }
0xf: {  	[smem:$0x3FAD] =	sst s7  }
0x10: {  	[smem:$0x3FAE] =	sst s8  }
0x11: {  	[smem:$0x3FAF] =	sst s9;
	s0 =	simm.s32 @!p0 $0x0  }
0x12: {  	s1 =	sld [smem:$0x3F95];
	s0 =	simm.s32 @p0 $0x1  }
0x13: {  	[smem:$0x3FB0] =	sst s0;
	s0 =	simm.s32 @!p1 $0x0  }
0x14: {  	s2 =	sld [smem:$0x3F94];
	s0 =	simm.s32 @p1 $0x1  }
0x15: {  	[smem:$0x3FB1] =	sst s0;
	s0 =	simm.s32 @!p2 $0x0  }
0x16: {  	s3 =	sld [smem:$0x3FDB];
	s0 =	simm.s32 @p2 $0x1  }
0x17: {  	s4 =	simm.s32 $0x1BF5;
	[smem:$0x3FB3] =	sst s0  }
0x18: {  	s0 =	sld [smem:$0x3F96];
	_ =	swait.ge [sflag:s4], $0x0  }
0x19: {  	s7 =	sld [smem:$0x3F97]  }
0x1a: {  	s8 =	sadd.s32 $0xFFFFE003, lr  }
0x1b: {  	s9 =	sadd.s32 $0xFFFFFEF7, lr;
	s5 =	simm.s32 $0xFFFFFFFF;
	p2 =	slt.u32 s8, $0xFFFFF086  }
0x1c: {  	p1 =	slt.u32 s9, $0xF7A;
	s5 =	simm.s32 @!p2 $0x0  }
0x1d: {  	s5 =	simm.s32 @p1 $0x1;
	p0 =	seq.s32 s7, s2  }
0x1e: {  	s7 =	smul.u32 @!p0 $0xF7A, s2;
	p2 =	seq.s32 @!p0 s5, $0x0  }
0x1f: {  	s9 =	smul.u32 $0xF7A, s1;
	s8 =	simm.s32 @!p0 $0x1BF5;
	p2 =	por !p2, p0  }
0x20: {  	[sflag:s8] =	ssyncset.s32 @!p0 $0xFFFFF086;
	s6 =	sadd.s32 @!p0 s3, s7;
	s7 =	simm.s32 @!p0 $0x108  }
0x21: {  	s3 =	sadd.s32 s3, s9;
	s6 =	sadd.s32 @!p0 $0x88, s6;
	s7 =	simm.s32 @p2 $0x1082  }
0x22: {  	[simem:s7], [sflag:s8] =	dma.local @!p0 [hbm:s6], $0xF7A  }
0x23: {  	s9 =	sor.u32 $0xD0000000, s2;
	s6 =	simm.s32 $0x108;
	_ =	swait.ge @!p0 [sflag:s8], $0x0  }
0x24: {  	s3 =	sadd.s32 $0x88, s3;
	s6 =	simm.s32 @!p1 $0x1082;
	[sflag:s4] =	ssyncset.s32 $0xFFFFF086  }
0x25: {  	[simem:s6], [sflag:s4] =	dma.local [hbm:s3], $0xF7A  }
0x26: {  	[smem:$0x3F97] =	sst s1;
	(tag) =	ssettag s2;
	_ =	strace s9  }
0x27: {  	s1 =	sld [smem:$0x3FA7]  }
0x28: {  	s2 =	sld [smem:$0x3FA8]  }
0x29: {  	s4 =	sld [smem:$0x3FAA]  }
0x2a: {  	p0 =	seq.s32 s5, $0x0;
	s5 =	sld [smem:$0x3FAB]  }
0x2b: {  	s6 =	sld [smem:$0x3FAC]  }
0x2c: {  	s7 =	sld [smem:$0x3FAD]  }
0x2d: {  	s3 =	simm.s32 $0x108;
	s8 =	sld [smem:$0x3FAE]  }
0x2e: {  	s3 =	simm.s32 @!p0 $0x1082;
	s9 =	sld [smem:$0x3FAF]  }
0x2f: {  	lr =	sadd.s32 s0, s3;
	s0 =	sld [smem:$0x3FA6]  }
0x30: {  	s3 =	sld [smem:$0x3FA9]  }
0x31: {  	[smem:$0x3FB2] =	sst s10  }
0x32: {  	s10 =	sld [smem:$0x3FB0];
	_ =	sdelay $0x3  }
0x33: {  	p0 =	seq.s32 s10, $0x1;
	s10 =	sld [smem:$0x3FB2];
	_ =	sdelay $0x3  }
0x34: {  	[smem:$0x3FB2] =	sst s10  }
0x35: {  	s10 =	sld [smem:$0x3FB1];
	_ =	sdelay $0x3  }
0x36: {  	p1 =	seq.s32 s10, $0x1;
	s10 =	sld [smem:$0x3FB2];
	_ =	sdelay $0x3  }
0x37: {  	[smem:$0x3FB2] =	sst s10  }
0x38: {  	s10 =	sld [smem:$0x3FB3]  }
0x39: {  	_ = 	snop;
	(pc) =	sbr.ind lr, $3  }
0x3a: {  	_ = 	snop  }
0x3b: {  	_ = 	snop  }
0x3c: {  	p2 =	seq.s32 s10, $0x1;
	s10 =	sld [smem:$0x3FB2]  }
0x3d: {  	_ =	shalt  }
0x3e: {  	_ =	shalt  }
0x3f: {  	_ =	shalt  }
0x40: {  	_ =	shalt  }
0x41: {  	_ =	shalt  }
0x42: {  	_ =	shalt  }
0x43: {  	_ =	shalt  }
0x44: {  	_ =	shalt  }
0x45: {  	_ =	shalt  }
0x46: {  	_ =	shalt  }
0x47: {  	_ =	shalt  }
0x48: {  	_ =	shalt  }
0x49: {  	_ =	shalt  }
0x4a: {  	_ =	shalt  }
0x4b: {  	_ =	shalt  }
0x4c: {  	_ =	shalt  }
0x4d: {  	_ =	shalt  }
0x4e: {  	_ =	shalt  }
0x4f: {  	_ =	shalt  }
0x50: {  	_ =	shalt  }
0x51: {  	_ =	shalt  }
0x52: {  	_ =	shalt  }
0x53: {  	_ =	shalt  }
0x54: {  	_ =	shalt  }
0x55: {  	_ =	shalt  }
0x56: {  	_ =	shalt  }
0x57: {  	_ =	shalt  }
0x58: {  	_ =	shalt  }
0x59: {  	_ =	shalt  }
0x5a: {  	_ =	shalt  }
0x5b: {  	_ =	shalt  }
0x5c: {  	_ =	shalt  }
0x5d: {  	_ =	shalt  }
0x5e: {  	_ =	shalt  }
0x5f: {  	_ =	shalt  }
0x60: {  	_ =	shalt  }
0x61: {  	_ =	shalt  }
0x62: {  	_ =	shalt  }
0x63: {  	_ =	shalt  }
0x64: {  	_ =	shalt  }
0x65: {  	_ =	shalt  }
0x66: {  	_ =	shalt  }
0x67: {  	_ =	shalt  }
0x68: {  	_ =	shalt  }
0x69: {  	_ =	shalt  }
0x6a: {  	_ =	shalt  }
0x6b: {  	_ =	shalt  }
0x6c: {  	_ =	shalt  }
0x6d: {  	_ =	shalt  }
0x6e: {  	_ =	shalt  }
0x6f: {  	_ =	shalt  }
0x70: {  	_ =	shalt  }
0x71: {  	_ =	shalt  }
0x72: {  	_ =	shalt  }
0x73: {  	_ =	shalt  }
0x74: {  	_ =	shalt  }
0x75: {  	_ =	shalt  }
0x76: {  	_ =	shalt  }
0x77: {  	_ =	shalt  }
0x78: {  	_ =	shalt  }
0x79: {  	_ =	shalt  }
0x7a: {  	_ =	shalt  }
0x7b: {  	_ =	shalt  }
0x7c: {  	_ =	shalt  }
0x7d: {  	_ =	shalt  }
0x7e: {  	_ =	shalt  }
0x7f: {  	_ =	shalt  }
0x80: {  	_ =	shalt  }
0x81: {  	_ =	shalt  }
0x82: {  	_ =	shalt  }
0x83: {  	_ =	shalt  }
0x84: {  	_ =	shalt  }
0x85: {  	_ =	shalt  }
0x86: {  	_ =	shalt  }
0x87: {  	_ =	shalt  }
.Lfunc_end0:
.L_simem_size_0:
called_computation.2_lowered:
.L_overlay_start_0:
0x88: {  	s2 =	sld [smem:$0x3FD9]  }
0x89: {  	s3 =	sld [smem:$0x3FFE];
	_ =	sdelay $0x1  }
0x8a: {  	s1 =	srdreg.scid  }
0x8b: {  	s0 =	sand.u32 $0x1, s1  }
0x8c: {  	s17 =	sshll.u32 s0, $0xA;
	s2 =	sadd.s32 s3, s2  }
0x8d: {  	s2 =	sadd.s32 s2, s17  }
0x8e: {  	[smem:$0x3FBE] =	sst s2  }
0x8f: {  	_ = 	snop  }
0x90: {  	(tm) =	ssettm $0x1  }
0x91: {  	s18 =	sld [smem:$0x3FFB];
	_ =	sdelay $0x3  }
0x92: {  	_ =	strace s18  }
0x93: {  	s2 =	sld [smem:$0x3FFC];
	_ =	sdelay $0x3  }
0x94: {  	_ =	strace s2  }
0x95: {  	s2 =	sld [smem:$0x3FFD];
	_ =	sdelay $0x3  }
0x96: {  	_ =	strace s2  }
0x97: {  	_ =	strace $0x8FFFFFFF  }
0x98: {  	s19 =	sld [smem:$0x3FDB];
	_ =	sdelay $0x1  }
0x99: {  	s20 =	simm.s32 $_scs_section_size  }
0x9a: {  	s4 =	simm.s32 $_size__tile_overlayer_lowered;
	s5 =	simm.s32 $_tile_overlayer_lowered  }
0x9b: {  	s6 =	simm.s32 $0x1BFF;
	s21 =	sshll.u32 s5, $0x1;
	s3 =	sadd.s32 s20, s19  }
0x9c: {  	s22 =	simm.s32 $0x0;
	s4 =	sshll.u32 s4, $0x1;
	s5 =	sadd.s32 s21, s3  }
0x9d: {  	[timem:s22], [sflag:s6] =	dma.local [hbm:s5], s4  }
0x9e: {  	_ =	swait.ge [sflag:s6], s4  }
0x9f: {  	s4 =	ssub.s32 $0x0, s4;
	[sflag:s6] =	ssyncset.done $0x0  }
0xa0: {  	[sflag:s6] =	ssyncadd.s32 s4;
	_ =	sdelay $0x1  }
0xa1: {  	s23 =	simm.s32 $0x1B8B  }
0xa2: {  	_ =	swait.ge [sflag:s23], $0x1  }
0xa3: {  	[sflag:s23] =	ssyncset.done $0x0  }
0xa4: {  	[sflag:s23] =	ssyncadd.s32 $0xFFFFFFFF  }
0xa5: {  	s4 =	sld [smem:$0x0]  }
0xa6: {  	s5 =	sand.u32 $0xFFFFFFFE, s1  }
0xa7: {  	p0 =	sne.s32 s1, s5  }
0xa8: {  	s5 =	sshll.u32 @p0 s5, $0xE  }
0xa9: {  	s5 =	sadd.s32 @p0 $0x11B8D, s5;
	s6 =	sshll.u32 @p0 s4, $0x11  }
0xaa: {  	s5 =	sor.u32 @p0 s6, s5  }
0xab: {  	[sflag:s5] =	ssyncadd.remote.s32 @p0 $0x1;
	_ =	sdelay $0x1  }
0xac: {  	s5 =	simm.s32 @p0 $0x1B8D  }
0xad: {  	_ =	swait.eq @p0 [sflag:s5], $0x1  }
0xae: {  	[sflag:s5] =	ssyncadd.s32 @p0 $0xFFFFFFFF  }
0xaf: {  	s6 =	sshll.u32 @!p0 s1, $0xE  }
0xb0: {  	s6 =	sor.u32 @!p0 $0x4000, s6;
	s5 =	simm.s32 @!p0 $0x1B8D  }
0xb1: {  	s4 =	sshll.u32 @!p0 s4, $0x11;
	s6 =	sadd.s32 @!p0 $0x11B8D, s6;
	_ =	swait.eq @!p0 [sflag:s5], $0x1  }
0xb2: {  	s4 =	sor.u32 @!p0 s4, s6;
	[sflag:s5] =	ssyncadd.s32 @!p0 $0xFFFFFFFF  }
0xb3: {  	s25 =	simm.s32 $0x1B8E;
	s24 =	sld [smem:$0x3FFE];
	[sflag:s4] =	ssyncadd.remote.s32 @!p0 $0x1  }
0xb4: {  	s26 =	simm.s32 $execute0_lowered;
	[smem:$0x3FD2] =	sst s25  }
0xb5: {  	s5 =	sshll.u32 s26, $0x1;
	_ =	strace $0x80000049;
	[dreg:$0x1] =	wrdreg $0xFFFFFFFF  }
0xb6: {  	s28 =	simm.s32 $_size_execute0_lowered;
	s3 =	sadd.s32 s3, s5;
	[dreg:$0x0] =	wrdreg $0x0  }
0xb7: {  	s5 =	sshll.u32 s28, $0x1;
	[dreg:$0x2] =	wrdreg s3  }
0xb8: {  	[dreg:$0x3] =	wrdreg s5  }
0xb9: {  	[dreg:$0x4] =	wrdreg $0xC0  }
0xba: {  	_ =	task [dreg:s22], $0x5FFFF  }
0xbb: {  	[dreg:$0x1] =	wrdreg $0xFFFFFFFF  }
0xbc: {  	[dreg:$0x0] =	wrdreg $0x60  }
0xbd: {  	[dreg:$0x2] =	wrdreg s24  }
0xbe: {  	[dreg:$0x3] =	wrdreg $0x31000  }
0xbf: {  	[dreg:$0x4] =	wrdreg $0x9  }
0xc0: {  	_ =	task.clear_ibuf [dreg:s22], $0x5FFFF;
	_ =	strace $0x90000049  }
0xc1: {  	s29 =	simm.s32 $0x9;
	_ =	strace $0x8000004B  }
0xc2: {  	_ =	swait.ge [sflag:s29], $0x1  }
0xc3: {  	[sflag:s29] =	ssyncadd.s32 $0xFFFFFFFF  }
0xc4: {  	_ =	strace $0x9000004B  }
0xc5: {  	_ =	sfence  }
0xc6: {  	s30 =	sld [smem:$0x0];
	_ =	sdelay $0x2  }
0xc7: {  	s31 =	sshll.u32 s1, $0xD;
	s1 =	sshrl.u32 s1, $0x2  }
0xc8: {  	s4 =	sand.u32 $0x4000, s31;
	s1 =	sadd.s32 s1, s30  }
0xc9: {  	s0 =	sor.u32 s4, s0;
	s1 =	sshll.u32 s1, $0x11  }
0xca: {  	s0 =	sor.u32 s1, s0  }
0xcb: {  	s0 =	sadd.s32 $0x8F2B, s0  }
0xcc: {  	[sflag:s0] =	ssyncadd.remote.s32 $0x1  }
0xcd: {  	_ =	sfence.sel $0xFFFF  }
0xce: {  	[dreg:$0x0] =	wrdreg $0xFFFFFFFF;
	(pc) =	sbr.abs _section_cstart, $3  }
0xcf: {  	[dreg:$0x1] =	wrdreg $0xFFFFFFFF  }
0xd0: {  	_ =	task.clear_ibuf [dreg:s22], $0x2FFFF;
	_ =	strace $0x9FFFFFFF  }
0xd1: {  	(tm) =	ssettm $0x7FFFFFFF  }
tec
execute0_lowered:
.L_overlay_start_1:
0x0: {  	(tag) =	ssettag $0x1  }
0x1: {  	s4 =	rddreg [dreg:$0x0]  }
0x2: {  	s1 =	rddreg [dreg:$0x1]  }
0x3: {  	s0 =	rddreg [dreg:$0x2]  }
0x4: {  	s3 =	simm.s32 $0x0;
	s5 =	srdreg.scid;
	s2 =	stileid.u32  }
0x5: {  	s14 =	simm.s32 $0x1;
	s15 =	simm.s32 $0x100;
	s16 =	simm.s32 $0x2  }
0x6: {  	s18 =	simm.s32 $0x0;
	[smem:$0x7FF] =	sst s3;
	s5 =	sand.u32 $0x1, s5  }
0x7: {  	s6 =	smul.u32 $0x2800, s2;
	s7 =	sshll.u32 s2, $0x1;
	s10 =	sadd.s32 $0x82D800, s4  }
0x8: {  	s11 =	smul.u32 $0x7C00, s2;
	s17 =	sshll.u32 s2, $0x6;
	_ =	strace $0x8000004A  }
0x9: {  	s8 =	smul.u32 $0x28000, s5;
	s7 =	sor.u32 s5, s7;
	s9 =	ssub.s32 $0x2, s5  }
0xa: {  	s13 =	smul.u32 $0x3E00, s5;
	s17 =	sor.u32 $0x1C03, s17;
	s12 =	sshrl.u32 s9, $0x1  }
0xb: {  	s7 =	smul.u32 $0x3E00, s7;
	s8 =	sadd.s32 s6, s8;
	s9 =	ssub.s32 s9, s12  }
0xc: {  	s30 =	sadd.s32 s13, s11;
	s13 =	simm.s32 $0x80;
	s8 =	sshrl.u32 s8, $0x3  }
0xd: {  	s29 =	sshrl.u32 s7, $0x3;
	s11 =	sor.u32 $0x180, s30;
	s31 =	sor.u32 $0x100, s30  }
0xe: {  	s8 =	sadd.s32 s8, s4;
	s4 =	sadd.s32 s6, s1;
	s5 =	sadd.s32 s10, s29  }
0xf: {  	s11 =	sshrl.u32 s11, $0x3;
	s12 =	sshrl.u32 s31, $0x3;
	s6 =	sadd.s32 $0x10, s5  }
0x10: {  	s7 =	sadd.s32 $0x4EA00, s8;
	s8 =	smax.u32 s9, $0x1;
	s9 =	sadd.s32 s11, s10  }
0x11: {  	v0 =	vimm.f32 $0.0e+00;
	v1 =	vimm.f32 $1.000000000e+00;
	s10 =	sadd.s32 s12, s10;
	s11 =	simm.s32 $0x900;
	s12 =	simm.s32 $0x3  }
.LBB2_1:
0x12: {  	s19 =	simm.s32 $0x0  }
.LBB2_2:
0x13: {  	p0 =	sne.s32 s19, $0x9FC0  }
.Ltmp0:
0x14: {  	_ = 	snop;
	(pc) =	sbr.rel @p0 .LBB2_2-.Ltmp0, $3  }
0x15: {  	_ =	sdelay $0x1  }
0x16: {  	s20 =	sshra.s32 s19, $0x2  }
0x17: {  	s19 =	sadd.s32 $0x40, s19;
	[tilespmem:s20+$0x900] =	vst v0  }
0x18: {  	s19 =	simm.s32 $0x40;
	s20 =	simm.s32 $0x0  }
.LBB2_4:
0x19: {  	p0 =	sne.s32 s19, $0x1FC0;
	[tilespmem:s20+$0x100] =	vst v1;
	s20 =	smov.u32 s19;
	s19 =	sadd.s32 $0x40, s19  }
.Ltmp1:
0x1a: {  	(pc) =	sbr.rel @p0 .LBB2_4-.Ltmp1, $2  }
0x1b: {  	_ =	sdelay $0x2  }
0x1c: {  	s20 =	sshra.s32 s20, $0x2  }
0x1d: {  	[tilespmem:s20+$0x100] =	vst v1  }
0x1e: {  	[spmem:s4] =	stream.linear.scatter [tilespmem:s11], [sflag:$0x3], $0x2800, $0x38;
	[tilespmem:$0x5900] =	vst v63  }
0x1f: {  	_ =	swait.ge [sflag:s12], $0x2800  }
0x20: {  	[sflag:s12] =	ssyncset.done $0x0  }
0x21: {  	[sflag:s12] =	ssyncadd.s32 $0xFFFFD800  }
0x22: {  	s19 =	simm.s32 $0x0;
	[bflag:$0x0] =	sbarrier.arrive $0xFFFF  }
0x23: {  	[tilespmem:s19], [sflag:$0x1] =	stream.linear.gather [hbm4b:s5+s19], $0x80, $0x38;
	[tilespmem:$0x5900] =	vst v63  }
0x24: {  	_ = 	snop  }
0x25: {  	[tilespmem:s13], [sflag:$0x2] =	stream.linear.gather [hbm4b:s6+s19], $0x80, $0x38;
	[tilespmem:$0x5900] =	vst v63  }
0x26: {  	_ =	swait.ge [sflag:s14], $0x80  }
0x27: {  	[sflag:s14] =	ssyncset.done $0x0  }
0x28: {  	[sflag:s14] =	ssyncadd.s32 $0xFFFFFF80  }
0x29: {  	[spmem:s1] =	stream.indirect.scatter.add.f32 [tilespmem:s15], [sflag:$0x3], $0x10, s3, s13, $0xb8;
	[tilespmem:$0x5900] =	vst v63  }
0x2a: {  	_ =	swait.ge [sflag:s12], $0x800  }
0x2b: {  	[sflag:s12] =	ssyncset.done $0x0  }
0x2c: {  	s31 =	sadd.s32 $0x0, s10;
	[sflag:s12] =	ssyncadd.s32 $0xFFFFF800  }
0x2d: {  	[tilespmem:s3], [sflag:$0x1] =	stream.linear.gather [hbm4b:s31+s3], $0x80, $0x38;
	[tilespmem:$0x5900] =	vst v63  }
0x2e: {  	_ =	swait.ge [sflag:s16], $0x80  }
0x2f: {  	[sflag:s16] =	ssyncset.done $0x0  }
0x30: {  	[sflag:s16] =	ssyncadd.s32 $0xFFFFFF80  }
0x31: {  	[spmem:s1] =	stream.indirect.scatter.add.f32 [tilespmem:s15], [sflag:$0x3], $0x10, s13, s13, $0xb8;
	[tilespmem:$0x5900] =	vst v63  }
0x32: {  	_ =	swait.ge [sflag:s12], $0x800  }
0x33: {  	[sflag:s12] =	ssyncset.done $0x0  }
0x34: {  	s20 =	sadd.s32 $0x0, s9;
	s19 =	simm.s32 $0x20;
	[sflag:s12] =	ssyncadd.s32 $0xFFFFF800  }
.LBB2_6:
0x35: {  	[tilespmem:s13], [sflag:$0x2] =	stream.linear.gather [hbm4b:s20+s3], $0x80, $0x38;
	[tilespmem:$0x5900] =	vst v63  }
0x36: {  	s20 =	smov.u32 s19  }
0x37: {  	p0 =	sne.s32 s19, $0x780;
	s19 =	sadd.s32 $0x20, s19;
	_ =	swait.ge [sflag:s14], $0x80  }
0x38: {  	[sflag:s14] =	ssyncset.done $0x0  }
0x39: {  	[sflag:s14] =	ssyncadd.s32 $0xFFFFFF80  }
0x3a: {  	[spmem:s1] =	stream.indirect.scatter.add.f32 [tilespmem:s15], [sflag:$0x3], $0x10, s3, s13, $0xb8;
	[tilespmem:$0x5900] =	vst v63  }
0x3b: {  	_ =	swait.ge [sflag:s12], $0x800  }
0x3c: {  	[sflag:s12] =	ssyncset.done $0x0  }
0x3d: {  	s21 =	sadd.s32 s20, s10;
	[sflag:s12] =	ssyncadd.s32 $0xFFFFF800  }
0x3e: {  	[tilespmem:s3], [sflag:$0x1] =	stream.linear.gather [hbm4b:s21+s3], $0x80, $0x38;
	[tilespmem:$0x5900] =	vst v63  }
0x3f: {  	_ =	swait.ge [sflag:s16], $0x80  }
0x40: {  	[sflag:s16] =	ssyncset.done $0x0  }
.Ltmp2:
0x41: {  	[sflag:s16] =	ssyncadd.s32 $0xFFFFFF80;
	(pc) =	sbr.rel @p0 .LBB2_6-.Ltmp2, $4  }
0x42: {  	[spmem:s1] =	stream.indirect.scatter.add.f32 [tilespmem:s15], [sflag:$0x3], $0x10, s13, s13, $0xb8;
	[tilespmem:$0x5900] =	vst v63  }
0x43: {  	_ =	swait.ge [sflag:s12], $0x800  }
0x44: {  	[sflag:s12] =	ssyncset.done $0x0  }
0x45: {  	s20 =	sadd.s32 s20, s9;
	[sflag:s12] =	ssyncadd.s32 $0xFFFFF800  }
0x46: {  	[tilespmem:s13], [sflag:$0x2] =	stream.linear.gather [hbm4b:s20+s3], $0x80, $0x38;
	[tilespmem:$0x5900] =	vst v63  }
0x47: {  	_ =	swait.ge [sflag:s14], $0x80  }
0x48: {  	[sflag:s14] =	ssyncset.done $0x0  }
0x49: {  	[sflag:s14] =	ssyncadd.s32 $0xFFFFFF80  }
0x4a: {  	[spmem:s1] =	stream.indirect.scatter.add.f32 [tilespmem:s15], [sflag:$0x3], $0x10, s3, s13, $0xb8;
	[tilespmem:$0x5900] =	vst v63  }
0x4b: {  	_ =	swait.ge [sflag:s12], $0x800  }
0x4c: {  	[sflag:s12] =	ssyncset.done $0x0  }
0x4d: {  	[sflag:s12] =	ssyncadd.s32 $0xFFFFF800  }
0x4e: {  	_ =	swait.ge [sflag:s16], $0x80  }
0x4f: {  	[sflag:s16] =	ssyncset.done $0x0  }
0x50: {  	[sflag:s16] =	ssyncadd.s32 $0xFFFFFF80  }
0x51: {  	[spmem:s1] =	stream.indirect.scatter.add.f32 [tilespmem:s15], [sflag:$0x3], $0x10, s13, s13, $0xb8;
	[tilespmem:$0x5900] =	vst v63  }
0x52: {  	_ =	swait.ge [sflag:s12], $0x800  }
0x53: {  	s18 =	sadd.s32 $0x1, s18;
	[sflag:s12] =	ssyncset.done $0x0  }
0x54: {  	p0 =	sne.s32 s18, s8;
	[sflag:s12] =	ssyncadd.s32 $0xFFFFF800  }
.Ltmp3:
0x55: {  	s19 =	sshrl.u32 s4, $0x3;
	[bflag:$0x0] =	sbarrier.arrive $0xFFFF;
	(pc) =	sbr.rel @p0 .LBB2_1-.Ltmp3, $4  }
0x56: {  	[hbm:s7], [sflag:s17] =	dma.local [spmem:s19], $0x500  }
0x57: {  	_ =	swait.ge [sflag:s12], $0x500  }
0x58: {  	[sflag:s12] =	ssyncset.done $0x0  }
0x59: {  	[sflag:s12] =	ssyncadd.s32 $0xFFFFFB00  }
0x5a: {  	_ =	sfence.sel $0x180000  }
0x5b: {  	[bflag:$0x0] =	sbarrier.arrive $0xFFFF  }
0x5c: {  	p0 =	sne.s32 s2, $0x0;
	_ =	strace $0x9000004A  }
0x5d: {  	s0 =	sadd.s32 @!p0 $0x100000, s0;
	[bflag:$0x2] =	sbarrier.arrive $0xFFFF  }
0x5e: {  	[sflag:s0] =	ssyncadd.tile.s32 @!p0 $0x1;
	_ =	shalt  }
.Lfunc_end2:
_tile_overlayer_lowered:
.L_overlay_start_2:
0x5f: {  	(tag) =	ssettag $0x2  }
0x60: {  	s0 =	rddreg [dreg:$0x0];
	s2 =	stileid.u32  }
0x61: {  	s1 =	rddreg [dreg:$0x1];
	p0 =	sne.s32 s2, $0x0  }
0x62: {  	s3 =	rddreg [dreg:$0x2];
	[bflag:$0x3] =	sbarrier.arrive $0xFFFF;
	s2 =	simm.s32 @!p0 $0x1C03  }
0x63: {  	[timem:s3], [sflag:s2] =	dma.local @!p0 [hbm:s0], s1  }
0x64: {  	s0 =	simm.s32 @!p0 $0x3  }
0x65: {  	_ =	swait.ge @!p0 [sflag:s0], s1  }
0x66: {  	s1 =	ssub.s32 @!p0 $0x0, s1;
	[sflag:s0] =	ssyncset.done @!p0 $0x0  }
0x67: {  	[sflag:s0] =	ssyncadd.s32 @!p0 s1  }
0x68: {  	[bflag:$0x3] =	sbarrier.arrive $0xFFFF  }
0x69: {  	_ =	shalt  }

// kernel: kernel.16.cloned.1.call-start
scs
__scs_entry_jumppad:
0x0: {  	(pc) =	sbr.rel $0x88, $3  }
0x1: {  	(tag) =	ssettag $0x0;
	lr =	simm.s32 $0x1  }
0x2: {  	[smem:$0x3F97] =	sst lr;
	_ =	strace $0xD0000000  }
0x3: {  	_ = 	snop  }
0x4: {  	_ = 	snop  }
0x5: {  	_ = 	snop  }
0x6: {  	_ = 	snop  }
0x7: {  	_ = 	snop  }
__scs_overlays_trampoline_lowered:
0x8: {  	[smem:$0x3FA6] =	sst s0  }
0x9: {  	[smem:$0x3FA7] =	sst s1  }
0xa: {  	[smem:$0x3FA8] =	sst s2  }
0xb: {  	[smem:$0x3FA9] =	sst s3  }
0xc: {  	[smem:$0x3FAA] =	sst s4  }
0xd: {  	[smem:$0x3FAB] =	sst s5  }
0xe: {  	[smem:$0x3FAC] =	sst s6  }
0xf: {  	[smem:$0x3FAD] =	sst s7  }
0x10: {  	[smem:$0x3FAE] =	sst s8  }
0x11: {  	[smem:$0x3FAF] =	sst s9;
	s0 =	simm.s32 @!p0 $0x0  }
0x12: {  	s1 =	sld [smem:$0x3F95];
	s0 =	simm.s32 @p0 $0x1  }
0x13: {  	[smem:$0x3FB0] =	sst s0;
	s0 =	simm.s32 @!p1 $0x0  }
0x14: {  	s2 =	sld [smem:$0x3F94];
	s0 =	simm.s32 @p1 $0x1  }
0x15: {  	[smem:$0x3FB1] =	sst s0;
	s0 =	simm.s32 @!p2 $0x0  }
0x16: {  	s3 =	sld [smem:$0x3FDB];
	s0 =	simm.s32 @p2 $0x1  }
0x17: {  	s4 =	simm.s32 $0x1BF5;
	[smem:$0x3FB3] =	sst s0  }
0x18: {  	s0 =	sld [smem:$0x3F96];
	_ =	swait.ge [sflag:s4], $0x0  }
0x19: {  	s7 =	sld [smem:$0x3F97]  }
0x1a: {  	s8 =	sadd.s32 $0xFFFFE003, lr  }
0x1b: {  	s9 =	sadd.s32 $0xFFFFFEF7, lr;
	s5 =	simm.s32 $0xFFFFFFFF;
	p2 =	slt.u32 s8, $0xFFFFF086  }
0x1c: {  	p1 =	slt.u32 s9, $0xF7A;
	s5 =	simm.s32 @!p2 $0x0  }
0x1d: {  	s5 =	simm.s32 @p1 $0x1;
	p0 =	seq.s32 s7, s2  }
0x1e: {  	s7 =	smul.u32 @!p0 $0xF7A, s2;
	p2 =	seq.s32 @!p0 s5, $0x0  }
0x1f: {  	s9 =	smul.u32 $0xF7A, s1;
	s8 =	simm.s32 @!p0 $0x1BF5;
	p2 =	por !p2, p0  }
0x20: {  	[sflag:s8] =	ssyncset.s32 @!p0 $0xFFFFF086;
	s6 =	sadd.s32 @!p0 s3, s7;
	s7 =	simm.s32 @!p0 $0x108  }
0x21: {  	s3 =	sadd.s32 s3, s9;
	s6 =	sadd.s32 @!p0 $0x88, s6;
	s7 =	simm.s32 @p2 $0x1082  }
0x22: {  	[simem:s7], [sflag:s8] =	dma.local @!p0 [hbm:s6], $0xF7A  }
0x23: {  	s9 =	sor.u32 $0xD0000000, s2;
	s6 =	simm.s32 $0x108;
	_ =	swait.ge @!p0 [sflag:s8], $0x0  }
0x24: {  	s3 =	sadd.s32 $0x88, s3;
	s6 =	simm.s32 @!p1 $0x1082;
	[sflag:s4] =	ssyncset.s32 $0xFFFFF086  }
0x25: {  	[simem:s6], [sflag:s4] =	dma.local [hbm:s3], $0xF7A  }
0x26: {  	[smem:$0x3F97] =	sst s1;
	(tag) =	ssettag s2;
	_ =	strace s9  }
0x27: {  	s1 =	sld [smem:$0x3FA7]  }
0x28: {  	s2 =	sld [smem:$0x3FA8]  }
0x29: {  	s4 =	sld [smem:$0x3FAA]  }
0x2a: {  	p0 =	seq.s32 s5, $0x0;
	s5 =	sld [smem:$0x3FAB]  }
0x2b: {  	s6 =	sld [smem:$0x3FAC]  }
0x2c: {  	s7 =	sld [smem:$0x3FAD]  }
0x2d: {  	s3 =	simm.s32 $0x108;
	s8 =	sld [smem:$0x3FAE]  }
0x2e: {  	s3 =	simm.s32 @!p0 $0x1082;
	s9 =	sld [smem:$0x3FAF]  }
0x2f: {  	lr =	sadd.s32 s0, s3;
	s0 =	sld [smem:$0x3FA6]  }
0x30: {  	s3 =	sld [smem:$0x3FA9]  }
0x31: {  	[smem:$0x3FB2] =	sst s10  }
0x32: {  	s10 =	sld [smem:$0x3FB0];
	_ =	sdelay $0x3  }
0x33: {  	p0 =	seq.s32 s10, $0x1;
	s10 =	sld [smem:$0x3FB2];
	_ =	sdelay $0x3  }
0x34: {  	[smem:$0x3FB2] =	sst s10  }
0x35: {  	s10 =	sld [smem:$0x3FB1];
	_ =	sdelay $0x3  }
0x36: {  	p1 =	seq.s32 s10, $0x1;
	s10 =	sld [smem:$0x3FB2];
	_ =	sdelay $0x3  }
0x37: {  	[smem:$0x3FB2] =	sst s10  }
0x38: {  	s10 =	sld [smem:$0x3FB3]  }
0x39: {  	_ = 	snop;
	(pc) =	sbr.ind lr, $3  }
0x3a: {  	_ = 	snop  }
0x3b: {  	_ = 	snop  }
0x3c: {  	p2 =	seq.s32 s10, $0x1;
	s10 =	sld [smem:$0x3FB2]  }
0x3d: {  	_ =	shalt  }
0x3e: {  	_ =	shalt  }
0x3f: {  	_ =	shalt  }
0x40: {  	_ =	shalt  }
0x41: {  	_ =	shalt  }
0x42: {  	_ =	shalt  }
0x43: {  	_ =	shalt  }
0x44: {  	_ =	shalt  }
0x45: {  	_ =	shalt  }
0x46: {  	_ =	shalt  }
0x47: {  	_ =	shalt  }
0x48: {  	_ =	shalt  }
0x49: {  	_ =	shalt  }
0x4a: {  	_ =	shalt  }
0x4b: {  	_ =	shalt  }
0x4c: {  	_ =	shalt  }
0x4d: {  	_ =	shalt  }
0x4e: {  	_ =	shalt  }
0x4f: {  	_ =	shalt  }
0x50: {  	_ =	shalt  }
0x51: {  	_ =	shalt  }
0x52: {  	_ =	shalt  }
0x53: {  	_ =	shalt  }
0x54: {  	_ =	shalt  }
0x55: {  	_ =	shalt  }
0x56: {  	_ =	shalt  }
0x57: {  	_ =	shalt  }
0x58: {  	_ =	shalt  }
0x59: {  	_ =	shalt  }
0x5a: {  	_ =	shalt  }
0x5b: {  	_ =	shalt  }
0x5c: {  	_ =	shalt  }
0x5d: {  	_ =	shalt  }
0x5e: {  	_ =	shalt  }
0x5f: {  	_ =	shalt  }
0x60: {  	_ =	shalt  }
0x61: {  	_ =	shalt  }
0x62: {  	_ =	shalt  }
0x63: {  	_ =	shalt  }
0x64: {  	_ =	shalt  }
0x65: {  	_ =	shalt  }
0x66: {  	_ =	shalt  }
0x67: {  	_ =	shalt  }
0x68: {  	_ =	shalt  }
0x69: {  	_ =	shalt  }
0x6a: {  	_ =	shalt  }
0x6b: {  	_ =	shalt  }
0x6c: {  	_ =	shalt  }
0x6d: {  	_ =	shalt  }
0x6e: {  	_ =	shalt  }
0x6f: {  	_ =	shalt  }
0x70: {  	_ =	shalt  }
0x71: {  	_ =	shalt  }
0x72: {  	_ =	shalt  }
0x73: {  	_ =	shalt  }
0x74: {  	_ =	shalt  }
0x75: {  	_ =	shalt  }
0x76: {  	_ =	shalt  }
0x77: {  	_ =	shalt  }
0x78: {  	_ =	shalt  }
0x79: {  	_ =	shalt  }
0x7a: {  	_ =	shalt  }
0x7b: {  	_ =	shalt  }
0x7c: {  	_ =	shalt  }
0x7d: {  	_ =	shalt  }
0x7e: {  	_ =	shalt  }
0x7f: {  	_ =	shalt  }
0x80: {  	_ =	shalt  }
0x81: {  	_ =	shalt  }
0x82: {  	_ =	shalt  }
0x83: {  	_ =	shalt  }
0x84: {  	_ =	shalt  }
0x85: {  	_ =	shalt  }
0x86: {  	_ =	shalt  }
0x87: {  	_ =	shalt  }
.Lfunc_end0:
.L_simem_size_0:
called_computation.3_lowered:
.L_overlay_start_0:
0x88: {  	s2 =	sld [smem:$0x3FD9]  }
0x89: {  	s3 =	sld [smem:$0x3FFE];
	_ =	sdelay $0x1  }
0x8a: {  	s1 =	srdreg.scid  }
0x8b: {  	s0 =	sand.u32 $0x1, s1  }
0x8c: {  	s17 =	sshll.u32 s0, $0xA;
	s2 =	sadd.s32 s3, s2  }
0x8d: {  	s2 =	sadd.s32 s2, s17  }
0x8e: {  	[smem:$0x3FBE] =	sst s2  }
0x8f: {  	_ = 	snop  }
0x90: {  	s2 =	sld [smem:$0x3FC6];
	(tm) =	ssettm $0x1  }
0x91: {  	s18 =	sld [smem:$0x3FFB];
	_ =	sdelay $0x3  }
0x92: {  	_ =	strace s18  }
0x93: {  	s3 =	sld [smem:$0x3FFC];
	_ =	sdelay $0x3  }
0x94: {  	_ =	strace s3  }
0x95: {  	s3 =	sld [smem:$0x3FFD];
	_ =	sdelay $0x3  }
0x96: {  	_ =	strace s3  }
0x97: {  	_ =	strace $0x8FFFFFFF  }
0x98: {  	s19 =	sld [smem:$0x3FDB];
	_ =	sdelay $0x1  }
0x99: {  	s4 =	simm.s32 $_scs_section_size  }
0x9a: {  	s5 =	simm.s32 $_size__tile_overlayer_lowered;
	s6 =	simm.s32 $_tile_overlayer_lowered  }
0x9b: {  	s22 =	simm.s32 $0x1BFF;
	s21 =	sshll.u32 s6, $0x1;
	s3 =	sadd.s32 s4, s19  }
0x9c: {  	s7 =	simm.s32 $0x0;
	s20 =	sshll.u32 s5, $0x1;
	s5 =	sadd.s32 s21, s3  }
0x9d: {  	[timem:s7], [sflag:s22] =	dma.local [hbm:s5], s20  }
0x9e: {  	_ =	swait.ge [sflag:s22], s20  }
0x9f: {  	s4 =	ssub.s32 $0x0, s20;
	[sflag:s22] =	ssyncset.done $0x0  }
0xa0: {  	[sflag:s22] =	ssyncadd.s32 s4;
	_ =	sdelay $0x1  }
0xa1: {  	s23 =	simm.s32 $0x1B8B  }
0xa2: {  	_ =	swait.ge [sflag:s23], $0x1  }
0xa3: {  	[sflag:s23] =	ssyncset.done $0x0  }
0xa4: {  	s25 =	simm.s32 $0x1B8E;
	s24 =	sld [smem:$0x3FFE];
	[sflag:s23] =	ssyncadd.s32 $0xFFFFFFFF  }
0xa5: {  	s26 =	simm.s32 $execute0_lowered;
	[smem:$0x3FD2] =	sst s25  }
0xa6: {  	s5 =	sshll.u32 s26, $0x1;
	_ =	strace $0x8000004F;
	[dreg:$0x1] =	wrdreg $0xFFFFFFFF  }
0xa7: {  	s28 =	simm.s32 $_size_execute0_lowered;
	s3 =	sadd.s32 s3, s5;
	[dreg:$0x0] =	wrdreg $0x0  }
0xa8: {  	s5 =	sshll.u32 s28, $0x1;
	[dreg:$0x2] =	wrdreg s3  }
0xa9: {  	[dreg:$0x3] =	wrdreg s5  }
0xaa: {  	[dreg:$0x4] =	wrdreg $0xC0  }
0xab: {  	_ =	task [dreg:s7], $0x5FFFF  }
0xac: {  	[dreg:$0x1] =	wrdreg $0xFFFFFFFF  }
0xad: {  	[dreg:$0x0] =	wrdreg $0x60  }
0xae: {  	[dreg:$0x2] =	wrdreg s24  }
0xaf: {  	[dreg:$0x3] =	wrdreg s2  }
0xb0: {  	[dreg:$0x4] =	wrdreg $0x9  }
0xb1: {  	_ =	task.clear_ibuf [dreg:s7], $0x5FFFF;
	_ =	strace $0x9000004F  }
0xb2: {  	s29 =	simm.s32 $0x9;
	_ =	strace $0x80000051  }
0xb3: {  	_ =	swait.ge [sflag:s29], $0x1  }
0xb4: {  	[sflag:s29] =	ssyncadd.s32 $0xFFFFFFFF  }
0xb5: {  	_ =	strace $0x90000051  }
0xb6: {  	_ =	sfence  }
0xb7: {  	s30 =	sld [smem:$0x0];
	_ =	sdelay $0x2  }
0xb8: {  	s31 =	sshll.u32 s1, $0xD;
	s1 =	sshrl.u32 s1, $0x2  }
0xb9: {  	s3 =	sand.u32 $0x4000, s31;
	s1 =	sadd.s32 s1, s30  }
0xba: {  	s0 =	sor.u32 s3, s0;
	s1 =	sshll.u32 s1, $0x11  }
0xbb: {  	s0 =	sor.u32 s1, s0  }
0xbc: {  	s0 =	sadd.s32 $0x8F2B, s0  }
0xbd: {  	[sflag:s0] =	ssyncadd.remote.s32 $0x1  }
0xbe: {  	_ =	sfence.sel $0xFFFF  }
0xbf: {  	[dreg:$0x0] =	wrdreg $0xFFFFFFFF;
	(pc) =	sbr.abs _section_cstart, $3  }
0xc0: {  	[dreg:$0x1] =	wrdreg $0xFFFFFFFF  }
0xc1: {  	_ =	task.clear_ibuf [dreg:s7], $0x2FFFF;
	_ =	strace $0x9FFFFFFF  }
0xc2: {  	(tm) =	ssettm $0x7FFFFFFF  }
0xc3: {  	_ =	shalt  }
tec
execute0_lowered:
.L_overlay_start_1:
0x0: {  	(tag) =	ssettag $0x1  }
0x1: {  	s1 =	srdreg.scid;
	s4 =	rddreg [dreg:$0x0]  }
0x2: {  	s0 =	stileid.u32;
	s2 =	rddreg [dreg:$0x1];
	s3 =	simm.s32 $0x0  }
0x3: {  	s9 =	simm.s32 $0x10000;
	s10 =	simm.s32 $0x5;
	s11 =	simm.s32 $0x10680  }
0x4: {  	s12 =	simm.s32 $0x80;
	s13 =	simm.s32 $0x4000;
	s15 =	simm.s32 $0x8000  }
0x5: {  	s16 =	simm.s32 $0x10700;
	s17 =	simm.s32 $0xC000;
	s18 =	simm.s32 $0x1  }
0x6: {  	s19 =	simm.s32 $0x2;
	s20 =	simm.s32 $0x10D00;
	s21 =	simm.s32 $0x3  }
0x7: {  	s22 =	simm.s32 $0x4;
	s5 =	sand.u32 $0x1, s1;
	s30 =	sshll.u32 s0, $0x1  }
.Ltmp0:
0x8: {  	s6 =	sor.u32 s5, s30;
	s5 =	ssub.s32 $0x2, s5;
	(pc) =	sbr.rel .LBB2_1-.Ltmp0, $4  }
0x9: {  	[smem:$0x7FF] =	sst s3;
	s6 =	smul.u32 $0xD0, s6;
	s31 =	sshrl.u32 s5, $0x1  }
0xa: {  	s23 =	simm.s32 $0x0;
	_ =	strace $0x80000050;
	s8 =	ssub.s32 s5, s31  }
0xb: {  	v0 =	vlaneseq.u32;
	v1 =	vimm.s32 $0x0;
	vm0 =	vcmask $0x300;
	s7 =	sadd.s32 s6, s4;
	s4 =	sadd.s32 $0x3C00, s4;
	s8 =	smax.u32 s8, $0x1  }
0xc: {  	v0 =	vmul.u32 $0x80, v0;
	v1 =	vsel vm0, $0x3, v1;
	s5 =	sadd.s32 $0x800, s7;
	s6 =	sadd.s32 $0x2200, s7;
	s7 =	sadd.s32 $0x2BC00, s7  }
.LBB2_14:
0xd: {  	s23 =	sadd.s32 $0x1, s23  }
0xe: {  	p0 =	sne.s32 s23, s8  }
.Ltmp1:
0xf: {  	_ = 	snop;
	(pc) =	sbr.rel @!p0 .LBB2_15-.Ltmp1, $4  }
0x10: {  	[hbm4b:s7+s3] =	stream.linear.scatter [tilespmem:s20], [sflag:$0x5], $0x680, $0x38;
	[tilespmem:$0x11380] =	vst v63  }
0x11: {  	_ =	swait.ge [sflag:s10], $0x680  }
0x12: {  	[sflag:s10] =	ssyncset.done $0x0  }
0x13: {  	[sflag:s10] =	ssyncadd.s32 $0xFFFFF980  }
.LBB2_1:
0x14: {  	[tilespmem:s9], [sflag:$0x5] =	stream.linear.gather [hbm4b:s5+s3], $0x680, $0x38;
	[tilespmem:$0x11380] =	vst v63  }
0x15: {  	_ =	swait.ge [sflag:s10], $0x680  }
0x16: {  	[sflag:s10] =	ssyncset.done $0x0  }
0x17: {  	[sflag:s10] =	ssyncadd.s32 $0xFFFFF980  }
0x18: {  	[tilespmem:s11], [sflag:$0x5] =	stream.linear.gather [hbm4b:s6+s3], $0x680, $0x38;
	[tilespmem:$0x11380] =	vst v63  }
0x19: {  	_ =	swait.ge [sflag:s10], $0x680  }
0x1a: {  	[sflag:s10] =	ssyncset.done $0x0  }
0x1b: {  	[sflag:s10] =	ssyncadd.s32 $0xFFFFF980  }
0x1c: {  	[tilespmem:s3], [sflag:$0x1] =	stream.indirect.gather [hbm4b:s4+s12], $0x80, s9, s12, $0xb8;
	[tilespmem:$0x11380] =	vst v63  }
0x1d: {  	_ = 	snop  }
0x1e: {  	[tilespmem:s13], [sflag:$0x2] =	stream.indirect.gather [hbm4b:s2+s12], $0x80, s11, s12, $0xb8;
	[tilespmem:$0x11380] =	vst v63  }
.Ltmp2:
0x1f: {  	_ = 	snop;
	(pc) =	sbr.rel .LBB2_2-.Ltmp2, $4  }
0x20: {  	s0 =	simm.s32 $0x10080  }
0x21: {  	[tilespmem:s15], [sflag:$0x3] =	stream.indirect.gather [hbm4b:s4+s12], $0x80, s0, s12, $0xb8;
	[tilespmem:$0x11380] =	vst v63  }
0x22: {  	s24 =	simm.s32 $0x0  }
0x23: {  	[tilespmem:s17], [sflag:$0x4] =	stream.indirect.gather [hbm4b:s2+s12], $0x80, s16, s12, $0xb8;
	[tilespmem:$0x11380] =	vst v63  }
.LBB2_13:
0x24: {  	s24 =	sadd.s32 $0x1, s24  }
0x25: {  	p0 =	sne.s32 s24, $0x7  }
.Ltmp3:
0x26: {  	_ = 	snop;
	(pc) =	sbr.rel @!p0 .LBB2_14-.Ltmp3, $1  }
0x27: {  	_ =	sdelay $0x3  }
.LBB2_2:
0x28: {  	_ =	swait.ge [sflag:s18], $0x4000  }
0x29: {  	[sflag:s18] =	ssyncset.done $0x0  }
0x2a: {  	s25 =	sshll.u32 s24, $0x8;
	[sflag:s18] =	ssyncadd.s32 $0xFFFFC000  }
0x2b: {  	s26 =	sand.u32 $0x3FFFFF00, s25;
	_ =	swait.ge [sflag:s19], $0x4000  }
0x2c: {  	s28 =	sadd.s32 $0x10D00, s26;
	[sflag:s19] =	ssyncset.done $0x0  }
0x2d: {  	s26 =	simm.s32 $0x0;
	v2 =	vmov s28;
	[sflag:s19] =	ssyncadd.s32 $0xFFFFC000  }
.LBB2_3:
0x2e: {  	s29 =	simm.s32 $0x0  }
0x2f: {  	v3 =	vmov s29  }
0x30: {  	s28 =	sshll.u32 s26, $0x4;
	v3 =	vshrl.u32 v3, $0x3  }
0x31: {  	v4 =	vmov s28;
	v3 =	vshll.u32 v3, v1  }
0x32: {  	v22 =	vimm.f32 $0.0e+00;
	s30 =	simm.s32 $0x19;
	s31 =	simm.s32 $0x1A;
	v4 =	vshll.u32 v4, $0x7;
	v20 =	vbroadcast v3, $0x0  }
0x33: {  	s14 =	simm.s32 $0x18;
	s0 =	simm.s32 $0x15;
	v15 =	vmov s30;
	v14 =	vmov s31;
	v10 =	vor.u32 v0, v4  }
0x34: {  	s1 =	simm.s32 $0x12;
	s29 =	simm.s32 $0x1E;
	v16 =	vmov s14;
	v19 =	vmov s0;
	v21 =	vor.u32 v10, v20  }
0x35: {  	s30 =	simm.s32 $0x16;
	v31 =	vmov s1;
	s14 =	simm.s32 $0xF;
	v11 =	vmov s29;
	v9 =	vor.u32 $0x1, v10  }
0x36: {  	s0 =	simm.s32 $0xC;
	s1 =	simm.s32 $0x8;
	v18 =	vmov s30;
	v36 =	vmov s14;
	v23 =	vadd.s32 v9, v20  }
0x37: {  	s29 =	simm.s32 $0x1C;
	v40 =	vmov s0;
	v42 =	vmov s1;
	v8 =	vor.u32 $0x2, v10  }
0x38: {  	s30 =	simm.s32 $0x13;
	v31 =	vshrl.u32 v31, $0x3;
	v12 =	vmov s29;
	v24 =	vadd.s32 v8, v20  }
0x39: {  	s14 =	simm.s32 $0xA;
	v25 =	vmov s30;
	v42 =	vshrl.u32 v42, $0x3;
	v7 =	vor.u32 $0x3, v10;
	v26 =	vld.idx.msk [tilespmem:v21+s3+$0x0], $0xffff  }
0x3a: {  	s29 =	simm.s32 $0x1B;
	v44 =	vmov s14;
	v6 =	vor.u32 $0x4, v10;
	v28 =	vadd.s32 v7, v20;
	v21 =	vld.idx.msk [tilespmem:v21+s13+$0x0], $0xffff  }
0x3b: {  	v40 =	vshrl.u32 v40, $0x3;
	v13 =	vmov s29;
	s29 =	simm.s32 $0x17;
	v35 =	vadd.s32 v6, v20;
	v32 =	vld.idx.msk [tilespmem:v23+s3+$0x0], $0xffff  }
0x3c: {  	v5 =	vor.u32 $0x5, v10;
	v4 =	vor.u32 $0x6, v10;
	v17 =	vmov s29;
	s29 =	simm.s32 $0x14;
	v23 =	vld.idx.msk [tilespmem:v23+s13+$0x0], $0xffff  }
0x3d: {  	s30 =	simm.s32 $0x11;
	v3 =	vor.u32 $0x7, v10;
	v27 =	vmov s29;
	s29 =	simm.s32 $0x10;
	v41 =	vadd.s32 v5, v20;
	v37 =	vld.idx.msk [tilespmem:v24+s3+$0x0], $0xffff  }
0x3e: {  	v30 =	vmov s30;
	v42 =	vshll.u32 v42, v1;
	v29 =	vmov s29;
	s29 =	simm.s32 $0xD;
	v24 =	vld.idx.msk [tilespmem:v24+s13+$0x0], $0xffff  }
0x3f: {  	s30 =	simm.s32 $0xE;
	v44 =	vshrl.u32 v44, $0x3;
	v57 =	vadd.s32 v4, v20;
	v33 =	vmov s29;
	s29 =	simm.s32 $0x9;
	v43 =	vld.idx.msk [tilespmem:v28+s3+$0x0], $0xffff  }
0x40: {  	v34 =	vmov s30;
	v38 =	vmov s29;
	v45 =	vld.idx.msk [tilespmem:v35+s3+$0x0], $0xffff;
	v21 =	vmul.f32 v21, v26  }
0x41: {  	v42 =	vbroadcast v42, $0x0;
	v20 =	vadd.s32 v3, v20;
	v38 =	vshrl.u32 v38, $0x3;
	v26 =	vld.idx.msk [tilespmem:v28+s13+$0x0], $0xffff  }
0x42: {  	s30 =	simm.s32 $0xB;
	v38 =	vshll.u32 v38, v1;
	v58 =	vld.idx.msk [tilespmem:v41+s3+$0x0], $0xffff;
	v21 =	vadd.f32 v21, v22;
	v22 =	vmul.f32 v23, v32  }
0x43: {  	v40 =	vshll.u32 v40, v1;
	v39 =	vmov s30;
	v59 =	vbroadcast v38, $0x0;
	v23 =	vld.idx.msk [tilespmem:v35+s13+$0x0], $0xffff  }
0x44: {  	v61 =	vadd.s32 v10, v42;
	v62 =	vld.idx.msk [tilespmem:v57+s3+$0x0], $0xffff;
	v21 =	vadd.f32 v22, v21;
	v22 =	vmul.f32 v24, v37  }
0x45: {  	v60 =	vshll.u32 v44, v1;
	v39 =	vshrl.u32 v39, $0x3;
	v63 =	vadd.s32 v9, v59;
	v24 =	vld.idx.msk [tilespmem:v41+s13+$0x0], $0xffff  }
0x46: {  	v44 =	vld.idx.msk [tilespmem:v20+s3+$0x0], $0xffff;
	v38 =	vbroadcast v60, $0x0;
	v21 =	vadd.f32 v22, v21;
	v22 =	vmul.f32 v26, v43  }
0x47: {  	v36 =	vshrl.u32 v36, $0x3;
	v40 =	vbroadcast v40, $0x0;
	v39 =	vshll.u32 v39, v1;
	v26 =	vld.idx.msk [tilespmem:v57+s13+$0x0], $0xffff  }
0x48: {  	v20 =	vld.idx.msk [tilespmem:v20+s13+$0x0], $0xffff;
	v21 =	vadd.f32 v22, v21;
	v22 =	vmul.f32 v23, v45;
	v23 =	vadd.s32 v8, v38  }
0x49: {  	v34 =	vshrl.u32 v34, $0x3;
	v49 =	vadd.s32 v6, v40;
	v39 =	vbroadcast v39, $0x0;
	v46 =	vld.idx.msk [tilespmem:v61+s3+$0x0], $0xffff  }
0x4a: {  	v33 =	vshrl.u32 v33, $0x3;
	v48 =	vld.idx.msk [tilespmem:v63+s3+$0x0], $0xffff;
	v21 =	vadd.f32 v22, v21;
	v22 =	vmul.f32 v24, v58  }
0x4b: {  	v34 =	vshll.u32 v34, v1;
	v33 =	vshll.u32 v33, v1;
	v47 =	vadd.s32 v7, v39;
	v24 =	vld.idx.msk [tilespmem:v61+s13+$0x0], $0xffff  }
0x4c: {  	v33 =	vbroadcast v33, $0x0;
	v21 =	vadd.f32 v22, v21;
	v22 =	vmul.f32 v26, v62;
	v26 =	vld.idx.msk [tilespmem:v63+s13+$0x0], $0xffff  }
0x4d: {  	v19 =	vshrl.u32 v19, $0x3;
	v36 =	vshll.u32 v36, v1;
	v34 =	vbroadcast v34, $0x0;
	v50 =	vld.idx.msk [tilespmem:v23+s3+$0x0], $0xffff  }
0x4e: {  	v20 =	vmul.f32 v20, v44;
	v21 =	vadd.f32 v22, v21;
	v22 =	vld.idx.msk [tilespmem:v23+s13+$0x0], $0xffff;
	v23 =	vadd.s32 v5, v33  }
0x4f: {  	v31 =	vshll.u32 v31, v1;
	v52 =	vbroadcast v36, $0x0;
	v29 =	vshrl.u32 v29, $0x3;
	v54 =	vld.idx.msk [tilespmem:v49+s3+$0x0], $0xffff  }
0x50: {  	v53 =	vadd.s32 v4, v34;
	v51 =	vld.idx.msk [tilespmem:v47+s3+$0x0], $0xffff;
	v20 =	vadd.f32 v20, v21;
	v21 =	vmul.f32 v24, v46  }
0x51: {  	v30 =	vshrl.u32 v30, $0x3;
	v55 =	vadd.s32 v3, v52;
	v29 =	vshll.u32 v29, v1;
	v24 =	vld.idx.msk [tilespmem:v47+s13+$0x0], $0xffff  }
0x52: {  	v29 =	vbroadcast v29, $0x0;
	v20 =	vadd.f32 v21, v20;
	v21 =	vmul.f32 v26, v48;
	v26 =	vld.idx.msk [tilespmem:v49+s13+$0x0], $0xffff  }
0x53: {  	v25 =	vshrl.u32 v25, $0x3;
	v31 =	vbroadcast v31, $0x0;
	v30 =	vshll.u32 v30, v1;
	v56 =	vld.idx.msk [tilespmem:v23+s3+$0x0], $0xffff  }
0x54: {  	v20 =	vadd.f32 v21, v20;
	v21 =	vmul.f32 v22, v50;
	v22 =	vld.idx.msk [tilespmem:v23+s13+$0x0], $0xffff;
	v23 =	vadd.s32 v10, v29  }
0x55: {  	v16 =	vshrl.u32 v16, $0x3;
	v25 =	vshll.u32 v25, v1;
	v30 =	vbroadcast v30, $0x0;
	v57 =	vld.idx.msk [tilespmem:v53+s3+$0x0], $0xffff  }
0x56: {  	v59 =	vadd.s32 v8, v31;
	v58 =	vld.idx.msk [tilespmem:v55+s3+$0x0], $0xffff;
	v20 =	vadd.f32 v21, v20;
	v21 =	vmul.f32 v24, v51  }
0x57: {  	v25 =	vbroadcast v25, $0x0;
	v27 =	vshrl.u32 v27, $0x3;
	v30 =	vadd.s32 v9, v30;
	v24 =	vld.idx.msk [tilespmem:v53+s13+$0x0], $0xffff  }
0x58: {  	v27 =	vshll.u32 v27, v1;
	v20 =	vadd.f32 v21, v20;
	v21 =	vmul.f32 v26, v54;
	v26 =	vld.idx.msk [tilespmem:v55+s13+$0x0], $0xffff  }
0x59: {  	v19 =	vshll.u32 v19, v1;
	v18 =	vshrl.u32 v18, $0x3;
	v27 =	vbroadcast v27, $0x0;
	v60 =	vld.idx.msk [tilespmem:v23+s3+$0x0], $0xffff  }
0x5a: {  	v20 =	vadd.f32 v21, v20;
	v21 =	vmul.f32 v22, v56;
	v22 =	vld.idx.msk [tilespmem:v23+s13+$0x0], $0xffff;
	v23 =	vadd.s32 v7, v25  }
0x5b: {  	v15 =	vshrl.u32 v15, $0x3;
	v19 =	vbroadcast v19, $0x0;
	v18 =	vshll.u32 v18, v1;
	v61 =	vld.idx.msk [tilespmem:v59+s3+$0x0], $0xffff  }
0x5c: {  	v27 =	vadd.s32 v6, v27;
	v25 =	vld.idx.msk [tilespmem:v30+s3+$0x0], $0xffff;
	v20 =	vadd.f32 v21, v20;
	v21 =	vmul.f32 v24, v57  }
0x5d: {  	v14 =	vshrl.u32 v14, $0x3;
	v18 =	vbroadcast v18, $0x0;
	v17 =	vshrl.u32 v17, $0x3;
	v24 =	vld.idx.msk [tilespmem:v30+s13+$0x0], $0xffff  }
0x5e: {  	v19 =	vadd.s32 v5, v19;
	v20 =	vadd.f32 v21, v20;
	v21 =	vmul.f32 v26, v58;
	v26 =	vld.idx.msk [tilespmem:v59+s13+$0x0], $0xffff  }
0x5f: {  	v15 =	vshll.u32 v15, v1;
	v17 =	vshll.u32 v17, v1;
	v18 =	vadd.s32 v4, v18;
	v62 =	vld.idx.msk [tilespmem:v23+s3+$0x0], $0xffff  }
0x60: {  	v17 =	vbroadcast v17, $0x0;
	v20 =	vadd.f32 v21, v20;
	v21 =	vmul.f32 v22, v60;
	v22 =	vld.idx.msk [tilespmem:v23+s13+$0x0], $0xffff  }
0x61: {  	v16 =	vshll.u32 v16, v1;
	v14 =	vshll.u32 v14, v1;
	v15 =	vbroadcast v15, $0x0;
	v23 =	vld.idx.msk [tilespmem:v27+s3+$0x0], $0xffff  }
0x62: {  	v17 =	vadd.s32 v3, v17;
	v20 =	vadd.f32 v21, v20;
	v21 =	vmul.f32 v24, v25;
	v24 =	vld.idx.msk [tilespmem:v27+s13+$0x0], $0xffff  }
0x63: {  	v11 =	vshrl.u32 v11, $0x3;
	v16 =	vbroadcast v16, $0x0;
	v14 =	vbroadcast v14, $0x0;
	v25 =	vld.idx.msk [tilespmem:v19+s3+$0x0], $0xffff  }
0x64: {  	v15 =	vadd.s32 v9, v15;
	v19 =	vld.idx.msk [tilespmem:v19+s13+$0x0], $0xffff;
	v20 =	vadd.f32 v21, v20;
	v21 =	vmul.f32 v26, v61  }
0x65: {  	v12 =	vshrl.u32 v12, $0x3;
	v13 =	vshrl.u32 v13, $0x3;
	v16 =	vadd.s32 v10, v16;
	v26 =	vld.idx.msk [tilespmem:v18+s3+$0x0], $0xffff  }
0x66: {  	v13 =	vshll.u32 v13, v1;
	v18 =	vld.idx.msk [tilespmem:v18+s13+$0x0], $0xffff;
	v20 =	vadd.f32 v21, v20;
	v21 =	vmul.f32 v22, v62  }
0x67: {  	v11 =	vshll.u32 v11, v1;
	v12 =	vshll.u32 v12, v1;
	v13 =	vbroadcast v13, $0x0;
	v27 =	vld.idx.msk [tilespmem:v17+s3+$0x0], $0xffff  }
0x68: {  	s31 =	simm.s32 $0x1D;
	v17 =	vld.idx.msk [tilespmem:v17+s13+$0x0], $0xffff;
	v20 =	vadd.f32 v21, v20;
	v21 =	vmul.f32 v24, v23;
	v23 =	vadd.s32 v8, v14  }
0x69: {  	v12 =	vbroadcast v12, $0x0;
	v63 =	vadd.s32 v7, v13;
	v13 =	vld.idx.msk [tilespmem:v15+s3+$0x0], $0xffff;
	v22 =	vmov s31  }
0x6a: {  	v19 =	vmul.f32 v19, v25;
	v14 =	vshrl.u32 v22, $0x3;
	v24 =	vld.idx.msk [tilespmem:v16+s3+$0x0], $0xffff;
	v20 =	vadd.f32 v21, v20  }
0x6b: {  	s0 =	simm.s32 $0x1F;
	v25 =	vshll.u32 v14, v1;
	v18 =	vmul.f32 v18, v26;
	v14 =	vadd.s32 v6, v12;
	v21 =	vld.idx.msk [tilespmem:v16+s13+$0x0], $0xffff  }
0x6c: {  	v22 =	vld.idx.msk [tilespmem:v15+s13+$0x0], $0xffff;
	v16 =	vmov s0;
	v12 =	vbroadcast v25, $0x0;
	v19 =	vadd.f32 v19, v20  }
0x6d: {  	v11 =	vbroadcast v11, $0x0;
	v25 =	vmul.f32 v17, v27;
	v16 =	vshrl.u32 v16, $0x3;
	v15 =	vld.idx.msk [tilespmem:v23+s3+$0x0], $0xffff  }
0x6e: {  	s14 =	simm.s32 $0x20;
	v20 =	vshll.u32 v16, v1;
	v16 =	vadd.s32 v5, v12;
	v17 =	vld.idx.msk [tilespmem:v23+s13+$0x0], $0xffff;
	v19 =	vadd.f32 v18, v19  }
0x6f: {  	v12 =	vmov s14;
	v23 =	vbroadcast v20, $0x0;
	v20 =	vld.idx.msk [tilespmem:v63+s13+$0x0], $0xffff  }
0x70: {  	s29 =	simm.s32 $0x3F;
	s31 =	simm.s32 $0x3E;
	v18 =	vld.idx.msk [tilespmem:v63+s3+$0x0], $0xffff;
	v26 =	vmul.f32 v21, v24;
	v25 =	vadd.f32 v25, v19;
	v19 =	vadd.s32 v4, v11  }
0x71: {  	s30 =	simm.s32 $0x5F;
	v24 =	vshrl.u32 v12, $0x3;
	v12 =	vmov s31;
	v21 =	vld.idx.msk [tilespmem:v14+s3+$0x0], $0xffff;
	v11 =	vmov s29  }
.LBB2_4:
0x72: {  	p0 =	sne.s32 s30, $0x7F;
	s1 =	sadd.s32 $0xFFFFFFFD, s29;
	s31 =	sadd.s32 $0xFFFFFFFE, s29;
	v25 =	vadd.f32 v26, v25;
	v22 =	vmul.f32 v22, v13;
	v26 =	vld.idx.msk [tilespmem:v14+s13+$0x0], $0xffff;
	v23 =	vadd.s32 v3, v23  }
0x73: {  	v24 =	vshll.u32 v24, v1;
	v14 =	vmov s1;
	v13 =	vmov s31;
	v27 =	vld.idx.msk [tilespmem:v16+s3+$0x0], $0xffff  }
0x74: {  	s0 =	sadd.s32 $0xFFFFFFFC, s29;
	v28 =	vbroadcast v24, $0x0;
	s1 =	sadd.s32 $0xFFFFFFFA, s29;
	s31 =	sadd.s32 $0xFFFFFFFB, s29;
	v24 =	vmul.f32 v17, v15;
	v22 =	vadd.f32 v22, v25;
	v25 =	vld.idx.msk [tilespmem:v16+s13+$0x0], $0xffff  }
0x75: {  	v15 =	vmov s0;
	v17 =	vmov s1;
	v16 =	vmov s31;
	v29 =	vld.idx.msk [tilespmem:v19+s3+$0x0], $0xffff  }
0x76: {  	s0 =	sadd.s32 $0xFFFFFFF7, s29;
	s1 =	sadd.s32 $0xFFFFFFF8, s29;
	s31 =	sadd.s32 $0xFFFFFFF9, s29;
	v30 =	vor.u32 v10, v28;
	v22 =	vadd.f32 v24, v22;
	v24 =	vmul.f32 v20, v18;
	v31 =	vld.idx.msk [tilespmem:v19+s13+$0x0], $0xffff  }
0x77: {  	v20 =	vmov s0;
	v19 =	vmov s1;
	v18 =	vmov s31;
	v32 =	vld.idx.msk [tilespmem:v23+s3+$0x0], $0xffff  }
0x78: {  	v33 =	vadd.s32 v9, v28;
	s0 =	sadd.s32 $0xFFFFFFF4, s29;
	s1 =	sadd.s32 $0xFFFFFFF5, s29;
	s31 =	sadd.s32 $0xFFFFFFF6, s29;
	v26 =	vmul.f32 v26, v21;
	v24 =	vadd.f32 v24, v22;
	v34 =	vld.idx.msk [tilespmem:v23+s13+$0x0], $0xffff  }
0x79: {  	v21 =	vmov s31;
	v23 =	vmov s0;
	v22 =	vmov s1  }
0x7a: {  	v35 =	vadd.s32 v8, v28;
	s31 =	sadd.s32 $0xFFFFFFF3, s29;
	s0 =	sadd.s32 $0xFFFFFFF1, s29;
	s1 =	sadd.s32 $0xFFFFFFF2, s29;
	v25 =	vmul.f32 v25, v27;
	v26 =	vadd.f32 v26, v24  }
0x7b: {  	v36 =	vmov s0;
	v37 =	vmov s1;
	v24 =	vmov s31;
	v27 =	vld.idx.msk [tilespmem:v30+s3+$0x0], $0xffff  }
0x7c: {  	v38 =	vadd.s32 v7, v28;
	s0 =	sadd.s32 $0xFFFFFFEE, s29;
	s1 =	sadd.s32 $0xFFFFFFEF, s29;
	s31 =	sadd.s32 $0xFFFFFFF0, s29;
	v30 =	vld.idx.msk [tilespmem:v30+s13+$0x0], $0xffff;
	v25 =	vadd.f32 v25, v26;
	v26 =	vmul.f32 v31, v29  }
0x7d: {  	v39 =	vmov s1;
	v40 =	vmov s31;
	v31 =	vmov s0;
	v29 =	vld.idx.msk [tilespmem:v33+s3+$0x0], $0xffff  }
0x7e: {  	v41 =	vadd.s32 v6, v28;
	s1 =	sadd.s32 $0xFFFFFFEC, s29;
	s31 =	sadd.s32 $0xFFFFFFED, s29;
	s0 =	sadd.s32 $0xFFFFFFEA, s29;
	v33 =	vld.idx.msk [tilespmem:v33+s13+$0x0], $0xffff;
	v25 =	vadd.f32 v26, v25;
	v26 =	vmul.f32 v34, v32  }
0x7f: {  	s14 =	sadd.s32 $0xFFFFFFE9, s29;
	v42 =	vmov s1;
	v43 =	vmov s31;
	v34 =	vmov s0;
	v32 =	vld.idx.msk [tilespmem:v35+s3+$0x0], $0xffff  }
0x80: {  	v45 =	vmov s14;
	v44 =	vadd.s32 v5, v28;
	s0 =	sadd.s32 $0xFFFFFFEB, s29;
	s29 =	smov.u32 s30;
	v35 =	vld.idx.msk [tilespmem:v35+s13+$0x0], $0xffff;
	v25 =	vadd.f32 v26, v25  }
0x81: {  	v45 =	vshrl.u32 v45, $0x3;
	v34 =	vshrl.u32 v34, $0x3;
	v46 =	vmov s0;
	v26 =	vld.idx.msk [tilespmem:v38+s3+$0x0], $0xffff  }
0x82: {  	v45 =	vshll.u32 v45, v1;
	v27 =	vmul.f32 v30, v27;
	v30 =	vld.idx.msk [tilespmem:v38+s13+$0x0], $0xffff;
	v38 =	vadd.s32 v4, v28  }
0x83: {  	v45 =	vbroadcast v45, $0x0;
	v34 =	vshll.u32 v34, v1;
	v46 =	vshrl.u32 v46, $0x3;
	v47 =	vld.idx.msk [tilespmem:v41+s3+$0x0], $0xffff  }
0x84: {  	v28 =	vadd.s32 v3, v28;
	v25 =	vadd.f32 v27, v25;
	v27 =	vmul.f32 v33, v29;
	v29 =	vld.idx.msk [tilespmem:v41+s13+$0x0], $0xffff  }
0x85: {  	v42 =	vshrl.u32 v42, $0x3;
	v34 =	vbroadcast v34, $0x0;
	v41 =	vshll.u32 v46, v1;
	v33 =	vld.idx.msk [tilespmem:v44+s3+$0x0], $0xffff  }
0x86: {  	v25 =	vadd.f32 v27, v25;
	v27 =	vmul.f32 v35, v32;
	v35 =	vadd.s32 v10, v45;
	v32 =	vld.idx.msk [tilespmem:v44+s13+$0x0], $0xffff  }
0x87: {  	v42 =	vshll.u32 v42, v1;
	v43 =	vshrl.u32 v43, $0x3;
	v41 =	vbroadcast v41, $0x0;
	v44 =	vld.idx.msk [tilespmem:v38+s3+$0x0], $0xffff  }
0x88: {  	v25 =	vadd.f32 v27, v25;
	v26 =	vmul.f32 v30, v26;
	v30 =	vadd.s32 v9, v34;
	v27 =	vld.idx.msk [tilespmem:v38+s13+$0x0], $0xffff  }
0x89: {  	v31 =	vshrl.u32 v31, $0x3;
	v38 =	vbroadcast v42, $0x0;
	v42 =	vshll.u32 v43, v1;
	v34 =	vld.idx.msk [tilespmem:v28+s3+$0x0], $0xffff  }
0x8a: {  	v25 =	vadd.f32 v26, v25;
	v26 =	vmul.f32 v29, v47;
	v29 =	vadd.s32 v8, v41;
	v28 =	vld.idx.msk [tilespmem:v28+s13+$0x0], $0xffff  }
0x8b: {  	v39 =	vshrl.u32 v39, $0x3;
	v31 =	vshll.u32 v31, v1;
	v42 =	vbroadcast v42, $0x0;
	v41 =	vld.idx.msk [tilespmem:v35+s3+$0x0], $0xffff  }
0x8c: {  	v25 =	vadd.f32 v26, v25;
	v26 =	vmul.f32 v32, v33;
	v33 =	vadd.s32 v7, v38;
	v32 =	vld.idx.msk [tilespmem:v35+s13+$0x0], $0xffff  }
0x8d: {  	v31 =	vbroadcast v31, $0x0;
	v38 =	vshll.u32 v39, v1;
	v39 =	vshrl.u32 v40, $0x3;
	v35 =	vld.idx.msk [tilespmem:v30+s3+$0x0], $0xffff  }
0x8e: {  	v25 =	vadd.f32 v26, v25;
	v26 =	vmul.f32 v27, v44;
	v27 =	vld.idx.msk [tilespmem:v30+s13+$0x0], $0xffff;
	v30 =	vadd.s32 v6, v42  }
0x8f: {  	v36 =	vshrl.u32 v36, $0x3;
	v38 =	vbroadcast v38, $0x0;
	v39 =	vshll.u32 v39, v1;
	v40 =	vld.idx.msk [tilespmem:v29+s3+$0x0], $0xffff  }
0x90: {  	v25 =	vadd.f32 v26, v25;
	v26 =	vmul.f32 v28, v34;
	v28 =	vld.idx.msk [tilespmem:v29+s13+$0x0], $0xffff;
	v29 =	vadd.s32 v5, v31  }
0x91: {  	v37 =	vshrl.u32 v37, $0x3;
	v36 =	vshll.u32 v36, v1;
	v34 =	vbroadcast v39, $0x0;
	v31 =	vld.idx.msk [tilespmem:v33+s3+$0x0], $0xffff  }
0x92: {  	v25 =	vadd.f32 v26, v25;
	v26 =	vmul.f32 v32, v41;
	v32 =	vld.idx.msk [tilespmem:v33+s13+$0x0], $0xffff;
	v33 =	vadd.s32 v4, v38  }
0x93: {  	v37 =	vshll.u32 v37, v1;
	v24 =	vshrl.u32 v24, $0x3;
	v36 =	vbroadcast v36, $0x0;
	v38 =	vld.idx.msk [tilespmem:v30+s3+$0x0], $0xffff  }
0x94: {  	v25 =	vadd.f32 v26, v25;
	v26 =	vmul.f32 v27, v35;
	v27 =	vld.idx.msk [tilespmem:v30+s13+$0x0], $0xffff;
	v30 =	vadd.s32 v3, v34  }
0x95: {  	v23 =	vshrl.u32 v23, $0x3;
	v24 =	vshll.u32 v24, v1;
	v35 =	vbroadcast v37, $0x0;
	v34 =	vld.idx.msk [tilespmem:v29+s3+$0x0], $0xffff  }
0x96: {  	v25 =	vadd.f32 v26, v25;
	v26 =	vmul.f32 v28, v40;
	v28 =	vld.idx.msk [tilespmem:v29+s13+$0x0], $0xffff;
	v29 =	vadd.s32 v10, v36  }
0x97: {  	v22 =	vshrl.u32 v22, $0x3;
	v23 =	vshll.u32 v23, v1;
	v24 =	vbroadcast v24, $0x0;
	v36 =	vld.idx.msk [tilespmem:v33+s3+$0x0], $0xffff  }
0x98: {  	v25 =	vadd.f32 v26, v25;
	v26 =	vmul.f32 v32, v31;
	v32 =	vadd.s32 v9, v35;
	v31 =	vld.idx.msk [tilespmem:v33+s13+$0x0], $0xffff  }
0x99: {  	v21 =	vshrl.u32 v21, $0x3;
	v22 =	vshll.u32 v22, v1;
	v23 =	vbroadcast v23, $0x0;
	v33 =	vld.idx.msk [tilespmem:v30+s3+$0x0], $0xffff  }
0x9a: {  	v24 =	vadd.s32 v8, v24;
	v25 =	vadd.f32 v26, v25;
	v26 =	vmul.f32 v27, v38;
	v27 =	vld.idx.msk [tilespmem:v30+s13+$0x0], $0xffff  }
0x9b: {  	v20 =	vshrl.u32 v20, $0x3;
	v21 =	vshll.u32 v21, v1;
	v22 =	vbroadcast v22, $0x0;
	v30 =	vld.idx.msk [tilespmem:v29+s3+$0x0], $0xffff  }
0x9c: {  	v23 =	vadd.s32 v7, v23;
	v25 =	vadd.f32 v26, v25;
	v26 =	vmul.f32 v28, v34;
	v28 =	vld.idx.msk [tilespmem:v29+s13+$0x0], $0xffff  }
0x9d: {  	v19 =	vshrl.u32 v19, $0x3;
	v20 =	vshll.u32 v20, v1;
	v21 =	vbroadcast v21, $0x0;
	v29 =	vld.idx.msk [tilespmem:v32+s3+$0x0], $0xffff  }
0x9e: {  	v22 =	vadd.s32 v6, v22;
	v25 =	vadd.f32 v26, v25;
	v26 =	vmul.f32 v31, v36;
	v31 =	vld.idx.msk [tilespmem:v32+s13+$0x0], $0xffff  }
0x9f: {  	v18 =	vshrl.u32 v18, $0x3;
	v19 =	vshll.u32 v19, v1;
	v20 =	vbroadcast v20, $0x0;
	v32 =	vld.idx.msk [tilespmem:v24+s3+$0x0], $0xffff  }
0xa0: {  	v21 =	vadd.s32 v5, v21;
	v25 =	vadd.f32 v26, v25;
	v26 =	vmul.f32 v27, v33;
	v24 =	vld.idx.msk [tilespmem:v24+s13+$0x0], $0xffff  }
0xa1: {  	v17 =	vshrl.u32 v17, $0x3;
	v18 =	vshll.u32 v18, v1;
	v19 =	vbroadcast v19, $0x0;
	v27 =	vld.idx.msk [tilespmem:v23+s3+$0x0], $0xffff  }
0xa2: {  	v20 =	vadd.s32 v4, v20;
	v25 =	vadd.f32 v26, v25;
	v26 =	vmul.f32 v28, v30;
	v23 =	vld.idx.msk [tilespmem:v23+s13+$0x0], $0xffff  }
0xa3: {  	v16 =	vshrl.u32 v16, $0x3;
	v17 =	vshll.u32 v17, v1;
	v18 =	vbroadcast v18, $0x0;
	v28 =	vld.idx.msk [tilespmem:v22+s3+$0x0], $0xffff  }
0xa4: {  	v19 =	vadd.s32 v3, v19;
	v25 =	vadd.f32 v26, v25;
	v26 =	vmul.f32 v31, v29;
	v22 =	vld.idx.msk [tilespmem:v22+s13+$0x0], $0xffff  }
0xa5: {  	v15 =	vshrl.u32 v15, $0x3;
	v16 =	vshll.u32 v16, v1;
	v17 =	vbroadcast v17, $0x0;
	v29 =	vld.idx.msk [tilespmem:v21+s3+$0x0], $0xffff  }
0xa6: {  	v18 =	vadd.s32 v10, v18;
	v25 =	vadd.f32 v26, v25;
	v24 =	vmul.f32 v24, v32;
	v21 =	vld.idx.msk [tilespmem:v21+s13+$0x0], $0xffff  }
0xa7: {  	v14 =	vshrl.u32 v14, $0x3;
	v15 =	vshll.u32 v15, v1;
	v16 =	vbroadcast v16, $0x0;
	v26 =	vld.idx.msk [tilespmem:v20+s3+$0x0], $0xffff  }
0xa8: {  	v17 =	vadd.s32 v9, v17;
	v24 =	vadd.f32 v24, v25;
	v23 =	vmul.f32 v23, v27;
	v20 =	vld.idx.msk [tilespmem:v20+s13+$0x0], $0xffff  }
0xa9: {  	v13 =	vshrl.u32 v13, $0x3;
	v14 =	vshll.u32 v14, v1;
	v15 =	vbroadcast v15, $0x0;
	v25 =	vld.idx.msk [tilespmem:v19+s3+$0x0], $0xffff  }
0xaa: {  	v16 =	vadd.s32 v8, v16;
	v23 =	vadd.f32 v23, v24;
	v22 =	vmul.f32 v22, v28;
	v19 =	vld.idx.msk [tilespmem:v19+s13+$0x0], $0xffff  }
0xab: {  	v12 =	vshrl.u32 v12, $0x3;
	v14 =	vbroadcast v14, $0x0;
	v27 =	vshll.u32 v13, v1;
	v24 =	vld.idx.msk [tilespmem:v18+s3+$0x0], $0xffff  }
0xac: {  	v22 =	vadd.f32 v22, v23;
	v21 =	vmul.f32 v21, v29;
	v29 =	vadd.s32 v7, v15;
	v28 =	vld.idx.msk [tilespmem:v18+s13+$0x0], $0xffff  }
0xad: {  	v11 =	vshrl.u32 v11, $0x3;
	v12 =	vshll.u32 v12, v1;
	v18 =	vbroadcast v27, $0x0;
	v13 =	vld.idx.msk [tilespmem:v17+s3+$0x0], $0xffff  }
0xae: {  	v14 =	vadd.s32 v6, v14;
	v21 =	vadd.f32 v21, v22;
	v20 =	vmul.f32 v20, v26;
	v22 =	vld.idx.msk [tilespmem:v17+s13+$0x0], $0xffff  }
.Ltmp4:
0xaf: {  	v11 =	vshll.u32 v11, v1;
	v12 =	vbroadcast v12, $0x0;
	v15 =	vld.idx.msk [tilespmem:v16+s3+$0x0], $0xffff;
	(pc) =	sbr.rel @p0 .LBB2_4-.Ltmp4, $4  }
0xb0: {  	s0 =	sadd.s32 $0xFFFFFFE1, s30;
	v20 =	vadd.f32 v20, v21;
	v19 =	vmul.f32 v19, v25;
	v17 =	vld.idx.msk [tilespmem:v16+s13+$0x0], $0xffff;
	v16 =	vadd.s32 v5, v18  }
0xb1: {  	v23 =	vbroadcast v11, $0x0;
	v21 =	vmov s0;
	v18 =	vld.idx.msk [tilespmem:v29+s3+$0x0], $0xffff  }
0xb2: {  	s0 =	sadd.s32 $0xFFFFFFFF, s30;
	v25 =	vadd.f32 v19, v20;
	v26 =	vmul.f32 v28, v24;
	v19 =	vadd.s32 v4, v12;
	v20 =	vld.idx.msk [tilespmem:v29+s13+$0x0], $0xffff  }
0xb3: {  	v11 =	vmov s29;
	s30 =	sadd.s32 $0x20, s30;
	v24 =	vshrl.u32 v21, $0x3;
	v12 =	vmov s0;
	v21 =	vld.idx.msk [tilespmem:v14+s3+$0x0], $0xffff  }
0xb4: {  	_ =	sdelay $0x2  }
0xb5: {  	v25 =	vadd.f32 v26, v25  }
0xb6: {  	s0 =	sadd.s32 $0xFFFFFFFD, s29;
	s1 =	sadd.s32 $0xFFFFFFFE, s29;
	v22 =	vmul.f32 v22, v13;
	v49 =	vadd.s32 v3, v23;
	v50 =	vshll.u32 v24, v1;
	v51 =	vld.idx.msk [tilespmem:v14+s13+$0x0], $0xffff  }
0xb7: {  	s30 =	sadd.s32 $0xFFFFFFFA, s29;
	v28 =	vld.idx.msk [tilespmem:v16+s3+$0x0], $0xffff;
	v14 =	vmov s0;
	v13 =	vmov s1;
	v27 =	vbroadcast v50, $0x0  }
0xb8: {  	s31 =	sadd.s32 $0xFFFFFFFB, s29;
	s14 =	sadd.s32 $0xFFFFFFFC, s29;
	v53 =	vld.idx.msk [tilespmem:v16+s13+$0x0], $0xffff;
	v52 =	vmul.f32 v17, v15;
	v17 =	vmov s30;
	v22 =	vadd.f32 v22, v25  }
0xb9: {  	v30 =	vld.idx.msk [tilespmem:v19+s3+$0x0], $0xffff;
	v16 =	vmov s31;
	v15 =	vmov s14;
	s30 =	sadd.s32 $0xFFFFFFF8, s29;
	v29 =	vor.u32 v10, v27  }
0xba: {  	v31 =	vld.idx.msk [tilespmem:v19+s13+$0x0], $0xffff;
	s14 =	sadd.s32 $0xFFFFFFF7, s29;
	s1 =	sadd.s32 $0xFFFFFFEA, s29;
	v19 =	vmov s30;
	v54 =	vmul.f32 v20, v18;
	v22 =	vadd.f32 v52, v22  }
0xbb: {  	s31 =	sadd.s32 $0xFFFFFFF9, s29;
	v60 =	vmov s1;
	v20 =	vmov s14;
	v32 =	vadd.s32 v9, v27  }
0xbc: {  	v18 =	vmov s31;
	v33 =	vld.idx.msk [tilespmem:v49+s3+$0x0], $0xffff;
	v24 =	vmul.f32 v51, v21;
	v34 =	vadd.f32 v54, v22  }
0xbd: {  	v35 =	vadd.s32 v8, v27;
	v38 =	vadd.s32 v7, v27;
	v41 =	vadd.s32 v6, v27;
	v26 =	vld.idx.msk [tilespmem:v49+s13+$0x0], $0xffff  }
0xbe: {  	s31 =	sadd.s32 $0xFFFFFFF6, s29;
	v44 =	vadd.s32 v5, v27;
	v25 =	vmul.f32 v53, v28;
	v24 =	vadd.f32 v24, v34;
	v55 =	vld.idx.msk [tilespmem:v29+s3+$0x0], $0xffff  }
0xbf: {  	s30 =	sadd.s32 $0xFFFFFFF5, s29;
	v63 =	vadd.s32 v4, v27;
	v27 =	vadd.s32 v3, v27;
	v21 =	vmov s31;
	v29 =	vld.idx.msk [tilespmem:v29+s13+$0x0], $0xffff  }
0xc0: {  	s14 =	sadd.s32 $0xFFFFFFF4, s29;
	s31 =	sadd.s32 $0xFFFFFFF3, s29;
	v56 =	vmul.f32 v31, v30;
	v22 =	vmov s30;
	s30 =	sadd.s32 $0xFFFFFFF2, s29;
	v57 =	vld.idx.msk [tilespmem:v32+s3+$0x0], $0xffff;
	v24 =	vadd.f32 v25, v24  }
0xc1: {  	v23 =	vmov s14;
	v37 =	vmov s31;
	s31 =	sadd.s32 $0xFFFFFFF0, s29;
	v36 =	vmov s30;
	v32 =	vld.idx.msk [tilespmem:v32+s13+$0x0], $0xffff  }
0xc2: {  	s14 =	sadd.s32 $0xFFFFFFF1, s29;
	s30 =	sadd.s32 $0xFFFFFFEF, s29;
	v40 =	vmov s31;
	s31 =	sadd.s32 $0xFFFFFFED, s29;
	v59 =	vld.idx.msk [tilespmem:v35+s3+$0x0], $0xffff;
	v58 =	vmul.f32 v26, v33;
	v24 =	vadd.f32 v56, v24  }
0xc3: {  	v34 =	vmov s14;
	v39 =	vmov s30;
	s30 =	sadd.s32 $0xFFFFFFE9, s29;
	v43 =	vmov s31;
	v35 =	vld.idx.msk [tilespmem:v35+s13+$0x0], $0xffff  }
0xc4: {  	s14 =	sadd.s32 $0xFFFFFFEE, s29;
	v61 =	vld.idx.msk [tilespmem:v38+s3+$0x0], $0xffff;
	s31 =	sadd.s32 $0xFFFFFFEB, s29;
	v45 =	vmov s30;
	v28 =	vmul.f32 v29, v55;
	v24 =	vadd.f32 v58, v24  }
0xc5: {  	v38 =	vld.idx.msk [tilespmem:v38+s13+$0x0], $0xffff;
	v31 =	vmov s14;
	v48 =	vmov s31;
	v62 =	vshrl.u32 v45, $0x3  }
0xc6: {  	v46 =	vld.idx.msk [tilespmem:v41+s3+$0x0], $0xffff;
	s14 =	sadd.s32 $0xFFFFFFEC, s29;
	v29 =	vshll.u32 v62, v1;
	v47 =	vmul.f32 v32, v57;
	v24 =	vadd.f32 v28, v24  }
0xc7: {  	v49 =	vld.idx.msk [tilespmem:v41+s13+$0x0], $0xffff;
	v42 =	vmov s14;
	v33 =	vshrl.u32 v60, $0x3;
	v29 =	vbroadcast v29, $0x0  }
0xc8: {  	v50 =	vld.idx.msk [tilespmem:v44+s3+$0x0], $0xffff;
	v33 =	vshll.u32 v33, v1;
	v26 =	vmul.f32 v35, v59;
	v24 =	vadd.f32 v47, v24  }
0xc9: {  	v53 =	vld.idx.msk [tilespmem:v44+s13+$0x0], $0xffff;
	v51 =	vshrl.u32 v48, $0x3;
	v52 =	vbroadcast v33, $0x0;
	v29 =	vadd.s32 v10, v29  }
0xca: {  	v54 =	vld.idx.msk [tilespmem:v63+s3+$0x0], $0xffff;
	v25 =	vmul.f32 v38, v61;
	v28 =	vshll.u32 v51, v1;
	v24 =	vadd.f32 v26, v24  }
0xcb: {  	v56 =	vld.idx.msk [tilespmem:v63+s13+$0x0], $0xffff;
	v55 =	vshrl.u32 v42, $0x3;
	v30 =	vadd.s32 v9, v52;
	v28 =	vbroadcast v28, $0x0  }
0xcc: {  	v57 =	vld.idx.msk [tilespmem:v27+s3+$0x0], $0xffff;
	v58 =	vmul.f32 v49, v46;
	v26 =	vshll.u32 v55, v1;
	v24 =	vadd.f32 v25, v24  }
0xcd: {  	v59 =	vshrl.u32 v43, $0x3;
	v27 =	vld.idx.msk [tilespmem:v27+s13+$0x0], $0xffff;
	v28 =	vadd.s32 v8, v28;
	v26 =	vbroadcast v26, $0x0  }
0xce: {  	v61 =	vmul.f32 v53, v50;
	v32 =	vshll.u32 v59, v1;
	v60 =	vld.idx.msk [tilespmem:v29+s3+$0x0], $0xffff;
	v24 =	vadd.f32 v58, v24  }
0xcf: {  	v31 =	vshrl.u32 v31, $0x3;
	v32 =	vbroadcast v32, $0x0;
	v29 =	vld.idx.msk [tilespmem:v29+s13+$0x0], $0xffff;
	v26 =	vadd.s32 v7, v26  }
0xd0: {  	v31 =	vshll.u32 v31, v1;
	v63 =	vmul.f32 v56, v54;
	v62 =	vld.idx.msk [tilespmem:v30+s3+$0x0], $0xffff;
	v24 =	vadd.f32 v61, v24  }
0xd1: {  	v41 =	vshrl.u32 v39, $0x3;
	v31 =	vbroadcast v31, $0x0;
	v32 =	vadd.s32 v6, v32;
	v30 =	vld.idx.msk [tilespmem:v30+s13+$0x0], $0xffff  }
0xd2: {  	v35 =	vshll.u32 v41, v1;
	v45 =	vmul.f32 v27, v57;
	v44 =	vld.idx.msk [tilespmem:v28+s3+$0x0], $0xffff;
	v24 =	vadd.f32 v63, v24  }
0xd3: {  	v46 =	vshrl.u32 v40, $0x3;
	v35 =	vbroadcast v35, $0x0;
	v31 =	vadd.s32 v5, v31;
	v28 =	vld.idx.msk [tilespmem:v28+s13+$0x0], $0xffff  }
0xd4: {  	v27 =	vshll.u32 v46, v1;
	v48 =	vmul.f32 v29, v60;
	v47 =	vld.idx.msk [tilespmem:v26+s3+$0x0], $0xffff;
	v24 =	vadd.f32 v45, v24  }
0xd5: {  	v49 =	vshrl.u32 v34, $0x3;
	v50 =	vadd.s32 v4, v35;
	v27 =	vbroadcast v27, $0x0;
	v26 =	vld.idx.msk [tilespmem:v26+s13+$0x0], $0xffff  }
0xd6: {  	v51 =	vld.idx.msk [tilespmem:v32+s3+$0x0], $0xffff;
	v52 =	vmul.f32 v30, v62;
	v29 =	vshll.u32 v49, v1;
	v24 =	vadd.f32 v48, v24  }
0xd7: {  	v53 =	vshrl.u32 v36, $0x3;
	v27 =	vadd.s32 v3, v27;
	v32 =	vld.idx.msk [tilespmem:v32+s13+$0x0], $0xffff;
	v29 =	vbroadcast v29, $0x0  }
0xd8: {  	v54 =	vld.idx.msk [tilespmem:v31+s3+$0x0], $0xffff;
	v30 =	vshll.u32 v53, v1;
	v55 =	vmul.f32 v28, v44;
	v24 =	vadd.f32 v52, v24  }
0xd9: {  	v56 =	vshrl.u32 v37, $0x3;
	v31 =	vld.idx.msk [tilespmem:v31+s13+$0x0], $0xffff;
	v30 =	vbroadcast v30, $0x0;
	v29 =	vadd.s32 v10, v29  }
0xda: {  	v57 =	vld.idx.msk [tilespmem:v50+s3+$0x0], $0xffff;
	v28 =	vshll.u32 v56, v1;
	v58 =	vmul.f32 v26, v47;
	v24 =	vadd.f32 v55, v24  }
0xdb: {  	v23 =	vshrl.u32 v23, $0x3;
	v60 =	vld.idx.msk [tilespmem:v50+s13+$0x0], $0xffff;
	v30 =	vadd.s32 v9, v30;
	v59 =	vbroadcast v28, $0x0  }
0xdc: {  	v23 =	vshll.u32 v23, v1;
	v61 =	vld.idx.msk [tilespmem:v27+s3+$0x0], $0xffff;
	v62 =	vmul.f32 v32, v51;
	v24 =	vadd.f32 v58, v24  }
0xdd: {  	v22 =	vshrl.u32 v22, $0x3;
	v23 =	vbroadcast v23, $0x0;
	v27 =	vld.idx.msk [tilespmem:v27+s13+$0x0], $0xffff;
	v26 =	vadd.s32 v8, v59  }
0xde: {  	v22 =	vshll.u32 v22, v1;
	v33 =	vmul.f32 v31, v54;
	v63 =	vld.idx.msk [tilespmem:v29+s3+$0x0], $0xffff;
	v24 =	vadd.f32 v62, v24  }
0xdf: {  	v21 =	vshrl.u32 v21, $0x3;
	v22 =	vbroadcast v22, $0x0;
	v23 =	vadd.s32 v7, v23;
	v29 =	vld.idx.msk [tilespmem:v29+s13+$0x0], $0xffff  }
0xe0: {  	v21 =	vshll.u32 v21, v1;
	v37 =	vmul.f32 v60, v57;
	v35 =	vld.idx.msk [tilespmem:v30+s3+$0x0], $0xffff;
	v24 =	vadd.f32 v33, v24  }
0xe1: {  	v20 =	vshrl.u32 v20, $0x3;
	v21 =	vbroadcast v21, $0x0;
	v22 =	vadd.s32 v6, v22;
	v38 =	vld.idx.msk [tilespmem:v30+s13+$0x0], $0xffff  }
0xe2: {  	v20 =	vshll.u32 v20, v1;
	v40 =	vmul.f32 v27, v61;
	v39 =	vld.idx.msk [tilespmem:v26+s3+$0x0], $0xffff;
	v24 =	vadd.f32 v37, v24  }
0xe3: {  	v19 =	vshrl.u32 v19, $0x3;
	v20 =	vbroadcast v20, $0x0;
	v21 =	vadd.s32 v5, v21;
	v26 =	vld.idx.msk [tilespmem:v26+s13+$0x0], $0xffff  }
0xe4: {  	v19 =	vshll.u32 v19, v1;
	v41 =	vld.idx.msk [tilespmem:v23+s3+$0x0], $0xffff;
	v42 =	vmul.f32 v29, v63;
	v24 =	vadd.f32 v40, v24  }
0xe5: {  	v18 =	vshrl.u32 v18, $0x3;
	v19 =	vbroadcast v19, $0x0;
	v20 =	vadd.s32 v4, v20;
	v23 =	vld.idx.msk [tilespmem:v23+s13+$0x0], $0xffff  }
0xe6: {  	v18 =	vshll.u32 v18, v1;
	v43 =	vld.idx.msk [tilespmem:v22+s3+$0x0], $0xffff;
	v44 =	vmul.f32 v38, v35;
	v24 =	vadd.f32 v42, v24  }
0xe7: {  	v17 =	vshrl.u32 v17, $0x3;
	v18 =	vbroadcast v18, $0x0;
	v19 =	vadd.s32 v3, v19;
	v22 =	vld.idx.msk [tilespmem:v22+s13+$0x0], $0xffff  }
0xe8: {  	v17 =	vshll.u32 v17, v1;
	v45 =	vld.idx.msk [tilespmem:v21+s3+$0x0], $0xffff;
	v46 =	vmul.f32 v26, v39;
	v24 =	vadd.f32 v44, v24  }
0xe9: {  	v16 =	vshrl.u32 v16, $0x3;
	v17 =	vbroadcast v17, $0x0;
	v21 =	vld.idx.msk [tilespmem:v21+s13+$0x0], $0xffff;
	v47 =	vadd.s32 v10, v18  }
0xea: {  	v16 =	vshll.u32 v16, v1;
	v23 =	vmul.f32 v23, v41;
	v48 =	vld.idx.msk [tilespmem:v20+s3+$0x0], $0xffff;
	v24 =	vadd.f32 v46, v24  }
0xeb: {  	v15 =	vshrl.u32 v15, $0x3;
	v16 =	vbroadcast v16, $0x0;
	v49 =	vadd.s32 v9, v17;
	v20 =	vld.idx.msk [tilespmem:v20+s13+$0x0], $0xffff  }
0xec: {  	v15 =	vshll.u32 v15, v1;
	v22 =	vmul.f32 v22, v43;
	v50 =	vld.idx.msk [tilespmem:v19+s3+$0x0], $0xffff;
	v23 =	vadd.f32 v23, v24  }
0xed: {  	v14 =	vshrl.u32 v14, $0x3;
	v15 =	vbroadcast v15, $0x0;
	v19 =	vld.idx.msk [tilespmem:v19+s13+$0x0], $0xffff;
	v51 =	vadd.s32 v8, v16  }
0xee: {  	v14 =	vshll.u32 v14, v1;
	v21 =	vmul.f32 v21, v45;
	v52 =	vld.idx.msk [tilespmem:v47+s3+$0x0], $0xffff;
	v22 =	vadd.f32 v22, v23  }
0xef: {  	v13 =	vshrl.u32 v13, $0x3;
	v14 =	vbroadcast v14, $0x0;
	v53 =	vadd.s32 v7, v15;
	v10 =	vld.idx.msk [tilespmem:v47+s13+$0x0], $0xffff  }
0xf0: {  	v13 =	vshll.u32 v13, v1;
	v54 =	vld.idx.msk [tilespmem:v49+s3+$0x0], $0xffff;
	v18 =	vmul.f32 v20, v48;
	v21 =	vadd.f32 v21, v22  }
0xf1: {  	v12 =	vshrl.u32 v12, $0x3;
	v13 =	vbroadcast v13, $0x0;
	v9 =	vld.idx.msk [tilespmem:v49+s13+$0x0], $0xffff;
	v55 =	vadd.s32 v6, v14  }
0xf2: {  	v12 =	vshll.u32 v12, v1;
	v17 =	vmul.f32 v19, v50;
	v56 =	vld.idx.msk [tilespmem:v51+s3+$0x0], $0xffff;
	v18 =	vadd.f32 v18, v21  }
0xf3: {  	v11 =	vshrl.u32 v11, $0x3;
	v12 =	vbroadcast v12, $0x0;
	v57 =	vadd.s32 v5, v13;
	v8 =	vld.idx.msk [tilespmem:v51+s13+$0x0], $0xffff  }
0xf4: {  	v11 =	vshll.u32 v11, v1;
	v7 =	vld.idx.msk [tilespmem:v53+s13+$0x0], $0xffff;
	v10 =	vmul.f32 v10, v52;
	v17 =	vadd.f32 v17, v18  }
0xf5: {  	v11 =	vbroadcast v11, $0x0;
	v59 =	vadd.s32 v4, v12;
	v58 =	vld.idx.msk [tilespmem:v53+s3+$0x0], $0xffff  }
0xf6: {  	v9 =	vmul.f32 v9, v54;
	v60 =	vld.idx.msk [tilespmem:v55+s3+$0x0], $0xffff;
	v10 =	vadd.f32 v10, v17  }
0xf7: {  	v3 =	vadd.s32 v3, v11;
	v6 =	vld.idx.msk [tilespmem:v55+s13+$0x0], $0xffff  }
0xf8: {  	v61 =	vld.idx.msk [tilespmem:v57+s3+$0x0], $0xffff;
	v8 =	vmul.f32 v8, v56;
	v9 =	vadd.f32 v9, v10  }
0xf9: {  	v5 =	vld.idx.msk [tilespmem:v57+s13+$0x0], $0xffff  }
0xfa: {  	v4 =	vld.idx.msk [tilespmem:v59+s13+$0x0], $0xffff;
	v7 =	vmul.f32 v7, v58;
	v8 =	vadd.f32 v8, v9  }
0xfb: {  	v62 =	vld.idx.msk [tilespmem:v59+s3+$0x0], $0xffff  }
0xfc: {  	v63 =	vld.idx.msk [tilespmem:v3+s3+$0x0], $0xffff;
	v6 =	vmul.f32 v6, v60;
	v7 =	vadd.f32 v7, v8  }
0xfd: {  	v3 =	vld.idx.msk [tilespmem:v3+s13+$0x0], $0xffff  }
0xfe: {  	v5 =	vmul.f32 v5, v61;
	v6 =	vadd.f32 v6, v7;
	_ =	sdelay $0x1  }
0xff: {  	s26 =	sadd.s32 $0x1, s26;
	v4 =	vmul.f32 v4, v62;
	v5 =	vadd.f32 v5, v6  }
0x100: {  	p0 =	sne.s32 s26, $0x8  }
.Ltmp5:
0x101: {  	v3 =	vmul.f32 v3, v63;
	v4 =	vadd.f32 v4, v5;
	(pc) =	sbr.rel @p0 .LBB2_3-.Ltmp5, $3  }
0x102: {  	_ = 	snop  }
0x103: {  	v3 =	vadd.f32 v3, v4;
	_ =	sdelay $0x1  }
0x104: {  	[tilespmem:v2+s28+$0x0 ss:$0x1] =	vst.idx.msk $0xffff, v3  }
0x105: {  	p0 =	seq.s32 s24, $0x6  }
.Ltmp6:
0x106: {  	_ = 	snop;
	(pc) =	sbr.rel @p0 .LBB2_14-.Ltmp6, $1  }
0x107: {  	_ =	sdelay $0x3  }
0x108: {  	s26 =	sshllo.u32 s24, $0x1  }
0x109: {  	p0 =	sgt.u32 s26, $0xC  }
.Ltmp7:
0x10a: {  	_ = 	snop;
	(pc) =	sbr.rel @p0 .LBB2_13-.Ltmp7, $4  }
0x10b: {  	s0 =	sadd.s32 $0x10100, s25  }
0x10c: {  	[tilespmem:s3], [sflag:$0x1] =	stream.indirect.gather [hbm4b:s4+s12], $0x80, s0, s12, $0xb8;
	[tilespmem:$0x11380] =	vst v63  }
0x10d: {  	s31 =	sadd.s32 $0x10780, s25  }
0x10e: {  	[tilespmem:s13], [sflag:$0x2] =	stream.indirect.gather [hbm4b:s2+s12], $0x80, s31, s12, $0xb8;
	[tilespmem:$0x11380] =	vst v63  }
0x10f: {  	_ =	swait.ge [sflag:s21], $0x4000  }
0x110: {  	[sflag:s21] =	ssyncset.done $0x0  }
0x111: {  	s0 =	sshll.u32 s26, $0x7;
	[sflag:s21] =	ssyncadd.s32 $0xFFFFC000  }
0x112: {  	s0 =	sand.u32 $0x3FFFFF80, s0;
	_ =	swait.ge [sflag:s22], $0x4000  }
0x113: {  	s0 =	sadd.s32 $0x10D00, s0;
	[sflag:s22] =	ssyncset.done $0x0  }
0x114: {  	s26 =	simm.s32 $0x0;
	v2 =	vmov s0;
	[sflag:s22] =	ssyncadd.s32 $0xFFFFC000  }
.LBB2_9:
0x115: {  	s0 =	simm.s32 $0x0  }
0x116: {  	v3 =	vmov s0  }
0x117: {  	s28 =	sshll.u32 s26, $0x4;
	v3 =	vshrl.u32 v3, $0x3  }
0x118: {  	v4 =	vmov s28;
	v3 =	vshll.u32 v3, v1  }
0x119: {  	s14 =	simm.s32 $0x1E;
	v22 =	vimm.f32 $0.0e+00;
	s31 =	simm.s32 $0x1C;
	v4 =	vshll.u32 v4, $0x7;
	v20 =	vbroadcast v3, $0x0  }
0x11a: {  	s1 =	simm.s32 $0x19;
	s29 =	simm.s32 $0x8;
	v11 =	vmov s14;
	v12 =	vmov s31;
	v10 =	vor.u32 v0, v4  }
0x11b: {  	s14 =	simm.s32 $0x1A;
	s31 =	simm.s32 $0x1B;
	v15 =	vmov s1;
	v42 =	vmov s29;
	v21 =	vor.u32 v10, v20  }
0x11c: {  	s1 =	simm.s32 $0x16;
	s0 =	simm.s32 $0x9;
	v14 =	vmov s14;
	v13 =	vmov s31;
	v9 =	vor.u32 $0x1, v10  }
0x11d: {  	v18 =	vmov s1;
	v38 =	vmov s0;
	v23 =	vadd.s32 v9, v20  }
0x11e: {  	s14 =	simm.s32 $0x17;
	s31 =	simm.s32 $0x18;
	v42 =	vshrl.u32 v42, $0x3;
	v15 =	vshrl.u32 v15, $0x3;
	v8 =	vor.u32 $0x2, v10  }
0x11f: {  	s1 =	simm.s32 $0x13;
	v17 =	vmov s14;
	v16 =	vmov s31;
	v24 =	vadd.s32 v8, v20  }
0x120: {  	v25 =	vmov s1;
	v38 =	vshrl.u32 v38, $0x3;
	v7 =	vor.u32 $0x3, v10;
	v26 =	vld.idx.msk [tilespmem:v21+s15+$0x0], $0xffff  }
0x121: {  	v42 =	vshll.u32 v42, v1;
	v6 =	vor.u32 $0x4, v10;
	v28 =	vadd.s32 v7, v20;
	v21 =	vld.idx.msk [tilespmem:v21+s17+$0x0], $0xffff  }
0x122: {  	s14 =	simm.s32 $0x14;
	s31 =	simm.s32 $0x15;
	v5 =	vor.u32 $0x5, v10;
	v4 =	vor.u32 $0x6, v10;
	v35 =	vadd.s32 v6, v20;
	v32 =	vld.idx.msk [tilespmem:v23+s15+$0x0], $0xffff  }
0x123: {  	s1 =	simm.s32 $0x10;
	v3 =	vor.u32 $0x7, v10;
	v27 =	vmov s14;
	v19 =	vmov s31;
	v23 =	vld.idx.msk [tilespmem:v23+s17+$0x0], $0xffff  }
0x124: {  	s14 =	simm.s32 $0x11;
	s31 =	simm.s32 $0x12;
	v29 =	vmov s1;
	v42 =	vbroadcast v42, $0x0;
	v41 =	vadd.s32 v5, v20;
	v37 =	vld.idx.msk [tilespmem:v24+s15+$0x0], $0xffff  }
0x125: {  	s1 =	simm.s32 $0xD;
	v38 =	vshll.u32 v38, v1;
	v30 =	vmov s14;
	v31 =	vmov s31;
	v24 =	vld.idx.msk [tilespmem:v24+s17+$0x0], $0xffff  }
0x126: {  	s14 =	simm.s32 $0xE;
	s31 =	simm.s32 $0xF;
	v33 =	vmov s1;
	v59 =	vbroadcast v38, $0x0;
	v57 =	vadd.s32 v4, v20;
	v43 =	vld.idx.msk [tilespmem:v28+s15+$0x0], $0xffff  }
0x127: {  	s1 =	simm.s32 $0xB;
	v34 =	vmov s14;
	v36 =	vmov s31;
	v45 =	vld.idx.msk [tilespmem:v35+s15+$0x0], $0xffff;
	v21 =	vmul.f32 v21, v26  }
0x128: {  	s31 =	simm.s32 $0xC;
	v39 =	vmov s1;
	v20 =	vadd.s32 v3, v20;
	v61 =	vadd.s32 v10, v42;
	v26 =	vld.idx.msk [tilespmem:v28+s17+$0x0], $0xffff  }
0x129: {  	s14 =	simm.s32 $0xA;
	v40 =	vmov s31;
	v58 =	vld.idx.msk [tilespmem:v41+s15+$0x0], $0xffff;
	v21 =	vadd.f32 v21, v22;
	v22 =	vmul.f32 v23, v32  }
0x12a: {  	v44 =	vmov s14;
	v39 =	vshrl.u32 v39, $0x3;
	v63 =	vadd.s32 v9, v59;
	v23 =	vld.idx.msk [tilespmem:v35+s17+$0x0], $0xffff  }
0x12b: {  	v44 =	vshrl.u32 v44, $0x3;
	v62 =	vld.idx.msk [tilespmem:v57+s15+$0x0], $0xffff;
	v21 =	vadd.f32 v22, v21;
	v22 =	vmul.f32 v24, v37  }
0x12c: {  	v39 =	vshll.u32 v39, v1;
	v40 =	vshrl.u32 v40, $0x3;
	v60 =	vshll.u32 v44, v1;
	v24 =	vld.idx.msk [tilespmem:v41+s17+$0x0], $0xffff  }
0x12d: {  	v38 =	vbroadcast v60, $0x0;
	v44 =	vld.idx.msk [tilespmem:v20+s15+$0x0], $0xffff;
	v21 =	vadd.f32 v22, v21;
	v22 =	vmul.f32 v26, v43  }
0x12e: {  	v33 =	vshrl.u32 v33, $0x3;
	v39 =	vbroadcast v39, $0x0;
	v40 =	vshll.u32 v40, v1;
	v26 =	vld.idx.msk [tilespmem:v57+s17+$0x0], $0xffff  }
0x12f: {  	v20 =	vld.idx.msk [tilespmem:v20+s17+$0x0], $0xffff;
	v21 =	vadd.f32 v22, v21;
	v22 =	vmul.f32 v23, v45;
	v23 =	vadd.s32 v8, v38  }
0x130: {  	v33 =	vshll.u32 v33, v1;
	v34 =	vshrl.u32 v34, $0x3;
	v40 =	vbroadcast v40, $0x0;
	v46 =	vld.idx.msk [tilespmem:v61+s15+$0x0], $0xffff  }
0x131: {  	v47 =	vadd.s32 v7, v39;
	v48 =	vld.idx.msk [tilespmem:v63+s15+$0x0], $0xffff;
	v21 =	vadd.f32 v22, v21;
	v22 =	vmul.f32 v24, v58  }
0x132: {  	v36 =	vshrl.u32 v36, $0x3;
	v33 =	vbroadcast v33, $0x0;
	v49 =	vadd.s32 v6, v40;
	v24 =	vld.idx.msk [tilespmem:v61+s17+$0x0], $0xffff  }
0x133: {  	v34 =	vshll.u32 v34, v1;
	v21 =	vadd.f32 v22, v21;
	v22 =	vmul.f32 v26, v62;
	v26 =	vld.idx.msk [tilespmem:v63+s17+$0x0], $0xffff  }
0x134: {  	v29 =	vshrl.u32 v29, $0x3;
	v36 =	vshll.u32 v36, v1;
	v34 =	vbroadcast v34, $0x0;
	v50 =	vld.idx.msk [tilespmem:v23+s15+$0x0], $0xffff  }
0x135: {  	v20 =	vmul.f32 v20, v44;
	v21 =	vadd.f32 v22, v21;
	v22 =	vld.idx.msk [tilespmem:v23+s17+$0x0], $0xffff;
	v23 =	vadd.s32 v5, v33  }
0x136: {  	v29 =	vshll.u32 v29, v1;
	v30 =	vshrl.u32 v30, $0x3;
	v52 =	vbroadcast v36, $0x0;
	v51 =	vld.idx.msk [tilespmem:v47+s15+$0x0], $0xffff  }
0x137: {  	v53 =	vadd.s32 v4, v34;
	v54 =	vld.idx.msk [tilespmem:v49+s15+$0x0], $0xffff;
	v20 =	vadd.f32 v20, v21;
	v21 =	vmul.f32 v24, v46  }
0x138: {  	v31 =	vshrl.u32 v31, $0x3;
	v29 =	vbroadcast v29, $0x0;
	v55 =	vadd.s32 v3, v52;
	v24 =	vld.idx.msk [tilespmem:v47+s17+$0x0], $0xffff  }
0x139: {  	v31 =	vshll.u32 v31, v1;
	v20 =	vadd.f32 v21, v20;
	v21 =	vmul.f32 v26, v48;
	v26 =	vld.idx.msk [tilespmem:v49+s17+$0x0], $0xffff  }
0x13a: {  	v25 =	vshrl.u32 v25, $0x3;
	v30 =	vshll.u32 v30, v1;
	v31 =	vbroadcast v31, $0x0;
	v56 =	vld.idx.msk [tilespmem:v23+s15+$0x0], $0xffff  }
0x13b: {  	v20 =	vadd.f32 v21, v20;
	v21 =	vmul.f32 v22, v50;
	v22 =	vld.idx.msk [tilespmem:v23+s17+$0x0], $0xffff;
	v23 =	vadd.s32 v10, v29  }
0x13c: {  	v25 =	vshll.u32 v25, v1;
	v27 =	vshrl.u32 v27, $0x3;
	v30 =	vbroadcast v30, $0x0;
	v57 =	vld.idx.msk [tilespmem:v53+s15+$0x0], $0xffff  }
0x13d: {  	v59 =	vadd.s32 v8, v31;
	v58 =	vld.idx.msk [tilespmem:v55+s15+$0x0], $0xffff;
	v20 =	vadd.f32 v21, v20;
	v21 =	vmul.f32 v24, v51  }
0x13e: {  	v19 =	vshrl.u32 v19, $0x3;
	v25 =	vbroadcast v25, $0x0;
	v30 =	vadd.s32 v9, v30;
	v24 =	vld.idx.msk [tilespmem:v53+s17+$0x0], $0xffff  }
0x13f: {  	v27 =	vshll.u32 v27, v1;
	v20 =	vadd.f32 v21, v20;
	v21 =	vmul.f32 v26, v54;
	v26 =	vld.idx.msk [tilespmem:v55+s17+$0x0], $0xffff  }
0x140: {  	v18 =	vshrl.u32 v18, $0x3;
	v19 =	vshll.u32 v19, v1;
	v27 =	vbroadcast v27, $0x0;
	v60 =	vld.idx.msk [tilespmem:v23+s15+$0x0], $0xffff  }
0x141: {  	v20 =	vadd.f32 v21, v20;
	v21 =	vmul.f32 v22, v56;
	v22 =	vld.idx.msk [tilespmem:v23+s17+$0x0], $0xffff;
	v23 =	vadd.s32 v7, v25  }
0x142: {  	v18 =	vshll.u32 v18, v1;
	v17 =	vshrl.u32 v17, $0x3;
	v19 =	vbroadcast v19, $0x0;
	v61 =	vld.idx.msk [tilespmem:v59+s15+$0x0], $0xffff  }
0x143: {  	v27 =	vadd.s32 v6, v27;
	v25 =	vld.idx.msk [tilespmem:v30+s15+$0x0], $0xffff;
	v20 =	vadd.f32 v21, v20;
	v21 =	vmul.f32 v24, v57  }
0x144: {  	v12 =	vshrl.u32 v12, $0x3;
	v18 =	vbroadcast v18, $0x0;
	v17 =	vshll.u32 v17, v1;
	v24 =	vld.idx.msk [tilespmem:v30+s17+$0x0], $0xffff  }
0x145: {  	v19 =	vadd.s32 v5, v19;
	v20 =	vadd.f32 v21, v20;
	v21 =	vmul.f32 v26, v58;
	v26 =	vld.idx.msk [tilespmem:v59+s17+$0x0], $0xffff  }
0x146: {  	v15 =	vshll.u32 v15, v1;
	v16 =	vshrl.u32 v16, $0x3;
	v17 =	vbroadcast v17, $0x0;
	v62 =	vld.idx.msk [tilespmem:v23+s15+$0x0], $0xffff  }
0x147: {  	v18 =	vadd.s32 v4, v18;
	v20 =	vadd.f32 v21, v20;
	v21 =	vmul.f32 v22, v60;
	v22 =	vld.idx.msk [tilespmem:v23+s17+$0x0], $0xffff  }
0x148: {  	v11 =	vshrl.u32 v11, $0x3;
	v15 =	vbroadcast v15, $0x0;
	v16 =	vshll.u32 v16, v1;
	v23 =	vld.idx.msk [tilespmem:v27+s15+$0x0], $0xffff  }
0x149: {  	v17 =	vadd.s32 v3, v17;
	v20 =	vadd.f32 v21, v20;
	v21 =	vmul.f32 v24, v25;
	v24 =	vld.idx.msk [tilespmem:v27+s17+$0x0], $0xffff  }
0x14a: {  	v14 =	vshrl.u32 v14, $0x3;
	v13 =	vshrl.u32 v13, $0x3;
	v16 =	vbroadcast v16, $0x0;
	v25 =	vld.idx.msk [tilespmem:v19+s15+$0x0], $0xffff  }
0x14b: {  	v15 =	vadd.s32 v9, v15;
	v19 =	vld.idx.msk [tilespmem:v19+s17+$0x0], $0xffff;
	v20 =	vadd.f32 v21, v20;
	v21 =	vmul.f32 v26, v61  }
0x14c: {  	v14 =	vshll.u32 v14, v1;
	v13 =	vshll.u32 v13, v1;
	v16 =	vadd.s32 v10, v16;
	v26 =	vld.idx.msk [tilespmem:v18+s15+$0x0], $0xffff  }
0x14d: {  	v14 =	vbroadcast v14, $0x0;
	v18 =	vld.idx.msk [tilespmem:v18+s17+$0x0], $0xffff;
	v20 =	vadd.f32 v21, v20;
	v21 =	vmul.f32 v22, v62  }
0x14e: {  	v12 =	vshll.u32 v12, v1;
	v11 =	vshll.u32 v11, v1;
	v13 =	vbroadcast v13, $0x0;
	v27 =	vld.idx.msk [tilespmem:v17+s15+$0x0], $0xffff  }
0x14f: {  	s31 =	simm.s32 $0x1D;
	v17 =	vld.idx.msk [tilespmem:v17+s17+$0x0], $0xffff;
	v20 =	vadd.f32 v21, v20;
	v21 =	vmul.f32 v24, v23;
	v23 =	vadd.s32 v8, v14  }
0x150: {  	v12 =	vbroadcast v12, $0x0;
	v63 =	vadd.s32 v7, v13;
	v13 =	vld.idx.msk [tilespmem:v15+s15+$0x0], $0xffff;
	v22 =	vmov s31  }
0x151: {  	v19 =	vmul.f32 v19, v25;
	v14 =	vshrl.u32 v22, $0x3;
	v24 =	vld.idx.msk [tilespmem:v16+s15+$0x0], $0xffff;
	v20 =	vadd.f32 v21, v20  }
0x152: {  	s1 =	simm.s32 $0x1F;
	v25 =	vshll.u32 v14, v1;
	v18 =	vmul.f32 v18, v26;
	v14 =	vadd.s32 v6, v12;
	v21 =	vld.idx.msk [tilespmem:v16+s17+$0x0], $0xffff  }
0x153: {  	v22 =	vld.idx.msk [tilespmem:v15+s17+$0x0], $0xffff;
	v16 =	vmov s1;
	v12 =	vbroadcast v25, $0x0;
	v19 =	vadd.f32 v19, v20  }
0x154: {  	v11 =	vbroadcast v11, $0x0;
	v25 =	vmul.f32 v17, v27;
	v16 =	vshrl.u32 v16, $0x3;
	v15 =	vld.idx.msk [tilespmem:v23+s15+$0x0], $0xffff  }
0x155: {  	s14 =	simm.s32 $0x20;
	v20 =	vshll.u32 v16, v1;
	v16 =	vadd.s32 v5, v12;
	v17 =	vld.idx.msk [tilespmem:v23+s17+$0x0], $0xffff;
	v19 =	vadd.f32 v18, v19  }
0x156: {  	v12 =	vmov s14;
	v23 =	vbroadcast v20, $0x0;
	v20 =	vld.idx.msk [tilespmem:v63+s17+$0x0], $0xffff  }
0x157: {  	s29 =	simm.s32 $0x3F;
	s31 =	simm.s32 $0x3E;
	v18 =	vld.idx.msk [tilespmem:v63+s15+$0x0], $0xffff;
	v26 =	vmul.f32 v21, v24;
	v25 =	vadd.f32 v25, v19;
	v19 =	vadd.s32 v4, v11  }
0x158: {  	s30 =	simm.s32 $0x5F;
	v24 =	vshrl.u32 v12, $0x3;
	v12 =	vmov s31;
	v21 =	vld.idx.msk [tilespmem:v14+s15+$0x0], $0xffff;
	v11 =	vmov s29  }
.LBB2_10:
0x159: {  	p0 =	sne.s32 s30, $0x7F;
	s0 =	sadd.s32 $0xFFFFFFFD, s29;
	s1 =	sadd.s32 $0xFFFFFFFE, s29;
	v25 =	vadd.f32 v26, v25;
	v22 =	vmul.f32 v22, v13;
	v26 =	vld.idx.msk [tilespmem:v14+s17+$0x0], $0xffff;
	v23 =	vadd.s32 v3, v23  }
0x15a: {  	v24 =	vshll.u32 v24, v1;
	v14 =	vmov s0;
	v13 =	vmov s1;
	v27 =	vld.idx.msk [tilespmem:v16+s15+$0x0], $0xffff  }
0x15b: {  	s14 =	sadd.s32 $0xFFFFFFFC, s29;
	v28 =	vbroadcast v24, $0x0;
	s0 =	sadd.s32 $0xFFFFFFFA, s29;
	s1 =	sadd.s32 $0xFFFFFFFB, s29;
	v24 =	vmul.f32 v17, v15;
	v22 =	vadd.f32 v22, v25;
	v25 =	vld.idx.msk [tilespmem:v16+s17+$0x0], $0xffff  }
0x15c: {  	v15 =	vmov s14;
	v17 =	vmov s0;
	v16 =	vmov s1;
	v29 =	vld.idx.msk [tilespmem:v19+s15+$0x0], $0xffff  }
0x15d: {  	s14 =	sadd.s32 $0xFFFFFFF9, s29;
	s0 =	sadd.s32 $0xFFFFFFF7, s29;
	s1 =	sadd.s32 $0xFFFFFFF8, s29;
	v30 =	vor.u32 v10, v28;
	v22 =	vadd.f32 v24, v22;
	v24 =	vmul.f32 v20, v18;
	v31 =	vld.idx.msk [tilespmem:v19+s17+$0x0], $0xffff  }
0x15e: {  	v20 =	vmov s0;
	v19 =	vmov s1;
	v18 =	vmov s14;
	v32 =	vld.idx.msk [tilespmem:v23+s15+$0x0], $0xffff  }
0x15f: {  	v33 =	vadd.s32 v9, v28;
	s0 =	sadd.s32 $0xFFFFFFF4, s29;
	s1 =	sadd.s32 $0xFFFFFFF5, s29;
	s14 =	sadd.s32 $0xFFFFFFF6, s29;
	v26 =	vmul.f32 v26, v21;
	v24 =	vadd.f32 v24, v22;
	v34 =	vld.idx.msk [tilespmem:v23+s17+$0x0], $0xffff  }
0x160: {  	v21 =	vmov s14;
	v23 =	vmov s0;
	v22 =	vmov s1  }
0x161: {  	v35 =	vadd.s32 v8, v28;
	s14 =	sadd.s32 $0xFFFFFFF3, s29;
	s0 =	sadd.s32 $0xFFFFFFF1, s29;
	s1 =	sadd.s32 $0xFFFFFFF2, s29;
	v25 =	vmul.f32 v25, v27;
	v26 =	vadd.f32 v26, v24  }
0x162: {  	v36 =	vmov s0;
	v37 =	vmov s1;
	v24 =	vmov s14;
	v27 =	vld.idx.msk [tilespmem:v30+s15+$0x0], $0xffff  }
0x163: {  	v38 =	vadd.s32 v7, v28;
	s0 =	sadd.s32 $0xFFFFFFEE, s29;
	s1 =	sadd.s32 $0xFFFFFFEF, s29;
	s14 =	sadd.s32 $0xFFFFFFF0, s29;
	v30 =	vld.idx.msk [tilespmem:v30+s17+$0x0], $0xffff;
	v25 =	vadd.f32 v25, v26;
	v26 =	vmul.f32 v31, v29  }
0x164: {  	v39 =	vmov s1;
	v40 =	vmov s14;
	v31 =	vmov s0;
	v29 =	vld.idx.msk [tilespmem:v33+s15+$0x0], $0xffff  }
0x165: {  	v41 =	vadd.s32 v6, v28;
	s1 =	sadd.s32 $0xFFFFFFEC, s29;
	s14 =	sadd.s32 $0xFFFFFFED, s29;
	s0 =	sadd.s32 $0xFFFFFFEA, s29;
	v33 =	vld.idx.msk [tilespmem:v33+s17+$0x0], $0xffff;
	v25 =	vadd.f32 v26, v25;
	v26 =	vmul.f32 v34, v32  }
0x166: {  	s31 =	sadd.s32 $0xFFFFFFE9, s29;
	v42 =	vmov s1;
	v43 =	vmov s14;
	v34 =	vmov s0;
	v32 =	vld.idx.msk [tilespmem:v35+s15+$0x0], $0xffff  }
0x167: {  	v45 =	vmov s31;
	v44 =	vadd.s32 v5, v28;
	s0 =	sadd.s32 $0xFFFFFFEB, s29;
	s29 =	smov.u32 s30;
	v35 =	vld.idx.msk [tilespmem:v35+s17+$0x0], $0xffff;
	v25 =	vadd.f32 v26, v25  }
0x168: {  	v45 =	vshrl.u32 v45, $0x3;
	v34 =	vshrl.u32 v34, $0x3;
	v46 =	vmov s0;
	v26 =	vld.idx.msk [tilespmem:v38+s15+$0x0], $0xffff  }
0x169: {  	v45 =	vshll.u32 v45, v1;
	v27 =	vmul.f32 v30, v27;
	v30 =	vld.idx.msk [tilespmem:v38+s17+$0x0], $0xffff;
	v38 =	vadd.s32 v4, v28  }
0x16a: {  	v45 =	vbroadcast v45, $0x0;
	v34 =	vshll.u32 v34, v1;
	v46 =	vshrl.u32 v46, $0x3;
	v47 =	vld.idx.msk [tilespmem:v41+s15+$0x0], $0xffff  }
0x16b: {  	v28 =	vadd.s32 v3, v28;
	v25 =	vadd.f32 v27, v25;
	v27 =	vmul.f32 v33, v29;
	v29 =	vld.idx.msk [tilespmem:v41+s17+$0x0], $0xffff  }
0x16c: {  	v42 =	vshrl.u32 v42, $0x3;
	v34 =	vbroadcast v34, $0x0;
	v41 =	vshll.u32 v46, v1;
	v33 =	vld.idx.msk [tilespmem:v44+s15+$0x0], $0xffff  }
0x16d: {  	v25 =	vadd.f32 v27, v25;
	v27 =	vmul.f32 v35, v32;
	v35 =	vadd.s32 v10, v45;
	v32 =	vld.idx.msk [tilespmem:v44+s17+$0x0], $0xffff  }
0x16e: {  	v42 =	vshll.u32 v42, v1;
	v43 =	vshrl.u32 v43, $0x3;
	v41 =	vbroadcast v41, $0x0;
	v44 =	vld.idx.msk [tilespmem:v38+s15+$0x0], $0xffff  }
0x16f: {  	v25 =	vadd.f32 v27, v25;
	v26 =	vmul.f32 v30, v26;
	v30 =	vadd.s32 v9, v34;
	v27 =	vld.idx.msk [tilespmem:v38+s17+$0x0], $0xffff  }
0x170: {  	v31 =	vshrl.u32 v31, $0x3;
	v38 =	vbroadcast v42, $0x0;
	v42 =	vshll.u32 v43, v1;
	v34 =	vld.idx.msk [tilespmem:v28+s15+$0x0], $0xffff  }
0x171: {  	v25 =	vadd.f32 v26, v25;
	v26 =	vmul.f32 v29, v47;
	v29 =	vadd.s32 v8, v41;
	v28 =	vld.idx.msk [tilespmem:v28+s17+$0x0], $0xffff  }
0x172: {  	v39 =	vshrl.u32 v39, $0x3;
	v31 =	vshll.u32 v31, v1;
	v42 =	vbroadcast v42, $0x0;
	v41 =	vld.idx.msk [tilespmem:v35+s15+$0x0], $0xffff  }
0x173: {  	v25 =	vadd.f32 v26, v25;
	v26 =	vmul.f32 v32, v33;
	v33 =	vadd.s32 v7, v38;
	v32 =	vld.idx.msk [tilespmem:v35+s17+$0x0], $0xffff  }
0x174: {  	v31 =	vbroadcast v31, $0x0;
	v38 =	vshll.u32 v39, v1;
	v39 =	vshrl.u32 v40, $0x3;
	v35 =	vld.idx.msk [tilespmem:v30+s15+$0x0], $0xffff  }
0x175: {  	v25 =	vadd.f32 v26, v25;
	v26 =	vmul.f32 v27, v44;
	v27 =	vld.idx.msk [tilespmem:v30+s17+$0x0], $0xffff;
	v30 =	vadd.s32 v6, v42  }
0x176: {  	v36 =	vshrl.u32 v36, $0x3;
	v38 =	vbroadcast v38, $0x0;
	v39 =	vshll.u32 v39, v1;
	v40 =	vld.idx.msk [tilespmem:v29+s15+$0x0], $0xffff  }
0x177: {  	v25 =	vadd.f32 v26, v25;
	v26 =	vmul.f32 v28, v34;
	v28 =	vld.idx.msk [tilespmem:v29+s17+$0x0], $0xffff;
	v29 =	vadd.s32 v5, v31  }
0x178: {  	v37 =	vshrl.u32 v37, $0x3;
	v36 =	vshll.u32 v36, v1;
	v34 =	vbroadcast v39, $0x0;
	v31 =	vld.idx.msk [tilespmem:v33+s15+$0x0], $0xffff  }
0x179: {  	v25 =	vadd.f32 v26, v25;
	v26 =	vmul.f32 v32, v41;
	v32 =	vld.idx.msk [tilespmem:v33+s17+$0x0], $0xffff;
	v33 =	vadd.s32 v4, v38  }
0x17a: {  	v37 =	vshll.u32 v37, v1;
	v24 =	vshrl.u32 v24, $0x3;
	v36 =	vbroadcast v36, $0x0;
	v38 =	vld.idx.msk [tilespmem:v30+s15+$0x0], $0xffff  }
0x17b: {  	v25 =	vadd.f32 v26, v25;
	v26 =	vmul.f32 v27, v35;
	v27 =	vld.idx.msk [tilespmem:v30+s17+$0x0], $0xffff;
	v30 =	vadd.s32 v3, v34  }
0x17c: {  	v23 =	vshrl.u32 v23, $0x3;
	v24 =	vshll.u32 v24, v1;
	v35 =	vbroadcast v37, $0x0;
	v34 =	vld.idx.msk [tilespmem:v29+s15+$0x0], $0xffff  }
0x17d: {  	v25 =	vadd.f32 v26, v25;
	v26 =	vmul.f32 v28, v40;
	v28 =	vld.idx.msk [tilespmem:v29+s17+$0x0], $0xffff;
	v29 =	vadd.s32 v10, v36  }
0x17e: {  	v22 =	vshrl.u32 v22, $0x3;
	v23 =	vshll.u32 v23, v1;
	v24 =	vbroadcast v24, $0x0;
	v36 =	vld.idx.msk [tilespmem:v33+s15+$0x0], $0xffff  }
0x17f: {  	v25 =	vadd.f32 v26, v25;
	v26 =	vmul.f32 v32, v31;
	v32 =	vadd.s32 v9, v35;
	v31 =	vld.idx.msk [tilespmem:v33+s17+$0x0], $0xffff  }
0x180: {  	v21 =	vshrl.u32 v21, $0x3;
	v22 =	vshll.u32 v22, v1;
	v23 =	vbroadcast v23, $0x0;
	v33 =	vld.idx.msk [tilespmem:v30+s15+$0x0], $0xffff  }
0x181: {  	v24 =	vadd.s32 v8, v24;
	v25 =	vadd.f32 v26, v25;
	v26 =	vmul.f32 v27, v38;
	v27 =	vld.idx.msk [tilespmem:v30+s17+$0x0], $0xffff  }
0x182: {  	v20 =	vshrl.u32 v20, $0x3;
	v21 =	vshll.u32 v21, v1;
	v22 =	vbroadcast v22, $0x0;
	v30 =	vld.idx.msk [tilespmem:v29+s15+$0x0], $0xffff  }
0x183: {  	v23 =	vadd.s32 v7, v23;
	v25 =	vadd.f32 v26, v25;
	v26 =	vmul.f32 v28, v34;
	v28 =	vld.idx.msk [tilespmem:v29+s17+$0x0], $0xffff  }
0x184: {  	v19 =	vshrl.u32 v19, $0x3;
	v20 =	vshll.u32 v20, v1;
	v21 =	vbroadcast v21, $0x0;
	v29 =	vld.idx.msk [tilespmem:v32+s15+$0x0], $0xffff  }
0x185: {  	v22 =	vadd.s32 v6, v22;
	v25 =	vadd.f32 v26, v25;
	v26 =	vmul.f32 v31, v36;
	v31 =	vld.idx.msk [tilespmem:v32+s17+$0x0], $0xffff  }
0x186: {  	v18 =	vshrl.u32 v18, $0x3;
	v19 =	vshll.u32 v19, v1;
	v20 =	vbroadcast v20, $0x0;
	v32 =	vld.idx.msk [tilespmem:v24+s15+$0x0], $0xffff  }
0x187: {  	v21 =	vadd.s32 v5, v21;
	v25 =	vadd.f32 v26, v25;
	v26 =	vmul.f32 v27, v33;
	v24 =	vld.idx.msk [tilespmem:v24+s17+$0x0], $0xffff  }
0x188: {  	v17 =	vshrl.u32 v17, $0x3;
	v18 =	vshll.u32 v18, v1;
	v19 =	vbroadcast v19, $0x0;
	v27 =	vld.idx.msk [tilespmem:v23+s15+$0x0], $0xffff  }
0x189: {  	v20 =	vadd.s32 v4, v20;
	v25 =	vadd.f32 v26, v25;
	v26 =	vmul.f32 v28, v30;
	v23 =	vld.idx.msk [tilespmem:v23+s17+$0x0], $0xffff  }
0x18a: {  	v16 =	vshrl.u32 v16, $0x3;
	v17 =	vshll.u32 v17, v1;
	v18 =	vbroadcast v18, $0x0;
	v28 =	vld.idx.msk [tilespmem:v22+s15+$0x0], $0xffff  }
0x18b: {  	v19 =	vadd.s32 v3, v19;
	v25 =	vadd.f32 v26, v25;
	v26 =	vmul.f32 v31, v29;
	v22 =	vld.idx.msk [tilespmem:v22+s17+$0x0], $0xffff  }
0x18c: {  	v15 =	vshrl.u32 v15, $0x3;
	v16 =	vshll.u32 v16, v1;
	v17 =	vbroadcast v17, $0x0;
	v29 =	vld.idx.msk [tilespmem:v21+s15+$0x0], $0xffff  }
0x18d: {  	v18 =	vadd.s32 v10, v18;
	v25 =	vadd.f32 v26, v25;
	v24 =	vmul.f32 v24, v32;
	v21 =	vld.idx.msk [tilespmem:v21+s17+$0x0], $0xffff  }
0x18e: {  	v14 =	vshrl.u32 v14, $0x3;
	v15 =	vshll.u32 v15, v1;
	v16 =	vbroadcast v16, $0x0;
	v26 =	vld.idx.msk [tilespmem:v20+s15+$0x0], $0xffff  }
0x18f: {  	v17 =	vadd.s32 v9, v17;
	v24 =	vadd.f32 v24, v25;
	v23 =	vmul.f32 v23, v27;
	v20 =	vld.idx.msk [tilespmem:v20+s17+$0x0], $0xffff  }
0x190: {  	v13 =	vshrl.u32 v13, $0x3;
	v14 =	vshll.u32 v14, v1;
	v15 =	vbroadcast v15, $0x0;
	v25 =	vld.idx.msk [tilespmem:v19+s15+$0x0], $0xffff  }
0x191: {  	v16 =	vadd.s32 v8, v16;
	v23 =	vadd.f32 v23, v24;
	v22 =	vmul.f32 v22, v28;
	v19 =	vld.idx.msk [tilespmem:v19+s17+$0x0], $0xffff  }
0x192: {  	v12 =	vshrl.u32 v12, $0x3;
	v14 =	vbroadcast v14, $0x0;
	v27 =	vshll.u32 v13, v1;
	v24 =	vld.idx.msk [tilespmem:v18+s15+$0x0], $0xffff  }
0x193: {  	v22 =	vadd.f32 v22, v23;
	v21 =	vmul.f32 v21, v29;
	v29 =	vadd.s32 v7, v15;
	v28 =	vld.idx.msk [tilespmem:v18+s17+$0x0], $0xffff  }
0x194: {  	v11 =	vshrl.u32 v11, $0x3;
	v12 =	vshll.u32 v12, v1;
	v18 =	vbroadcast v27, $0x0;
	v13 =	vld.idx.msk [tilespmem:v17+s15+$0x0], $0xffff  }
0x195: {  	v14 =	vadd.s32 v6, v14;
	v21 =	vadd.f32 v21, v22;
	v20 =	vmul.f32 v20, v26;
	v22 =	vld.idx.msk [tilespmem:v17+s17+$0x0], $0xffff  }
.Ltmp8:
0x196: {  	v11 =	vshll.u32 v11, v1;
	v12 =	vbroadcast v12, $0x0;
	v15 =	vld.idx.msk [tilespmem:v16+s15+$0x0], $0xffff;
	(pc) =	sbr.rel @p0 .LBB2_10-.Ltmp8, $4  }
0x197: {  	s0 =	sadd.s32 $0xFFFFFFE1, s30;
	v20 =	vadd.f32 v20, v21;
	v19 =	vmul.f32 v19, v25;
	v17 =	vld.idx.msk [tilespmem:v16+s17+$0x0], $0xffff;
	v16 =	vadd.s32 v5, v18  }
0x198: {  	v23 =	vbroadcast v11, $0x0;
	v21 =	vmov s0;
	v18 =	vld.idx.msk [tilespmem:v29+s15+$0x0], $0xffff  }
0x199: {  	s0 =	sadd.s32 $0xFFFFFFFF, s30;
	v25 =	vadd.f32 v19, v20;
	v26 =	vmul.f32 v28, v24;
	v19 =	vadd.s32 v4, v12;
	v20 =	vld.idx.msk [tilespmem:v29+s17+$0x0], $0xffff  }
0x19a: {  	v11 =	vmov s29;
	s30 =	sadd.s32 $0x20, s30;
	v24 =	vshrl.u32 v21, $0x3;
	v12 =	vmov s0;
	v21 =	vld.idx.msk [tilespmem:v14+s15+$0x0], $0xffff  }
0x19b: {  	_ =	sdelay $0x2  }
0x19c: {  	v25 =	vadd.f32 v26, v25  }
0x19d: {  	s0 =	sadd.s32 $0xFFFFFFFD, s29;
	s1 =	sadd.s32 $0xFFFFFFFE, s29;
	v22 =	vmul.f32 v22, v13;
	v49 =	vadd.s32 v3, v23;
	v50 =	vshll.u32 v24, v1;
	v51 =	vld.idx.msk [tilespmem:v14+s17+$0x0], $0xffff  }
0x19e: {  	s30 =	sadd.s32 $0xFFFFFFFA, s29;
	v28 =	vld.idx.msk [tilespmem:v16+s15+$0x0], $0xffff;
	v14 =	vmov s0;
	v13 =	vmov s1;
	v27 =	vbroadcast v50, $0x0  }
0x19f: {  	s31 =	sadd.s32 $0xFFFFFFFB, s29;
	s14 =	sadd.s32 $0xFFFFFFFC, s29;
	v53 =	vld.idx.msk [tilespmem:v16+s17+$0x0], $0xffff;
	v52 =	vmul.f32 v17, v15;
	v17 =	vmov s30;
	v22 =	vadd.f32 v22, v25  }
0x1a0: {  	v30 =	vld.idx.msk [tilespmem:v19+s15+$0x0], $0xffff;
	v16 =	vmov s31;
	v15 =	vmov s14;
	s30 =	sadd.s32 $0xFFFFFFF8, s29;
	v29 =	vor.u32 v10, v27  }
0x1a1: {  	v31 =	vld.idx.msk [tilespmem:v19+s17+$0x0], $0xffff;
	s14 =	sadd.s32 $0xFFFFFFF7, s29;
	s1 =	sadd.s32 $0xFFFFFFEA, s29;
	v19 =	vmov s30;
	v54 =	vmul.f32 v20, v18;
	v22 =	vadd.f32 v52, v22  }
0x1a2: {  	s31 =	sadd.s32 $0xFFFFFFF9, s29;
	v60 =	vmov s1;
	v20 =	vmov s14;
	v32 =	vadd.s32 v9, v27  }
0x1a3: {  	v18 =	vmov s31;
	v33 =	vld.idx.msk [tilespmem:v49+s15+$0x0], $0xffff;
	v24 =	vmul.f32 v51, v21;
	v34 =	vadd.f32 v54, v22  }
0x1a4: {  	v35 =	vadd.s32 v8, v27;
	v38 =	vadd.s32 v7, v27;
	v41 =	vadd.s32 v6, v27;
	v26 =	vld.idx.msk [tilespmem:v49+s17+$0x0], $0xffff  }
0x1a5: {  	s31 =	sadd.s32 $0xFFFFFFF6, s29;
	v44 =	vadd.s32 v5, v27;
	v25 =	vmul.f32 v53, v28;
	v24 =	vadd.f32 v24, v34;
	v55 =	vld.idx.msk [tilespmem:v29+s15+$0x0], $0xffff  }
0x1a6: {  	s30 =	sadd.s32 $0xFFFFFFF5, s29;
	v63 =	vadd.s32 v4, v27;
	v27 =	vadd.s32 v3, v27;
	v21 =	vmov s31;
	v29 =	vld.idx.msk [tilespmem:v29+s17+$0x0], $0xffff  }
0x1a7: {  	s14 =	sadd.s32 $0xFFFFFFF4, s29;
	s31 =	sadd.s32 $0xFFFFFFF3, s29;
	v56 =	vmul.f32 v31, v30;
	v22 =	vmov s30;
	s30 =	sadd.s32 $0xFFFFFFF2, s29;
	v57 =	vld.idx.msk [tilespmem:v32+s15+$0x0], $0xffff;
	v24 =	vadd.f32 v25, v24  }
0x1a8: {  	v23 =	vmov s14;
	v37 =	vmov s31;
	s31 =	sadd.s32 $0xFFFFFFF0, s29;
	v36 =	vmov s30;
	v32 =	vld.idx.msk [tilespmem:v32+s17+$0x0], $0xffff  }
0x1a9: {  	s14 =	sadd.s32 $0xFFFFFFF1, s29;
	s30 =	sadd.s32 $0xFFFFFFEF, s29;
	v40 =	vmov s31;
	s31 =	sadd.s32 $0xFFFFFFED, s29;
	v59 =	vld.idx.msk [tilespmem:v35+s15+$0x0], $0xffff;
	v58 =	vmul.f32 v26, v33;
	v24 =	vadd.f32 v56, v24  }
0x1aa: {  	v34 =	vmov s14;
	v39 =	vmov s30;
	s30 =	sadd.s32 $0xFFFFFFE9, s29;
	v43 =	vmov s31;
	v35 =	vld.idx.msk [tilespmem:v35+s17+$0x0], $0xffff  }
0x1ab: {  	s14 =	sadd.s32 $0xFFFFFFEE, s29;
	v61 =	vld.idx.msk [tilespmem:v38+s15+$0x0], $0xffff;
	s31 =	sadd.s32 $0xFFFFFFEB, s29;
	v45 =	vmov s30;
	v28 =	vmul.f32 v29, v55;
	v24 =	vadd.f32 v58, v24  }
0x1ac: {  	v38 =	vld.idx.msk [tilespmem:v38+s17+$0x0], $0xffff;
	v31 =	vmov s14;
	v48 =	vmov s31;
	v62 =	vshrl.u32 v45, $0x3  }
0x1ad: {  	v46 =	vld.idx.msk [tilespmem:v41+s15+$0x0], $0xffff;
	s14 =	sadd.s32 $0xFFFFFFEC, s29;
	v29 =	vshll.u32 v62, v1;
	v47 =	vmul.f32 v32, v57;
	v24 =	vadd.f32 v28, v24  }
0x1ae: {  	v49 =	vld.idx.msk [tilespmem:v41+s17+$0x0], $0xffff;
	v42 =	vmov s14;
	v33 =	vshrl.u32 v60, $0x3;
	v29 =	vbroadcast v29, $0x0  }
0x1af: {  	v50 =	vld.idx.msk [tilespmem:v44+s15+$0x0], $0xffff;
	v33 =	vshll.u32 v33, v1;
	v26 =	vmul.f32 v35, v59;
	v24 =	vadd.f32 v47, v24  }
0x1b0: {  	v53 =	vld.idx.msk [tilespmem:v44+s17+$0x0], $0xffff;
	v51 =	vshrl.u32 v48, $0x3;
	v52 =	vbroadcast v33, $0x0;
	v29 =	vadd.s32 v10, v29  }
0x1b1: {  	v54 =	vld.idx.msk [tilespmem:v63+s15+$0x0], $0xffff;
	v25 =	vmul.f32 v38, v61;
	v28 =	vshll.u32 v51, v1;
	v24 =	vadd.f32 v26, v24  }
0x1b2: {  	v56 =	vld.idx.msk [tilespmem:v63+s17+$0x0], $0xffff;
	v55 =	vshrl.u32 v42, $0x3;
	v30 =	vadd.s32 v9, v52;
	v28 =	vbroadcast v28, $0x0  }
0x1b3: {  	v57 =	vld.idx.msk [tilespmem:v27+s15+$0x0], $0xffff;
	v58 =	vmul.f32 v49, v46;
	v26 =	vshll.u32 v55, v1;
	v24 =	vadd.f32 v25, v24  }
0x1b4: {  	v59 =	vshrl.u32 v43, $0x3;
	v27 =	vld.idx.msk [tilespmem:v27+s17+$0x0], $0xffff;
	v28 =	vadd.s32 v8, v28;
	v26 =	vbroadcast v26, $0x0  }
0x1b5: {  	v61 =	vmul.f32 v53, v50;
	v32 =	vshll.u32 v59, v1;
	v60 =	vld.idx.msk [tilespmem:v29+s15+$0x0], $0xffff;
	v24 =	vadd.f32 v58, v24  }
0x1b6: {  	v31 =	vshrl.u32 v31, $0x3;
	v32 =	vbroadcast v32, $0x0;
	v29 =	vld.idx.msk [tilespmem:v29+s17+$0x0], $0xffff;
	v26 =	vadd.s32 v7, v26  }
0x1b7: {  	v31 =	vshll.u32 v31, v1;
	v63 =	vmul.f32 v56, v54;
	v62 =	vld.idx.msk [tilespmem:v30+s15+$0x0], $0xffff;
	v24 =	vadd.f32 v61, v24  }
0x1b8: {  	v41 =	vshrl.u32 v39, $0x3;
	v31 =	vbroadcast v31, $0x0;
	v32 =	vadd.s32 v6, v32;
	v30 =	vld.idx.msk [tilespmem:v30+s17+$0x0], $0xffff  }
0x1b9: {  	v35 =	vshll.u32 v41, v1;
	v45 =	vmul.f32 v27, v57;
	v44 =	vld.idx.msk [tilespmem:v28+s15+$0x0], $0xffff;
	v24 =	vadd.f32 v63, v24  }
0x1ba: {  	v46 =	vshrl.u32 v40, $0x3;
	v35 =	vbroadcast v35, $0x0;
	v31 =	vadd.s32 v5, v31;
	v28 =	vld.idx.msk [tilespmem:v28+s17+$0x0], $0xffff  }
0x1bb: {  	v27 =	vshll.u32 v46, v1;
	v48 =	vmul.f32 v29, v60;
	v47 =	vld.idx.msk [tilespmem:v26+s15+$0x0], $0xffff;
	v24 =	vadd.f32 v45, v24  }
0x1bc: {  	v49 =	vshrl.u32 v34, $0x3;
	v50 =	vadd.s32 v4, v35;
	v27 =	vbroadcast v27, $0x0;
	v26 =	vld.idx.msk [tilespmem:v26+s17+$0x0], $0xffff  }
0x1bd: {  	v51 =	vld.idx.msk [tilespmem:v32+s15+$0x0], $0xffff;
	v52 =	vmul.f32 v30, v62;
	v29 =	vshll.u32 v49, v1;
	v24 =	vadd.f32 v48, v24  }
0x1be: {  	v53 =	vshrl.u32 v36, $0x3;
	v27 =	vadd.s32 v3, v27;
	v32 =	vld.idx.msk [tilespmem:v32+s17+$0x0], $0xffff;
	v29 =	vbroadcast v29, $0x0  }
0x1bf: {  	v54 =	vld.idx.msk [tilespmem:v31+s15+$0x0], $0xffff;
	v30 =	vshll.u32 v53, v1;
	v55 =	vmul.f32 v28, v44;
	v24 =	vadd.f32 v52, v24  }
0x1c0: {  	v56 =	vshrl.u32 v37, $0x3;
	v31 =	vld.idx.msk [tilespmem:v31+s17+$0x0], $0xffff;
	v30 =	vbroadcast v30, $0x0;
	v29 =	vadd.s32 v10, v29  }
0x1c1: {  	v57 =	vld.idx.msk [tilespmem:v50+s15+$0x0], $0xffff;
	v28 =	vshll.u32 v56, v1;
	v58 =	vmul.f32 v26, v47;
	v24 =	vadd.f32 v55, v24  }
0x1c2: {  	v23 =	vshrl.u32 v23, $0x3;
	v60 =	vld.idx.msk [tilespmem:v50+s17+$0x0], $0xffff;
	v30 =	vadd.s32 v9, v30;
	v59 =	vbroadcast v28, $0x0  }
0x1c3: {  	v23 =	vshll.u32 v23, v1;
	v61 =	vld.idx.msk [tilespmem:v27+s15+$0x0], $0xffff;
	v62 =	vmul.f32 v32, v51;
	v24 =	vadd.f32 v58, v24  }
0x1c4: {  	v22 =	vshrl.u32 v22, $0x3;
	v23 =	vbroadcast v23, $0x0;
	v27 =	vld.idx.msk [tilespmem:v27+s17+$0x0], $0xffff;
	v26 =	vadd.s32 v8, v59  }
0x1c5: {  	v22 =	vshll.u32 v22, v1;
	v33 =	vmul.f32 v31, v54;
	v63 =	vld.idx.msk [tilespmem:v29+s15+$0x0], $0xffff;
	v24 =	vadd.f32 v62, v24  }
0x1c6: {  	v21 =	vshrl.u32 v21, $0x3;
	v22 =	vbroadcast v22, $0x0;
	v23 =	vadd.s32 v7, v23;
	v29 =	vld.idx.msk [tilespmem:v29+s17+$0x0], $0xffff  }
0x1c7: {  	v21 =	vshll.u32 v21, v1;
	v37 =	vmul.f32 v60, v57;
	v35 =	vld.idx.msk [tilespmem:v30+s15+$0x0], $0xffff;
	v24 =	vadd.f32 v33, v24  }
0x1c8: {  	v20 =	vshrl.u32 v20, $0x3;
	v21 =	vbroadcast v21, $0x0;
	v22 =	vadd.s32 v6, v22;
	v38 =	vld.idx.msk [tilespmem:v30+s17+$0x0], $0xffff  }
0x1c9: {  	v20 =	vshll.u32 v20, v1;
	v40 =	vmul.f32 v27, v61;
	v39 =	vld.idx.msk [tilespmem:v26+s15+$0x0], $0xffff;
	v24 =	vadd.f32 v37, v24  }
0x1ca: {  	v19 =	vshrl.u32 v19, $0x3;
	v20 =	vbroadcast v20, $0x0;
	v21 =	vadd.s32 v5, v21;
	v26 =	vld.idx.msk [tilespmem:v26+s17+$0x0], $0xffff  }
0x1cb: {  	v19 =	vshll.u32 v19, v1;
	v41 =	vld.idx.msk [tilespmem:v23+s15+$0x0], $0xffff;
	v42 =	vmul.f32 v29, v63;
	v24 =	vadd.f32 v40, v24  }
0x1cc: {  	v18 =	vshrl.u32 v18, $0x3;
	v19 =	vbroadcast v19, $0x0;
	v20 =	vadd.s32 v4, v20;
	v23 =	vld.idx.msk [tilespmem:v23+s17+$0x0], $0xffff  }
0x1cd: {  	v18 =	vshll.u32 v18, v1;
	v43 =	vld.idx.msk [tilespmem:v22+s15+$0x0], $0xffff;
	v44 =	vmul.f32 v38, v35;
	v24 =	vadd.f32 v42, v24  }
0x1ce: {  	v17 =	vshrl.u32 v17, $0x3;
	v18 =	vbroadcast v18, $0x0;
	v19 =	vadd.s32 v3, v19;
	v22 =	vld.idx.msk [tilespmem:v22+s17+$0x0], $0xffff  }
0x1cf: {  	v17 =	vshll.u32 v17, v1;
	v45 =	vld.idx.msk [tilespmem:v21+s15+$0x0], $0xffff;
	v46 =	vmul.f32 v26, v39;
	v24 =	vadd.f32 v44, v24  }
0x1d0: {  	v16 =	vshrl.u32 v16, $0x3;
	v17 =	vbroadcast v17, $0x0;
	v21 =	vld.idx.msk [tilespmem:v21+s17+$0x0], $0xffff;
	v47 =	vadd.s32 v10, v18  }
0x1d1: {  	v16 =	vshll.u32 v16, v1;
	v23 =	vmul.f32 v23, v41;
	v48 =	vld.idx.msk [tilespmem:v20+s15+$0x0], $0xffff;
	v24 =	vadd.f32 v46, v24  }
0x1d2: {  	v15 =	vshrl.u32 v15, $0x3;
	v16 =	vbroadcast v16, $0x0;
	v49 =	vadd.s32 v9, v17;
	v20 =	vld.idx.msk [tilespmem:v20+s17+$0x0], $0xffff  }
0x1d3: {  	v15 =	vshll.u32 v15, v1;
	v22 =	vmul.f32 v22, v43;
	v50 =	vld.idx.msk [tilespmem:v19+s15+$0x0], $0xffff;
	v23 =	vadd.f32 v23, v24  }
0x1d4: {  	v14 =	vshrl.u32 v14, $0x3;
	v15 =	vbroadcast v15, $0x0;
	v19 =	vld.idx.msk [tilespmem:v19+s17+$0x0], $0xffff;
	v51 =	vadd.s32 v8, v16  }
0x1d5: {  	v14 =	vshll.u32 v14, v1;
	v21 =	vmul.f32 v21, v45;
	v52 =	vld.idx.msk [tilespmem:v47+s15+$0x0], $0xffff;
	v22 =	vadd.f32 v22, v23  }
0x1d6: {  	v13 =	vshrl.u32 v13, $0x3;
	v14 =	vbroadcast v14, $0x0;
	v53 =	vadd.s32 v7, v15;
	v10 =	vld.idx.msk [tilespmem:v47+s17+$0x0], $0xffff  }
0x1d7: {  	v13 =	vshll.u32 v13, v1;
	v54 =	vld.idx.msk [tilespmem:v49+s15+$0x0], $0xffff;
	v18 =	vmul.f32 v20, v48;
	v21 =	vadd.f32 v21, v22  }
0x1d8: {  	v12 =	vshrl.u32 v12, $0x3;
	v13 =	vbroadcast v13, $0x0;
	v9 =	vld.idx.msk [tilespmem:v49+s17+$0x0], $0xffff;
	v55 =	vadd.s32 v6, v14  }
0x1d9: {  	v12 =	vshll.u32 v12, v1;
	v17 =	vmul.f32 v19, v50;
	v56 =	vld.idx.msk [tilespmem:v51+s15+$0x0], $0xffff;
	v18 =	vadd.f32 v18, v21  }
0x1da: {  	v11 =	vshrl.u32 v11, $0x3;
	v12 =	vbroadcast v12, $0x0;
	v57 =	vadd.s32 v5, v13;
	v8 =	vld.idx.msk [tilespmem:v51+s17+$0x0], $0xffff  }
0x1db: {  	v11 =	vshll.u32 v11, v1;
	v7 =	vld.idx.msk [tilespmem:v53+s17+$0x0], $0xffff;
	v10 =	vmul.f32 v10, v52;
	v17 =	vadd.f32 v17, v18  }
0x1dc: {  	v11 =	vbroadcast v11, $0x0;
	v59 =	vadd.s32 v4, v12;
	v58 =	vld.idx.msk [tilespmem:v53+s15+$0x0], $0xffff  }
0x1dd: {  	v9 =	vmul.f32 v9, v54;
	v60 =	vld.idx.msk [tilespmem:v55+s15+$0x0], $0xffff;
	v10 =	vadd.f32 v10, v17  }
0x1de: {  	v3 =	vadd.s32 v3, v11;
	v6 =	vld.idx.msk [tilespmem:v55+s17+$0x0], $0xffff  }
0x1df: {  	v61 =	vld.idx.msk [tilespmem:v57+s15+$0x0], $0xffff;
	v8 =	vmul.f32 v8, v56;
	v9 =	vadd.f32 v9, v10  }
0x1e0: {  	v5 =	vld.idx.msk [tilespmem:v57+s17+$0x0], $0xffff  }
0x1e1: {  	v4 =	vld.idx.msk [tilespmem:v59+s17+$0x0], $0xffff;
	v7 =	vmul.f32 v7, v58;
	v8 =	vadd.f32 v8, v9  }
0x1e2: {  	v62 =	vld.idx.msk [tilespmem:v59+s15+$0x0], $0xffff  }
0x1e3: {  	v63 =	vld.idx.msk [tilespmem:v3+s15+$0x0], $0xffff;
	v6 =	vmul.f32 v6, v60;
	v7 =	vadd.f32 v7, v8  }
0x1e4: {  	v3 =	vld.idx.msk [tilespmem:v3+s17+$0x0], $0xffff  }
0x1e5: {  	v5 =	vmul.f32 v5, v61;
	v6 =	vadd.f32 v6, v7;
	_ =	sdelay $0x1  }
0x1e6: {  	s26 =	sadd.s32 $0x1, s26;
	v4 =	vmul.f32 v4, v62;
	v5 =	vadd.f32 v5, v6  }
0x1e7: {  	p0 =	sne.s32 s26, $0x8  }
.Ltmp9:
0x1e8: {  	v3 =	vmul.f32 v3, v63;
	v4 =	vadd.f32 v4, v5;
	(pc) =	sbr.rel @p0 .LBB2_9-.Ltmp9, $3  }
0x1e9: {  	_ = 	snop  }
0x1ea: {  	v3 =	vadd.f32 v3, v4;
	_ =	sdelay $0x1  }
0x1eb: {  	[tilespmem:v2+s28+$0x0 ss:$0x1] =	vst.idx.msk $0xffff, v3  }
.Ltmp10:
0x1ec: {  	p0 =	sgt.u32 s24, $0x4;
	(pc) =	sbr.rel .LBB2_13-.Ltmp10, $4  }
0x1ed: {  	s0 =	sadd.s32 @!p0 $0x10180, s25;
	s1 =	simm.s32 @!p0 $0x80;
	s14 =	simm.s32 @!p0 $0x8000  }
0x1ee: {  	[tilespmem:s14], [sflag:$0x3] =	stream.indirect.gather @!p0 [hbm4b:s4+s1], $0x80, s0, s1, $0xb8;
	[tilespmem:$0x11380] =	vst v63  }
0x1ef: {  	s0 =	sadd.s32 @!p0 $0x10800, s25;
	s14 =	simm.s32 @!p0 $0xC000  }
0x1f0: {  	[tilespmem:s14], [sflag:$0x4] =	stream.indirect.gather @!p0 [hbm4b:s2+s1], $0x80, s0, s1, $0xb8;
	[tilespmem:$0x11380] =	vst v63  }
.LBB2_15:
0x1f1: {  	_ =	sfence.sel $0x180000  }
0x1f2: {  	[bflag:$0x0] =	sbarrier.arrive $0xFFFF  }
0x1f3: {  	_ =	strace $0x90000050  }
0x1f4: {  	s0 =	stileid.u32;
	[bflag:$0x2] =	sbarrier.arrive $0xFFFF  }
0x1f5: {  	p0 =	sne.s32 s0, $0x0;
	s0 =	rddreg [dreg:$0x2]  }
0x1f6: {  	s0 =	sadd.s32 @!p0 $0x100000, s0  }
0x1f7: {  	[sflag:s0] =	ssyncadd.tile.s32 @!p0 $0x1;
	_ =	shalt  }
.Lfunc_end2:
_tile_overlayer_lowered:
.L_overlay_start_2:
0x1f8: {  	(tag) =	ssettag $0x2  }
0x1f9: {  	s0 =	rddreg [dreg:$0x0];
	s2 =	stileid.u32  }
0x1fa: {  	s1 =	rddreg [dreg:$0x1];
	p0 =	sne.s32 s2, $0x0  }
0x1fb: {  	s3 =	rddreg [dreg:$0x2];
	[bflag:$0x3] =	sbarrier.arrive $0xFFFF;
	s2 =	simm.s32 @!p0 $0x1C05  }
0x1fc: {  	[timem:s3], [sflag:s2] =	dma.local @!p0 [hbm:s0], s1  }
0x1fd: {  	s0 =	simm.s32 @!p0 $0x5  }
0x1fe: {  	_ =	swait.ge @!p0 [sflag:s0], s1  }
0x1ff: {  	s1 =	ssub.s32 @!p0 $0x0, s1;
	[sflag:s0] =	ssyncset.done @!p0 $0x0  }
0x200: {  	[sflag:s0] =	ssyncadd.s32 @!p0 s1  }
0x201: {  	[bflag:$0x3] =	sbarrier.arrive $0xFFFF  }
0x202: {  	_ =	shalt  }

// kernel: kernel.7.cloned.1.call-start
scs
__scs_entry_jumppad:
0x0: {  	(pc) =	sbr.rel $0x88, $3  }
0x1: {  	(tag) =	ssettag $0x0;
	lr =	simm.s32 $0x1  }
0x2: {  	[smem:$0x3F97] =	sst lr;
	_ =	strace $0xD0000000  }
0x3: {  	_ = 	snop  }
0x4: {  	_ = 	snop  }
0x5: {  	_ = 	snop  }
0x6: {  	_ = 	snop  }
0x7: {  	_ = 	snop  }
__scs_overlays_trampoline_lowered:
0x8: {  	[smem:$0x3FA6] =	sst s0  }
0x9: {  	[smem:$0x3FA7] =	sst s1  }
0xa: {  	[smem:$0x3FA8] =	sst s2  }
0xb: {  	[smem:$0x3FA9] =	sst s3  }
0xc: {  	[smem:$0x3FAA] =	sst s4  }
0xd: {  	[smem:$0x3FAB] =	sst s5  }
0xe: {  	[smem:$0x3FAC] =	sst s6  }
0xf: {  	[smem:$0x3FAD] =	sst s7  }
0x10: {  	[smem:$0x3FAE] =	sst s8  }
0x11: {  	[smem:$0x3FAF] =	sst s9;
	s0 =	simm.s32 @!p0 $0x0  }
0x12: {  	s1 =	sld [smem:$0x3F95];
	s0 =	simm.s32 @p0 $0x1  }
0x13: {  	[smem:$0x3FB0] =	sst s0;
	s0 =	simm.s32 @!p1 $0x0  }
0x14: {  	s2 =	sld [smem:$0x3F94];
	s0 =	simm.s32 @p1 $0x1  }
0x15: {  	[smem:$0x3FB1] =	sst s0;
	s0 =	simm.s32 @!p2 $0x0  }
0x16: {  	s3 =	sld [smem:$0x3FDB];
	s0 =	simm.s32 @p2 $0x1  }
0x17: {  	s4 =	simm.s32 $0x1BF5;
	[smem:$0x3FB3] =	sst s0  }
0x18: {  	s0 =	sld [smem:$0x3F96];
	_ =	swait.ge [sflag:s4], $0x0  }
0x19: {  	s7 =	sld [smem:$0x3F97]  }
0x1a: {  	s8 =	sadd.s32 $0xFFFFE003, lr  }
0x1b: {  	s9 =	sadd.s32 $0xFFFFFEF7, lr;
	s5 =	simm.s32 $0xFFFFFFFF;
	p2 =	slt.u32 s8, $0xFFFFF086  }
0x1c: {  	p1 =	slt.u32 s9, $0xF7A;
	s5 =	simm.s32 @!p2 $0x0  }
0x1d: {  	s5 =	simm.s32 @p1 $0x1;
	p0 =	seq.s32 s7, s2  }
0x1e: {  	s7 =	smul.u32 @!p0 $0xF7A, s2;
	p2 =	seq.s32 @!p0 s5, $0x0  }
0x1f: {  	s9 =	smul.u32 $0xF7A, s1;
	s8 =	simm.s32 @!p0 $0x1BF5;
	p2 =	por !p2, p0  }
0x20: {  	[sflag:s8] =	ssyncset.s32 @!p0 $0xFFFFF086;
	s6 =	sadd.s32 @!p0 s3, s7;
	s7 =	simm.s32 @!p0 $0x108  }
0x21: {  	s3 =	sadd.s32 s3, s9;
	s6 =	sadd.s32 @!p0 $0x88, s6;
	s7 =	simm.s32 @p2 $0x1082  }
0x22: {  	[simem:s7], [sflag:s8] =	dma.local @!p0 [hbm:s6], $0xF7A  }
0x23: {  	s9 =	sor.u32 $0xD0000000, s2;
	s6 =	simm.s32 $0x108;
	_ =	swait.ge @!p0 [sflag:s8], $0x0  }
0x24: {  	s3 =	sadd.s32 $0x88, s3;
	s6 =	simm.s32 @!p1 $0x1082;
	[sflag:s4] =	ssyncset.s32 $0xFFFFF086  }
0x25: {  	[simem:s6], [sflag:s4] =	dma.local [hbm:s3], $0xF7A  }
0x26: {  	[smem:$0x3F97] =	sst s1;
	(tag) =	ssettag s2;
	_ =	strace s9  }
0x27: {  	s1 =	sld [smem:$0x3FA7]  }
0x28: {  	s2 =	sld [smem:$0x3FA8]  }
0x29: {  	s4 =	sld [smem:$0x3FAA]  }
0x2a: {  	p0 =	seq.s32 s5, $0x0;
	s5 =	sld [smem:$0x3FAB]  }
0x2b: {  	s6 =	sld [smem:$0x3FAC]  }
0x2c: {  	s7 =	sld [smem:$0x3FAD]  }
0x2d: {  	s3 =	simm.s32 $0x108;
	s8 =	sld [smem:$0x3FAE]  }
0x2e: {  	s3 =	simm.s32 @!p0 $0x1082;
	s9 =	sld [smem:$0x3FAF]  }
0x2f: {  	lr =	sadd.s32 s0, s3;
	s0 =	sld [smem:$0x3FA6]  }
0x30: {  	s3 =	sld [smem:$0x3FA9]  }
0x31: {  	[smem:$0x3FB2] =	sst s10  }
0x32: {  	s10 =	sld [smem:$0x3FB0];
	_ =	sdelay $0x3  }
0x33: {  	p0 =	seq.s32 s10, $0x1;
	s10 =	sld [smem:$0x3FB2];
	_ =	sdelay $0x3  }
0x34: {  	[smem:$0x3FB2] =	sst s10  }
0x35: {  	s10 =	sld [smem:$0x3FB1];
	_ =	sdelay $0x3  }
0x36: {  	p1 =	seq.s32 s10, $0x1;
	s10 =	sld [smem:$0x3FB2];
	_ =	sdelay $0x3  }
0x37: {  	[smem:$0x3FB2] =	sst s10  }
0x38: {  	s10 =	sld [smem:$0x3FB3]  }
0x39: {  	_ = 	snop;
	(pc) =	sbr.ind lr, $3  }
0x3a: {  	_ = 	snop  }
0x3b: {  	_ = 	snop  }
0x3c: {  	p2 =	seq.s32 s10, $0x1;
	s10 =	sld [smem:$0x3FB2]  }
0x3d: {  	_ =	shalt  }
0x3e: {  	_ =	shalt  }
0x3f: {  	_ =	shalt  }
0x40: {  	_ =	shalt  }
0x41: {  	_ =	shalt  }
0x42: {  	_ =	shalt  }
0x43: {  	_ =	shalt  }
0x44: {  	_ =	shalt  }
0x45: {  	_ =	shalt  }
0x46: {  	_ =	shalt  }
0x47: {  	_ =	shalt  }
0x48: {  	_ =	shalt  }
0x49: {  	_ =	shalt  }
0x4a: {  	_ =	shalt  }
0x4b: {  	_ =	shalt  }
0x4c: {  	_ =	shalt  }
0x4d: {  	_ =	shalt  }
0x4e: {  	_ =	shalt  }
0x4f: {  	_ =	shalt  }
0x50: {  	_ =	shalt  }
0x51: {  	_ =	shalt  }
0x52: {  	_ =	shalt  }
0x53: {  	_ =	shalt  }
0x54: {  	_ =	shalt  }
0x55: {  	_ =	shalt  }
0x56: {  	_ =	shalt  }
0x57: {  	_ =	shalt  }
0x58: {  	_ =	shalt  }
0x59: {  	_ =	shalt  }
0x5a: {  	_ =	shalt  }
0x5b: {  	_ =	shalt  }
0x5c: {  	_ =	shalt  }
0x5d: {  	_ =	shalt  }
0x5e: {  	_ =	shalt  }
0x5f: {  	_ =	shalt  }
0x60: {  	_ =	shalt  }
0x61: {  	_ =	shalt  }
0x62: {  	_ =	shalt  }
0x63: {  	_ =	shalt  }
0x64: {  	_ =	shalt  }
0x65: {  	_ =	shalt  }
0x66: {  	_ =	shalt  }
0x67: {  	_ =	shalt  }
0x68: {  	_ =	shalt  }
0x69: {  	_ =	shalt  }
0x6a: {  	_ =	shalt  }
0x6b: {  	_ =	shalt  }
0x6c: {  	_ =	shalt  }
0x6d: {  	_ =	shalt  }
0x6e: {  	_ =	shalt  }
0x6f: {  	_ =	shalt  }
0x70: {  	_ =	shalt  }
0x71: {  	_ =	shalt  }
0x72: {  	_ =	shalt  }
0x73: {  	_ =	shalt  }
0x74: {  	_ =	shalt  }
0x75: {  	_ =	shalt  }
0x76: {  	_ =	shalt  }
0x77: {  	_ =	shalt  }
0x78: {  	_ =	shalt  }
0x79: {  	_ =	shalt  }
0x7a: {  	_ =	shalt  }
0x7b: {  	_ =	shalt  }
0x7c: {  	_ =	shalt  }
0x7d: {  	_ =	shalt  }
0x7e: {  	_ =	shalt  }
0x7f: {  	_ =	shalt  }
0x80: {  	_ =	shalt  }
0x81: {  	_ =	shalt  }
0x82: {  	_ =	shalt  }
0x83: {  	_ =	shalt  }
0x84: {  	_ =	shalt  }
0x85: {  	_ =	shalt  }
0x86: {  	_ =	shalt  }
0x87: {  	_ =	shalt  }
.Lfunc_end0:
.L_simem_size_0:
called_computation_lowered:
.L_overlay_start_0:
0x88: {  	s2 =	sld [smem:$0x3FD9]  }
0x89: {  	s3 =	sld [smem:$0x3FFE];
	_ =	sdelay $0x1  }
0x8a: {  	s1 =	srdreg.scid  }
0x8b: {  	s0 =	sand.u32 $0x1, s1  }
0x8c: {  	s16 =	sshll.u32 s0, $0xA;
	s2 =	sadd.s32 s3, s2  }
0x8d: {  	s2 =	sadd.s32 s2, s16  }
0x8e: {  	[smem:$0x3FBE] =	sst s2  }
0x8f: {  	_ = 	snop  }
0x90: {  	(tm) =	ssettm $0x1  }
0x91: {  	s17 =	sld [smem:$0x3FFB];
	_ =	sdelay $0x3  }
0x92: {  	_ =	strace s17  }
0x93: {  	s2 =	sld [smem:$0x3FFC];
	_ =	sdelay $0x3  }
0x94: {  	_ =	strace s2  }
0x95: {  	s2 =	sld [smem:$0x3FFD];
	_ =	sdelay $0x3  }
0x96: {  	_ =	strace s2  }
0x97: {  	_ =	strace $0x8FFFFFFF  }
0x98: {  	s18 =	sld [smem:$0x3FDB];
	_ =	sdelay $0x1  }
0x99: {  	s19 =	simm.s32 $_scs_section_size  }
0x9a: {  	s4 =	simm.s32 $_size__tile_overlayer_lowered;
	s5 =	simm.s32 $_tile_overlayer_lowered  }
0x9b: {  	s22 =	simm.s32 $0x1BFF;
	s21 =	sshll.u32 s5, $0x1;
	s2 =	sadd.s32 s19, s18  }
0x9c: {  	s6 =	simm.s32 $0x0;
	s20 =	sshll.u32 s4, $0x1;
	s4 =	sadd.s32 s21, s2  }
0x9d: {  	[timem:s6], [sflag:s22] =	dma.local [hbm:s4], s20  }
0x9e: {  	_ =	swait.ge [sflag:s22], s20  }
0x9f: {  	s3 =	ssub.s32 $0x0, s20;
	[sflag:s22] =	ssyncset.done $0x0  }
0xa0: {  	[sflag:s22] =	ssyncadd.s32 s3;
	_ =	sdelay $0x1  }
0xa1: {  	s23 =	simm.s32 $0x1B8B  }
0xa2: {  	_ =	swait.ge [sflag:s23], $0x1  }
0xa3: {  	[sflag:s23] =	ssyncset.done $0x0  }
0xa4: {  	s25 =	simm.s32 $0x1B8E;
	s24 =	sld [smem:$0x3FFE];
	[sflag:s23] =	ssyncadd.s32 $0xFFFFFFFF  }
0xa5: {  	s26 =	simm.s32 $execute0_lowered;
	[smem:$0x3FD2] =	sst s25  }
0xa6: {  	s4 =	sshll.u32 s26, $0x1;
	_ =	strace $0x80000046;
	[dreg:$0x1] =	wrdreg $0xFFFFFFFF  }
0xa7: {  	s28 =	simm.s32 $_size_execute0_lowered;
	s2 =	sadd.s32 s2, s4;
	[dreg:$0x0] =	wrdreg $0x0  }
0xa8: {  	s4 =	sshll.u32 s28, $0x1;
	[dreg:$0x2] =	wrdreg s2  }
0xa9: {  	[dreg:$0x3] =	wrdreg s4  }
0xaa: {  	[dreg:$0x4] =	wrdreg $0xC0  }
0xab: {  	_ =	task [dreg:s6], $0x5FFFF  }
0xac: {  	[dreg:$0x1] =	wrdreg $0xFFFFFFFF  }
0xad: {  	[dreg:$0x0] =	wrdreg $0x60  }
0xae: {  	[dreg:$0x2] =	wrdreg s24  }
0xaf: {  	[dreg:$0x3] =	wrdreg $0xA  }
0xb0: {  	_ =	task.clear_ibuf [dreg:s6], $0x4FFFF;
	_ =	strace $0x90000046  }
0xb1: {  	s29 =	simm.s32 $0xA;
	_ =	strace $0x80000048  }
0xb2: {  	_ =	swait.ge [sflag:s29], $0x1  }
0xb3: {  	[sflag:s29] =	ssyncadd.s32 $0xFFFFFFFF  }
0xb4: {  	_ =	strace $0x90000048  }
0xb5: {  	_ =	sfence  }
0xb6: {  	s30 =	sld [smem:$0x0];
	_ =	sdelay $0x2  }
0xb7: {  	s31 =	sshll.u32 s1, $0xD;
	s1 =	sshrl.u32 s1, $0x2  }
0xb8: {  	s3 =	sand.u32 $0x4000, s31;
	s1 =	sadd.s32 s1, s30  }
0xb9: {  	s0 =	sor.u32 s3, s0;
	s1 =	sshll.u32 s1, $0x11  }
0xba: {  	s0 =	sor.u32 s1, s0  }
0xbb: {  	s0 =	sadd.s32 $0x8F2B, s0  }
0xbc: {  	[sflag:s0] =	ssyncadd.remote.s32 $0x1  }
0xbd: {  	_ =	sfence.sel $0xFFFF  }
0xbe: {  	[dreg:$0x0] =	wrdreg $0xFFFFFFFF;
	(pc) =	sbr.abs _section_cstart, $3  }
0xbf: {  	[dreg:$0x1] =	wrdreg $0xFFFFFFFF  }
0xc0: {  	_ =	task.clear_ibuf [dreg:s6], $0x2FFFF;
	_ =	strace $0x9FFFFFFF  }
0xc1: {  	(tm) =	ssettm $0x7FFFFFFF  }
tec
execute0_lowered:
.L_overlay_start_1:
0x0: {  	(tag) =	ssettag $0x1  }
0x1: {  	s1 =	srdreg.scid  }
0x2: {  	s0 =	stileid.u32;
	s4 =	rddreg [dreg:$0x0]  }
0x3: {  	s2 =	simm.s32 $0x0;
	s14 =	simm.s32 $0x4000;
	s15 =	simm.s32 $0x10100  }
0x4: {  	s16 =	simm.s32 $0x8000;
	s17 =	simm.s32 $0x10180;
	s18 =	simm.s32 $0xC000  }
0x5: {  	s19 =	simm.s32 $0x1;
	s20 =	simm.s32 $0x3;
	s21 =	simm.s32 $0x2  }
0x6: {  	s22 =	simm.s32 $0x4;
	s23 =	simm.s32 $0x0;
	s11 =	smul.u32 $0x7C000, s0  }
0x7: {  	s10 =	sand.u32 $0x1, s1;
	s1 =	rddreg [dreg:$0x1];
	s29 =	smul.u32 $0x3E0000, s0  }
0x8: {  	s3 =	sshll.u32 s0, $0x1;
	[smem:$0x7FF] =	sst s2;
	s13 =	smul.u32 $0x1F0000, s10  }
0x9: {  	s12 =	sadd.s32 $0x6D800, s4;
	s5 =	sor.u32 s10, s3;
	s31 =	smul.u32 $0x3E000, s10  }
0xa: {  	_ =	strace $0x80000047;
	s3 =	sadd.s32 $0x800, s4;
	s6 =	smul.u32 $0x7C0, s5  }
0xb: {  	s8 =	ssub.s32 $0x2, s10;
	p0 =	seq.s32 s10, $0x0;
	s7 =	smul.u32 $0x1F0000, s5  }
0xc: {  	s10 =	simm.s32 $0x10000;
	s9 =	smul.u32 $0x3E000, s5;
	s11 =	sadd.s32 s11, s12  }
0xd: {  	s28 =	sshrl.u32 s8, $0x1;
	s11 =	sadd.s32 s31, s11;
	s26 =	sadd.s32 s6, s4  }
0xe: {  	s6 =	ssub.s32 s8, s28;
	s7 =	sshrl.u32 s7, $0x3;
	s8 =	sadd.s32 s13, s29  }
0xf: {  	s9 =	sadd.s32 s9, s12;
	s4 =	sadd.s32 $0x5E000, s26;
	s5 =	smax.u32 s6, $0x1  }
0x10: {  	s30 =	sadd.s32 s12, s7;
	s13 =	sshrl.u32 s8, $0x3;
	s7 =	sadd.s32 $0x3D000, s9  }
0x11: {  	s8 =	sadd.s32 $0x1000, s11;
	s11 =	simm.s32 $0x5;
	s6 =	sadd.s32 $0x3C000, s30  }
0x12: {  	s9 =	sadd.s32 s13, s12;
	s12 =	simm.s32 $0x80;
	s13 =	simm.s32 $0x10080  }
.LBB2_1:
.Ltmp0:
0x13: {  	(pc) =	sbr.rel @p0 .LBB2_5-.Ltmp0, $4  }
0x14: {  	[tilespmem:s10], [sflag:$0x5] =	stream.linear.gather [hbm4b:s4+s2], $0x3E00, $0x38;
	[tilespmem:$0x13E00] =	vst v63  }
0x15: {  	_ =	swait.ge [sflag:s11], $0x3E00  }
0x16: {  	[sflag:s11] =	ssyncset.done $0x0  }
0x17: {  	[sflag:s11] =	ssyncadd.s32 $0xFFFFC200  }
0x18: {  	s24 =	sshra.s32 s2, $0x2;
	s25 =	sadd.s32 $0x40, s2  }
.LBB2_3:
0x19: {  	p1 =	sne.s32 s25, $0xF7C0;
	v0 =	vld [tilespmem:s24+$0x10000];
	_ =	sdelay $0x1  }
.Ltmp1:
0x1a: {  	(pc) =	sbr.rel @p1 .LBB2_3-.Ltmp1, $3  }
0x1b: {  	_ =	sdelay $0x1  }
0x1c: {  	v0 =	vadd.s32 $0x2710, v0  }
0x1d: {  	[tilespmem:s24+$0x10000] =	vst v0;
	s24 =	sshra.s32 s25, $0x2;
	s25 =	sadd.s32 $0x40, s25  }
0x1e: {  	v0 =	vld [tilespmem:s24+$0x10000];
	_ =	sdelay $0x4  }
0x1f: {  	v0 =	vadd.s32 $0x2710, v0  }
0x20: {  	[tilespmem:s24+$0x10000] =	vst v0  }
.LBB2_5:
0x21: {  	s24 =	simm.s32 $0x0  }
0x22: {  	[tilespmem:s24], [sflag:$0x1] =	stream.indirect.gather [hbm4b:s3+s12], $0x80, s10, s12, $0xb8;
	[tilespmem:$0x13E00] =	vst v63  }
0x23: {  	_ = 	snop  }
0x24: {  	[tilespmem:s14], [sflag:$0x1] =	stream.indirect.gather [hbm4b:s3+s12], $0x80, s13, s12, $0xb8;
	[tilespmem:$0x13E00] =	vst v63  }
0x25: {  	_ = 	snop  }
0x26: {  	[tilespmem:s16], [sflag:$0x2] =	stream.indirect.gather [hbm4b:s3+s12], $0x80, s15, s12, $0xb8;
	[tilespmem:$0x13E00] =	vst v63  }
0x27: {  	_ = 	snop  }
0x28: {  	[tilespmem:s18], [sflag:$0x2] =	stream.indirect.gather [hbm4b:s3+s12], $0x80, s17, s12, $0xb8;
	[tilespmem:$0x13E00] =	vst v63  }
0x29: {  	_ =	swait.ge [sflag:s19], $0x4000  }
0x2a: {  	[sflag:s19] =	ssyncset.done $0x0  }
0x2b: {  	[sflag:s19] =	ssyncadd.s32 $0xFFFFC000  }
0x2c: {  	_ =	swait.ge [sflag:s19], $0x4000  }
0x2d: {  	[sflag:s19] =	ssyncset.done $0x0  }
0x2e: {  	[sflag:s19] =	ssyncadd.s32 $0xFFFFC000  }
0x2f: {  	[hbm4b:s9+s2] =	stream.linear.scatter [tilespmem:s2], [sflag:$0x3], $0x8000, $0x38;
	[tilespmem:$0x13E00] =	vst v63  }
0x30: {  	_ =	swait.ge [sflag:s20], $0x8000  }
0x31: {  	[sflag:s20] =	ssyncset.done $0x0  }
0x32: {  	s29 =	simm.s32 $0x10200;
	[sflag:s20] =	ssyncadd.s32 $0xFFFF8000  }
0x33: {  	[tilespmem:s2], [sflag:$0x1] =	stream.indirect.gather [hbm4b:s3+s12], $0x80, s29, s12, $0xb8;
	[tilespmem:$0x13E00] =	vst v63  }
0x34: {  	s30 =	simm.s32 $0x10280  }
0x35: {  	[tilespmem:s14], [sflag:$0x1] =	stream.indirect.gather [hbm4b:s3+s12], $0x80, s30, s12, $0xb8;
	[tilespmem:$0x13E00] =	vst v63  }
0x36: {  	_ =	swait.ge [sflag:s21], $0x4000  }
0x37: {  	[sflag:s21] =	ssyncset.done $0x0  }
0x38: {  	[sflag:s21] =	ssyncadd.s32 $0xFFFFC000  }
0x39: {  	_ =	swait.ge [sflag:s21], $0x4000  }
0x3a: {  	[sflag:s21] =	ssyncset.done $0x0  }
0x3b: {  	[sflag:s21] =	ssyncadd.s32 $0xFFFFC000  }
0x3c: {  	[hbm4b:s8+s2] =	stream.linear.scatter [tilespmem:s16], [sflag:$0x4], $0x8000, $0x38;
	[tilespmem:$0x13E00] =	vst v63  }
0x3d: {  	s31 =	simm.s32 $0x10300;
	_ =	swait.ge [sflag:s22], $0x8000  }
0x3e: {  	s28 =	simm.s32 $0x10380;
	s25 =	sadd.s32 $0x2000, s8;
	[sflag:s22] =	ssyncset.done $0x0  }
0x3f: {  	s26 =	sadd.s32 $0x2000, s9;
	s24 =	simm.s32 $0x800;
	[sflag:s22] =	ssyncadd.s32 $0xFFFF8000  }
0x40: {  	[tilespmem:s16], [sflag:$0x2] =	stream.indirect.gather [hbm4b:s3+s12], $0x80, s31, s12, $0xb8;
	[tilespmem:$0x13E00] =	vst v63  }
.LBB2_6:
0x41: {  	[tilespmem:s18], [sflag:$0x2] =	stream.indirect.gather [hbm4b:s3+s12], $0x80, s28, s12, $0xb8;
	[tilespmem:$0x13E00] =	vst v63  }
0x42: {  	s28 =	smov.u32 s24  }
0x43: {  	p1 =	sne.s32 s24, $0xE800;
	s24 =	sadd.s32 $0x800, s24;
	_ =	swait.ge [sflag:s19], $0x4000  }
0x44: {  	[sflag:s19] =	ssyncset.done $0x0  }
0x45: {  	[sflag:s19] =	ssyncadd.s32 $0xFFFFC000  }
0x46: {  	_ =	swait.ge [sflag:s19], $0x4000  }
0x47: {  	[sflag:s19] =	ssyncset.done $0x0  }
0x48: {  	[sflag:s19] =	ssyncadd.s32 $0xFFFFC000  }
0x49: {  	[hbm4b:s26+s2] =	stream.linear.scatter [tilespmem:s2], [sflag:$0x3], $0x8000, $0x38;
	[tilespmem:$0x13E00] =	vst v63  }
0x4a: {  	_ =	swait.ge [sflag:s20], $0x8000  }
0x4b: {  	s28 =	sshra.s32 s28, $0x2;
	[sflag:s20] =	ssyncset.done $0x0  }
0x4c: {  	s29 =	sadd.s32 $0x10200, s28;
	[sflag:s20] =	ssyncadd.s32 $0xFFFF8000  }
0x4d: {  	[tilespmem:s2], [sflag:$0x1] =	stream.indirect.gather [hbm4b:s3+s12], $0x80, s29, s12, $0xb8;
	[tilespmem:$0x13E00] =	vst v63  }
0x4e: {  	s29 =	sadd.s32 $0x10280, s28  }
0x4f: {  	[tilespmem:s14], [sflag:$0x1] =	stream.indirect.gather [hbm4b:s3+s12], $0x80, s29, s12, $0xb8;
	[tilespmem:$0x13E00] =	vst v63  }
0x50: {  	_ =	swait.ge [sflag:s21], $0x4000  }
0x51: {  	[sflag:s21] =	ssyncset.done $0x0  }
0x52: {  	[sflag:s21] =	ssyncadd.s32 $0xFFFFC000  }
0x53: {  	_ =	swait.ge [sflag:s21], $0x4000  }
0x54: {  	[sflag:s21] =	ssyncset.done $0x0  }
0x55: {  	[sflag:s21] =	ssyncadd.s32 $0xFFFFC000  }
0x56: {  	[hbm4b:s25+s2] =	stream.linear.scatter [tilespmem:s16], [sflag:$0x4], $0x8000, $0x38;
	[tilespmem:$0x13E00] =	vst v63  }
.Ltmp2:
0x57: {  	_ =	swait.ge [sflag:s22], $0x8000;
	(pc) =	sbr.rel @p1 .LBB2_6-.Ltmp2, $4  }
0x58: {  	[sflag:s22] =	ssyncset.done $0x0  }
0x59: {  	s29 =	sadd.s32 $0x10300, s28;
	[sflag:s22] =	ssyncadd.s32 $0xFFFF8000  }
0x5a: {  	[tilespmem:s16], [sflag:$0x2] =	stream.indirect.gather [hbm4b:s3+s12], $0x80, s29, s12, $0xb8;
	[tilespmem:$0x13E00] =	vst v63  }
0x5b: {  	s26 =	sadd.s32 $0x2000, s26;
	s28 =	sadd.s32 $0x10380, s28;
	s25 =	sadd.s32 $0x2000, s25  }
0x5c: {  	[tilespmem:s18], [sflag:$0x2] =	stream.indirect.gather [hbm4b:s3+s12], $0x80, s28, s12, $0xb8;
	[tilespmem:$0x13E00] =	vst v63  }
0x5d: {  	_ =	swait.ge [sflag:s19], $0x4000  }
0x5e: {  	[sflag:s19] =	ssyncset.done $0x0  }
0x5f: {  	[sflag:s19] =	ssyncadd.s32 $0xFFFFC000  }
0x60: {  	_ =	swait.ge [sflag:s19], $0x4000  }
0x61: {  	[sflag:s19] =	ssyncset.done $0x0  }
0x62: {  	[sflag:s19] =	ssyncadd.s32 $0xFFFFC000  }
0x63: {  	[hbm4b:s6+s2] =	stream.linear.scatter [tilespmem:s2], [sflag:$0x3], $0x8000, $0x38;
	[tilespmem:$0x13E00] =	vst v63  }
0x64: {  	_ =	swait.ge [sflag:s21], $0x4000  }
0x65: {  	[sflag:s21] =	ssyncset.done $0x0  }
0x66: {  	[sflag:s21] =	ssyncadd.s32 $0xFFFFC000  }
0x67: {  	_ =	swait.ge [sflag:s21], $0x4000  }
0x68: {  	[sflag:s21] =	ssyncset.done $0x0  }
0x69: {  	s23 =	sadd.s32 $0x1, s23;
	[sflag:s21] =	ssyncadd.s32 $0xFFFFC000  }
0x6a: {  	[hbm4b:s7+s2] =	stream.linear.scatter [tilespmem:s16], [sflag:$0x4], $0x8000, $0x38;
	[tilespmem:$0x13E00] =	vst v63  }
0x6b: {  	p1 =	sne.s32 s23, s5;
	_ =	swait.ge [sflag:s20], $0x8000  }
.Ltmp3:
0x6c: {  	[sflag:s20] =	ssyncset.done $0x0;
	(pc) =	sbr.rel @p1 .LBB2_1-.Ltmp3, $4  }
0x6d: {  	[sflag:s20] =	ssyncadd.s32 $0xFFFF8000  }
0x6e: {  	_ =	swait.ge [sflag:s22], $0x8000  }
0x6f: {  	[sflag:s22] =	ssyncset.done $0x0  }
0x70: {  	[sflag:s22] =	ssyncadd.s32 $0xFFFF8000  }
0x71: {  	_ =	sfence.sel $0x180000  }
0x72: {  	[bflag:$0x0] =	sbarrier.arrive $0xFFFF  }
0x73: {  	p0 =	sne.s32 s0, $0x0;
	_ =	strace $0x90000047  }
0x74: {  	s0 =	sadd.s32 @!p0 $0x100000, s1;
	[bflag:$0x2] =	sbarrier.arrive $0xFFFF  }
0x75: {  	[sflag:s0] =	ssyncadd.tile.s32 @!p0 $0x1;
	_ =	shalt  }
.Lfunc_end2:
_tile_overlayer_lowered:
.L_overlay_start_2:
0x76: {  	(tag) =	ssettag $0x2  }
0x77: {  	s0 =	rddreg [dreg:$0x0];
	s2 =	stileid.u32  }
0x78: {  	s1 =	rddreg [dreg:$0x1];
	p0 =	sne.s32 s2, $0x0  }
0x79: {  	s3 =	rddreg [dreg:$0x2];
	[bflag:$0x3] =	sbarrier.arrive $0xFFFF;
	s2 =	simm.s32 @!p0 $0x1C05  }
0x7a: {  	[timem:s3], [sflag:s2] =	dma.local @!p0 [hbm:s0], s1  }
0x7b: {  	s0 =	simm.s32 @!p0 $0x5  }
0x7c: {  	_ =	swait.ge @!p0 [sflag:s0], s1  }
0x7d: {  	s1 =	ssub.s32 @!p0 $0x0, s1;
	[sflag:s0] =	ssyncset.done @!p0 $0x0  }
0x7e: {  	[sflag:s0] =	ssyncadd.s32 @!p0 s1  }
0x7f: {  	[bflag:$0x3] =	sbarrier.arrive $0xFFFF  }
0x80: {  	_ =	shalt  }

</sc_bundles>
